<compile_context>
chip_gen: v7x
topology: tpu7x:2x2x1
jax: 0.10.2.dev20260603
libtpu: 0.0.44.dev20260713+nightly
codegen_flags: <defaults>
</compile_context>

<pallas_src>
import functools

import jax
import jax.numpy as jnp
from jax import lax
from jax.experimental import pallas as pl
from jax.experimental.pallas import tpu as pltpu
from jax.experimental.pallas import tpu_sc as plsc

_N = 1048576
_C = 19
_NB = 1024
_HBINS = _C * 2 * _NB
_BL = 16384
_NW = 32
_PER_W = (_N * _C) // _NW
_CH = 4096


def _phase1_body(logits_ref, labels_ref, codes_ref):
    xt = logits_ref[...]
    lab = labels_ref[0]
    m = jnp.max(xt, axis=0, keepdims=True)
    ex = jnp.exp(xt - m)
    p = ex / jnp.sum(ex, axis=0, keepdims=True)
    cls = lax.broadcasted_iota(jnp.int32, (_C, _BL), 0)
    fg = lab == cls
    err = jnp.abs(fg.astype(jnp.float32) - p)
    b = jnp.clip((err * _NB).astype(jnp.int32), 0, _NB - 1)
    codes_ref[...] = b + jnp.where(fg, _NB, 0) + cls * (2 * _NB)


def _phase2_body(codes_hbm, out_hbm, hist_v, buf0, buf1, sem0, sem1):
    wid = lax.axis_index("s") * 2 + lax.axis_index("c")
    base = wid * _PER_W
    zeros16 = jnp.zeros((16,), jnp.int32)
    ones16 = jnp.ones((16,), jnp.int32)
    nch = _PER_W // _CH

    def zbody(i, carry):
        for k in range(16):
            hist_v[pl.ds(i * 256 + k * 16, 16)] = zeros16
        return carry

    lax.fori_loop(0, _HBINS // 256, zbody, 0)

    def ztail(i, carry):
        hist_v[pl.ds((_HBINS // 256) * 256 + i * 16, 16)] = zeros16
        return carry

    lax.fori_loop(0, (_HBINS % 256) // 16, ztail, 0)

    def scatter_all(buf):
        for j in range(_CH // 16):
            idx = buf[pl.ds(j * 16, 16)]
            plsc.addupdate_scatter(hist_v, [idx], ones16)

    pltpu.async_copy(codes_hbm.at[pl.ds(base, _CH)], buf0, sem0)

    def cbody(i, carry):
        c0 = 2 * i
        s1 = pl.multiple_of(base + (c0 + 1) * _CH, _CH)
        pltpu.async_copy(codes_hbm.at[pl.ds(s1, _CH)], buf1, sem1)
        s0 = pl.multiple_of(base + c0 * _CH, _CH)
        pltpu.make_async_copy(codes_hbm.at[pl.ds(s0, _CH)], buf0, sem0).wait()
        scatter_all(buf0)

        @pl.when(c0 + 2 < nch)
        def _():
            s2 = pl.multiple_of(base + (c0 + 2) * _CH, _CH)
            pltpu.async_copy(codes_hbm.at[pl.ds(s2, _CH)], buf0, sem0)

        pltpu.make_async_copy(codes_hbm.at[pl.ds(s1, _CH)], buf1, sem1).wait()
        scatter_all(buf1)
        return carry

    lax.fori_loop(0, nch // 2, cbody, 0)
    pltpu.sync_copy(hist_v, out_hbm.at[wid])


def _phase3_body(bg_ref, fg_ref, out_ref):
    bgs = bg_ref[0].astype(jnp.float32)
    fgs = fg_ref[0].astype(jnp.float32)
    for k in range(1, _NW):
        bgs = bgs + bg_ref[k].astype(jnp.float32)
        fgs = fgs + fg_ref[k].astype(jnp.float32)
    row = lax.broadcasted_iota(jnp.int32, (_NB, _NB), 0)
    col = lax.broadcasted_iota(jnp.int32, (_NB, _NB), 1)
    tri = (row >= col).astype(jnp.float32)
    tot = jnp.dot(bgs + fgs, tri, preferred_element_type=jnp.float32)
    pc = jnp.dot(fgs, tri, preferred_element_type=jnp.float32)
    g = pc[:, 0:1]
    jac = jnp.where(tot > 0,
                    1.0 - (g - pc) / jnp.maximum(g + tot - pc, 1.0),
                    0.0)
    lossc = (jnp.sum(jac, axis=1, keepdims=True) - 0.5 * jac[:, 0:1]) / _NB
    pres = (g > 0).astype(jnp.float32)
    num = jnp.sum(lossc * pres)
    den = jnp.maximum(jnp.sum(pres), 1.0)
    out_ref[...] = jnp.full((1, 1), num / den, jnp.float32)


def kernel(logits, labels):
    logits_t = jnp.swapaxes(logits, 0, 1)

    codes_t = pl.pallas_call(
        _phase1_body,
        grid=(_N // _BL,),
        in_specs=[
            pl.BlockSpec((_C, _BL), lambda i: (0, i)),
            pl.BlockSpec((1, 1, _BL), lambda i: (i, 0, 0)),
        ],
        out_specs=pl.BlockSpec((_C, _BL), lambda i: (0, i)),
        out_shape=jax.ShapeDtypeStruct((_C, _N), jnp.int32),
        compiler_params=pltpu.CompilerParams(
            dimension_semantics=("arbitrary",)),
    )(logits_t, labels.reshape(_N // _BL, 1, _BL))

    codes = jnp.swapaxes(codes_t, 0, 1)

    hist_kernel = functools.partial(
        pl.kernel,
        mesh=plsc.VectorSubcoreMesh(core_axis_name="c", subcore_axis_name="s"),
        compiler_params=pltpu.CompilerParams(needs_layout_passes=False),
        out_type=jax.ShapeDtypeStruct((_NW, _HBINS), jnp.int32),
        scratch_types=[
            pltpu.VMEM((_HBINS,), jnp.int32),
            pltpu.VMEM((_CH,), jnp.int32),
            pltpu.VMEM((_CH,), jnp.int32),
            pltpu.SemaphoreType.DMA,
            pltpu.SemaphoreType.DMA,
        ],
    )(_phase2_body)
    hists = hist_kernel(codes.reshape(_N * _C))

    h4 = hists.reshape(_NW, _C, 2, _NB)
    res = pl.pallas_call(
        _phase3_body,
        out_shape=jax.ShapeDtypeStruct((1, 1), jnp.float32),
    )(h4[:, :, 0, :], h4[:, :, 1, :])
    return res.reshape(())

# --- scband reference (transcript-rebuilt; emitter-appended) ---
"""Pipeline reference for scband-lovasz-softmax-52956946759968 (READ-ONLY COPY).

The authoritative reference and input builder live on the scoring server;
editing this copy changes nothing except your own understanding.
"""

import jax, jax.numpy as jnp
import numpy as np

N = 1048576
C = 19


def lovasz_grad(fg_sorted):
    gts = fg_sorted.sum()
    intersection = gts - jnp.cumsum(fg_sorted)
    union = gts + jnp.cumsum(1.0 - fg_sorted)
    jaccard = 1.0 - intersection / union
    jaccard = jnp.concatenate([jaccard[:1], jaccard[1:] - jaccard[:-1]])
    return jaccard


def setup_inputs(seed: int = 0) -> dict:
    key = jax.random.key(seed)
    k1, k2 = jax.random.split(key)
    logits = jax.random.normal(k1, (N, C), dtype=jnp.float32)
    labels = jax.random.randint(k2, (N,), 0, C, dtype=jnp.int32)
    return {"logits": logits, "labels": labels}


def reference(logits, labels):
    probs = jax.nn.softmax(logits, axis=1)
    probs_flat = probs.reshape(-1, probs.shape[1])
    labels_flat = labels.reshape(-1)
    losses = []
    presents = []
    for c in range(C):
        fg = (labels_flat == c).astype(jnp.float32)
        errors = jnp.abs(fg - probs_flat[:, c])
        perm = jnp.argsort(-errors)
        errors_sorted = errors[perm]
        fg_sorted = fg[perm]
        grad = lovasz_grad(fg_sorted)
        losses.append(jnp.dot(errors_sorted, grad))
        presents.append(fg.sum() > 0)
    losses = jnp.stack(losses)
    present = jnp.stack(presents).astype(jnp.float32)
    # classes with no foreground pixels are skipped in the torch loop;
    # here they are masked out of the mean (equivalent when present>0 for some class)
    return jnp.sum(losses * present) / jnp.sum(present)

if __name__ == "__main__":
    import jax
    _d = setup_inputs()
    print(jax.jit(kernel)(*tuple(_d.values())))

</pallas_src>

<mosaic_0001>
#map = affine_map<(d0, d1) -> (0)>
#map1 = affine_map<(d0, d1) -> (0, 0)>
module attributes {stable_mosaic.version = 14 : i64} {
  func.func @_phase2_body(%arg0: i32, %arg1: i32, %arg2: memref<19922944xi32, #tpu.memory_space<hbm>>, %arg3: memref<32x38912xi32, #tpu.memory_space<hbm>>, %arg4: memref<38912xi32, #tpu.memory_space<vmem>>, %arg5: memref<4096xi32, #tpu.memory_space<vmem>>, %arg6: memref<4096xi32, #tpu.memory_space<vmem>>, %arg7: memref<!tpu.dma_semaphore, #tpu.memory_space<semaphore_mem>>, %arg8: memref<!tpu.dma_semaphore, #tpu.memory_space<semaphore_mem>>) attributes {dimension_semantics = [#tpu.dimension_semantics<core_parallel>, #tpu.dimension_semantics<subcore_parallel>], iteration_bounds = array<i64: 2, 16>, scalar_prefetch = 0 : i64, scratch_operands = 5 : i64, tpu.core_type = #tpu.core_type<sc_vector_subcore>, window_params = [{transform_indices = #map}, {transform_indices = #map1}]} {
    %mul3A = arith.constant 2 : i32
    %mul3A_0 = arith.muli %arg1, %mul3A : i32
    %add3A = arith.addi %mul3A_0, %arg0 : i32
    %mul3A_1 = arith.constant 622592 : i32
    %mul3A_2 = arith.muli %add3A, %mul3A_1 : i32
    %broadcast_in_dim3A = arith.constant 0 : i32
    %broadcast_in_dim3A_3 = vector.broadcast %broadcast_in_dim3A : i32 to vector<16xi32>
    %broadcast_in_dim3A_4 = arith.constant 1 : i32
    %broadcast_in_dim3A_5 = vector.broadcast %broadcast_in_dim3A_4 : i32 to vector<16xi32>
    %scan3A = arith.constant 0 : i32
    %scan3A_6 = arith.constant 0 : i32
    %scan3A_7 = arith.constant 152 : i32
    %scan3A_8 = arith.addi %scan3A_6, %scan3A_7 : i32
    %scan3A_9 = arith.constant 1 : i32
    scf.for %scan3A_23 = %scan3A_6 to %scan3A_8 step %scan3A_9  : i32 {
      %mul3A_24 = arith.constant 256 : i32
      %mul3A_25 = arith.muli %scan3A_23, %mul3A_24 : i32
      %add3A_26 = arith.constant 0 : i32
      %add3A_27 = arith.addi %mul3A_25, %add3A_26 : i32
      %swap3A = arith.index_cast %add3A_27 : i32 to index
      %swap3A_28 = tpu.vector_load %arg4[%swap3A] {strides = array<i32>} : memref<38912xi32, #tpu.memory_space<vmem>>, vector<16xi32>,
      tpu.vector_store %arg4[%swap3A], %broadcast_in_dim3A_3 {strides = array<i32>} : memref<38912xi32, #tpu.memory_space<vmem>>, vector<16xi32>,
      %mul3A_29 = arith.constant 256 : i32
      %mul3A_30 = arith.muli %scan3A_23, %mul3A_29 : i32
      %add3A_31 = arith.constant 16 : i32
      %add3A_32 = arith.addi %mul3A_30, %add3A_31 : i32
      %swap3A_33 = arith.index_cast %add3A_32 : i32 to index
      %swap3A_34 = tpu.vector_load %arg4[%swap3A_33] {strides = array<i32>} : memref<38912xi32, #tpu.memory_space<vmem>>, vector<16xi32>,
      tpu.vector_store %arg4[%swap3A_33], %broadcast_in_dim3A_3 {strides = array<i32>} : memref<38912xi32, #tpu.memory_space<vmem>>, vector<16xi32>,
      %mul3A_35 = arith.constant 256 : i32
      %mul3A_36 = arith.muli %scan3A_23, %mul3A_35 : i32
      %add3A_37 = arith.constant 32 : i32
      %add3A_38 = arith.addi %mul3A_36, %add3A_37 : i32
      %swap3A_39 = arith.index_cast %add3A_38 : i32 to index
      %swap3A_40 = tpu.vector_load %arg4[%swap3A_39] {strides = array<i32>} : memref<38912xi32, #tpu.memory_space<vmem>>, vector<16xi32>,
      tpu.vector_store %arg4[%swap3A_39], %broadcast_in_dim3A_3 {strides = array<i32>} : memref<38912xi32, #tpu.memory_space<vmem>>, vector<16xi32>,
      %mul3A_41 = arith.constant 256 : i32
      %mul3A_42 = arith.muli %scan3A_23, %mul3A_41 : i32
      %add3A_43 = arith.constant 48 : i32
      %add3A_44 = arith.addi %mul3A_42, %add3A_43 : i32
      %swap3A_45 = arith.index_cast %add3A_44 : i32 to index
      %swap3A_46 = tpu.vector_load %arg4[%swap3A_45] {strides = array<i32>} : memref<38912xi32, #tpu.memory_space<vmem>>, vector<16xi32>,
      tpu.vector_store %arg4[%swap3A_45], %broadcast_in_dim3A_3 {strides = array<i32>} : memref<38912xi32, #tpu.memory_space<vmem>>, vector<16xi32>,
      %mul3A_47 = arith.constant 256 : i32
      %mul3A_48 = arith.muli %scan3A_23, %mul3A_47 : i32
      %add3A_49 = arith.constant 64 : i32
      %add3A_50 = arith.addi %mul3A_48, %add3A_49 : i32
      %swap3A_51 = arith.index_cast %add3A_50 : i32 to index
      %swap3A_52 = tpu.vector_load %arg4[%swap3A_51] {strides = array<i32>} : memref<38912xi32, #tpu.memory_space<vmem>>, vector<16xi32>,
      tpu.vector_store %arg4[%swap3A_51], %broadcast_in_dim3A_3 {strides = array<i32>} : memref<38912xi32, #tpu.memory_space<vmem>>, vector<16xi32>,
      %mul3A_53 = arith.constant 256 : i32
      %mul3A_54 = arith.muli %scan3A_23, %mul3A_53 : i32
      %add3A_55 = arith.constant 80 : i32
      %add3A_56 = arith.addi %mul3A_54, %add3A_55 : i32
      %swap3A_57 = arith.index_cast %add3A_56 : i32 to index
      %swap3A_58 = tpu.vector_load %arg4[%swap3A_57] {strides = array<i32>} : memref<38912xi32, #tpu.memory_space<vmem>>, vector<16xi32>,
      tpu.vector_store %arg4[%swap3A_57], %broadcast_in_dim3A_3 {strides = array<i32>} : memref<38912xi32, #tpu.memory_space<vmem>>, vector<16xi32>,
      %mul3A_59 = arith.constant 256 : i32
      %mul3A_60 = arith.muli %scan3A_23, %mul3A_59 : i32
      %add3A_61 = arith.constant 96 : i32
      %add3A_62 = arith.addi %mul3A_60, %add3A_61 : i32
      %swap3A_63 = arith.index_cast %add3A_62 : i32 to index
      %swap3A_64 = tpu.vector_load %arg4[%swap3A_63] {strides = array<i32>} : memref<38912xi32, #tpu.memory_space<vmem>>, vector<16xi32>,
      tpu.vector_store %arg4[%swap3A_63], %broadcast_in_dim3A_3 {strides = array<i32>} : memref<38912xi32, #tpu.memory_space<vmem>>, vector<16xi32>,
      %mul3A_65 = arith.constant 256 : i32
      %mul3A_66 = arith.muli %scan3A_23, %mul3A_65 : i32
      %add3A_67 = arith.constant 112 : i32
      %add3A_68 = arith.addi %mul3A_66, %add3A_67 : i32
      %swap3A_69 = arith.index_cast %add3A_68 : i32 to index
      %swap3A_70 = tpu.vector_load %arg4[%swap3A_69] {strides = array<i32>} : memref<38912xi32, #tpu.memory_space<vmem>>, vector<16xi32>,
      tpu.vector_store %arg4[%swap3A_69], %broadcast_in_dim3A_3 {strides = array<i32>} : memref<38912xi32, #tpu.memory_space<vmem>>, vector<16xi32>,
      %mul3A_71 = arith.constant 256 : i32
      %mul3A_72 = arith.muli %scan3A_23, %mul3A_71 : i32
      %add3A_73 = arith.constant 128 : i32
      %add3A_74 = arith.addi %mul3A_72, %add3A_73 : i32
      %swap3A_75 = arith.index_cast %add3A_74 : i32 to index
      %swap3A_76 = tpu.vector_load %arg4[%swap3A_75] {strides = array<i32>} : memref<38912xi32, #tpu.memory_space<vmem>>, vector<16xi32>,
      tpu.vector_store %arg4[%swap3A_75], %broadcast_in_dim3A_3 {strides = array<i32>} : memref<38912xi32, #tpu.memory_space<vmem>>, vector<16xi32>,
      %mul3A_77 = arith.constant 256 : i32
      %mul3A_78 = arith.muli %scan3A_23, %mul3A_77 : i32
      %add3A_79 = arith.constant 144 : i32
      %add3A_80 = arith.addi %mul3A_78, %add3A_79 : i32
      %swap3A_81 = arith.index_cast %add3A_80 : i32 to index
      %swap3A_82 = tpu.vector_load %arg4[%swap3A_81] {strides = array<i32>} : memref<38912xi32, #tpu.memory_space<vmem>>, vector<16xi32>,
      tpu.vector_store %arg4[%swap3A_81], %broadcast_in_dim3A_3 {strides = array<i32>} : memref<38912xi32, #tpu.memory_space<vmem>>, vector<16xi32>,
      %mul3A_83 = arith.constant 256 : i32
      %mul3A_84 = arith.muli %scan3A_23, %mul3A_83 : i32
      %add3A_85 = arith.constant 160 : i32
      %add3A_86 = arith.addi %mul3A_84, %add3A_85 : i32
      %swap3A_87 = arith.index_cast %add3A_86 : i32 to index
      %swap3A_88 = tpu.vector_load %arg4[%swap3A_87] {strides = array<i32>} : memref<38912xi32, #tpu.memory_space<vmem>>, vector<16xi32>,
      tpu.vector_store %arg4[%swap3A_87], %broadcast_in_dim3A_3 {strides = array<i32>} : memref<38912xi32, #tpu.memory_space<vmem>>, vector<16xi32>,
      %mul3A_89 = arith.constant 256 : i32
      %mul3A_90 = arith.muli %scan3A_23, %mul3A_89 : i32
      %add3A_91 = arith.constant 176 : i32
      %add3A_92 = arith.addi %mul3A_90, %add3A_91 : i32
      %swap3A_93 = arith.index_cast %add3A_92 : i32 to index
      %swap3A_94 = tpu.vector_load %arg4[%swap3A_93] {strides = array<i32>} : memref<38912xi32, #tpu.memory_space<vmem>>, vector<16xi32>,
      tpu.vector_store %arg4[%swap3A_93], %broadcast_in_dim3A_3 {strides = array<i32>} : memref<38912xi32, #tpu.memory_space<vmem>>, vector<16xi32>,
      %mul3A_95 = arith.constant 256 : i32
      %mul3A_96 = arith.muli %scan3A_23, %mul3A_95 : i32
      %add3A_97 = arith.constant 192 : i32
      %add3A_98 = arith.addi %mul3A_96, %add3A_97 : i32
      %swap3A_99 = arith.index_cast %add3A_98 : i32 to index
      %swap3A_100 = tpu.vector_load %arg4[%swap3A_99] {strides = array<i32>} : memref<38912xi32, #tpu.memory_space<vmem>>, vector<16xi32>,
      tpu.vector_store %arg4[%swap3A_99], %broadcast_in_dim3A_3 {strides = array<i32>} : memref<38912xi32, #tpu.memory_space<vmem>>, vector<16xi32>,
      %mul3A_101 = arith.constant 256 : i32
      %mul3A_102 = arith.muli %scan3A_23, %mul3A_101 : i32
      %add3A_103 = arith.constant 208 : i32
      %add3A_104 = arith.addi %mul3A_102, %add3A_103 : i32
      %swap3A_105 = arith.index_cast %add3A_104 : i32 to index
      %swap3A_106 = tpu.vector_load %arg4[%swap3A_105] {strides = array<i32>} : memref<38912xi32, #tpu.memory_space<vmem>>, vector<16xi32>,
      tpu.vector_store %arg4[%swap3A_105], %broadcast_in_dim3A_3 {strides = array<i32>} : memref<38912xi32, #tpu.memory_space<vmem>>, vector<16xi32>,
      %mul3A_107 = arith.constant 256 : i32
      %mul3A_108 = arith.muli %scan3A_23, %mul3A_107 : i32
      %add3A_109 = arith.constant 224 : i32
      %add3A_110 = arith.addi %mul3A_108, %add3A_109 : i32
      %swap3A_111 = arith.index_cast %add3A_110 : i32 to index
      %swap3A_112 = tpu.vector_load %arg4[%swap3A_111] {strides = array<i32>} : memref<38912xi32, #tpu.memory_space<vmem>>, vector<16xi32>,
      tpu.vector_store %arg4[%swap3A_111], %broadcast_in_dim3A_3 {strides = array<i32>} : memref<38912xi32, #tpu.memory_space<vmem>>, vector<16xi32>,
      %mul3A_113 = arith.constant 256 : i32
      %mul3A_114 = arith.muli %scan3A_23, %mul3A_113 : i32
      %add3A_115 = arith.constant 240 : i32
      %add3A_116 = arith.addi %mul3A_114, %add3A_115 : i32
      %swap3A_117 = arith.index_cast %add3A_116 : i32 to index
      %swap3A_118 = tpu.vector_load %arg4[%swap3A_117] {strides = array<i32>} : memref<38912xi32, #tpu.memory_space<vmem>>, vector<16xi32>,
      tpu.vector_store %arg4[%swap3A_117], %broadcast_in_dim3A_3 {strides = array<i32>} : memref<38912xi32, #tpu.memory_space<vmem>>, vector<16xi32>,
    }
    %scan3A_10 = arith.constant 152 : i32
    %scan3A_11 = arith.constant 0 : i32
    %scan3A_12 = arith.constant 0 : i32
    %scan3A_13 = arith.constant 0 : i32
    %scan3A_14 = arith.addi %scan3A_12, %scan3A_13 : i32
    %scan3A_15 = arith.constant 0 : i32
    %dma_start3A = tpu.memref_slice %arg2[%mul3A_2] : memref<19922944xi32, #tpu.memory_space<hbm>> -> memref<4096xi32, #tpu.memory_space<hbm>>
    %dma_start3A_16 = tpu.memref_slice %arg2[%mul3A_2] : memref<19922944xi32, #tpu.memory_space<hbm>> -> memref<4096xi32, #tpu.memory_space<hbm>>
    tpu.enqueue_dma source(%dma_start3A_16 : memref<4096xi32, #tpu.memory_space<hbm>>) target(%arg5 : memref<4096xi32, #tpu.memory_space<vmem>>) target_semaphore(%arg7 : memref<!tpu.dma_semaphore, #tpu.memory_space<semaphore_mem>>)
    %scan3A_17 = arith.constant 0 : i32
    %scan3A_18 = arith.constant 0 : i32
    %scan3A_19 = arith.constant 76 : i32
    %scan3A_20 = arith.addi %scan3A_18, %scan3A_19 : i32
    %scan3A_21 = arith.constant 1 : i32
    scf.for %scan3A_23 = %scan3A_18 to %scan3A_20 step %scan3A_21  : i32 {
      %mul3A_24 = arith.constant 2 : i32
      %mul3A_25 = arith.muli %mul3A_24, %scan3A_23 : i32
      %add3A_26 = arith.constant 1 : i32
      %add3A_27 = arith.addi %mul3A_25, %add3A_26 : i32
      %mul3A_28 = arith.constant 4096 : i32
      %mul3A_29 = arith.muli %add3A_27, %mul3A_28 : i32
      %add3A_30 = arith.addi %mul3A_2, %mul3A_29 : i32
      %multiple_of3A = tpu.assume_multiple %add3A_30, 4096 : i32
      %dma_start3A_31 = tpu.memref_slice %arg2[%multiple_of3A] : memref<19922944xi32, #tpu.memory_space<hbm>> -> memref<4096xi32, #tpu.memory_space<hbm>>
      %dma_start3A_32 = tpu.memref_slice %arg2[%multiple_of3A] : memref<19922944xi32, #tpu.memory_space<hbm>> -> memref<4096xi32, #tpu.memory_space<hbm>>
      tpu.enqueue_dma source(%dma_start3A_32 : memref<4096xi32, #tpu.memory_space<hbm>>) target(%arg6 : memref<4096xi32, #tpu.memory_space<vmem>>) target_semaphore(%arg8 : memref<!tpu.dma_semaphore, #tpu.memory_space<semaphore_mem>>)
      %mul3A_33 = arith.constant 4096 : i32
      %mul3A_34 = arith.muli %mul3A_25, %mul3A_33 : i32
      %add3A_35 = arith.addi %mul3A_2, %mul3A_34 : i32
      %multiple_of3A_36 = tpu.assume_multiple %add3A_35, 4096 : i32
      %dma_wait3A = tpu.memref_slice %arg2[%multiple_of3A_36] : memref<19922944xi32, #tpu.memory_space<hbm>> -> memref<4096xi32, #tpu.memory_space<hbm>>
      %dma_wait3A_37 = tpu.memref_slice %arg2[%multiple_of3A_36] : memref<19922944xi32, #tpu.memory_space<hbm>> -> memref<4096xi32, #tpu.memory_space<hbm>>
      tpu.wait_dma2 semaphore(%arg7 : memref<!tpu.dma_semaphore, #tpu.memory_space<semaphore_mem>>) src(%dma_wait3A_37 : memref<4096xi32, #tpu.memory_space<hbm>>) dst(%arg5 : memref<4096xi32, #tpu.memory_space<vmem>>)
      %get3A = arith.constant 0 : index
      %get3A_38 = tpu.vector_load %arg5[%get3A] {strides = array<i32>} : memref<4096xi32, #tpu.memory_space<vmem>>, vector<16xi32>,
      tpu.vector_store_idx %arg4[%get3A_38], %broadcast_in_dim3A_5 {add = true} : memref<38912xi32, #tpu.memory_space<vmem>>[vector<16xi32>], vector<16xi32>,
      %get3A_39 = arith.constant 16 : index
      %get3A_40 = tpu.vector_load %arg5[%get3A_39] {strides = array<i32>} : memref<4096xi32, #tpu.memory_space<vmem>>, vector<16xi32>,
      tpu.vector_store_idx %arg4[%get3A_40], %broadcast_in_dim3A_5 {add = true} : memref<38912xi32, #tpu.memory_space<vmem>>[vector<16xi32>], vector<16xi32>,
      %get3A_41 = arith.constant 32 : index
      %get3A_42 = tpu.vector_load %arg5[%get3A_41] {strides = array<i32>} : memref<4096xi32, #tpu.memory_space<vmem>>, vector<16xi32>,
      tpu.vector_store_idx %arg4[%get3A_42], %broadcast_in_dim3A_5 {add = true} : memref<38912xi32, #tpu.memory_space<vmem>>[vector<16xi32>], vector<16xi32>,
      %get3A_43 = arith.constant 48 : index
      %get3A_44 = tpu.vector_load %arg5[%get3A_43] {strides = array<i32>} : memref<4096xi32, #tpu.memory_space<vmem>>, vector<16xi32>,
      tpu.vector_store_idx %arg4[%get3A_44], %broadcast_in_dim3A_5 {add = true} : memref<38912xi32, #tpu.memory_space<vmem>>[vector<16xi32>], vector<16xi32>,
      %get3A_45 = arith.constant 64 : index
      %get3A_46 = tpu.vector_load %arg5[%get3A_45] {strides = array<i32>} : memref<4096xi32, #tpu.memory_space<vmem>>, vector<16xi32>,
      tpu.vector_store_idx %arg4[%get3A_46], %broadcast_in_dim3A_5 {add = true} : memref<38912xi32, #tpu.memory_space<vmem>>[vector<16xi32>], vector<16xi32>,
      %get3A_47 = arith.constant 80 : index
      %get3A_48 = tpu.vector_load %arg5[%get3A_47] {strides = array<i32>} : memref<4096xi32, #tpu.memory_space<vmem>>, vector<16xi32>,
      tpu.vector_store_idx %arg4[%get3A_48], %broadcast_in_dim3A_5 {add = true} : memref<38912xi32, #tpu.memory_space<vmem>>[vector<16xi32>], vector<16xi32>,
      %get3A_49 = arith.constant 96 : index
      %get3A_50 = tpu.vector_load %arg5[%get3A_49] {strides = array<i32>} : memref<4096xi32, #tpu.memory_space<vmem>>, vector<16xi32>,
      tpu.vector_store_idx %arg4[%get3A_50], %broadcast_in_dim3A_5 {add = true} : memref<38912xi32, #tpu.memory_space<vmem>>[vector<16xi32>], vector<16xi32>,
      %get3A_51 = arith.constant 112 : index
      %get3A_52 = tpu.vector_load %arg5[%get3A_51] {strides = array<i32>} : memref<4096xi32, #tpu.memory_space<vmem>>, vector<16xi32>,
      tpu.vector_store_idx %arg4[%get3A_52], %broadcast_in_dim3A_5 {add = true} : memref<38912xi32, #tpu.memory_space<vmem>>[vector<16xi32>], vector<16xi32>,
      %get3A_53 = arith.constant 128 : index
      %get3A_54 = tpu.vector_load %arg5[%get3A_53] {strides = array<i32>} : memref<4096xi32, #tpu.memory_space<vmem>>, vector<16xi32>,
      tpu.vector_store_idx %arg4[%get3A_54], %broadcast_in_dim3A_5 {add = true} : memref<38912xi32, #tpu.memory_space<vmem>>[vector<16xi32>], vector<16xi32>,
      %get3A_55 = arith.constant 144 : index
      %get3A_56 = tpu.vector_load %arg5[%get3A_55] {strides = array<i32>} : memref<4096xi32, #tpu.memory_space<vmem>>, vector<16xi32>,
      tpu.vector_store_idx %arg4[%get3A_56], %broadcast_in_dim3A_5 {add = true} : memref<38912xi32, #tpu.memory_space<vmem>>[vector<16xi32>], vector<16xi32>,
      %get3A_57 = arith.constant 160 : index
      %get3A_58 = tpu.vector_load %arg5[%get3A_57] {strides = array<i32>} : memref<4096xi32, #tpu.memory_space<vmem>>, vector<16xi32>,
      tpu.vector_store_idx %arg4[%get3A_58], %broadcast_in_dim3A_5 {add = true} : memref<38912xi32, #tpu.memory_space<vmem>>[vector<16xi32>], vector<16xi32>,
      %get3A_59 = arith.constant 176 : index
      %get3A_60 = tpu.vector_load %arg5[%get3A_59] {strides = array<i32>} : memref<4096xi32, #tpu.memory_space<vmem>>, vector<16xi32>,
      tpu.vector_store_idx %arg4[%get3A_60], %broadcast_in_dim3A_5 {add = true} : memref<38912xi32, #tpu.memory_space<vmem>>[vector<16xi32>], vector<16xi32>,
      %get3A_61 = arith.constant 192 : index
      %get3A_62 = tpu.vector_load %arg5[%get3A_61] {strides = array<i32>} : memref<4096xi32, #tpu.memory_space<vmem>>, vector<16xi32>,
      tpu.vector_store_idx %arg4[%get3A_62], %broadcast_in_dim3A_5 {add = true} : memref<38912xi32, #tpu.memory_space<vmem>>[vector<16xi32>], vector<16xi32>,
      %get3A_63 = arith.constant 208 : index
      %get3A_64 = tpu.vector_load %arg5[%get3A_63] {strides = array<i32>} : memref<4096xi32, #tpu.memory_space<vmem>>, vector<16xi32>,
      tpu.vector_store_idx %arg4[%get3A_64], %broadcast_in_dim3A_5 {add = true} : memref<38912xi32, #tpu.memory_space<vmem>>[vector<16xi32>], vector<16xi32>,
      %get3A_65 = arith.constant 224 : index
      %get3A_66 = tpu.vector_load %arg5[%get3A_65] {strides = array<i32>} : memref<4096xi32, #tpu.memory_space<vmem>>, vector<16xi32>,
      tpu.vector_store_idx %arg4[%get3A_66], %broadcast_in_dim3A_5 {add = true} : memref<38912xi32, #tpu.memory_space<vmem>>[vector<16xi32>], vector<16xi32>,
      %get3A_67 = arith.constant 240 : index
      %get3A_68 = tpu.vector_load %arg5[%get3A_67] {strides = array<i32>} : memref<4096xi32, #tpu.memory_space<vmem>>, vector<16xi32>,
      tpu.vector_store_idx %arg4[%get3A_68], %broadcast_in_dim3A_5 {add = true} : memref<38912xi32, #tpu.memory_space<vmem>>[vector<16xi32>], vector<16xi32>,
      %get3A_69 = arith.constant 256 : index
      %get3A_70 = tpu.vector_load %arg5[%get3A_69] {strides = array<i32>} : memref<4096xi32, #tpu.memory_space<vmem>>, vector<16xi32>,
      tpu.vector_store_idx %arg4[%get3A_70], %broadcast_in_dim3A_5 {add = true} : memref<38912xi32, #tpu.memory_space<vmem>>[vector<16xi32>], vector<16xi32>,
      %get3A_71 = arith.constant 272 : index
      %get3A_72 = tpu.vector_load %arg5[%get3A_71] {strides = array<i32>} : memref<4096xi32, #tpu.memory_space<vmem>>, vector<16xi32>,
      tpu.vector_store_idx %arg4[%get3A_72], %broadcast_in_dim3A_5 {add = true} : memref<38912xi32, #tpu.memory_space<vmem>>[vector<16xi32>], vector<16xi32>,
      %get3A_73 = arith.constant 288 : index
      %get3A_74 = tpu.vector_load %arg5[%get3A_73] {strides = array<i32>} : memref<4096xi32, #tpu.memory_space<vmem>>, vector<16xi32>,
      tpu.vector_store_idx %arg4[%get3A_74], %broadcast_in_dim3A_5 {add = true} : memref<38912xi32, #tpu.memory_space<vmem>>[vector<16xi32>], vector<16xi32>,
      %get3A_75 = arith.constant 304 : index
      %get3A_76 = tpu.vector_load %arg5[%get3A_75] {strides = array<i32>} : memref<4096xi32, #tpu.memory_space<vmem>>, vector<16xi32>,
      tpu.vector_store_idx %arg4[%get3A_76], %broadcast_in_dim3A_5 {add = true} : memref<38912xi32, #tpu.memory_space<vmem>>[vector<16xi32>], vector<16xi32>,
      %get3A_77 = arith.constant 320 : index
      %get3A_78 = tpu.vector_load %arg5[%get3A_77] {strides = array<i32>} : memref<4096xi32, #tpu.memory_space<vmem>>, vector<16xi32>,
      tpu.vector_store_idx %arg4[%get3A_78], %broadcast_in_dim3A_5 {add = true} : memref<38912xi32, #tpu.memory_space<vmem>>[vector<16xi32>], vector<16xi32>,
      %get3A_79 = arith.constant 336 : index
      %get3A_80 = tpu.vector_load %arg5[%get3A_79] {strides = array<i32>} : memref<4096xi32, #tpu.memory_space<vmem>>, vector<16xi32>,
      tpu.vector_store_idx %arg4[%get3A_80], %broadcast_in_dim3A_5 {add = true} : memref<38912xi32, #tpu.memory_space<vmem>>[vector<16xi32>], vector<16xi32>,
      %get3A_81 = arith.constant 352 : index
      %get3A_82 = tpu.vector_load %arg5[%get3A_81] {strides = array<i32>} : memref<4096xi32, #tpu.memory_space<vmem>>, vector<16xi32>,
      tpu.vector_store_idx %arg4[%get3A_82], %broadcast_in_dim3A_5 {add = true} : memref<38912xi32, #tpu.memory_space<vmem>>[vector<16xi32>], vector<16xi32>,
      %get3A_83 = arith.constant 368 : index
      %get3A_84 = tpu.vector_load %arg5[%get3A_83] {strides = array<i32>} : memref<4096xi32, #tpu.memory_space<vmem>>, vector<16xi32>,
      tpu.vector_store_idx %arg4[%get3A_84], %broadcast_in_dim3A_5 {add = true} : memref<38912xi32, #tpu.memory_space<vmem>>[vector<16xi32>], vector<16xi32>,
      %get3A_85 = arith.constant 384 : index
      %get3A_86 = tpu.vector_load %arg5[%get3A_85] {strides = array<i32>} : memref<4096xi32, #tpu.memory_space<vmem>>, vector<16xi32>,
      tpu.vector_store_idx %arg4[%get3A_86], %broadcast_in_dim3A_5 {add = true} : memref<38912xi32, #tpu.memory_space<vmem>>[vector<16xi32>], vector<16xi32>,
      %get3A_87 = arith.constant 400 : index
      %get3A_88 = tpu.vector_load %arg5[%get3A_87] {strides = array<i32>} : memref<4096xi32, #tpu.memory_space<vmem>>, vector<16xi32>,
      tpu.vector_store_idx %arg4[%get3A_88], %broadcast_in_dim3A_5 {add = true} : memref<38912xi32, #tpu.memory_space<vmem>>[vector<16xi32>], vector<16xi32>,
      %get3A_89 = arith.constant 416 : index
      %get3A_90 = tpu.vector_load %arg5[%get3A_89] {strides = array<i32>} : memref<4096xi32, #tpu.memory_space<vmem>>, vector<16xi32>,
      tpu.vector_store_idx %arg4[%get3A_90], %broadcast_in_dim3A_5 {add = true} : memref<38912xi32, #tpu.memory_space<vmem>>[vector<16xi32>], vector<16xi32>,
      %get3A_91 = arith.constant 432 : index
      %get3A_92 = tpu.vector_load %arg5[%get3A_91] {strides = array<i32>} : memref<4096xi32, #tpu.memory_space<vmem>>, vector<16xi32>,
      tpu.vector_store_idx %arg4[%get3A_92], %broadcast_in_dim3A_5 {add = true} : memref<38912xi32, #tpu.memory_space<vmem>>[vector<16xi32>], vector<16xi32>,
      %get3A_93 = arith.constant 448 : index
      %get3A_94 = tpu.vector_load %arg5[%get3A_93] {strides = array<i32>} : memref<4096xi32, #tpu.memory_space<vmem>>, vector<16xi32>,
      tpu.vector_store_idx %arg4[%get3A_94], %broadcast_in_dim3A_5 {add = true} : memref<38912xi32, #tpu.memory_space<vmem>>[vector<16xi32>], vector<16xi32>,
      %get3A_95 = arith.constant 464 : index
      %get3A_96 = tpu.vector_load %arg5[%get3A_95] {strides = array<i32>} : memref<4096xi32, #tpu.memory_space<vmem>>, vector<16xi32>,
      tpu.vector_store_idx %arg4[%get3A_96], %broadcast_in_dim3A_5 {add = true} : memref<38912xi32, #tpu.memory_space<vmem>>[vector<16xi32>], vector<16xi32>,
      %get3A_97 = arith.constant 480 : index
      %get3A_98 = tpu.vector_load %arg5[%get3A_97] {strides = array<i32>} : memref<4096xi32, #tpu.memory_space<vmem>>, vector<16xi32>,
      tpu.vector_store_idx %arg4[%get3A_98], %broadcast_in_dim3A_5 {add = true} : memref<38912xi32, #tpu.memory_space<vmem>>[vector<16xi32>], vector<16xi32>,
      %get3A_99 = arith.constant 496 : index
      %get3A_100 = tpu.vector_load %arg5[%get3A_99] {strides = array<i32>} : memref<4096xi32, #tpu.memory_space<vmem>>, vector<16xi32>,
      tpu.vector_store_idx %arg4[%get3A_100], %broadcast_in_dim3A_5 {add = true} : memref<38912xi32, #tpu.memory_space<vmem>>[vector<16xi32>], vector<16xi32>,
      %get3A_101 = arith.constant 512 : index
      %get3A_102 = tpu.vector_load %arg5[%get3A_101] {strides = array<i32>} : memref<4096xi32, #tpu.memory_space<vmem>>, vector<16xi32>,
      tpu.vector_store_idx %arg4[%get3A_102], %broadcast_in_dim3A_5 {add = true} : memref<38912xi32, #tpu.memory_space<vmem>>[vector<16xi32>], vector<16xi32>,
      %get3A_103 = arith.constant 528 : index
      %get3A_104 = tpu.vector_load %arg5[%get3A_103] {strides = array<i32>} : memref<4096xi32, #tpu.memory_space<vmem>>, vector<16xi32>,
      tpu.vector_store_idx %arg4[%get3A_104], %broadcast_in_dim3A_5 {add = true} : memref<38912xi32, #tpu.memory_space<vmem>>[vector<16xi32>], vector<16xi32>,
      %get3A_105 = arith.constant 544 : index
      %get3A_106 = tpu.vector_load %arg5[%get3A_105] {strides = array<i32>} : memref<4096xi32, #tpu.memory_space<vmem>>, vector<16xi32>,
      tpu.vector_store_idx %arg4[%get3A_106], %broadcast_in_dim3A_5 {add = true} : memref<38912xi32, #tpu.memory_space<vmem>>[vector<16xi32>], vector<16xi32>,
      %get3A_107 = arith.constant 560 : index
      %get3A_108 = tpu.vector_load %arg5[%get3A_107] {strides = array<i32>} : memref<4096xi32, #tpu.memory_space<vmem>>, vector<16xi32>,
      tpu.vector_store_idx %arg4[%get3A_108], %broadcast_in_dim3A_5 {add = true} : memref<38912xi32, #tpu.memory_space<vmem>>[vector<16xi32>], vector<16xi32>,
      %get3A_109 = arith.constant 576 : index
      %get3A_110 = tpu.vector_load %arg5[%get3A_109] {strides = array<i32>} : memref<4096xi32, #tpu.memory_space<vmem>>, vector<16xi32>,
      tpu.vector_store_idx %arg4[%get3A_110], %broadcast_in_dim3A_5 {add = true} : memref<38912xi32, #tpu.memory_space<vmem>>[vector<16xi32>], vector<16xi32>,
      %get3A_111 = arith.constant 592 : index
      %get3A_112 = tpu.vector_load %arg5[%get3A_111] {strides = array<i32>} : memref<4096xi32, #tpu.memory_space<vmem>>, vector<16xi32>,
      tpu.vector_store_idx %arg4[%get3A_112], %broadcast_in_dim3A_5 {add = true} : memref<38912xi32, #tpu.memory_space<vmem>>[vector<16xi32>], vector<16xi32>,
      %get3A_113 = arith.constant 608 : index
      %get3A_114 = tpu.vector_load %arg5[%get3A_113] {strides = array<i32>} : memref<4096xi32, #tpu.memory_space<vmem>>, vector<16xi32>,
      tpu.vector_store_idx %arg4[%get3A_114], %broadcast_in_dim3A_5 {add = true} : memref<38912xi32, #tpu.memory_space<vmem>>[vector<16xi32>], vector<16xi32>,
      %get3A_115 = arith.constant 624 : index
      %get3A_116 = tpu.vector_load %arg5[%get3A_115] {strides = array<i32>} : memref<4096xi32, #tpu.memory_space<vmem>>, vector<16xi32>,
      tpu.vector_store_idx %arg4[%get3A_116], %broadcast_in_dim3A_5 {add = true} : memref<38912xi32, #tpu.memory_space<vmem>>[vector<16xi32>], vector<16xi32>,
      %get3A_117 = arith.constant 640 : index
      %get3A_118 = tpu.vector_load %arg5[%get3A_117] {strides = array<i32>} : memref<4096xi32, #tpu.memory_space<vmem>>, vector<16xi32>,
      tpu.vector_store_idx %arg4[%get3A_118], %broadcast_in_dim3A_5 {add = true} : memref<38912xi32, #tpu.memory_space<vmem>>[vector<16xi32>], vector<16xi32>,
      %get3A_119 = arith.constant 656 : index
      %get3A_120 = tpu.vector_load %arg5[%get3A_119] {strides = array<i32>} : memref<4096xi32, #tpu.memory_space<vmem>>, vector<16xi32>,
      tpu.vector_store_idx %arg4[%get3A_120], %broadcast_in_dim3A_5 {add = true} : memref<38912xi32, #tpu.memory_space<vmem>>[vector<16xi32>], vector<16xi32>,
      %get3A_121 = arith.constant 672 : index
      %get3A_122 = tpu.vector_load %arg5[%get3A_121] {strides = array<i32>} : memref<4096xi32, #tpu.memory_space<vmem>>, vector<16xi32>,
      tpu.vector_store_idx %arg4[%get3A_122], %broadcast_in_dim3A_5 {add = true} : memref<38912xi32, #tpu.memory_space<vmem>>[vector<16xi32>], vector<16xi32>,
      %get3A_123 = arith.constant 688 : index
      %get3A_124 = tpu.vector_load %arg5[%get3A_123] {strides = array<i32>} : memref<4096xi32, #tpu.memory_space<vmem>>, vector<16xi32>,
      tpu.vector_store_idx %arg4[%get3A_124], %broadcast_in_dim3A_5 {add = true} : memref<38912xi32, #tpu.memory_space<vmem>>[vector<16xi32>], vector<16xi32>,
      %get3A_125 = arith.constant 704 : index
      %get3A_126 = tpu.vector_load %arg5[%get3A_125] {strides = array<i32>} : memref<4096xi32, #tpu.memory_space<vmem>>, vector<16xi32>,
      tpu.vector_store_idx %arg4[%get3A_126], %broadcast_in_dim3A_5 {add = true} : memref<38912xi32, #tpu.memory_space<vmem>>[vector<16xi32>], vector<16xi32>,
      %get3A_127 = arith.constant 720 : index
      %get3A_128 = tpu.vector_load %arg5[%get3A_127] {strides = array<i32>} : memref<4096xi32, #tpu.memory_space<vmem>>, vector<16xi32>,
      tpu.vector_store_idx %arg4[%get3A_128], %broadcast_in_dim3A_5 {add = true} : memref<38912xi32, #tpu.memory_space<vmem>>[vector<16xi32>], vector<16xi32>,
      %get3A_129 = arith.constant 736 : index
      %get3A_130 = tpu.vector_load %arg5[%get3A_129] {strides = array<i32>} : memref<4096xi32, #tpu.memory_space<vmem>>, vector<16xi32>,
      tpu.vector_store_idx %arg4[%get3A_130], %broadcast_in_dim3A_5 {add = true} : memref<38912xi32, #tpu.memory_space<vmem>>[vector<16xi32>], vector<16xi32>,
      %get3A_131 = arith.constant 752 : index
      %get3A_132 = tpu.vector_load %arg5[%get3A_131] {strides = array<i32>} : memref<4096xi32, #tpu.memory_space<vmem>>, vector<16xi32>,
      tpu.vector_store_idx %arg4[%get3A_132], %broadcast_in_dim3A_5 {add = true} : memref<38912xi32, #tpu.memory_space<vmem>>[vector<16xi32>], vector<16xi32>,
      %get3A_133 = arith.constant 768 : index
      %get3A_134 = tpu.vector_load %arg5[%get3A_133] {strides = array<i32>} : memref<4096xi32, #tpu.memory_space<vmem>>, vector<16xi32>,
      tpu.vector_store_idx %arg4[%get3A_134], %broadcast_in_dim3A_5 {add = true} : memref<38912xi32, #tpu.memory_space<vmem>>[vector<16xi32>], vector<16xi32>,
      %get3A_135 = arith.constant 784 : index
      %get3A_136 = tpu.vector_load %arg5[%get3A_135] {strides = array<i32>} : memref<4096xi32, #tpu.memory_space<vmem>>, vector<16xi32>,
      tpu.vector_store_idx %arg4[%get3A_136], %broadcast_in_dim3A_5 {add = true} : memref<38912xi32, #tpu.memory_space<vmem>>[vector<16xi32>], vector<16xi32>,
      %get3A_137 = arith.constant 800 : index
      %get3A_138 = tpu.vector_load %arg5[%get3A_137] {strides = array<i32>} : memref<4096xi32, #tpu.memory_space<vmem>>, vector<16xi32>,
      tpu.vector_store_idx %arg4[%get3A_138], %broadcast_in_dim3A_5 {add = true} : memref<38912xi32, #tpu.memory_space<vmem>>[vector<16xi32>], vector<16xi32>,
      %get3A_139 = arith.constant 816 : index
      %get3A_140 = tpu.vector_load %arg5[%get3A_139] {strides = array<i32>} : memref<4096xi32, #tpu.memory_space<vmem>>, vector<16xi32>,
      tpu.vector_store_idx %arg4[%get3A_140], %broadcast_in_dim3A_5 {add = true} : memref<38912xi32, #tpu.memory_space<vmem>>[vector<16xi32>], vector<16xi32>,
      %get3A_141 = arith.constant 832 : index
      %get3A_142 = tpu.vector_load %arg5[%get3A_141] {strides = array<i32>} : memref<4096xi32, #tpu.memory_space<vmem>>, vector<16xi32>,
      tpu.vector_store_idx %arg4[%get3A_142], %broadcast_in_dim3A_5 {add = true} : memref<38912xi32, #tpu.memory_space<vmem>>[vector<16xi32>], vector<16xi32>,
      %get3A_143 = arith.constant 848 : index
      %get3A_144 = tpu.vector_load %arg5[%get3A_143] {strides = array<i32>} : memref<4096xi32, #tpu.memory_space<vmem>>, vector<16xi32>,
      tpu.vector_store_idx %arg4[%get3A_144], %broadcast_in_dim3A_5 {add = true} : memref<38912xi32, #tpu.memory_space<vmem>>[vector<16xi32>], vector<16xi32>,
      %get3A_145 = arith.constant 864 : index
      %get3A_146 = tpu.vector_load %arg5[%get3A_145] {strides = array<i32>} : memref<4096xi32, #tpu.memory_space<vmem>>, vector<16xi32>,
      tpu.vector_store_idx %arg4[%get3A_146], %broadcast_in_dim3A_5 {add = true} : memref<38912xi32, #tpu.memory_space<vmem>>[vector<16xi32>], vector<16xi32>,
      %get3A_147 = arith.constant 880 : index
      %get3A_148 = tpu.vector_load %arg5[%get3A_147] {strides = array<i32>} : memref<4096xi32, #tpu.memory_space<vmem>>, vector<16xi32>,
      tpu.vector_store_idx %arg4[%get3A_148], %broadcast_in_dim3A_5 {add = true} : memref<38912xi32, #tpu.memory_space<vmem>>[vector<16xi32>], vector<16xi32>,
      %get3A_149 = arith.constant 896 : index
      %get3A_150 = tpu.vector_load %arg5[%get3A_149] {strides = array<i32>} : memref<4096xi32, #tpu.memory_space<vmem>>, vector<16xi32>,
      tpu.vector_store_idx %arg4[%get3A_150], %broadcast_in_dim3A_5 {add = true} : memref<38912xi32, #tpu.memory_space<vmem>>[vector<16xi32>], vector<16xi32>,
      %get3A_151 = arith.constant 912 : index
      %get3A_152 = tpu.vector_load %arg5[%get3A_151] {strides = array<i32>} : memref<4096xi32, #tpu.memory_space<vmem>>, vector<16xi32>,
      tpu.vector_store_idx %arg4[%get3A_152], %broadcast_in_dim3A_5 {add = true} : memref<38912xi32, #tpu.memory_space<vmem>>[vector<16xi32>], vector<16xi32>,
      %get3A_153 = arith.constant 928 : index
      %get3A_154 = tpu.vector_load %arg5[%get3A_153] {strides = array<i32>} : memref<4096xi32, #tpu.memory_space<vmem>>, vector<16xi32>,
      tpu.vector_store_idx %arg4[%get3A_154], %broadcast_in_dim3A_5 {add = true} : memref<38912xi32, #tpu.memory_space<vmem>>[vector<16xi32>], vector<16xi32>,
      %get3A_155 = arith.constant 944 : index
      %get3A_156 = tpu.vector_load %arg5[%get3A_155] {strides = array<i32>} : memref<4096xi32, #tpu.memory_space<vmem>>, vector<16xi32>,
      tpu.vector_store_idx %arg4[%get3A_156], %broadcast_in_dim3A_5 {add = true} : memref<38912xi32, #tpu.memory_space<vmem>>[vector<16xi32>], vector<16xi32>,
      %get3A_157 = arith.constant 960 : index
      %get3A_158 = tpu.vector_load %arg5[%get3A_157] {strides = array<i32>} : memref<4096xi32, #tpu.memory_space<vmem>>, vector<16xi32>,
      tpu.vector_store_idx %arg4[%get3A_158], %broadcast_in_dim3A_5 {add = true} : memref<38912xi32, #tpu.memory_space<vmem>>[vector<16xi32>], vector<16xi32>,
      %get3A_159 = arith.constant 976 : index
      %get3A_160 = tpu.vector_load %arg5[%get3A_159] {strides = array<i32>} : memref<4096xi32, #tpu.memory_space<vmem>>, vector<16xi32>,
      tpu.vector_store_idx %arg4[%get3A_160], %broadcast_in_dim3A_5 {add = true} : memref<38912xi32, #tpu.memory_space<vmem>>[vector<16xi32>], vector<16xi32>,
      %get3A_161 = arith.constant 992 : index
      %get3A_162 = tpu.vector_load %arg5[%get3A_161] {strides = array<i32>} : memref<4096xi32, #tpu.memory_space<vmem>>, vector<16xi32>,
      tpu.vector_store_idx %arg4[%get3A_162], %broadcast_in_dim3A_5 {add = true} : memref<38912xi32, #tpu.memory_space<vmem>>[vector<16xi32>], vector<16xi32>,
      %get3A_163 = arith.constant 1008 : index
      %get3A_164 = tpu.vector_load %arg5[%get3A_163] {strides = array<i32>} : memref<4096xi32, #tpu.memory_space<vmem>>, vector<16xi32>,
      tpu.vector_store_idx %arg4[%get3A_164], %broadcast_in_dim3A_5 {add = true} : memref<38912xi32, #tpu.memory_space<vmem>>[vector<16xi32>], vector<16xi32>,
      %get3A_165 = arith.constant 1024 : index
      %get3A_166 = tpu.vector_load %arg5[%get3A_165] {strides = array<i32>} : memref<4096xi32, #tpu.memory_space<vmem>>, vector<16xi32>,
      tpu.vector_store_idx %arg4[%get3A_166], %broadcast_in_dim3A_5 {add = true} : memref<38912xi32, #tpu.memory_space<vmem>>[vector<16xi32>], vector<16xi32>,
      %get3A_167 = arith.constant 1040 : index
      %get3A_168 = tpu.vector_load %arg5[%get3A_167] {strides = array<i32>} : memref<4096xi32, #tpu.memory_space<vmem>>, vector<16xi32>,
      tpu.vector_store_idx %arg4[%get3A_168], %broadcast_in_dim3A_5 {add = true} : memref<38912xi32, #tpu.memory_space<vmem>>[vector<16xi32>], vector<16xi32>,
      %get3A_169 = arith.constant 1056 : index
      %get3A_170 = tpu.vector_load %arg5[%get3A_169] {strides = array<i32>} : memref<4096xi32, #tpu.memory_space<vmem>>, vector<16xi32>,
      tpu.vector_store_idx %arg4[%get3A_170], %broadcast_in_dim3A_5 {add = true} : memref<38912xi32, #tpu.memory_space<vmem>>[vector<16xi32>], vector<16xi32>,
      %get3A_171 = arith.constant 1072 : index
      %get3A_172 = tpu.vector_load %arg5[%get3A_171] {strides = array<i32>} : memref<4096xi32, #tpu.memory_space<vmem>>, vector<16xi32>,
      tpu.vector_store_idx %arg4[%get3A_172], %broadcast_in_dim3A_5 {add = true} : memref<38912xi32, #tpu.memory_space<vmem>>[vector<16xi32>], vector<16xi32>,
      %get3A_173 = arith.constant 1088 : index
      %get3A_174 = tpu.vector_load %arg5[%get3A_173] {strides = array<i32>} : memref<4096xi32, #tpu.memory_space<vmem>>, vector<16xi32>,
      tpu.vector_store_idx %arg4[%get3A_174], %broadcast_in_dim3A_5 {add = true} : memref<38912xi32, #tpu.memory_space<vmem>>[vector<16xi32>], vector<16xi32>,
      %get3A_175 = arith.constant 1104 : index
      %get3A_176 = tpu.vector_load %arg5[%get3A_175] {strides = array<i32>} : memref<4096xi32, #tpu.memory_space<vmem>>, vector<16xi32>,
      tpu.vector_store_idx %arg4[%get3A_176], %broadcast_in_dim3A_5 {add = true} : memref<38912xi32, #tpu.memory_space<vmem>>[vector<16xi32>], vector<16xi32>,
      %get3A_177 = arith.constant 1120 : index
      %get3A_178 = tpu.vector_load %arg5[%get3A_177] {strides = array<i32>} : memref<4096xi32, #tpu.memory_space<vmem>>, vector<16xi32>,
      tpu.vector_store_idx %arg4[%get3A_178], %broadcast_in_dim3A_5 {add = true} : memref<38912xi32, #tpu.memory_space<vmem>>[vector<16xi32>], vector<16xi32>,
      %get3A_179 = arith.constant 1136 : index
      %get3A_180 = tpu.vector_load %arg5[%get3A_179] {strides = array<i32>} : memref<4096xi32, #tpu.memory_space<vmem>>, vector<16xi32>,
      tpu.vector_store_idx %arg4[%get3A_180], %broadcast_in_dim3A_5 {add = true} : memref<38912xi32, #tpu.memory_space<vmem>>[vector<16xi32>], vector<16xi32>,
      %get3A_181 = arith.constant 1152 : index
      %get3A_182 = tpu.vector_load %arg5[%get3A_181] {strides = array<i32>} : memref<4096xi32, #tpu.memory_space<vmem>>, vector<16xi32>,
      tpu.vector_store_idx %arg4[%get3A_182], %broadcast_in_dim3A_5 {add = true} : memref<38912xi32, #tpu.memory_space<vmem>>[vector<16xi32>], vector<16xi32>,
      %get3A_183 = arith.constant 1168 : index
      %get3A_184 = tpu.vector_load %arg5[%get3A_183] {strides = array<i32>} : memref<4096xi32, #tpu.memory_space<vmem>>, vector<16xi32>,
      tpu.vector_store_idx %arg4[%get3A_184], %broadcast_in_dim3A_5 {add = true} : memref<38912xi32, #tpu.memory_space<vmem>>[vector<16xi32>], vector<16xi32>,
      %get3A_185 = arith.constant 1184 : index
      %get3A_186 = tpu.vector_load %arg5[%get3A_185] {strides = array<i32>} : memref<4096xi32, #tpu.memory_space<vmem>>, vector<16xi32>,
      tpu.vector_store_idx %arg4[%get3A_186], %broadcast_in_dim3A_5 {add = true} : memref<38912xi32, #tpu.memory_space<vmem>>[vector<16xi32>], vector<16xi32>,
      %get3A_187 = arith.constant 1200 : index
      %get3A_188 = tpu.vector_load %arg5[%get3A_187] {strides = array<i32>} : memref<4096xi32, #tpu.memory_space<vmem>>, vector<16xi32>,
      tpu.vector_store_idx %arg4[%get3A_188], %broadcast_in_dim3A_5 {add = true} : memref<38912xi32, #tpu.memory_space<vmem>>[vector<16xi32>], vector<16xi32>,
      %get3A_189 = arith.constant 1216 : index
      %get3A_190 = tpu.vector_load %arg5[%get3A_189] {strides = array<i32>} : memref<4096xi32, #tpu.memory_space<vmem>>, vector<16xi32>,
      tpu.vector_store_idx %arg4[%get3A_190], %broadcast_in_dim3A_5 {add = true} : memref<38912xi32, #tpu.memory_space<vmem>>[vector<16xi32>], vector<16xi32>,
      %get3A_191 = arith.constant 1232 : index
      %get3A_192 = tpu.vector_load %arg5[%get3A_191] {strides = array<i32>} : memref<4096xi32, #tpu.memory_space<vmem>>, vector<16xi32>,
      tpu.vector_store_idx %arg4[%get3A_192], %broadcast_in_dim3A_5 {add = true} : memref<38912xi32, #tpu.memory_space<vmem>>[vector<16xi32>], vector<16xi32>,
      %get3A_193 = arith.constant 1248 : index
      %get3A_194 = tpu.vector_load %arg5[%get3A_193] {strides = array<i32>} : memref<4096xi32, #tpu.memory_space<vmem>>, vector<16xi32>,
      tpu.vector_store_idx %arg4[%get3A_194], %broadcast_in_dim3A_5 {add = true} : memref<38912xi32, #tpu.memory_space<vmem>>[vector<16xi32>], vector<16xi32>,
      %get3A_195 = arith.constant 1264 : index
      %get3A_196 = tpu.vector_load %arg5[%get3A_195] {strides = array<i32>} : memref<4096xi32, #tpu.memory_space<vmem>>, vector<16xi32>,
      tpu.vector_store_idx %arg4[%get3A_196], %broadcast_in_dim3A_5 {add = true} : memref<38912xi32, #tpu.memory_space<vmem>>[vector<16xi32>], vector<16xi32>,
      %get3A_197 = arith.constant 1280 : index
      %get3A_198 = tpu.vector_load %arg5[%get3A_197] {strides = array<i32>} : memref<4096xi32, #tpu.memory_space<vmem>>, vector<16xi32>,
      tpu.vector_store_idx %arg4[%get3A_198], %broadcast_in_dim3A_5 {add = true} : memref<38912xi32, #tpu.memory_space<vmem>>[vector<16xi32>], vector<16xi32>,
      %get3A_199 = arith.constant 1296 : index
      %get3A_200 = tpu.vector_load %arg5[%get3A_199] {strides = array<i32>} : memref<4096xi32, #tpu.memory_space<vmem>>, vector<16xi32>,
      tpu.vector_store_idx %arg4[%get3A_200], %broadcast_in_dim3A_5 {add = true} : memref<38912xi32, #tpu.memory_space<vmem>>[vector<16xi32>], vector<16xi32>,
      %get3A_201 = arith.constant 1312 : index
      %get3A_202 = tpu.vector_load %arg5[%get3A_201] {strides = array<i32>} : memref<4096xi32, #tpu.memory_space<vmem>>, vector<16xi32>,
      tpu.vector_store_idx %arg4[%get3A_202], %broadcast_in_dim3A_5 {add = true} : memref<38912xi32, #tpu.memory_space<vmem>>[vector<16xi32>], vector<16xi32>,
      %get3A_203 = arith.constant 1328 : index
      %get3A_204 = tpu.vector_load %arg5[%get3A_203] {strides = array<i32>} : memref<4096xi32, #tpu.memory_space<vmem>>, vector<16xi32>,
      tpu.vector_store_idx %arg4[%get3A_204], %broadcast_in_dim3A_5 {add = true} : memref<38912xi32, #tpu.memory_space<vmem>>[vector<16xi32>], vector<16xi32>,
      %get3A_205 = arith.constant 1344 : index
      %get3A_206 = tpu.vector_load %arg5[%get3A_205] {strides = array<i32>} : memref<4096xi32, #tpu.memory_space<vmem>>, vector<16xi32>,
      tpu.vector_store_idx %arg4[%get3A_206], %broadcast_in_dim3A_5 {add = true} : memref<38912xi32, #tpu.memory_space<vmem>>[vector<16xi32>], vector<16xi32>,
      %get3A_207 = arith.constant 1360 : index
      %get3A_208 = tpu.vector_load %arg5[%get3A_207] {strides = array<i32>} : memref<4096xi32, #tpu.memory_space<vmem>>, vector<16xi32>,
      tpu.vector_store_idx %arg4[%get3A_208], %broadcast_in_dim3A_5 {add = true} : memref<38912xi32, #tpu.memory_space<vmem>>[vector<16xi32>], vector<16xi32>,
      %get3A_209 = arith.constant 1376 : index
      %get3A_210 = tpu.vector_load %arg5[%get3A_209] {strides = array<i32>} : memref<4096xi32, #tpu.memory_space<vmem>>, vector<16xi32>,
      tpu.vector_store_idx %arg4[%get3A_210], %broadcast_in_dim3A_5 {add = true} : memref<38912xi32, #tpu.memory_space<vmem>>[vector<16xi32>], vector<16xi32>,
      %get3A_211 = arith.constant 1392 : index
      %get3A_212 = tpu.vector_load %arg5[%get3A_211] {strides = array<i32>} : memref<4096xi32, #tpu.memory_space<vmem>>, vector<16xi32>,
      tpu.vector_store_idx %arg4[%get3A_212], %broadcast_in_dim3A_5 {add = true} : memref<38912xi32, #tpu.memory_space<vmem>>[vector<16xi32>], vector<16xi32>,
      %get3A_213 = arith.constant 1408 : index
      %get3A_214 = tpu.vector_load %arg5[%get3A_213] {strides = array<i32>} : memref<4096xi32, #tpu.memory_space<vmem>>, vector<16xi32>,
      tpu.vector_store_idx %arg4[%get3A_214], %broadcast_in_dim3A_5 {add = true} : memref<38912xi32, #tpu.memory_space<vmem>>[vector<16xi32>], vector<16xi32>,
      %get3A_215 = arith.constant 1424 : index
      %get3A_216 = tpu.vector_load %arg5[%get3A_215] {strides = array<i32>} : memref<4096xi32, #tpu.memory_space<vmem>>, vector<16xi32>,
      tpu.vector_store_idx %arg4[%get3A_216], %broadcast_in_dim3A_5 {add = true} : memref<38912xi32, #tpu.memory_space<vmem>>[vector<16xi32>], vector<16xi32>,
      %get3A_217 = arith.constant 1440 : index
      %get3A_218 = tpu.vector_load %arg5[%get3A_217] {strides = array<i32>} : memref<4096xi32, #tpu.memory_space<vmem>>, vector<16xi32>,
      tpu.vector_store_idx %arg4[%get3A_218], %broadcast_in_dim3A_5 {add = true} : memref<38912xi32, #tpu.memory_space<vmem>>[vector<16xi32>], vector<16xi32>,
      %get3A_219 = arith.constant 1456 : index
      %get3A_220 = tpu.vector_load %arg5[%get3A_219] {strides = array<i32>} : memref<4096xi32, #tpu.memory_space<vmem>>, vector<16xi32>,
      tpu.vector_store_idx %arg4[%get3A_220], %broadcast_in_dim3A_5 {add = true} : memref<38912xi32, #tpu.memory_space<vmem>>[vector<16xi32>], vector<16xi32>,
      %get3A_221 = arith.constant 1472 : index
      %get3A_222 = tpu.vector_load %arg5[%get3A_221] {strides = array<i32>} : memref<4096xi32, #tpu.memory_space<vmem>>, vector<16xi32>,
      tpu.vector_store_idx %arg4[%get3A_222], %broadcast_in_dim3A_5 {add = true} : memref<38912xi32, #tpu.memory_space<vmem>>[vector<16xi32>], vector<16xi32>,
      %get3A_223 = arith.constant 1488 : index
      %get3A_224 = tpu.vector_load %arg5[%get3A_223] {strides = array<i32>} : memref<4096xi32, #tpu.memory_space<vmem>>, vector<16xi32>,
      tpu.vector_store_idx %arg4[%get3A_224], %broadcast_in_dim3A_5 {add = true} : memref<38912xi32, #tpu.memory_space<vmem>>[vector<16xi32>], vector<16xi32>,
      %get3A_225 = arith.constant 1504 : index
      %get3A_226 = tpu.vector_load %arg5[%get3A_225] {strides = array<i32>} : memref<4096xi32, #tpu.memory_space<vmem>>, vector<16xi32>,
      tpu.vector_store_idx %arg4[%get3A_226], %broadcast_in_dim3A_5 {add = true} : memref<38912xi32, #tpu.memory_space<vmem>>[vector<16xi32>], vector<16xi32>,
      %get3A_227 = arith.constant 1520 : index
      %get3A_228 = tpu.vector_load %arg5[%get3A_227] {strides = array<i32>} : memref<4096xi32, #tpu.memory_space<vmem>>, vector<16xi32>,
      tpu.vector_store_idx %arg4[%get3A_228], %broadcast_in_dim3A_5 {add = true} : memref<38912xi32, #tpu.memory_space<vmem>>[vector<16xi32>], vector<16xi32>,
      %get3A_229 = arith.constant 1536 : index
      %get3A_230 = tpu.vector_load %arg5[%get3A_229] {strides = array<i32>} : memref<4096xi32, #tpu.memory_space<vmem>>, vector<16xi32>,
      tpu.vector_store_idx %arg4[%get3A_230], %broadcast_in_dim3A_5 {add = true} : memref<38912xi32, #tpu.memory_space<vmem>>[vector<16xi32>], vector<16xi32>,
      %get3A_231 = arith.constant 1552 : index
      %get3A_232 = tpu.vector_load %arg5[%get3A_231] {strides = array<i32>} : memref<4096xi32, #tpu.memory_space<vmem>>, vector<16xi32>,
      tpu.vector_store_idx %arg4[%get3A_232], %broadcast_in_dim3A_5 {add = true} : memref<38912xi32, #tpu.memory_space<vmem>>[vector<16xi32>], vector<16xi32>,
      %get3A_233 = arith.constant 1568 : index
      %get3A_234 = tpu.vector_load %arg5[%get3A_233] {strides = array<i32>} : memref<4096xi32, #tpu.memory_space<vmem>>, vector<16xi32>,
      tpu.vector_store_idx %arg4[%get3A_234], %broadcast_in_dim3A_5 {add = true} : memref<38912xi32, #tpu.memory_space<vmem>>[vector<16xi32>], vector<16xi32>,
      %get3A_235 = arith.constant 1584 : index
      %get3A_236 = tpu.vector_load %arg5[%get3A_235] {strides = array<i32>} : memref<4096xi32, #tpu.memory_space<vmem>>, vector<16xi32>,
      tpu.vector_store_idx %arg4[%get3A_236], %broadcast_in_dim3A_5 {add = true} : memref<38912xi32, #tpu.memory_space<vmem>>[vector<16xi32>], vector<16xi32>,
      %get3A_237 = arith.constant 1600 : index
      %get3A_238 = tpu.vector_load %arg5[%get3A_237] {strides = array<i32>} : memref<4096xi32, #tpu.memory_space<vmem>>, vector<16xi32>,
      tpu.vector_store_idx %arg4[%get3A_238], %broadcast_in_dim3A_5 {add = true} : memref<38912xi32, #tpu.memory_space<vmem>>[vector<16xi32>], vector<16xi32>,
      %get3A_239 = arith.constant 1616 : index
      %get3A_240 = tpu.vector_load %arg5[%get3A_239] {strides = array<i32>} : memref<4096xi32, #tpu.memory_space<vmem>>, vector<16xi32>,
      tpu.vector_store_idx %arg4[%get3A_240], %broadcast_in_dim3A_5 {add = true} : memref<38912xi32, #tpu.memory_space<vmem>>[vector<16xi32>], vector<16xi32>,
      %get3A_241 = arith.constant 1632 : index
      %get3A_242 = tpu.vector_load %arg5[%get3A_241] {strides = array<i32>} : memref<4096xi32, #tpu.memory_space<vmem>>, vector<16xi32>,
      tpu.vector_store_idx %arg4[%get3A_242], %broadcast_in_dim3A_5 {add = true} : memref<38912xi32, #tpu.memory_space<vmem>>[vector<16xi32>], vector<16xi32>,
      %get3A_243 = arith.constant 1648 : index
      %get3A_244 = tpu.vector_load %arg5[%get3A_243] {strides = array<i32>} : memref<4096xi32, #tpu.memory_space<vmem>>, vector<16xi32>,
      tpu.vector_store_idx %arg4[%get3A_244], %broadcast_in_dim3A_5 {add = true} : memref<38912xi32, #tpu.memory_space<vmem>>[vector<16xi32>], vector<16xi32>,
      %get3A_245 = arith.constant 1664 : index
      %get3A_246 = tpu.vector_load %arg5[%get3A_245] {strides = array<i32>} : memref<4096xi32, #tpu.memory_space<vmem>>, vector<16xi32>,
      tpu.vector_store_idx %arg4[%get3A_246], %broadcast_in_dim3A_5 {add = true} : memref<38912xi32, #tpu.memory_space<vmem>>[vector<16xi32>], vector<16xi32>,
      %get3A_247 = arith.constant 1680 : index
      %get3A_248 = tpu.vector_load %arg5[%get3A_247] {strides = array<i32>} : memref<4096xi32, #tpu.memory_space<vmem>>, vector<16xi32>,
      tpu.vector_store_idx %arg4[%get3A_248], %broadcast_in_dim3A_5 {add = true} : memref<38912xi32, #tpu.memory_space<vmem>>[vector<16xi32>], vector<16xi32>,
      %get3A_249 = arith.constant 1696 : index
      %get3A_250 = tpu.vector_load %arg5[%get3A_249] {strides = array<i32>} : memref<4096xi32, #tpu.memory_space<vmem>>, vector<16xi32>,
      tpu.vector_store_idx %arg4[%get3A_250], %broadcast_in_dim3A_5 {add = true} : memref<38912xi32, #tpu.memory_space<vmem>>[vector<16xi32>], vector<16xi32>,
      %get3A_251 = arith.constant 1712 : index
      %get3A_252 = tpu.vector_load %arg5[%get3A_251] {strides = array<i32>} : memref<4096xi32, #tpu.memory_space<vmem>>, vector<16xi32>,
      tpu.vector_store_idx %arg4[%get3A_252], %broadcast_in_dim3A_5 {add = true} : memref<38912xi32, #tpu.memory_space<vmem>>[vector<16xi32>], vector<16xi32>,
      %get3A_253 = arith.constant 1728 : index
      %get3A_254 = tpu.vector_load %arg5[%get3A_253] {strides = array<i32>} : memref<4096xi32, #tpu.memory_space<vmem>>, vector<16xi32>,
      tpu.vector_store_idx %arg4[%get3A_254], %broadcast_in_dim3A_5 {add = true} : memref<38912xi32, #tpu.memory_space<vmem>>[vector<16xi32>], vector<16xi32>,
      %get3A_255 = arith.constant 1744 : index
      %get3A_256 = tpu.vector_load %arg5[%get3A_255] {strides = array<i32>} : memref<4096xi32, #tpu.memory_space<vmem>>, vector<16xi32>,
      tpu.vector_store_idx %arg4[%get3A_256], %broadcast_in_dim3A_5 {add = true} : memref<38912xi32, #tpu.memory_space<vmem>>[vector<16xi32>], vector<16xi32>,
      %get3A_257 = arith.constant 1760 : index
      %get3A_258 = tpu.vector_load %arg5[%get3A_257] {strides = array<i32>} : memref<4096xi32, #tpu.memory_space<vmem>>, vector<16xi32>,
      tpu.vector_store_idx %arg4[%get3A_258], %broadcast_in_dim3A_5 {add = true} : memref<38912xi32, #tpu.memory_space<vmem>>[vector<16xi32>], vector<16xi32>,
      %get3A_259 = arith.constant 1776 : index
      %get3A_260 = tpu.vector_load %arg5[%get3A_259] {strides = array<i32>} : memref<4096xi32, #tpu.memory_space<vmem>>, vector<16xi32>,
      tpu.vector_store_idx %arg4[%get3A_260], %broadcast_in_dim3A_5 {add = true} : memref<38912xi32, #tpu.memory_space<vmem>>[vector<16xi32>], vector<16xi32>,
      %get3A_261 = arith.constant 1792 : index
      %get3A_262 = tpu.vector_load %arg5[%get3A_261] {strides = array<i32>} : memref<4096xi32, #tpu.memory_space<vmem>>, vector<16xi32>,
      tpu.vector_store_idx %arg4[%get3A_262], %broadcast_in_dim3A_5 {add = true} : memref<38912xi32, #tpu.memory_space<vmem>>[vector<16xi32>], vector<16xi32>,
      %get3A_263 = arith.constant 1808 : index
      %get3A_264 = tpu.vector_load %arg5[%get3A_263] {strides = array<i32>} : memref<4096xi32, #tpu.memory_space<vmem>>, vector<16xi32>,
      tpu.vector_store_idx %arg4[%get3A_264], %broadcast_in_dim3A_5 {add = true} : memref<38912xi32, #tpu.memory_space<vmem>>[vector<16xi32>], vector<16xi32>,
      %get3A_265 = arith.constant 1824 : index
      %get3A_266 = tpu.vector_load %arg5[%get3A_265] {strides = array<i32>} : memref<4096xi32, #tpu.memory_space<vmem>>, vector<16xi32>,
      tpu.vector_store_idx %arg4[%get3A_266], %broadcast_in_dim3A_5 {add = true} : memref<38912xi32, #tpu.memory_space<vmem>>[vector<16xi32>], vector<16xi32>,
      %get3A_267 = arith.constant 1840 : index
      %get3A_268 = tpu.vector_load %arg5[%get3A_267] {strides = array<i32>} : memref<4096xi32, #tpu.memory_space<vmem>>, vector<16xi32>,
      tpu.vector_store_idx %arg4[%get3A_268], %broadcast_in_dim3A_5 {add = true} : memref<38912xi32, #tpu.memory_space<vmem>>[vector<16xi32>], vector<16xi32>,
      %get3A_269 = arith.constant 1856 : index
      %get3A_270 = tpu.vector_load %arg5[%get3A_269] {strides = array<i32>} : memref<4096xi32, #tpu.memory_space<vmem>>, vector<16xi32>,
      tpu.vector_store_idx %arg4[%get3A_270], %broadcast_in_dim3A_5 {add = true} : memref<38912xi32, #tpu.memory_space<vmem>>[vector<16xi32>], vector<16xi32>,
      %get3A_271 = arith.constant 1872 : index
      %get3A_272 = tpu.vector_load %arg5[%get3A_271] {strides = array<i32>} : memref<4096xi32, #tpu.memory_space<vmem>>, vector<16xi32>,
      tpu.vector_store_idx %arg4[%get3A_272], %broadcast_in_dim3A_5 {add = true} : memref<38912xi32, #tpu.memory_space<vmem>>[vector<16xi32>], vector<16xi32>,
      %get3A_273 = arith.constant 1888 : index
      %get3A_274 = tpu.vector_load %arg5[%get3A_273] {strides = array<i32>} : memref<4096xi32, #tpu.memory_space<vmem>>, vector<16xi32>,
      tpu.vector_store_idx %arg4[%get3A_274], %broadcast_in_dim3A_5 {add = true} : memref<38912xi32, #tpu.memory_space<vmem>>[vector<16xi32>], vector<16xi32>,
      %get3A_275 = arith.constant 1904 : index
      %get3A_276 = tpu.vector_load %arg5[%get3A_275] {strides = array<i32>} : memref<4096xi32, #tpu.memory_space<vmem>>, vector<16xi32>,
      tpu.vector_store_idx %arg4[%get3A_276], %broadcast_in_dim3A_5 {add = true} : memref<38912xi32, #tpu.memory_space<vmem>>[vector<16xi32>], vector<16xi32>,
      %get3A_277 = arith.constant 1920 : index
      %get3A_278 = tpu.vector_load %arg5[%get3A_277] {strides = array<i32>} : memref<4096xi32, #tpu.memory_space<vmem>>, vector<16xi32>,
      tpu.vector_store_idx %arg4[%get3A_278], %broadcast_in_dim3A_5 {add = true} : memref<38912xi32, #tpu.memory_space<vmem>>[vector<16xi32>], vector<16xi32>,
      %get3A_279 = arith.constant 1936 : index
      %get3A_280 = tpu.vector_load %arg5[%get3A_279] {strides = array<i32>} : memref<4096xi32, #tpu.memory_space<vmem>>, vector<16xi32>,
      tpu.vector_store_idx %arg4[%get3A_280], %broadcast_in_dim3A_5 {add = true} : memref<38912xi32, #tpu.memory_space<vmem>>[vector<16xi32>], vector<16xi32>,
      %get3A_281 = arith.constant 1952 : index
      %get3A_282 = tpu.vector_load %arg5[%get3A_281] {strides = array<i32>} : memref<4096xi32, #tpu.memory_space<vmem>>, vector<16xi32>,
      tpu.vector_store_idx %arg4[%get3A_282], %broadcast_in_dim3A_5 {add = true} : memref<38912xi32, #tpu.memory_space<vmem>>[vector<16xi32>], vector<16xi32>,
      %get3A_283 = arith.constant 1968 : index
      %get3A_284 = tpu.vector_load %arg5[%get3A_283] {strides = array<i32>} : memref<4096xi32, #tpu.memory_space<vmem>>, vector<16xi32>,
      tpu.vector_store_idx %arg4[%get3A_284], %broadcast_in_dim3A_5 {add = true} : memref<38912xi32, #tpu.memory_space<vmem>>[vector<16xi32>], vector<16xi32>,
      %get3A_285 = arith.constant 1984 : index
      %get3A_286 = tpu.vector_load %arg5[%get3A_285] {strides = array<i32>} : memref<4096xi32, #tpu.memory_space<vmem>>, vector<16xi32>,
      tpu.vector_store_idx %arg4[%get3A_286], %broadcast_in_dim3A_5 {add = true} : memref<38912xi32, #tpu.memory_space<vmem>>[vector<16xi32>], vector<16xi32>,
      %get3A_287 = arith.constant 2000 : index
      %get3A_288 = tpu.vector_load %arg5[%get3A_287] {strides = array<i32>} : memref<4096xi32, #tpu.memory_space<vmem>>, vector<16xi32>,
      tpu.vector_store_idx %arg4[%get3A_288], %broadcast_in_dim3A_5 {add = true} : memref<38912xi32, #tpu.memory_space<vmem>>[vector<16xi32>], vector<16xi32>,
      %get3A_289 = arith.constant 2016 : index
      %get3A_290 = tpu.vector_load %arg5[%get3A_289] {strides = array<i32>} : memref<4096xi32, #tpu.memory_space<vmem>>, vector<16xi32>,
      tpu.vector_store_idx %arg4[%get3A_290], %broadcast_in_dim3A_5 {add = true} : memref<38912xi32, #tpu.memory_space<vmem>>[vector<16xi32>], vector<16xi32>,
      %get3A_291 = arith.constant 2032 : index
      %get3A_292 = tpu.vector_load %arg5[%get3A_291] {strides = array<i32>} : memref<4096xi32, #tpu.memory_space<vmem>>, vector<16xi32>,
      tpu.vector_store_idx %arg4[%get3A_292], %broadcast_in_dim3A_5 {add = true} : memref<38912xi32, #tpu.memory_space<vmem>>[vector<16xi32>], vector<16xi32>,
      %get3A_293 = arith.constant 2048 : index
      %get3A_294 = tpu.vector_load %arg5[%get3A_293] {strides = array<i32>} : memref<4096xi32, #tpu.memory_space<vmem>>, vector<16xi32>,
      tpu.vector_store_idx %arg4[%get3A_294], %broadcast_in_dim3A_5 {add = true} : memref<38912xi32, #tpu.memory_space<vmem>>[vector<16xi32>], vector<16xi32>,
      %get3A_295 = arith.constant 2064 : index
      %get3A_296 = tpu.vector_load %arg5[%get3A_295] {strides = array<i32>} : memref<4096xi32, #tpu.memory_space<vmem>>, vector<16xi32>,
      tpu.vector_store_idx %arg4[%get3A_296], %broadcast_in_dim3A_5 {add = true} : memref<38912xi32, #tpu.memory_space<vmem>>[vector<16xi32>], vector<16xi32>,
      %get3A_297 = arith.constant 2080 : index
      %get3A_298 = tpu.vector_load %arg5[%get3A_297] {strides = array<i32>} : memref<4096xi32, #tpu.memory_space<vmem>>, vector<16xi32>,
      tpu.vector_store_idx %arg4[%get3A_298], %broadcast_in_dim3A_5 {add = true} : memref<38912xi32, #tpu.memory_space<vmem>>[vector<16xi32>], vector<16xi32>,
      %get3A_299 = arith.constant 2096 : index
      %get3A_300 = tpu.vector_load %arg5[%get3A_299] {strides = array<i32>} : memref<4096xi32, #tpu.memory_space<vmem>>, vector<16xi32>,
      tpu.vector_store_idx %arg4[%get3A_300], %broadcast_in_dim3A_5 {add = true} : memref<38912xi32, #tpu.memory_space<vmem>>[vector<16xi32>], vector<16xi32>,
      %get3A_301 = arith.constant 2112 : index
      %get3A_302 = tpu.vector_load %arg5[%get3A_301] {strides = array<i32>} : memref<4096xi32, #tpu.memory_space<vmem>>, vector<16xi32>,
      tpu.vector_store_idx %arg4[%get3A_302], %broadcast_in_dim3A_5 {add = true} : memref<38912xi32, #tpu.memory_space<vmem>>[vector<16xi32>], vector<16xi32>,
      %get3A_303 = arith.constant 2128 : index
      %get3A_304 = tpu.vector_load %arg5[%get3A_303] {strides = array<i32>} : memref<4096xi32, #tpu.memory_space<vmem>>, vector<16xi32>,
      tpu.vector_store_idx %arg4[%get3A_304], %broadcast_in_dim3A_5 {add = true} : memref<38912xi32, #tpu.memory_space<vmem>>[vector<16xi32>], vector<16xi32>,
      %get3A_305 = arith.constant 2144 : index
      %get3A_306 = tpu.vector_load %arg5[%get3A_305] {strides = array<i32>} : memref<4096xi32, #tpu.memory_space<vmem>>, vector<16xi32>,
      tpu.vector_store_idx %arg4[%get3A_306], %broadcast_in_dim3A_5 {add = true} : memref<38912xi32, #tpu.memory_space<vmem>>[vector<16xi32>], vector<16xi32>,
      %get3A_307 = arith.constant 2160 : index
      %get3A_308 = tpu.vector_load %arg5[%get3A_307] {strides = array<i32>} : memref<4096xi32, #tpu.memory_space<vmem>>, vector<16xi32>,
      tpu.vector_store_idx %arg4[%get3A_308], %broadcast_in_dim3A_5 {add = true} : memref<38912xi32, #tpu.memory_space<vmem>>[vector<16xi32>], vector<16xi32>,
      %get3A_309 = arith.constant 2176 : index
      %get3A_310 = tpu.vector_load %arg5[%get3A_309] {strides = array<i32>} : memref<4096xi32, #tpu.memory_space<vmem>>, vector<16xi32>,
      tpu.vector_store_idx %arg4[%get3A_310], %broadcast_in_dim3A_5 {add = true} : memref<38912xi32, #tpu.memory_space<vmem>>[vector<16xi32>], vector<16xi32>,
      %get3A_311 = arith.constant 2192 : index
      %get3A_312 = tpu.vector_load %arg5[%get3A_311] {strides = array<i32>} : memref<4096xi32, #tpu.memory_space<vmem>>, vector<16xi32>,
      tpu.vector_store_idx %arg4[%get3A_312], %broadcast_in_dim3A_5 {add = true} : memref<38912xi32, #tpu.memory_space<vmem>>[vector<16xi32>], vector<16xi32>,
      %get3A_313 = arith.constant 2208 : index
      %get3A_314 = tpu.vector_load %arg5[%get3A_313] {strides = array<i32>} : memref<4096xi32, #tpu.memory_space<vmem>>, vector<16xi32>,
      tpu.vector_store_idx %arg4[%get3A_314], %broadcast_in_dim3A_5 {add = true} : memref<38912xi32, #tpu.memory_space<vmem>>[vector<16xi32>], vector<16xi32>,
      %get3A_315 = arith.constant 2224 : index
      %get3A_316 = tpu.vector_load %arg5[%get3A_315] {strides = array<i32>} : memref<4096xi32, #tpu.memory_space<vmem>>, vector<16xi32>,
      tpu.vector_store_idx %arg4[%get3A_316], %broadcast_in_dim3A_5 {add = true} : memref<38912xi32, #tpu.memory_space<vmem>>[vector<16xi32>], vector<16xi32>,
      %get3A_317 = arith.constant 2240 : index
      %get3A_318 = tpu.vector_load %arg5[%get3A_317] {strides = array<i32>} : memref<4096xi32, #tpu.memory_space<vmem>>, vector<16xi32>,
      tpu.vector_store_idx %arg4[%get3A_318], %broadcast_in_dim3A_5 {add = true} : memref<38912xi32, #tpu.memory_space<vmem>>[vector<16xi32>], vector<16xi32>,
      %get3A_319 = arith.constant 2256 : index
      %get3A_320 = tpu.vector_load %arg5[%get3A_319] {strides = array<i32>} : memref<4096xi32, #tpu.memory_space<vmem>>, vector<16xi32>,
      tpu.vector_store_idx %arg4[%get3A_320], %broadcast_in_dim3A_5 {add = true} : memref<38912xi32, #tpu.memory_space<vmem>>[vector<16xi32>], vector<16xi32>,
      %get3A_321 = arith.constant 2272 : index
      %get3A_322 = tpu.vector_load %arg5[%get3A_321] {strides = array<i32>} : memref<4096xi32, #tpu.memory_space<vmem>>, vector<16xi32>,
      tpu.vector_store_idx %arg4[%get3A_322], %broadcast_in_dim3A_5 {add = true} : memref<38912xi32, #tpu.memory_space<vmem>>[vector<16xi32>], vector<16xi32>,
      %get3A_323 = arith.constant 2288 : index
      %get3A_324 = tpu.vector_load %arg5[%get3A_323] {strides = array<i32>} : memref<4096xi32, #tpu.memory_space<vmem>>, vector<16xi32>,
      tpu.vector_store_idx %arg4[%get3A_324], %broadcast_in_dim3A_5 {add = true} : memref<38912xi32, #tpu.memory_space<vmem>>[vector<16xi32>], vector<16xi32>,
      %get3A_325 = arith.constant 2304 : index
      %get3A_326 = tpu.vector_load %arg5[%get3A_325] {strides = array<i32>} : memref<4096xi32, #tpu.memory_space<vmem>>, vector<16xi32>,
      tpu.vector_store_idx %arg4[%get3A_326], %broadcast_in_dim3A_5 {add = true} : memref<38912xi32, #tpu.memory_space<vmem>>[vector<16xi32>], vector<16xi32>,
      %get3A_327 = arith.constant 2320 : index
      %get3A_328 = tpu.vector_load %arg5[%get3A_327] {strides = array<i32>} : memref<4096xi32, #tpu.memory_space<vmem>>, vector<16xi32>,
      tpu.vector_store_idx %arg4[%get3A_328], %broadcast_in_dim3A_5 {add = true} : memref<38912xi32, #tpu.memory_space<vmem>>[vector<16xi32>], vector<16xi32>,
      %get3A_329 = arith.constant 2336 : index
      %get3A_330 = tpu.vector_load %arg5[%get3A_329] {strides = array<i32>} : memref<4096xi32, #tpu.memory_space<vmem>>, vector<16xi32>,
      tpu.vector_store_idx %arg4[%get3A_330], %broadcast_in_dim3A_5 {add = true} : memref<38912xi32, #tpu.memory_space<vmem>>[vector<16xi32>], vector<16xi32>,
      %get3A_331 = arith.constant 2352 : index
      %get3A_332 = tpu.vector_load %arg5[%get3A_331] {strides = array<i32>} : memref<4096xi32, #tpu.memory_space<vmem>>, vector<16xi32>,
      tpu.vector_store_idx %arg4[%get3A_332], %broadcast_in_dim3A_5 {add = true} : memref<38912xi32, #tpu.memory_space<vmem>>[vector<16xi32>], vector<16xi32>,
      %get3A_333 = arith.constant 2368 : index
      %get3A_334 = tpu.vector_load %arg5[%get3A_333] {strides = array<i32>} : memref<4096xi32, #tpu.memory_space<vmem>>, vector<16xi32>,
      tpu.vector_store_idx %arg4[%get3A_334], %broadcast_in_dim3A_5 {add = true} : memref<38912xi32, #tpu.memory_space<vmem>>[vector<16xi32>], vector<16xi32>,
      %get3A_335 = arith.constant 2384 : index
      %get3A_336 = tpu.vector_load %arg5[%get3A_335] {strides = array<i32>} : memref<4096xi32, #tpu.memory_space<vmem>>, vector<16xi32>,
      tpu.vector_store_idx %arg4[%get3A_336], %broadcast_in_dim3A_5 {add = true} : memref<38912xi32, #tpu.memory_space<vmem>>[vector<16xi32>], vector<16xi32>,
      %get3A_337 = arith.constant 2400 : index
      %get3A_338 = tpu.vector_load %arg5[%get3A_337] {strides = array<i32>} : memref<4096xi32, #tpu.memory_space<vmem>>, vector<16xi32>,
      tpu.vector_store_idx %arg4[%get3A_338], %broadcast_in_dim3A_5 {add = true} : memref<38912xi32, #tpu.memory_space<vmem>>[vector<16xi32>], vector<16xi32>,
      %get3A_339 = arith.constant 2416 : index
      %get3A_340 = tpu.vector_load %arg5[%get3A_339] {strides = array<i32>} : memref<4096xi32, #tpu.memory_space<vmem>>, vector<16xi32>,
      tpu.vector_store_idx %arg4[%get3A_340], %broadcast_in_dim3A_5 {add = true} : memref<38912xi32, #tpu.memory_space<vmem>>[vector<16xi32>], vector<16xi32>,
      %get3A_341 = arith.constant 2432 : index
      %get3A_342 = tpu.vector_load %arg5[%get3A_341] {strides = array<i32>} : memref<4096xi32, #tpu.memory_space<vmem>>, vector<16xi32>,
      tpu.vector_store_idx %arg4[%get3A_342], %broadcast_in_dim3A_5 {add = true} : memref<38912xi32, #tpu.memory_space<vmem>>[vector<16xi32>], vector<16xi32>,
      %get3A_343 = arith.constant 2448 : index
      %get3A_344 = tpu.vector_load %arg5[%get3A_343] {strides = array<i32>} : memref<4096xi32, #tpu.memory_space<vmem>>, vector<16xi32>,
      tpu.vector_store_idx %arg4[%get3A_344], %broadcast_in_dim3A_5 {add = true} : memref<38912xi32, #tpu.memory_space<vmem>>[vector<16xi32>], vector<16xi32>,
      %get3A_345 = arith.constant 2464 : index
      %get3A_346 = tpu.vector_load %arg5[%get3A_345] {strides = array<i32>} : memref<4096xi32, #tpu.memory_space<vmem>>, vector<16xi32>,
      tpu.vector_store_idx %arg4[%get3A_346], %broadcast_in_dim3A_5 {add = true} : memref<38912xi32, #tpu.memory_space<vmem>>[vector<16xi32>], vector<16xi32>,
      %get3A_347 = arith.constant 2480 : index
      %get3A_348 = tpu.vector_load %arg5[%get3A_347] {strides = array<i32>} : memref<4096xi32, #tpu.memory_space<vmem>>, vector<16xi32>,
      tpu.vector_store_idx %arg4[%get3A_348], %broadcast_in_dim3A_5 {add = true} : memref<38912xi32, #tpu.memory_space<vmem>>[vector<16xi32>], vector<16xi32>,
      %get3A_349 = arith.constant 2496 : index
      %get3A_350 = tpu.vector_load %arg5[%get3A_349] {strides = array<i32>} : memref<4096xi32, #tpu.memory_space<vmem>>, vector<16xi32>,
      tpu.vector_store_idx %arg4[%get3A_350], %broadcast_in_dim3A_5 {add = true} : memref<38912xi32, #tpu.memory_space<vmem>>[vector<16xi32>], vector<16xi32>,
      %get3A_351 = arith.constant 2512 : index
      %get3A_352 = tpu.vector_load %arg5[%get3A_351] {strides = array<i32>} : memref<4096xi32, #tpu.memory_space<vmem>>, vector<16xi32>,
      tpu.vector_store_idx %arg4[%get3A_352], %broadcast_in_dim3A_5 {add = true} : memref<38912xi32, #tpu.memory_space<vmem>>[vector<16xi32>], vector<16xi32>,
      %get3A_353 = arith.constant 2528 : index
      %get3A_354 = tpu.vector_load %arg5[%get3A_353] {strides = array<i32>} : memref<4096xi32, #tpu.memory_space<vmem>>, vector<16xi32>,
      tpu.vector_store_idx %arg4[%get3A_354], %broadcast_in_dim3A_5 {add = true} : memref<38912xi32, #tpu.memory_space<vmem>>[vector<16xi32>], vector<16xi32>,
      %get3A_355 = arith.constant 2544 : index
      %get3A_356 = tpu.vector_load %arg5[%get3A_355] {strides = array<i32>} : memref<4096xi32, #tpu.memory_space<vmem>>, vector<16xi32>,
      tpu.vector_store_idx %arg4[%get3A_356], %broadcast_in_dim3A_5 {add = true} : memref<38912xi32, #tpu.memory_space<vmem>>[vector<16xi32>], vector<16xi32>,
      %get3A_357 = arith.constant 2560 : index
      %get3A_358 = tpu.vector_load %arg5[%get3A_357] {strides = array<i32>} : memref<4096xi32, #tpu.memory_space<vmem>>, vector<16xi32>,
      tpu.vector_store_idx %arg4[%get3A_358], %broadcast_in_dim3A_5 {add = true} : memref<38912xi32, #tpu.memory_space<vmem>>[vector<16xi32>], vector<16xi32>,
      %get3A_359 = arith.constant 2576 : index
      %get3A_360 = tpu.vector_load %arg5[%get3A_359] {strides = array<i32>} : memref<4096xi32, #tpu.memory_space<vmem>>, vector<16xi32>,
      tpu.vector_store_idx %arg4[%get3A_360], %broadcast_in_dim3A_5 {add = true} : memref<38912xi32, #tpu.memory_space<vmem>>[vector<16xi32>], vector<16xi32>,
      %get3A_361 = arith.constant 2592 : index
      %get3A_362 = tpu.vector_load %arg5[%get3A_361] {strides = array<i32>} : memref<4096xi32, #tpu.memory_space<vmem>>, vector<16xi32>,
      tpu.vector_store_idx %arg4[%get3A_362], %broadcast_in_dim3A_5 {add = true} : memref<38912xi32, #tpu.memory_space<vmem>>[vector<16xi32>], vector<16xi32>,
      %get3A_363 = arith.constant 2608 : index
      %get3A_364 = tpu.vector_load %arg5[%get3A_363] {strides = array<i32>} : memref<4096xi32, #tpu.memory_space<vmem>>, vector<16xi32>,
      tpu.vector_store_idx %arg4[%get3A_364], %broadcast_in_dim3A_5 {add = true} : memref<38912xi32, #tpu.memory_space<vmem>>[vector<16xi32>], vector<16xi32>,
      %get3A_365 = arith.constant 2624 : index
      %get3A_366 = tpu.vector_load %arg5[%get3A_365] {strides = array<i32>} : memref<4096xi32, #tpu.memory_space<vmem>>, vector<16xi32>,
      tpu.vector_store_idx %arg4[%get3A_366], %broadcast_in_dim3A_5 {add = true} : memref<38912xi32, #tpu.memory_space<vmem>>[vector<16xi32>], vector<16xi32>,
      %get3A_367 = arith.constant 2640 : index
      %get3A_368 = tpu.vector_load %arg5[%get3A_367] {strides = array<i32>} : memref<4096xi32, #tpu.memory_space<vmem>>, vector<16xi32>,
      tpu.vector_store_idx %arg4[%get3A_368], %broadcast_in_dim3A_5 {add = true} : memref<38912xi32, #tpu.memory_space<vmem>>[vector<16xi32>], vector<16xi32>,
      %get3A_369 = arith.constant 2656 : index
      %get3A_370 = tpu.vector_load %arg5[%get3A_369] {strides = array<i32>} : memref<4096xi32, #tpu.memory_space<vmem>>, vector<16xi32>,
      tpu.vector_store_idx %arg4[%get3A_370], %broadcast_in_dim3A_5 {add = true} : memref<38912xi32, #tpu.memory_space<vmem>>[vector<16xi32>], vector<16xi32>,
      %get3A_371 = arith.constant 2672 : index
      %get3A_372 = tpu.vector_load %arg5[%get3A_371] {strides = array<i32>} : memref<4096xi32, #tpu.memory_space<vmem>>, vector<16xi32>,
      tpu.vector_store_idx %arg4[%get3A_372], %broadcast_in_dim3A_5 {add = true} : memref<38912xi32, #tpu.memory_space<vmem>>[vector<16xi32>], vector<16xi32>,
      %get3A_373 = arith.constant 2688 : index
      %get3A_374 = tpu.vector_load %arg5[%get3A_373] {strides = array<i32>} : memref<4096xi32, #tpu.memory_space<vmem>>, vector<16xi32>,
      tpu.vector_store_idx %arg4[%get3A_374], %broadcast_in_dim3A_5 {add = true} : memref<38912xi32, #tpu.memory_space<vmem>>[vector<16xi32>], vector<16xi32>,
      %get3A_375 = arith.constant 2704 : index
      %get3A_376 = tpu.vector_load %arg5[%get3A_375] {strides = array<i32>} : memref<4096xi32, #tpu.memory_space<vmem>>, vector<16xi32>,
      tpu.vector_store_idx %arg4[%get3A_376], %broadcast_in_dim3A_5 {add = true} : memref<38912xi32, #tpu.memory_space<vmem>>[vector<16xi32>], vector<16xi32>,
      %get3A_377 = arith.constant 2720 : index
      %get3A_378 = tpu.vector_load %arg5[%get3A_377] {strides = array<i32>} : memref<4096xi32, #tpu.memory_space<vmem>>, vector<16xi32>,
      tpu.vector_store_idx %arg4[%get3A_378], %broadcast_in_dim3A_5 {add = true} : memref<38912xi32, #tpu.memory_space<vmem>>[vector<16xi32>], vector<16xi32>,
      %get3A_379 = arith.constant 2736 : index
      %get3A_380 = tpu.vector_load %arg5[%get3A_379] {strides = array<i32>} : memref<4096xi32, #tpu.memory_space<vmem>>, vector<16xi32>,
      tpu.vector_store_idx %arg4[%get3A_380], %broadcast_in_dim3A_5 {add = true} : memref<38912xi32, #tpu.memory_space<vmem>>[vector<16xi32>], vector<16xi32>,
      %get3A_381 = arith.constant 2752 : index
      %get3A_382 = tpu.vector_load %arg5[%get3A_381] {strides = array<i32>} : memref<4096xi32, #tpu.memory_space<vmem>>, vector<16xi32>,
      tpu.vector_store_idx %arg4[%get3A_382], %broadcast_in_dim3A_5 {add = true} : memref<38912xi32, #tpu.memory_space<vmem>>[vector<16xi32>], vector<16xi32>,
      %get3A_383 = arith.constant 2768 : index
      %get3A_384 = tpu.vector_load %arg5[%get3A_383] {strides = array<i32>} : memref<4096xi32, #tpu.memory_space<vmem>>, vector<16xi32>,
      tpu.vector_store_idx %arg4[%get3A_384], %broadcast_in_dim3A_5 {add = true} : memref<38912xi32, #tpu.memory_space<vmem>>[vector<16xi32>], vector<16xi32>,
      %get3A_385 = arith.constant 2784 : index
      %get3A_386 = tpu.vector_load %arg5[%get3A_385] {strides = array<i32>} : memref<4096xi32, #tpu.memory_space<vmem>>, vector<16xi32>,
      tpu.vector_store_idx %arg4[%get3A_386], %broadcast_in_dim3A_5 {add = true} : memref<38912xi32, #tpu.memory_space<vmem>>[vector<16xi32>], vector<16xi32>,
      %get3A_387 = arith.constant 2800 : index
      %get3A_388 = tpu.vector_load %arg5[%get3A_387] {strides = array<i32>} : memref<4096xi32, #tpu.memory_space<vmem>>, vector<16xi32>,
      tpu.vector_store_idx %arg4[%get3A_388], %broadcast_in_dim3A_5 {add = true} : memref<38912xi32, #tpu.memory_space<vmem>>[vector<16xi32>], vector<16xi32>,
      %get3A_389 = arith.constant 2816 : index
      %get3A_390 = tpu.vector_load %arg5[%get3A_389] {strides = array<i32>} : memref<4096xi32, #tpu.memory_space<vmem>>, vector<16xi32>,
      tpu.vector_store_idx %arg4[%get3A_390], %broadcast_in_dim3A_5 {add = true} : memref<38912xi32, #tpu.memory_space<vmem>>[vector<16xi32>], vector<16xi32>,
      %get3A_391 = arith.constant 2832 : index
      %get3A_392 = tpu.vector_load %arg5[%get3A_391] {strides = array<i32>} : memref<4096xi32, #tpu.memory_space<vmem>>, vector<16xi32>,
      tpu.vector_store_idx %arg4[%get3A_392], %broadcast_in_dim3A_5 {add = true} : memref<38912xi32, #tpu.memory_space<vmem>>[vector<16xi32>], vector<16xi32>,
      %get3A_393 = arith.constant 2848 : index
      %get3A_394 = tpu.vector_load %arg5[%get3A_393] {strides = array<i32>} : memref<4096xi32, #tpu.memory_space<vmem>>, vector<16xi32>,
      tpu.vector_store_idx %arg4[%get3A_394], %broadcast_in_dim3A_5 {add = true} : memref<38912xi32, #tpu.memory_space<vmem>>[vector<16xi32>], vector<16xi32>,
      %get3A_395 = arith.constant 2864 : index
      %get3A_396 = tpu.vector_load %arg5[%get3A_395] {strides = array<i32>} : memref<4096xi32, #tpu.memory_space<vmem>>, vector<16xi32>,
      tpu.vector_store_idx %arg4[%get3A_396], %broadcast_in_dim3A_5 {add = true} : memref<38912xi32, #tpu.memory_space<vmem>>[vector<16xi32>], vector<16xi32>,
      %get3A_397 = arith.constant 2880 : index
      %get3A_398 = tpu.vector_load %arg5[%get3A_397] {strides = array<i32>} : memref<4096xi32, #tpu.memory_space<vmem>>, vector<16xi32>,
      tpu.vector_store_idx %arg4[%get3A_398], %broadcast_in_dim3A_5 {add = true} : memref<38912xi32, #tpu.memory_space<vmem>>[vector<16xi32>], vector<16xi32>,
      %get3A_399 = arith.constant 2896 : index
      %get3A_400 = tpu.vector_load %arg5[%get3A_399] {strides = array<i32>} : memref<4096xi32, #tpu.memory_space<vmem>>, vector<16xi32>,
      tpu.vector_store_idx %arg4[%get3A_400], %broadcast_in_dim3A_5 {add = true} : memref<38912xi32, #tpu.memory_space<vmem>>[vector<16xi32>], vector<16xi32>,
      %get3A_401 = arith.constant 2912 : index
      %get3A_402 = tpu.vector_load %arg5[%get3A_401] {strides = array<i32>} : memref<4096xi32, #tpu.memory_space<vmem>>, vector<16xi32>,
      tpu.vector_store_idx %arg4[%get3A_402], %broadcast_in_dim3A_5 {add = true} : memref<38912xi32, #tpu.memory_space<vmem>>[vector<16xi32>], vector<16xi32>,
      %get3A_403 = arith.constant 2928 : index
      %get3A_404 = tpu.vector_load %arg5[%get3A_403] {strides = array<i32>} : memref<4096xi32, #tpu.memory_space<vmem>>, vector<16xi32>,
      tpu.vector_store_idx %arg4[%get3A_404], %broadcast_in_dim3A_5 {add = true} : memref<38912xi32, #tpu.memory_space<vmem>>[vector<16xi32>], vector<16xi32>,
      %get3A_405 = arith.constant 2944 : index
      %get3A_406 = tpu.vector_load %arg5[%get3A_405] {strides = array<i32>} : memref<4096xi32, #tpu.memory_space<vmem>>, vector<16xi32>,
      tpu.vector_store_idx %arg4[%get3A_406], %broadcast_in_dim3A_5 {add = true} : memref<38912xi32, #tpu.memory_space<vmem>>[vector<16xi32>], vector<16xi32>,
      %get3A_407 = arith.constant 2960 : index
      %get3A_408 = tpu.vector_load %arg5[%get3A_407] {strides = array<i32>} : memref<4096xi32, #tpu.memory_space<vmem>>, vector<16xi32>,
      tpu.vector_store_idx %arg4[%get3A_408], %broadcast_in_dim3A_5 {add = true} : memref<38912xi32, #tpu.memory_space<vmem>>[vector<16xi32>], vector<16xi32>,
      %get3A_409 = arith.constant 2976 : index
      %get3A_410 = tpu.vector_load %arg5[%get3A_409] {strides = array<i32>} : memref<4096xi32, #tpu.memory_space<vmem>>, vector<16xi32>,
      tpu.vector_store_idx %arg4[%get3A_410], %broadcast_in_dim3A_5 {add = true} : memref<38912xi32, #tpu.memory_space<vmem>>[vector<16xi32>], vector<16xi32>,
      %get3A_411 = arith.constant 2992 : index
      %get3A_412 = tpu.vector_load %arg5[%get3A_411] {strides = array<i32>} : memref<4096xi32, #tpu.memory_space<vmem>>, vector<16xi32>,
      tpu.vector_store_idx %arg4[%get3A_412], %broadcast_in_dim3A_5 {add = true} : memref<38912xi32, #tpu.memory_space<vmem>>[vector<16xi32>], vector<16xi32>,
      %get3A_413 = arith.constant 3008 : index
      %get3A_414 = tpu.vector_load %arg5[%get3A_413] {strides = array<i32>} : memref<4096xi32, #tpu.memory_space<vmem>>, vector<16xi32>,
      tpu.vector_store_idx %arg4[%get3A_414], %broadcast_in_dim3A_5 {add = true} : memref<38912xi32, #tpu.memory_space<vmem>>[vector<16xi32>], vector<16xi32>,
      %get3A_415 = arith.constant 3024 : index
      %get3A_416 = tpu.vector_load %arg5[%get3A_415] {strides = array<i32>} : memref<4096xi32, #tpu.memory_space<vmem>>, vector<16xi32>,
      tpu.vector_store_idx %arg4[%get3A_416], %broadcast_in_dim3A_5 {add = true} : memref<38912xi32, #tpu.memory_space<vmem>>[vector<16xi32>], vector<16xi32>,
      %get3A_417 = arith.constant 3040 : index
      %get3A_418 = tpu.vector_load %arg5[%get3A_417] {strides = array<i32>} : memref<4096xi32, #tpu.memory_space<vmem>>, vector<16xi32>,
      tpu.vector_store_idx %arg4[%get3A_418], %broadcast_in_dim3A_5 {add = true} : memref<38912xi32, #tpu.memory_space<vmem>>[vector<16xi32>], vector<16xi32>,
      %get3A_419 = arith.constant 3056 : index
      %get3A_420 = tpu.vector_load %arg5[%get3A_419] {strides = array<i32>} : memref<4096xi32, #tpu.memory_space<vmem>>, vector<16xi32>,
      tpu.vector_store_idx %arg4[%get3A_420], %broadcast_in_dim3A_5 {add = true} : memref<38912xi32, #tpu.memory_space<vmem>>[vector<16xi32>], vector<16xi32>,
      %get3A_421 = arith.constant 3072 : index
      %get3A_422 = tpu.vector_load %arg5[%get3A_421] {strides = array<i32>} : memref<4096xi32, #tpu.memory_space<vmem>>, vector<16xi32>,
      tpu.vector_store_idx %arg4[%get3A_422], %broadcast_in_dim3A_5 {add = true} : memref<38912xi32, #tpu.memory_space<vmem>>[vector<16xi32>], vector<16xi32>,
      %get3A_423 = arith.constant 3088 : index
      %get3A_424 = tpu.vector_load %arg5[%get3A_423] {strides = array<i32>} : memref<4096xi32, #tpu.memory_space<vmem>>, vector<16xi32>,
      tpu.vector_store_idx %arg4[%get3A_424], %broadcast_in_dim3A_5 {add = true} : memref<38912xi32, #tpu.memory_space<vmem>>[vector<16xi32>], vector<16xi32>,
      %get3A_425 = arith.constant 3104 : index
      %get3A_426 = tpu.vector_load %arg5[%get3A_425] {strides = array<i32>} : memref<4096xi32, #tpu.memory_space<vmem>>, vector<16xi32>,
      tpu.vector_store_idx %arg4[%get3A_426], %broadcast_in_dim3A_5 {add = true} : memref<38912xi32, #tpu.memory_space<vmem>>[vector<16xi32>], vector<16xi32>,
      %get3A_427 = arith.constant 3120 : index
      %get3A_428 = tpu.vector_load %arg5[%get3A_427] {strides = array<i32>} : memref<4096xi32, #tpu.memory_space<vmem>>, vector<16xi32>,
      tpu.vector_store_idx %arg4[%get3A_428], %broadcast_in_dim3A_5 {add = true} : memref<38912xi32, #tpu.memory_space<vmem>>[vector<16xi32>], vector<16xi32>,
      %get3A_429 = arith.constant 3136 : index
      %get3A_430 = tpu.vector_load %arg5[%get3A_429] {strides = array<i32>} : memref<4096xi32, #tpu.memory_space<vmem>>, vector<16xi32>,
      tpu.vector_store_idx %arg4[%get3A_430], %broadcast_in_dim3A_5 {add = true} : memref<38912xi32, #tpu.memory_space<vmem>>[vector<16xi32>], vector<16xi32>,
      %get3A_431 = arith.constant 3152 : index
      %get3A_432 = tpu.vector_load %arg5[%get3A_431] {strides = array<i32>} : memref<4096xi32, #tpu.memory_space<vmem>>, vector<16xi32>,
      tpu.vector_store_idx %arg4[%get3A_432], %broadcast_in_dim3A_5 {add = true} : memref<38912xi32, #tpu.memory_space<vmem>>[vector<16xi32>], vector<16xi32>,
      %get3A_433 = arith.constant 3168 : index
      %get3A_434 = tpu.vector_load %arg5[%get3A_433] {strides = array<i32>} : memref<4096xi32, #tpu.memory_space<vmem>>, vector<16xi32>,
      tpu.vector_store_idx %arg4[%get3A_434], %broadcast_in_dim3A_5 {add = true} : memref<38912xi32, #tpu.memory_space<vmem>>[vector<16xi32>], vector<16xi32>,
      %get3A_435 = arith.constant 3184 : index
      %get3A_436 = tpu.vector_load %arg5[%get3A_435] {strides = array<i32>} : memref<4096xi32, #tpu.memory_space<vmem>>, vector<16xi32>,
      tpu.vector_store_idx %arg4[%get3A_436], %broadcast_in_dim3A_5 {add = true} : memref<38912xi32, #tpu.memory_space<vmem>>[vector<16xi32>], vector<16xi32>,
      %get3A_437 = arith.constant 3200 : index
      %get3A_438 = tpu.vector_load %arg5[%get3A_437] {strides = array<i32>} : memref<4096xi32, #tpu.memory_space<vmem>>, vector<16xi32>,
      tpu.vector_store_idx %arg4[%get3A_438], %broadcast_in_dim3A_5 {add = true} : memref<38912xi32, #tpu.memory_space<vmem>>[vector<16xi32>], vector<16xi32>,
      %get3A_439 = arith.constant 3216 : index
      %get3A_440 = tpu.vector_load %arg5[%get3A_439] {strides = array<i32>} : memref<4096xi32, #tpu.memory_space<vmem>>, vector<16xi32>,
      tpu.vector_store_idx %arg4[%get3A_440], %broadcast_in_dim3A_5 {add = true} : memref<38912xi32, #tpu.memory_space<vmem>>[vector<16xi32>], vector<16xi32>,
      %get3A_441 = arith.constant 3232 : index
      %get3A_442 = tpu.vector_load %arg5[%get3A_441] {strides = array<i32>} : memref<4096xi32, #tpu.memory_space<vmem>>, vector<16xi32>,
      tpu.vector_store_idx %arg4[%get3A_442], %broadcast_in_dim3A_5 {add = true} : memref<38912xi32, #tpu.memory_space<vmem>>[vector<16xi32>], vector<16xi32>,
      %get3A_443 = arith.constant 3248 : index
      %get3A_444 = tpu.vector_load %arg5[%get3A_443] {strides = array<i32>} : memref<4096xi32, #tpu.memory_space<vmem>>, vector<16xi32>,
      tpu.vector_store_idx %arg4[%get3A_444], %broadcast_in_dim3A_5 {add = true} : memref<38912xi32, #tpu.memory_space<vmem>>[vector<16xi32>], vector<16xi32>,
      %get3A_445 = arith.constant 3264 : index
      %get3A_446 = tpu.vector_load %arg5[%get3A_445] {strides = array<i32>} : memref<4096xi32, #tpu.memory_space<vmem>>, vector<16xi32>,
      tpu.vector_store_idx %arg4[%get3A_446], %broadcast_in_dim3A_5 {add = true} : memref<38912xi32, #tpu.memory_space<vmem>>[vector<16xi32>], vector<16xi32>,
      %get3A_447 = arith.constant 3280 : index
      %get3A_448 = tpu.vector_load %arg5[%get3A_447] {strides = array<i32>} : memref<4096xi32, #tpu.memory_space<vmem>>, vector<16xi32>,
      tpu.vector_store_idx %arg4[%get3A_448], %broadcast_in_dim3A_5 {add = true} : memref<38912xi32, #tpu.memory_space<vmem>>[vector<16xi32>], vector<16xi32>,
      %get3A_449 = arith.constant 3296 : index
      %get3A_450 = tpu.vector_load %arg5[%get3A_449] {strides = array<i32>} : memref<4096xi32, #tpu.memory_space<vmem>>, vector<16xi32>,
      tpu.vector_store_idx %arg4[%get3A_450], %broadcast_in_dim3A_5 {add = true} : memref<38912xi32, #tpu.memory_space<vmem>>[vector<16xi32>], vector<16xi32>,
      %get3A_451 = arith.constant 3312 : index
      %get3A_452 = tpu.vector_load %arg5[%get3A_451] {strides = array<i32>} : memref<4096xi32, #tpu.memory_space<vmem>>, vector<16xi32>,
      tpu.vector_store_idx %arg4[%get3A_452], %broadcast_in_dim3A_5 {add = true} : memref<38912xi32, #tpu.memory_space<vmem>>[vector<16xi32>], vector<16xi32>,
      %get3A_453 = arith.constant 3328 : index
      %get3A_454 = tpu.vector_load %arg5[%get3A_453] {strides = array<i32>} : memref<4096xi32, #tpu.memory_space<vmem>>, vector<16xi32>,
      tpu.vector_store_idx %arg4[%get3A_454], %broadcast_in_dim3A_5 {add = true} : memref<38912xi32, #tpu.memory_space<vmem>>[vector<16xi32>], vector<16xi32>,
      %get3A_455 = arith.constant 3344 : index
      %get3A_456 = tpu.vector_load %arg5[%get3A_455] {strides = array<i32>} : memref<4096xi32, #tpu.memory_space<vmem>>, vector<16xi32>,
      tpu.vector_store_idx %arg4[%get3A_456], %broadcast_in_dim3A_5 {add = true} : memref<38912xi32, #tpu.memory_space<vmem>>[vector<16xi32>], vector<16xi32>,
      %get3A_457 = arith.constant 3360 : index
      %get3A_458 = tpu.vector_load %arg5[%get3A_457] {strides = array<i32>} : memref<4096xi32, #tpu.memory_space<vmem>>, vector<16xi32>,
      tpu.vector_store_idx %arg4[%get3A_458], %broadcast_in_dim3A_5 {add = true} : memref<38912xi32, #tpu.memory_space<vmem>>[vector<16xi32>], vector<16xi32>,
      %get3A_459 = arith.constant 3376 : index
      %get3A_460 = tpu.vector_load %arg5[%get3A_459] {strides = array<i32>} : memref<4096xi32, #tpu.memory_space<vmem>>, vector<16xi32>,
      tpu.vector_store_idx %arg4[%get3A_460], %broadcast_in_dim3A_5 {add = true} : memref<38912xi32, #tpu.memory_space<vmem>>[vector<16xi32>], vector<16xi32>,
      %get3A_461 = arith.constant 3392 : index
      %get3A_462 = tpu.vector_load %arg5[%get3A_461] {strides = array<i32>} : memref<4096xi32, #tpu.memory_space<vmem>>, vector<16xi32>,
      tpu.vector_store_idx %arg4[%get3A_462], %broadcast_in_dim3A_5 {add = true} : memref<38912xi32, #tpu.memory_space<vmem>>[vector<16xi32>], vector<16xi32>,
      %get3A_463 = arith.constant 3408 : index
      %get3A_464 = tpu.vector_load %arg5[%get3A_463] {strides = array<i32>} : memref<4096xi32, #tpu.memory_space<vmem>>, vector<16xi32>,
      tpu.vector_store_idx %arg4[%get3A_464], %broadcast_in_dim3A_5 {add = true} : memref<38912xi32, #tpu.memory_space<vmem>>[vector<16xi32>], vector<16xi32>,
      %get3A_465 = arith.constant 3424 : index
      %get3A_466 = tpu.vector_load %arg5[%get3A_465] {strides = array<i32>} : memref<4096xi32, #tpu.memory_space<vmem>>, vector<16xi32>,
      tpu.vector_store_idx %arg4[%get3A_466], %broadcast_in_dim3A_5 {add = true} : memref<38912xi32, #tpu.memory_space<vmem>>[vector<16xi32>], vector<16xi32>,
      %get3A_467 = arith.constant 3440 : index
      %get3A_468 = tpu.vector_load %arg5[%get3A_467] {strides = array<i32>} : memref<4096xi32, #tpu.memory_space<vmem>>, vector<16xi32>,
      tpu.vector_store_idx %arg4[%get3A_468], %broadcast_in_dim3A_5 {add = true} : memref<38912xi32, #tpu.memory_space<vmem>>[vector<16xi32>], vector<16xi32>,
      %get3A_469 = arith.constant 3456 : index
      %get3A_470 = tpu.vector_load %arg5[%get3A_469] {strides = array<i32>} : memref<4096xi32, #tpu.memory_space<vmem>>, vector<16xi32>,
      tpu.vector_store_idx %arg4[%get3A_470], %broadcast_in_dim3A_5 {add = true} : memref<38912xi32, #tpu.memory_space<vmem>>[vector<16xi32>], vector<16xi32>,
      %get3A_471 = arith.constant 3472 : index
      %get3A_472 = tpu.vector_load %arg5[%get3A_471] {strides = array<i32>} : memref<4096xi32, #tpu.memory_space<vmem>>, vector<16xi32>,
      tpu.vector_store_idx %arg4[%get3A_472], %broadcast_in_dim3A_5 {add = true} : memref<38912xi32, #tpu.memory_space<vmem>>[vector<16xi32>], vector<16xi32>,
      %get3A_473 = arith.constant 3488 : index
      %get3A_474 = tpu.vector_load %arg5[%get3A_473] {strides = array<i32>} : memref<4096xi32, #tpu.memory_space<vmem>>, vector<16xi32>,
      tpu.vector_store_idx %arg4[%get3A_474], %broadcast_in_dim3A_5 {add = true} : memref<38912xi32, #tpu.memory_space<vmem>>[vector<16xi32>], vector<16xi32>,
      %get3A_475 = arith.constant 3504 : index
      %get3A_476 = tpu.vector_load %arg5[%get3A_475] {strides = array<i32>} : memref<4096xi32, #tpu.memory_space<vmem>>, vector<16xi32>,
      tpu.vector_store_idx %arg4[%get3A_476], %broadcast_in_dim3A_5 {add = true} : memref<38912xi32, #tpu.memory_space<vmem>>[vector<16xi32>], vector<16xi32>,
      %get3A_477 = arith.constant 3520 : index
      %get3A_478 = tpu.vector_load %arg5[%get3A_477] {strides = array<i32>} : memref<4096xi32, #tpu.memory_space<vmem>>, vector<16xi32>,
      tpu.vector_store_idx %arg4[%get3A_478], %broadcast_in_dim3A_5 {add = true} : memref<38912xi32, #tpu.memory_space<vmem>>[vector<16xi32>], vector<16xi32>,
      %get3A_479 = arith.constant 3536 : index
      %get3A_480 = tpu.vector_load %arg5[%get3A_479] {strides = array<i32>} : memref<4096xi32, #tpu.memory_space<vmem>>, vector<16xi32>,
      tpu.vector_store_idx %arg4[%get3A_480], %broadcast_in_dim3A_5 {add = true} : memref<38912xi32, #tpu.memory_space<vmem>>[vector<16xi32>], vector<16xi32>,
      %get3A_481 = arith.constant 3552 : index
      %get3A_482 = tpu.vector_load %arg5[%get3A_481] {strides = array<i32>} : memref<4096xi32, #tpu.memory_space<vmem>>, vector<16xi32>,
      tpu.vector_store_idx %arg4[%get3A_482], %broadcast_in_dim3A_5 {add = true} : memref<38912xi32, #tpu.memory_space<vmem>>[vector<16xi32>], vector<16xi32>,
      %get3A_483 = arith.constant 3568 : index
      %get3A_484 = tpu.vector_load %arg5[%get3A_483] {strides = array<i32>} : memref<4096xi32, #tpu.memory_space<vmem>>, vector<16xi32>,
      tpu.vector_store_idx %arg4[%get3A_484], %broadcast_in_dim3A_5 {add = true} : memref<38912xi32, #tpu.memory_space<vmem>>[vector<16xi32>], vector<16xi32>,
      %get3A_485 = arith.constant 3584 : index
      %get3A_486 = tpu.vector_load %arg5[%get3A_485] {strides = array<i32>} : memref<4096xi32, #tpu.memory_space<vmem>>, vector<16xi32>,
      tpu.vector_store_idx %arg4[%get3A_486], %broadcast_in_dim3A_5 {add = true} : memref<38912xi32, #tpu.memory_space<vmem>>[vector<16xi32>], vector<16xi32>,
      %get3A_487 = arith.constant 3600 : index
      %get3A_488 = tpu.vector_load %arg5[%get3A_487] {strides = array<i32>} : memref<4096xi32, #tpu.memory_space<vmem>>, vector<16xi32>,
      tpu.vector_store_idx %arg4[%get3A_488], %broadcast_in_dim3A_5 {add = true} : memref<38912xi32, #tpu.memory_space<vmem>>[vector<16xi32>], vector<16xi32>,
      %get3A_489 = arith.constant 3616 : index
      %get3A_490 = tpu.vector_load %arg5[%get3A_489] {strides = array<i32>} : memref<4096xi32, #tpu.memory_space<vmem>>, vector<16xi32>,
      tpu.vector_store_idx %arg4[%get3A_490], %broadcast_in_dim3A_5 {add = true} : memref<38912xi32, #tpu.memory_space<vmem>>[vector<16xi32>], vector<16xi32>,
      %get3A_491 = arith.constant 3632 : index
      %get3A_492 = tpu.vector_load %arg5[%get3A_491] {strides = array<i32>} : memref<4096xi32, #tpu.memory_space<vmem>>, vector<16xi32>,
      tpu.vector_store_idx %arg4[%get3A_492], %broadcast_in_dim3A_5 {add = true} : memref<38912xi32, #tpu.memory_space<vmem>>[vector<16xi32>], vector<16xi32>,
      %get3A_493 = arith.constant 3648 : index
      %get3A_494 = tpu.vector_load %arg5[%get3A_493] {strides = array<i32>} : memref<4096xi32, #tpu.memory_space<vmem>>, vector<16xi32>,
      tpu.vector_store_idx %arg4[%get3A_494], %broadcast_in_dim3A_5 {add = true} : memref<38912xi32, #tpu.memory_space<vmem>>[vector<16xi32>], vector<16xi32>,
      %get3A_495 = arith.constant 3664 : index
      %get3A_496 = tpu.vector_load %arg5[%get3A_495] {strides = array<i32>} : memref<4096xi32, #tpu.memory_space<vmem>>, vector<16xi32>,
      tpu.vector_store_idx %arg4[%get3A_496], %broadcast_in_dim3A_5 {add = true} : memref<38912xi32, #tpu.memory_space<vmem>>[vector<16xi32>], vector<16xi32>,
      %get3A_497 = arith.constant 3680 : index
      %get3A_498 = tpu.vector_load %arg5[%get3A_497] {strides = array<i32>} : memref<4096xi32, #tpu.memory_space<vmem>>, vector<16xi32>,
      tpu.vector_store_idx %arg4[%get3A_498], %broadcast_in_dim3A_5 {add = true} : memref<38912xi32, #tpu.memory_space<vmem>>[vector<16xi32>], vector<16xi32>,
      %get3A_499 = arith.constant 3696 : index
      %get3A_500 = tpu.vector_load %arg5[%get3A_499] {strides = array<i32>} : memref<4096xi32, #tpu.memory_space<vmem>>, vector<16xi32>,
      tpu.vector_store_idx %arg4[%get3A_500], %broadcast_in_dim3A_5 {add = true} : memref<38912xi32, #tpu.memory_space<vmem>>[vector<16xi32>], vector<16xi32>,
      %get3A_501 = arith.constant 3712 : index
      %get3A_502 = tpu.vector_load %arg5[%get3A_501] {strides = array<i32>} : memref<4096xi32, #tpu.memory_space<vmem>>, vector<16xi32>,
      tpu.vector_store_idx %arg4[%get3A_502], %broadcast_in_dim3A_5 {add = true} : memref<38912xi32, #tpu.memory_space<vmem>>[vector<16xi32>], vector<16xi32>,
      %get3A_503 = arith.constant 3728 : index
      %get3A_504 = tpu.vector_load %arg5[%get3A_503] {strides = array<i32>} : memref<4096xi32, #tpu.memory_space<vmem>>, vector<16xi32>,
      tpu.vector_store_idx %arg4[%get3A_504], %broadcast_in_dim3A_5 {add = true} : memref<38912xi32, #tpu.memory_space<vmem>>[vector<16xi32>], vector<16xi32>,
      %get3A_505 = arith.constant 3744 : index
      %get3A_506 = tpu.vector_load %arg5[%get3A_505] {strides = array<i32>} : memref<4096xi32, #tpu.memory_space<vmem>>, vector<16xi32>,
      tpu.vector_store_idx %arg4[%get3A_506], %broadcast_in_dim3A_5 {add = true} : memref<38912xi32, #tpu.memory_space<vmem>>[vector<16xi32>], vector<16xi32>,
      %get3A_507 = arith.constant 3760 : index
      %get3A_508 = tpu.vector_load %arg5[%get3A_507] {strides = array<i32>} : memref<4096xi32, #tpu.memory_space<vmem>>, vector<16xi32>,
      tpu.vector_store_idx %arg4[%get3A_508], %broadcast_in_dim3A_5 {add = true} : memref<38912xi32, #tpu.memory_space<vmem>>[vector<16xi32>], vector<16xi32>,
      %get3A_509 = arith.constant 3776 : index
      %get3A_510 = tpu.vector_load %arg5[%get3A_509] {strides = array<i32>} : memref<4096xi32, #tpu.memory_space<vmem>>, vector<16xi32>,
      tpu.vector_store_idx %arg4[%get3A_510], %broadcast_in_dim3A_5 {add = true} : memref<38912xi32, #tpu.memory_space<vmem>>[vector<16xi32>], vector<16xi32>,
      %get3A_511 = arith.constant 3792 : index
      %get3A_512 = tpu.vector_load %arg5[%get3A_511] {strides = array<i32>} : memref<4096xi32, #tpu.memory_space<vmem>>, vector<16xi32>,
      tpu.vector_store_idx %arg4[%get3A_512], %broadcast_in_dim3A_5 {add = true} : memref<38912xi32, #tpu.memory_space<vmem>>[vector<16xi32>], vector<16xi32>,
      %get3A_513 = arith.constant 3808 : index
      %get3A_514 = tpu.vector_load %arg5[%get3A_513] {strides = array<i32>} : memref<4096xi32, #tpu.memory_space<vmem>>, vector<16xi32>,
      tpu.vector_store_idx %arg4[%get3A_514], %broadcast_in_dim3A_5 {add = true} : memref<38912xi32, #tpu.memory_space<vmem>>[vector<16xi32>], vector<16xi32>,
      %get3A_515 = arith.constant 3824 : index
      %get3A_516 = tpu.vector_load %arg5[%get3A_515] {strides = array<i32>} : memref<4096xi32, #tpu.memory_space<vmem>>, vector<16xi32>,
      tpu.vector_store_idx %arg4[%get3A_516], %broadcast_in_dim3A_5 {add = true} : memref<38912xi32, #tpu.memory_space<vmem>>[vector<16xi32>], vector<16xi32>,
      %get3A_517 = arith.constant 3840 : index
      %get3A_518 = tpu.vector_load %arg5[%get3A_517] {strides = array<i32>} : memref<4096xi32, #tpu.memory_space<vmem>>, vector<16xi32>,
      tpu.vector_store_idx %arg4[%get3A_518], %broadcast_in_dim3A_5 {add = true} : memref<38912xi32, #tpu.memory_space<vmem>>[vector<16xi32>], vector<16xi32>,
      %get3A_519 = arith.constant 3856 : index
      %get3A_520 = tpu.vector_load %arg5[%get3A_519] {strides = array<i32>} : memref<4096xi32, #tpu.memory_space<vmem>>, vector<16xi32>,
      tpu.vector_store_idx %arg4[%get3A_520], %broadcast_in_dim3A_5 {add = true} : memref<38912xi32, #tpu.memory_space<vmem>>[vector<16xi32>], vector<16xi32>,
      %get3A_521 = arith.constant 3872 : index
      %get3A_522 = tpu.vector_load %arg5[%get3A_521] {strides = array<i32>} : memref<4096xi32, #tpu.memory_space<vmem>>, vector<16xi32>,
      tpu.vector_store_idx %arg4[%get3A_522], %broadcast_in_dim3A_5 {add = true} : memref<38912xi32, #tpu.memory_space<vmem>>[vector<16xi32>], vector<16xi32>,
      %get3A_523 = arith.constant 3888 : index
      %get3A_524 = tpu.vector_load %arg5[%get3A_523] {strides = array<i32>} : memref<4096xi32, #tpu.memory_space<vmem>>, vector<16xi32>,
      tpu.vector_store_idx %arg4[%get3A_524], %broadcast_in_dim3A_5 {add = true} : memref<38912xi32, #tpu.memory_space<vmem>>[vector<16xi32>], vector<16xi32>,
      %get3A_525 = arith.constant 3904 : index
      %get3A_526 = tpu.vector_load %arg5[%get3A_525] {strides = array<i32>} : memref<4096xi32, #tpu.memory_space<vmem>>, vector<16xi32>,
      tpu.vector_store_idx %arg4[%get3A_526], %broadcast_in_dim3A_5 {add = true} : memref<38912xi32, #tpu.memory_space<vmem>>[vector<16xi32>], vector<16xi32>,
      %get3A_527 = arith.constant 3920 : index
      %get3A_528 = tpu.vector_load %arg5[%get3A_527] {strides = array<i32>} : memref<4096xi32, #tpu.memory_space<vmem>>, vector<16xi32>,
      tpu.vector_store_idx %arg4[%get3A_528], %broadcast_in_dim3A_5 {add = true} : memref<38912xi32, #tpu.memory_space<vmem>>[vector<16xi32>], vector<16xi32>,
      %get3A_529 = arith.constant 3936 : index
      %get3A_530 = tpu.vector_load %arg5[%get3A_529] {strides = array<i32>} : memref<4096xi32, #tpu.memory_space<vmem>>, vector<16xi32>,
      tpu.vector_store_idx %arg4[%get3A_530], %broadcast_in_dim3A_5 {add = true} : memref<38912xi32, #tpu.memory_space<vmem>>[vector<16xi32>], vector<16xi32>,
      %get3A_531 = arith.constant 3952 : index
      %get3A_532 = tpu.vector_load %arg5[%get3A_531] {strides = array<i32>} : memref<4096xi32, #tpu.memory_space<vmem>>, vector<16xi32>,
      tpu.vector_store_idx %arg4[%get3A_532], %broadcast_in_dim3A_5 {add = true} : memref<38912xi32, #tpu.memory_space<vmem>>[vector<16xi32>], vector<16xi32>,
      %get3A_533 = arith.constant 3968 : index
      %get3A_534 = tpu.vector_load %arg5[%get3A_533] {strides = array<i32>} : memref<4096xi32, #tpu.memory_space<vmem>>, vector<16xi32>,
      tpu.vector_store_idx %arg4[%get3A_534], %broadcast_in_dim3A_5 {add = true} : memref<38912xi32, #tpu.memory_space<vmem>>[vector<16xi32>], vector<16xi32>,
      %get3A_535 = arith.constant 3984 : index
      %get3A_536 = tpu.vector_load %arg5[%get3A_535] {strides = array<i32>} : memref<4096xi32, #tpu.memory_space<vmem>>, vector<16xi32>,
      tpu.vector_store_idx %arg4[%get3A_536], %broadcast_in_dim3A_5 {add = true} : memref<38912xi32, #tpu.memory_space<vmem>>[vector<16xi32>], vector<16xi32>,
      %get3A_537 = arith.constant 4000 : index
      %get3A_538 = tpu.vector_load %arg5[%get3A_537] {strides = array<i32>} : memref<4096xi32, #tpu.memory_space<vmem>>, vector<16xi32>,
      tpu.vector_store_idx %arg4[%get3A_538], %broadcast_in_dim3A_5 {add = true} : memref<38912xi32, #tpu.memory_space<vmem>>[vector<16xi32>], vector<16xi32>,
      %get3A_539 = arith.constant 4016 : index
      %get3A_540 = tpu.vector_load %arg5[%get3A_539] {strides = array<i32>} : memref<4096xi32, #tpu.memory_space<vmem>>, vector<16xi32>,
      tpu.vector_store_idx %arg4[%get3A_540], %broadcast_in_dim3A_5 {add = true} : memref<38912xi32, #tpu.memory_space<vmem>>[vector<16xi32>], vector<16xi32>,
      %get3A_541 = arith.constant 4032 : index
      %get3A_542 = tpu.vector_load %arg5[%get3A_541] {strides = array<i32>} : memref<4096xi32, #tpu.memory_space<vmem>>, vector<16xi32>,
      tpu.vector_store_idx %arg4[%get3A_542], %broadcast_in_dim3A_5 {add = true} : memref<38912xi32, #tpu.memory_space<vmem>>[vector<16xi32>], vector<16xi32>,
      %get3A_543 = arith.constant 4048 : index
      %get3A_544 = tpu.vector_load %arg5[%get3A_543] {strides = array<i32>} : memref<4096xi32, #tpu.memory_space<vmem>>, vector<16xi32>,
      tpu.vector_store_idx %arg4[%get3A_544], %broadcast_in_dim3A_5 {add = true} : memref<38912xi32, #tpu.memory_space<vmem>>[vector<16xi32>], vector<16xi32>,
      %get3A_545 = arith.constant 4064 : index
      %get3A_546 = tpu.vector_load %arg5[%get3A_545] {strides = array<i32>} : memref<4096xi32, #tpu.memory_space<vmem>>, vector<16xi32>,
      tpu.vector_store_idx %arg4[%get3A_546], %broadcast_in_dim3A_5 {add = true} : memref<38912xi32, #tpu.memory_space<vmem>>[vector<16xi32>], vector<16xi32>,
      %get3A_547 = arith.constant 4080 : index
      %get3A_548 = tpu.vector_load %arg5[%get3A_547] {strides = array<i32>} : memref<4096xi32, #tpu.memory_space<vmem>>, vector<16xi32>,
      tpu.vector_store_idx %arg4[%get3A_548], %broadcast_in_dim3A_5 {add = true} : memref<38912xi32, #tpu.memory_space<vmem>>[vector<16xi32>], vector<16xi32>,
      %add3A_549 = arith.constant 2 : i32
      %add3A_550 = arith.addi %mul3A_25, %add3A_549 : i32
      %lt3A = arith.constant 152 : i32
      %lt3A_551 = arith.cmpi slt, %add3A_550, %lt3A : i32
      %convert_element_type3A = arith.extui %lt3A_551 : i1 to i32
      %cond3A = arith.constant 0 : i32
      %cond3A_552 = arith.cmpi ne, %convert_element_type3A, %cond3A : i32
      scf.if %cond3A_552 {
        %add3A_1067 = arith.constant 2 : i32
        %add3A_1068 = arith.addi %mul3A_25, %add3A_1067 : i32
        %mul3A_1069 = arith.constant 4096 : i32
        %mul3A_1070 = arith.muli %add3A_1068, %mul3A_1069 : i32
        %add3A_1071 = arith.addi %mul3A_2, %mul3A_1070 : i32
        %multiple_of3A_1072 = tpu.assume_multiple %add3A_1071, 4096 : i32
        %dma_start3A_1073 = tpu.memref_slice %arg2[%multiple_of3A_1072] : memref<19922944xi32, #tpu.memory_space<hbm>> -> memref<4096xi32, #tpu.memory_space<hbm>>
        %dma_start3A_1074 = tpu.memref_slice %arg2[%multiple_of3A_1072] : memref<19922944xi32, #tpu.memory_space<hbm>> -> memref<4096xi32, #tpu.memory_space<hbm>>
        tpu.enqueue_dma source(%dma_start3A_1074 : memref<4096xi32, #tpu.memory_space<hbm>>) target(%arg5 : memref<4096xi32, #tpu.memory_space<vmem>>) target_semaphore(%arg7 : memref<!tpu.dma_semaphore, #tpu.memory_space<semaphore_mem>>)
      } else {
      }
      %dma_wait3A_553 = tpu.memref_slice %arg2[%multiple_of3A] : memref<19922944xi32, #tpu.memory_space<hbm>> -> memref<4096xi32, #tpu.memory_space<hbm>>
      %dma_wait3A_554 = tpu.memref_slice %arg2[%multiple_of3A] : memref<19922944xi32, #tpu.memory_space<hbm>> -> memref<4096xi32, #tpu.memory_space<hbm>>
      tpu.wait_dma2 semaphore(%arg8 : memref<!tpu.dma_semaphore, #tpu.memory_space<semaphore_mem>>) src(%dma_wait3A_554 : memref<4096xi32, #tpu.memory_space<hbm>>) dst(%arg6 : memref<4096xi32, #tpu.memory_space<vmem>>)
      %get3A_555 = arith.constant 0 : index
      %get3A_556 = tpu.vector_load %arg6[%get3A_555] {strides = array<i32>} : memref<4096xi32, #tpu.memory_space<vmem>>, vector<16xi32>,
      tpu.vector_store_idx %arg4[%get3A_556], %broadcast_in_dim3A_5 {add = true} : memref<38912xi32, #tpu.memory_space<vmem>>[vector<16xi32>], vector<16xi32>,
      %get3A_557 = arith.constant 16 : index
      %get3A_558 = tpu.vector_load %arg6[%get3A_557] {strides = array<i32>} : memref<4096xi32, #tpu.memory_space<vmem>>, vector<16xi32>,
      tpu.vector_store_idx %arg4[%get3A_558], %broadcast_in_dim3A_5 {add = true} : memref<38912xi32, #tpu.memory_space<vmem>>[vector<16xi32>], vector<16xi32>,
      %get3A_559 = arith.constant 32 : index
      %get3A_560 = tpu.vector_load %arg6[%get3A_559] {strides = array<i32>} : memref<4096xi32, #tpu.memory_space<vmem>>, vector<16xi32>,
      tpu.vector_store_idx %arg4[%get3A_560], %broadcast_in_dim3A_5 {add = true} : memref<38912xi32, #tpu.memory_space<vmem>>[vector<16xi32>], vector<16xi32>,
      %get3A_561 = arith.constant 48 : index
      %get3A_562 = tpu.vector_load %arg6[%get3A_561] {strides = array<i32>} : memref<4096xi32, #tpu.memory_space<vmem>>, vector<16xi32>,
      tpu.vector_store_idx %arg4[%get3A_562], %broadcast_in_dim3A_5 {add = true} : memref<38912xi32, #tpu.memory_space<vmem>>[vector<16xi32>], vector<16xi32>,
      %get3A_563 = arith.constant 64 : index
      %get3A_564 = tpu.vector_load %arg6[%get3A_563] {strides = array<i32>} : memref<4096xi32, #tpu.memory_space<vmem>>, vector<16xi32>,
      tpu.vector_store_idx %arg4[%get3A_564], %broadcast_in_dim3A_5 {add = true} : memref<38912xi32, #tpu.memory_space<vmem>>[vector<16xi32>], vector<16xi32>,
      %get3A_565 = arith.constant 80 : index
      %get3A_566 = tpu.vector_load %arg6[%get3A_565] {strides = array<i32>} : memref<4096xi32, #tpu.memory_space<vmem>>, vector<16xi32>,
      tpu.vector_store_idx %arg4[%get3A_566], %broadcast_in_dim3A_5 {add = true} : memref<38912xi32, #tpu.memory_space<vmem>>[vector<16xi32>], vector<16xi32>,
      %get3A_567 = arith.constant 96 : index
      %get3A_568 = tpu.vector_load %arg6[%get3A_567] {strides = array<i32>} : memref<4096xi32, #tpu.memory_space<vmem>>, vector<16xi32>,
      tpu.vector_store_idx %arg4[%get3A_568], %broadcast_in_dim3A_5 {add = true} : memref<38912xi32, #tpu.memory_space<vmem>>[vector<16xi32>], vector<16xi32>,
      %get3A_569 = arith.constant 112 : index
      %get3A_570 = tpu.vector_load %arg6[%get3A_569] {strides = array<i32>} : memref<4096xi32, #tpu.memory_space<vmem>>, vector<16xi32>,
      tpu.vector_store_idx %arg4[%get3A_570], %broadcast_in_dim3A_5 {add = true} : memref<38912xi32, #tpu.memory_space<vmem>>[vector<16xi32>], vector<16xi32>,
      %get3A_571 = arith.constant 128 : index
      %get3A_572 = tpu.vector_load %arg6[%get3A_571] {strides = array<i32>} : memref<4096xi32, #tpu.memory_space<vmem>>, vector<16xi32>,
      tpu.vector_store_idx %arg4[%get3A_572], %broadcast_in_dim3A_5 {add = true} : memref<38912xi32, #tpu.memory_space<vmem>>[vector<16xi32>], vector<16xi32>,
      %get3A_573 = arith.constant 144 : index
      %get3A_574 = tpu.vector_load %arg6[%get3A_573] {strides = array<i32>} : memref<4096xi32, #tpu.memory_space<vmem>>, vector<16xi32>,
      tpu.vector_store_idx %arg4[%get3A_574], %broadcast_in_dim3A_5 {add = true} : memref<38912xi32, #tpu.memory_space<vmem>>[vector<16xi32>], vector<16xi32>,
      %get3A_575 = arith.constant 160 : index
      %get3A_576 = tpu.vector_load %arg6[%get3A_575] {strides = array<i32>} : memref<4096xi32, #tpu.memory_space<vmem>>, vector<16xi32>,
      tpu.vector_store_idx %arg4[%get3A_576], %broadcast_in_dim3A_5 {add = true} : memref<38912xi32, #tpu.memory_space<vmem>>[vector<16xi32>], vector<16xi32>,
      %get3A_577 = arith.constant 176 : index
      %get3A_578 = tpu.vector_load %arg6[%get3A_577] {strides = array<i32>} : memref<4096xi32, #tpu.memory_space<vmem>>, vector<16xi32>,
      tpu.vector_store_idx %arg4[%get3A_578], %broadcast_in_dim3A_5 {add = true} : memref<38912xi32, #tpu.memory_space<vmem>>[vector<16xi32>], vector<16xi32>,
      %get3A_579 = arith.constant 192 : index
      %get3A_580 = tpu.vector_load %arg6[%get3A_579] {strides = array<i32>} : memref<4096xi32, #tpu.memory_space<vmem>>, vector<16xi32>,
      tpu.vector_store_idx %arg4[%get3A_580], %broadcast_in_dim3A_5 {add = true} : memref<38912xi32, #tpu.memory_space<vmem>>[vector<16xi32>], vector<16xi32>,
      %get3A_581 = arith.constant 208 : index
      %get3A_582 = tpu.vector_load %arg6[%get3A_581] {strides = array<i32>} : memref<4096xi32, #tpu.memory_space<vmem>>, vector<16xi32>,
      tpu.vector_store_idx %arg4[%get3A_582], %broadcast_in_dim3A_5 {add = true} : memref<38912xi32, #tpu.memory_space<vmem>>[vector<16xi32>], vector<16xi32>,
      %get3A_583 = arith.constant 224 : index
      %get3A_584 = tpu.vector_load %arg6[%get3A_583] {strides = array<i32>} : memref<4096xi32, #tpu.memory_space<vmem>>, vector<16xi32>,
      tpu.vector_store_idx %arg4[%get3A_584], %broadcast_in_dim3A_5 {add = true} : memref<38912xi32, #tpu.memory_space<vmem>>[vector<16xi32>], vector<16xi32>,
      %get3A_585 = arith.constant 240 : index
      %get3A_586 = tpu.vector_load %arg6[%get3A_585] {strides = array<i32>} : memref<4096xi32, #tpu.memory_space<vmem>>, vector<16xi32>,
      tpu.vector_store_idx %arg4[%get3A_586], %broadcast_in_dim3A_5 {add = true} : memref<38912xi32, #tpu.memory_space<vmem>>[vector<16xi32>], vector<16xi32>,
      %get3A_587 = arith.constant 256 : index
      %get3A_588 = tpu.vector_load %arg6[%get3A_587] {strides = array<i32>} : memref<4096xi32, #tpu.memory_space<vmem>>, vector<16xi32>,
      tpu.vector_store_idx %arg4[%get3A_588], %broadcast_in_dim3A_5 {add = true} : memref<38912xi32, #tpu.memory_space<vmem>>[vector<16xi32>], vector<16xi32>,
      %get3A_589 = arith.constant 272 : index
      %get3A_590 = tpu.vector_load %arg6[%get3A_589] {strides = array<i32>} : memref<4096xi32, #tpu.memory_space<vmem>>, vector<16xi32>,
      tpu.vector_store_idx %arg4[%get3A_590], %broadcast_in_dim3A_5 {add = true} : memref<38912xi32, #tpu.memory_space<vmem>>[vector<16xi32>], vector<16xi32>,
      %get3A_591 = arith.constant 288 : index
      %get3A_592 = tpu.vector_load %arg6[%get3A_591] {strides = array<i32>} : memref<4096xi32, #tpu.memory_space<vmem>>, vector<16xi32>,
      tpu.vector_store_idx %arg4[%get3A_592], %broadcast_in_dim3A_5 {add = true} : memref<38912xi32, #tpu.memory_space<vmem>>[vector<16xi32>], vector<16xi32>,
      %get3A_593 = arith.constant 304 : index
      %get3A_594 = tpu.vector_load %arg6[%get3A_593] {strides = array<i32>} : memref<4096xi32, #tpu.memory_space<vmem>>, vector<16xi32>,
      tpu.vector_store_idx %arg4[%get3A_594], %broadcast_in_dim3A_5 {add = true} : memref<38912xi32, #tpu.memory_space<vmem>>[vector<16xi32>], vector<16xi32>,
      %get3A_595 = arith.constant 320 : index
      %get3A_596 = tpu.vector_load %arg6[%get3A_595] {strides = array<i32>} : memref<4096xi32, #tpu.memory_space<vmem>>, vector<16xi32>,
      tpu.vector_store_idx %arg4[%get3A_596], %broadcast_in_dim3A_5 {add = true} : memref<38912xi32, #tpu.memory_space<vmem>>[vector<16xi32>], vector<16xi32>,
      %get3A_597 = arith.constant 336 : index
      %get3A_598 = tpu.vector_load %arg6[%get3A_597] {strides = array<i32>} : memref<4096xi32, #tpu.memory_space<vmem>>, vector<16xi32>,
      tpu.vector_store_idx %arg4[%get3A_598], %broadcast_in_dim3A_5 {add = true} : memref<38912xi32, #tpu.memory_space<vmem>>[vector<16xi32>], vector<16xi32>,
      %get3A_599 = arith.constant 352 : index
      %get3A_600 = tpu.vector_load %arg6[%get3A_599] {strides = array<i32>} : memref<4096xi32, #tpu.memory_space<vmem>>, vector<16xi32>,
      tpu.vector_store_idx %arg4[%get3A_600], %broadcast_in_dim3A_5 {add = true} : memref<38912xi32, #tpu.memory_space<vmem>>[vector<16xi32>], vector<16xi32>,
      %get3A_601 = arith.constant 368 : index
      %get3A_602 = tpu.vector_load %arg6[%get3A_601] {strides = array<i32>} : memref<4096xi32, #tpu.memory_space<vmem>>, vector<16xi32>,
      tpu.vector_store_idx %arg4[%get3A_602], %broadcast_in_dim3A_5 {add = true} : memref<38912xi32, #tpu.memory_space<vmem>>[vector<16xi32>], vector<16xi32>,
      %get3A_603 = arith.constant 384 : index
      %get3A_604 = tpu.vector_load %arg6[%get3A_603] {strides = array<i32>} : memref<4096xi32, #tpu.memory_space<vmem>>, vector<16xi32>,
      tpu.vector_store_idx %arg4[%get3A_604], %broadcast_in_dim3A_5 {add = true} : memref<38912xi32, #tpu.memory_space<vmem>>[vector<16xi32>], vector<16xi32>,
      %get3A_605 = arith.constant 400 : index
      %get3A_606 = tpu.vector_load %arg6[%get3A_605] {strides = array<i32>} : memref<4096xi32, #tpu.memory_space<vmem>>, vector<16xi32>,
      tpu.vector_store_idx %arg4[%get3A_606], %broadcast_in_dim3A_5 {add = true} : memref<38912xi32, #tpu.memory_space<vmem>>[vector<16xi32>], vector<16xi32>,
      %get3A_607 = arith.constant 416 : index
      %get3A_608 = tpu.vector_load %arg6[%get3A_607] {strides = array<i32>} : memref<4096xi32, #tpu.memory_space<vmem>>, vector<16xi32>,
      tpu.vector_store_idx %arg4[%get3A_608], %broadcast_in_dim3A_5 {add = true} : memref<38912xi32, #tpu.memory_space<vmem>>[vector<16xi32>], vector<16xi32>,
      %get3A_609 = arith.constant 432 : index
      %get3A_610 = tpu.vector_load %arg6[%get3A_609] {strides = array<i32>} : memref<4096xi32, #tpu.memory_space<vmem>>, vector<16xi32>,
      tpu.vector_store_idx %arg4[%get3A_610], %broadcast_in_dim3A_5 {add = true} : memref<38912xi32, #tpu.memory_space<vmem>>[vector<16xi32>], vector<16xi32>,
      %get3A_611 = arith.constant 448 : index
      %get3A_612 = tpu.vector_load %arg6[%get3A_611] {strides = array<i32>} : memref<4096xi32, #tpu.memory_space<vmem>>, vector<16xi32>,
      tpu.vector_store_idx %arg4[%get3A_612], %broadcast_in_dim3A_5 {add = true} : memref<38912xi32, #tpu.memory_space<vmem>>[vector<16xi32>], vector<16xi32>,
      %get3A_613 = arith.constant 464 : index
      %get3A_614 = tpu.vector_load %arg6[%get3A_613] {strides = array<i32>} : memref<4096xi32, #tpu.memory_space<vmem>>, vector<16xi32>,
      tpu.vector_store_idx %arg4[%get3A_614], %broadcast_in_dim3A_5 {add = true} : memref<38912xi32, #tpu.memory_space<vmem>>[vector<16xi32>], vector<16xi32>,
      %get3A_615 = arith.constant 480 : index
      %get3A_616 = tpu.vector_load %arg6[%get3A_615] {strides = array<i32>} : memref<4096xi32, #tpu.memory_space<vmem>>, vector<16xi32>,
      tpu.vector_store_idx %arg4[%get3A_616], %broadcast_in_dim3A_5 {add = true} : memref<38912xi32, #tpu.memory_space<vmem>>[vector<16xi32>], vector<16xi32>,
      %get3A_617 = arith.constant 496 : index
      %get3A_618 = tpu.vector_load %arg6[%get3A_617] {strides = array<i32>} : memref<4096xi32, #tpu.memory_space<vmem>>, vector<16xi32>,
      tpu.vector_store_idx %arg4[%get3A_618], %broadcast_in_dim3A_5 {add = true} : memref<38912xi32, #tpu.memory_space<vmem>>[vector<16xi32>], vector<16xi32>,
      %get3A_619 = arith.constant 512 : index
      %get3A_620 = tpu.vector_load %arg6[%get3A_619] {strides = array<i32>} : memref<4096xi32, #tpu.memory_space<vmem>>, vector<16xi32>,
      tpu.vector_store_idx %arg4[%get3A_620], %broadcast_in_dim3A_5 {add = true} : memref<38912xi32, #tpu.memory_space<vmem>>[vector<16xi32>], vector<16xi32>,
      %get3A_621 = arith.constant 528 : index
      %get3A_622 = tpu.vector_load %arg6[%get3A_621] {strides = array<i32>} : memref<4096xi32, #tpu.memory_space<vmem>>, vector<16xi32>,
      tpu.vector_store_idx %arg4[%get3A_622], %broadcast_in_dim3A_5 {add = true} : memref<38912xi32, #tpu.memory_space<vmem>>[vector<16xi32>], vector<16xi32>,
      %get3A_623 = arith.constant 544 : index
      %get3A_624 = tpu.vector_load %arg6[%get3A_623] {strides = array<i32>} : memref<4096xi32, #tpu.memory_space<vmem>>, vector<16xi32>,
      tpu.vector_store_idx %arg4[%get3A_624], %broadcast_in_dim3A_5 {add = true} : memref<38912xi32, #tpu.memory_space<vmem>>[vector<16xi32>], vector<16xi32>,
      %get3A_625 = arith.constant 560 : index
      %get3A_626 = tpu.vector_load %arg6[%get3A_625] {strides = array<i32>} : memref<4096xi32, #tpu.memory_space<vmem>>, vector<16xi32>,
      tpu.vector_store_idx %arg4[%get3A_626], %broadcast_in_dim3A_5 {add = true} : memref<38912xi32, #tpu.memory_space<vmem>>[vector<16xi32>], vector<16xi32>,
      %get3A_627 = arith.constant 576 : index
      %get3A_628 = tpu.vector_load %arg6[%get3A_627] {strides = array<i32>} : memref<4096xi32, #tpu.memory_space<vmem>>, vector<16xi32>,
      tpu.vector_store_idx %arg4[%get3A_628], %broadcast_in_dim3A_5 {add = true} : memref<38912xi32, #tpu.memory_space<vmem>>[vector<16xi32>], vector<16xi32>,
      %get3A_629 = arith.constant 592 : index
      %get3A_630 = tpu.vector_load %arg6[%get3A_629] {strides = array<i32>} : memref<4096xi32, #tpu.memory_space<vmem>>, vector<16xi32>,
      tpu.vector_store_idx %arg4[%get3A_630], %broadcast_in_dim3A_5 {add = true} : memref<38912xi32, #tpu.memory_space<vmem>>[vector<16xi32>], vector<16xi32>,
      %get3A_631 = arith.constant 608 : index
      %get3A_632 = tpu.vector_load %arg6[%get3A_631] {strides = array<i32>} : memref<4096xi32, #tpu.memory_space<vmem>>, vector<16xi32>,
      tpu.vector_store_idx %arg4[%get3A_632], %broadcast_in_dim3A_5 {add = true} : memref<38912xi32, #tpu.memory_space<vmem>>[vector<16xi32>], vector<16xi32>,
      %get3A_633 = arith.constant 624 : index
      %get3A_634 = tpu.vector_load %arg6[%get3A_633] {strides = array<i32>} : memref<4096xi32, #tpu.memory_space<vmem>>, vector<16xi32>,
      tpu.vector_store_idx %arg4[%get3A_634], %broadcast_in_dim3A_5 {add = true} : memref<38912xi32, #tpu.memory_space<vmem>>[vector<16xi32>], vector<16xi32>,
      %get3A_635 = arith.constant 640 : index
      %get3A_636 = tpu.vector_load %arg6[%get3A_635] {strides = array<i32>} : memref<4096xi32, #tpu.memory_space<vmem>>, vector<16xi32>,
      tpu.vector_store_idx %arg4[%get3A_636], %broadcast_in_dim3A_5 {add = true} : memref<38912xi32, #tpu.memory_space<vmem>>[vector<16xi32>], vector<16xi32>,
      %get3A_637 = arith.constant 656 : index
      %get3A_638 = tpu.vector_load %arg6[%get3A_637] {strides = array<i32>} : memref<4096xi32, #tpu.memory_space<vmem>>, vector<16xi32>,
      tpu.vector_store_idx %arg4[%get3A_638], %broadcast_in_dim3A_5 {add = true} : memref<38912xi32, #tpu.memory_space<vmem>>[vector<16xi32>], vector<16xi32>,
      %get3A_639 = arith.constant 672 : index
      %get3A_640 = tpu.vector_load %arg6[%get3A_639] {strides = array<i32>} : memref<4096xi32, #tpu.memory_space<vmem>>, vector<16xi32>,
      tpu.vector_store_idx %arg4[%get3A_640], %broadcast_in_dim3A_5 {add = true} : memref<38912xi32, #tpu.memory_space<vmem>>[vector<16xi32>], vector<16xi32>,
      %get3A_641 = arith.constant 688 : index
      %get3A_642 = tpu.vector_load %arg6[%get3A_641] {strides = array<i32>} : memref<4096xi32, #tpu.memory_space<vmem>>, vector<16xi32>,
      tpu.vector_store_idx %arg4[%get3A_642], %broadcast_in_dim3A_5 {add = true} : memref<38912xi32, #tpu.memory_space<vmem>>[vector<16xi32>], vector<16xi32>,
      %get3A_643 = arith.constant 704 : index
      %get3A_644 = tpu.vector_load %arg6[%get3A_643] {strides = array<i32>} : memref<4096xi32, #tpu.memory_space<vmem>>, vector<16xi32>,
      tpu.vector_store_idx %arg4[%get3A_644], %broadcast_in_dim3A_5 {add = true} : memref<38912xi32, #tpu.memory_space<vmem>>[vector<16xi32>], vector<16xi32>,
      %get3A_645 = arith.constant 720 : index
      %get3A_646 = tpu.vector_load %arg6[%get3A_645] {strides = array<i32>} : memref<4096xi32, #tpu.memory_space<vmem>>, vector<16xi32>,
      tpu.vector_store_idx %arg4[%get3A_646], %broadcast_in_dim3A_5 {add = true} : memref<38912xi32, #tpu.memory_space<vmem>>[vector<16xi32>], vector<16xi32>,
      %get3A_647 = arith.constant 736 : index
      %get3A_648 = tpu.vector_load %arg6[%get3A_647] {strides = array<i32>} : memref<4096xi32, #tpu.memory_space<vmem>>, vector<16xi32>,
      tpu.vector_store_idx %arg4[%get3A_648], %broadcast_in_dim3A_5 {add = true} : memref<38912xi32, #tpu.memory_space<vmem>>[vector<16xi32>], vector<16xi32>,
      %get3A_649 = arith.constant 752 : index
      %get3A_650 = tpu.vector_load %arg6[%get3A_649] {strides = array<i32>} : memref<4096xi32, #tpu.memory_space<vmem>>, vector<16xi32>,
      tpu.vector_store_idx %arg4[%get3A_650], %broadcast_in_dim3A_5 {add = true} : memref<38912xi32, #tpu.memory_space<vmem>>[vector<16xi32>], vector<16xi32>,
      %get3A_651 = arith.constant 768 : index
      %get3A_652 = tpu.vector_load %arg6[%get3A_651] {strides = array<i32>} : memref<4096xi32, #tpu.memory_space<vmem>>, vector<16xi32>,
      tpu.vector_store_idx %arg4[%get3A_652], %broadcast_in_dim3A_5 {add = true} : memref<38912xi32, #tpu.memory_space<vmem>>[vector<16xi32>], vector<16xi32>,
      %get3A_653 = arith.constant 784 : index
      %get3A_654 = tpu.vector_load %arg6[%get3A_653] {strides = array<i32>} : memref<4096xi32, #tpu.memory_space<vmem>>, vector<16xi32>,
      tpu.vector_store_idx %arg4[%get3A_654], %broadcast_in_dim3A_5 {add = true} : memref<38912xi32, #tpu.memory_space<vmem>>[vector<16xi32>], vector<16xi32>,
      %get3A_655 = arith.constant 800 : index
      %get3A_656 = tpu.vector_load %arg6[%get3A_655] {strides = array<i32>} : memref<4096xi32, #tpu.memory_space<vmem>>, vector<16xi32>,
      tpu.vector_store_idx %arg4[%get3A_656], %broadcast_in_dim3A_5 {add = true} : memref<38912xi32, #tpu.memory_space<vmem>>[vector<16xi32>], vector<16xi32>,
      %get3A_657 = arith.constant 816 : index
      %get3A_658 = tpu.vector_load %arg6[%get3A_657] {strides = array<i32>} : memref<4096xi32, #tpu.memory_space<vmem>>, vector<16xi32>,
      tpu.vector_store_idx %arg4[%get3A_658], %broadcast_in_dim3A_5 {add = true} : memref<38912xi32, #tpu.memory_space<vmem>>[vector<16xi32>], vector<16xi32>,
      %get3A_659 = arith.constant 832 : index
      %get3A_660 = tpu.vector_load %arg6[%get3A_659] {strides = array<i32>} : memref<4096xi32, #tpu.memory_space<vmem>>, vector<16xi32>,
      tpu.vector_store_idx %arg4[%get3A_660], %broadcast_in_dim3A_5 {add = true} : memref<38912xi32, #tpu.memory_space<vmem>>[vector<16xi32>], vector<16xi32>,
      %get3A_661 = arith.constant 848 : index
      %get3A_662 = tpu.vector_load %arg6[%get3A_661] {strides = array<i32>} : memref<4096xi32, #tpu.memory_space<vmem>>, vector<16xi32>,
      tpu.vector_store_idx %arg4[%get3A_662], %broadcast_in_dim3A_5 {add = true} : memref<38912xi32, #tpu.memory_space<vmem>>[vector<16xi32>], vector<16xi32>,
      %get3A_663 = arith.constant 864 : index
      %get3A_664 = tpu.vector_load %arg6[%get3A_663] {strides = array<i32>} : memref<4096xi32, #tpu.memory_space<vmem>>, vector<16xi32>,
      tpu.vector_store_idx %arg4[%get3A_664], %broadcast_in_dim3A_5 {add = true} : memref<38912xi32, #tpu.memory_space<vmem>>[vector<16xi32>], vector<16xi32>,
      %get3A_665 = arith.constant 880 : index
      %get3A_666 = tpu.vector_load %arg6[%get3A_665] {strides = array<i32>} : memref<4096xi32, #tpu.memory_space<vmem>>, vector<16xi32>,
      tpu.vector_store_idx %arg4[%get3A_666], %broadcast_in_dim3A_5 {add = true} : memref<38912xi32, #tpu.memory_space<vmem>>[vector<16xi32>], vector<16xi32>,
      %get3A_667 = arith.constant 896 : index
      %get3A_668 = tpu.vector_load %arg6[%get3A_667] {strides = array<i32>} : memref<4096xi32, #tpu.memory_space<vmem>>, vector<16xi32>,
      tpu.vector_store_idx %arg4[%get3A_668], %broadcast_in_dim3A_5 {add = true} : memref<38912xi32, #tpu.memory_space<vmem>>[vector<16xi32>], vector<16xi32>,
      %get3A_669 = arith.constant 912 : index
      %get3A_670 = tpu.vector_load %arg6[%get3A_669] {strides = array<i32>} : memref<4096xi32, #tpu.memory_space<vmem>>, vector<16xi32>,
      tpu.vector_store_idx %arg4[%get3A_670], %broadcast_in_dim3A_5 {add = true} : memref<38912xi32, #tpu.memory_space<vmem>>[vector<16xi32>], vector<16xi32>,
      %get3A_671 = arith.constant 928 : index
      %get3A_672 = tpu.vector_load %arg6[%get3A_671] {strides = array<i32>} : memref<4096xi32, #tpu.memory_space<vmem>>, vector<16xi32>,
      tpu.vector_store_idx %arg4[%get3A_672], %broadcast_in_dim3A_5 {add = true} : memref<38912xi32, #tpu.memory_space<vmem>>[vector<16xi32>], vector<16xi32>,
      %get3A_673 = arith.constant 944 : index
      %get3A_674 = tpu.vector_load %arg6[%get3A_673] {strides = array<i32>} : memref<4096xi32, #tpu.memory_space<vmem>>, vector<16xi32>,
      tpu.vector_store_idx %arg4[%get3A_674], %broadcast_in_dim3A_5 {add = true} : memref<38912xi32, #tpu.memory_space<vmem>>[vector<16xi32>], vector<16xi32>,
      %get3A_675 = arith.constant 960 : index
      %get3A_676 = tpu.vector_load %arg6[%get3A_675] {strides = array<i32>} : memref<4096xi32, #tpu.memory_space<vmem>>, vector<16xi32>,
      tpu.vector_store_idx %arg4[%get3A_676], %broadcast_in_dim3A_5 {add = true} : memref<38912xi32, #tpu.memory_space<vmem>>[vector<16xi32>], vector<16xi32>,
      %get3A_677 = arith.constant 976 : index
      %get3A_678 = tpu.vector_load %arg6[%get3A_677] {strides = array<i32>} : memref<4096xi32, #tpu.memory_space<vmem>>, vector<16xi32>,
      tpu.vector_store_idx %arg4[%get3A_678], %broadcast_in_dim3A_5 {add = true} : memref<38912xi32, #tpu.memory_space<vmem>>[vector<16xi32>], vector<16xi32>,
      %get3A_679 = arith.constant 992 : index
      %get3A_680 = tpu.vector_load %arg6[%get3A_679] {strides = array<i32>} : memref<4096xi32, #tpu.memory_space<vmem>>, vector<16xi32>,
      tpu.vector_store_idx %arg4[%get3A_680], %broadcast_in_dim3A_5 {add = true} : memref<38912xi32, #tpu.memory_space<vmem>>[vector<16xi32>], vector<16xi32>,
      %get3A_681 = arith.constant 1008 : index
      %get3A_682 = tpu.vector_load %arg6[%get3A_681] {strides = array<i32>} : memref<4096xi32, #tpu.memory_space<vmem>>, vector<16xi32>,
      tpu.vector_store_idx %arg4[%get3A_682], %broadcast_in_dim3A_5 {add = true} : memref<38912xi32, #tpu.memory_space<vmem>>[vector<16xi32>], vector<16xi32>,
      %get3A_683 = arith.constant 1024 : index
      %get3A_684 = tpu.vector_load %arg6[%get3A_683] {strides = array<i32>} : memref<4096xi32, #tpu.memory_space<vmem>>, vector<16xi32>,
      tpu.vector_store_idx %arg4[%get3A_684], %broadcast_in_dim3A_5 {add = true} : memref<38912xi32, #tpu.memory_space<vmem>>[vector<16xi32>], vector<16xi32>,
      %get3A_685 = arith.constant 1040 : index
      %get3A_686 = tpu.vector_load %arg6[%get3A_685] {strides = array<i32>} : memref<4096xi32, #tpu.memory_space<vmem>>, vector<16xi32>,
      tpu.vector_store_idx %arg4[%get3A_686], %broadcast_in_dim3A_5 {add = true} : memref<38912xi32, #tpu.memory_space<vmem>>[vector<16xi32>], vector<16xi32>,
      %get3A_687 = arith.constant 1056 : index
      %get3A_688 = tpu.vector_load %arg6[%get3A_687] {strides = array<i32>} : memref<4096xi32, #tpu.memory_space<vmem>>, vector<16xi32>,
      tpu.vector_store_idx %arg4[%get3A_688], %broadcast_in_dim3A_5 {add = true} : memref<38912xi32, #tpu.memory_space<vmem>>[vector<16xi32>], vector<16xi32>,
      %get3A_689 = arith.constant 1072 : index
      %get3A_690 = tpu.vector_load %arg6[%get3A_689] {strides = array<i32>} : memref<4096xi32, #tpu.memory_space<vmem>>, vector<16xi32>,
      tpu.vector_store_idx %arg4[%get3A_690], %broadcast_in_dim3A_5 {add = true} : memref<38912xi32, #tpu.memory_space<vmem>>[vector<16xi32>], vector<16xi32>,
      %get3A_691 = arith.constant 1088 : index
      %get3A_692 = tpu.vector_load %arg6[%get3A_691] {strides = array<i32>} : memref<4096xi32, #tpu.memory_space<vmem>>, vector<16xi32>,
      tpu.vector_store_idx %arg4[%get3A_692], %broadcast_in_dim3A_5 {add = true} : memref<38912xi32, #tpu.memory_space<vmem>>[vector<16xi32>], vector<16xi32>,
      %get3A_693 = arith.constant 1104 : index
      %get3A_694 = tpu.vector_load %arg6[%get3A_693] {strides = array<i32>} : memref<4096xi32, #tpu.memory_space<vmem>>, vector<16xi32>,
      tpu.vector_store_idx %arg4[%get3A_694], %broadcast_in_dim3A_5 {add = true} : memref<38912xi32, #tpu.memory_space<vmem>>[vector<16xi32>], vector<16xi32>,
      %get3A_695 = arith.constant 1120 : index
      %get3A_696 = tpu.vector_load %arg6[%get3A_695] {strides = array<i32>} : memref<4096xi32, #tpu.memory_space<vmem>>, vector<16xi32>,
      tpu.vector_store_idx %arg4[%get3A_696], %broadcast_in_dim3A_5 {add = true} : memref<38912xi32, #tpu.memory_space<vmem>>[vector<16xi32>], vector<16xi32>,
      %get3A_697 = arith.constant 1136 : index
      %get3A_698 = tpu.vector_load %arg6[%get3A_697] {strides = array<i32>} : memref<4096xi32, #tpu.memory_space<vmem>>, vector<16xi32>,
      tpu.vector_store_idx %arg4[%get3A_698], %broadcast_in_dim3A_5 {add = true} : memref<38912xi32, #tpu.memory_space<vmem>>[vector<16xi32>], vector<16xi32>,
      %get3A_699 = arith.constant 1152 : index
      %get3A_700 = tpu.vector_load %arg6[%get3A_699] {strides = array<i32>} : memref<4096xi32, #tpu.memory_space<vmem>>, vector<16xi32>,
      tpu.vector_store_idx %arg4[%get3A_700], %broadcast_in_dim3A_5 {add = true} : memref<38912xi32, #tpu.memory_space<vmem>>[vector<16xi32>], vector<16xi32>,
      %get3A_701 = arith.constant 1168 : index
      %get3A_702 = tpu.vector_load %arg6[%get3A_701] {strides = array<i32>} : memref<4096xi32, #tpu.memory_space<vmem>>, vector<16xi32>,
      tpu.vector_store_idx %arg4[%get3A_702], %broadcast_in_dim3A_5 {add = true} : memref<38912xi32, #tpu.memory_space<vmem>>[vector<16xi32>], vector<16xi32>,
      %get3A_703 = arith.constant 1184 : index
      %get3A_704 = tpu.vector_load %arg6[%get3A_703] {strides = array<i32>} : memref<4096xi32, #tpu.memory_space<vmem>>, vector<16xi32>,
      tpu.vector_store_idx %arg4[%get3A_704], %broadcast_in_dim3A_5 {add = true} : memref<38912xi32, #tpu.memory_space<vmem>>[vector<16xi32>], vector<16xi32>,
      %get3A_705 = arith.constant 1200 : index
      %get3A_706 = tpu.vector_load %arg6[%get3A_705] {strides = array<i32>} : memref<4096xi32, #tpu.memory_space<vmem>>, vector<16xi32>,
      tpu.vector_store_idx %arg4[%get3A_706], %broadcast_in_dim3A_5 {add = true} : memref<38912xi32, #tpu.memory_space<vmem>>[vector<16xi32>], vector<16xi32>,
      %get3A_707 = arith.constant 1216 : index
      %get3A_708 = tpu.vector_load %arg6[%get3A_707] {strides = array<i32>} : memref<4096xi32, #tpu.memory_space<vmem>>, vector<16xi32>,
      tpu.vector_store_idx %arg4[%get3A_708], %broadcast_in_dim3A_5 {add = true} : memref<38912xi32, #tpu.memory_space<vmem>>[vector<16xi32>], vector<16xi32>,
      %get3A_709 = arith.constant 1232 : index
      %get3A_710 = tpu.vector_load %arg6[%get3A_709] {strides = array<i32>} : memref<4096xi32, #tpu.memory_space<vmem>>, vector<16xi32>,
      tpu.vector_store_idx %arg4[%get3A_710], %broadcast_in_dim3A_5 {add = true} : memref<38912xi32, #tpu.memory_space<vmem>>[vector<16xi32>], vector<16xi32>,
      %get3A_711 = arith.constant 1248 : index
      %get3A_712 = tpu.vector_load %arg6[%get3A_711] {strides = array<i32>} : memref<4096xi32, #tpu.memory_space<vmem>>, vector<16xi32>,
      tpu.vector_store_idx %arg4[%get3A_712], %broadcast_in_dim3A_5 {add = true} : memref<38912xi32, #tpu.memory_space<vmem>>[vector<16xi32>], vector<16xi32>,
      %get3A_713 = arith.constant 1264 : index
      %get3A_714 = tpu.vector_load %arg6[%get3A_713] {strides = array<i32>} : memref<4096xi32, #tpu.memory_space<vmem>>, vector<16xi32>,
      tpu.vector_store_idx %arg4[%get3A_714], %broadcast_in_dim3A_5 {add = true} : memref<38912xi32, #tpu.memory_space<vmem>>[vector<16xi32>], vector<16xi32>,
      %get3A_715 = arith.constant 1280 : index
      %get3A_716 = tpu.vector_load %arg6[%get3A_715] {strides = array<i32>} : memref<4096xi32, #tpu.memory_space<vmem>>, vector<16xi32>,
      tpu.vector_store_idx %arg4[%get3A_716], %broadcast_in_dim3A_5 {add = true} : memref<38912xi32, #tpu.memory_space<vmem>>[vector<16xi32>], vector<16xi32>,
      %get3A_717 = arith.constant 1296 : index
      %get3A_718 = tpu.vector_load %arg6[%get3A_717] {strides = array<i32>} : memref<4096xi32, #tpu.memory_space<vmem>>, vector<16xi32>,
      tpu.vector_store_idx %arg4[%get3A_718], %broadcast_in_dim3A_5 {add = true} : memref<38912xi32, #tpu.memory_space<vmem>>[vector<16xi32>], vector<16xi32>,
      %get3A_719 = arith.constant 1312 : index
      %get3A_720 = tpu.vector_load %arg6[%get3A_719] {strides = array<i32>} : memref<4096xi32, #tpu.memory_space<vmem>>, vector<16xi32>,
      tpu.vector_store_idx %arg4[%get3A_720], %broadcast_in_dim3A_5 {add = true} : memref<38912xi32, #tpu.memory_space<vmem>>[vector<16xi32>], vector<16xi32>,
      %get3A_721 = arith.constant 1328 : index
      %get3A_722 = tpu.vector_load %arg6[%get3A_721] {strides = array<i32>} : memref<4096xi32, #tpu.memory_space<vmem>>, vector<16xi32>,
      tpu.vector_store_idx %arg4[%get3A_722], %broadcast_in_dim3A_5 {add = true} : memref<38912xi32, #tpu.memory_space<vmem>>[vector<16xi32>], vector<16xi32>,
      %get3A_723 = arith.constant 1344 : index
      %get3A_724 = tpu.vector_load %arg6[%get3A_723] {strides = array<i32>} : memref<4096xi32, #tpu.memory_space<vmem>>, vector<16xi32>,
      tpu.vector_store_idx %arg4[%get3A_724], %broadcast_in_dim3A_5 {add = true} : memref<38912xi32, #tpu.memory_space<vmem>>[vector<16xi32>], vector<16xi32>,
      %get3A_725 = arith.constant 1360 : index
      %get3A_726 = tpu.vector_load %arg6[%get3A_725] {strides = array<i32>} : memref<4096xi32, #tpu.memory_space<vmem>>, vector<16xi32>,
      tpu.vector_store_idx %arg4[%get3A_726], %broadcast_in_dim3A_5 {add = true} : memref<38912xi32, #tpu.memory_space<vmem>>[vector<16xi32>], vector<16xi32>,
      %get3A_727 = arith.constant 1376 : index
      %get3A_728 = tpu.vector_load %arg6[%get3A_727] {strides = array<i32>} : memref<4096xi32, #tpu.memory_space<vmem>>, vector<16xi32>,
      tpu.vector_store_idx %arg4[%get3A_728], %broadcast_in_dim3A_5 {add = true} : memref<38912xi32, #tpu.memory_space<vmem>>[vector<16xi32>], vector<16xi32>,
      %get3A_729 = arith.constant 1392 : index
      %get3A_730 = tpu.vector_load %arg6[%get3A_729] {strides = array<i32>} : memref<4096xi32, #tpu.memory_space<vmem>>, vector<16xi32>,
      tpu.vector_store_idx %arg4[%get3A_730], %broadcast_in_dim3A_5 {add = true} : memref<38912xi32, #tpu.memory_space<vmem>>[vector<16xi32>], vector<16xi32>,
      %get3A_731 = arith.constant 1408 : index
      %get3A_732 = tpu.vector_load %arg6[%get3A_731] {strides = array<i32>} : memref<4096xi32, #tpu.memory_space<vmem>>, vector<16xi32>,
      tpu.vector_store_idx %arg4[%get3A_732], %broadcast_in_dim3A_5 {add = true} : memref<38912xi32, #tpu.memory_space<vmem>>[vector<16xi32>], vector<16xi32>,
      %get3A_733 = arith.constant 1424 : index
      %get3A_734 = tpu.vector_load %arg6[%get3A_733] {strides = array<i32>} : memref<4096xi32, #tpu.memory_space<vmem>>, vector<16xi32>,
      tpu.vector_store_idx %arg4[%get3A_734], %broadcast_in_dim3A_5 {add = true} : memref<38912xi32, #tpu.memory_space<vmem>>[vector<16xi32>], vector<16xi32>,
      %get3A_735 = arith.constant 1440 : index
      %get3A_736 = tpu.vector_load %arg6[%get3A_735] {strides = array<i32>} : memref<4096xi32, #tpu.memory_space<vmem>>, vector<16xi32>,
      tpu.vector_store_idx %arg4[%get3A_736], %broadcast_in_dim3A_5 {add = true} : memref<38912xi32, #tpu.memory_space<vmem>>[vector<16xi32>], vector<16xi32>,
      %get3A_737 = arith.constant 1456 : index
      %get3A_738 = tpu.vector_load %arg6[%get3A_737] {strides = array<i32>} : memref<4096xi32, #tpu.memory_space<vmem>>, vector<16xi32>,
      tpu.vector_store_idx %arg4[%get3A_738], %broadcast_in_dim3A_5 {add = true} : memref<38912xi32, #tpu.memory_space<vmem>>[vector<16xi32>], vector<16xi32>,
      %get3A_739 = arith.constant 1472 : index
      %get3A_740 = tpu.vector_load %arg6[%get3A_739] {strides = array<i32>} : memref<4096xi32, #tpu.memory_space<vmem>>, vector<16xi32>,
      tpu.vector_store_idx %arg4[%get3A_740], %broadcast_in_dim3A_5 {add = true} : memref<38912xi32, #tpu.memory_space<vmem>>[vector<16xi32>], vector<16xi32>,
      %get3A_741 = arith.constant 1488 : index
      %get3A_742 = tpu.vector_load %arg6[%get3A_741] {strides = array<i32>} : memref<4096xi32, #tpu.memory_space<vmem>>, vector<16xi32>,
      tpu.vector_store_idx %arg4[%get3A_742], %broadcast_in_dim3A_5 {add = true} : memref<38912xi32, #tpu.memory_space<vmem>>[vector<16xi32>], vector<16xi32>,
      %get3A_743 = arith.constant 1504 : index
      %get3A_744 = tpu.vector_load %arg6[%get3A_743] {strides = array<i32>} : memref<4096xi32, #tpu.memory_space<vmem>>, vector<16xi32>,
      tpu.vector_store_idx %arg4[%get3A_744], %broadcast_in_dim3A_5 {add = true} : memref<38912xi32, #tpu.memory_space<vmem>>[vector<16xi32>], vector<16xi32>,
      %get3A_745 = arith.constant 1520 : index
      %get3A_746 = tpu.vector_load %arg6[%get3A_745] {strides = array<i32>} : memref<4096xi32, #tpu.memory_space<vmem>>, vector<16xi32>,
      tpu.vector_store_idx %arg4[%get3A_746], %broadcast_in_dim3A_5 {add = true} : memref<38912xi32, #tpu.memory_space<vmem>>[vector<16xi32>], vector<16xi32>,
      %get3A_747 = arith.constant 1536 : index
      %get3A_748 = tpu.vector_load %arg6[%get3A_747] {strides = array<i32>} : memref<4096xi32, #tpu.memory_space<vmem>>, vector<16xi32>,
      tpu.vector_store_idx %arg4[%get3A_748], %broadcast_in_dim3A_5 {add = true} : memref<38912xi32, #tpu.memory_space<vmem>>[vector<16xi32>], vector<16xi32>,
      %get3A_749 = arith.constant 1552 : index
      %get3A_750 = tpu.vector_load %arg6[%get3A_749] {strides = array<i32>} : memref<4096xi32, #tpu.memory_space<vmem>>, vector<16xi32>,
      tpu.vector_store_idx %arg4[%get3A_750], %broadcast_in_dim3A_5 {add = true} : memref<38912xi32, #tpu.memory_space<vmem>>[vector<16xi32>], vector<16xi32>,
      %get3A_751 = arith.constant 1568 : index
      %get3A_752 = tpu.vector_load %arg6[%get3A_751] {strides = array<i32>} : memref<4096xi32, #tpu.memory_space<vmem>>, vector<16xi32>,
      tpu.vector_store_idx %arg4[%get3A_752], %broadcast_in_dim3A_5 {add = true} : memref<38912xi32, #tpu.memory_space<vmem>>[vector<16xi32>], vector<16xi32>,
      %get3A_753 = arith.constant 1584 : index
      %get3A_754 = tpu.vector_load %arg6[%get3A_753] {strides = array<i32>} : memref<4096xi32, #tpu.memory_space<vmem>>, vector<16xi32>,
      tpu.vector_store_idx %arg4[%get3A_754], %broadcast_in_dim3A_5 {add = true} : memref<38912xi32, #tpu.memory_space<vmem>>[vector<16xi32>], vector<16xi32>,
      %get3A_755 = arith.constant 1600 : index
      %get3A_756 = tpu.vector_load %arg6[%get3A_755] {strides = array<i32>} : memref<4096xi32, #tpu.memory_space<vmem>>, vector<16xi32>,
      tpu.vector_store_idx %arg4[%get3A_756], %broadcast_in_dim3A_5 {add = true} : memref<38912xi32, #tpu.memory_space<vmem>>[vector<16xi32>], vector<16xi32>,
      %get3A_757 = arith.constant 1616 : index
      %get3A_758 = tpu.vector_load %arg6[%get3A_757] {strides = array<i32>} : memref<4096xi32, #tpu.memory_space<vmem>>, vector<16xi32>,
      tpu.vector_store_idx %arg4[%get3A_758], %broadcast_in_dim3A_5 {add = true} : memref<38912xi32, #tpu.memory_space<vmem>>[vector<16xi32>], vector<16xi32>,
      %get3A_759 = arith.constant 1632 : index
      %get3A_760 = tpu.vector_load %arg6[%get3A_759] {strides = array<i32>} : memref<4096xi32, #tpu.memory_space<vmem>>, vector<16xi32>,
      tpu.vector_store_idx %arg4[%get3A_760], %broadcast_in_dim3A_5 {add = true} : memref<38912xi32, #tpu.memory_space<vmem>>[vector<16xi32>], vector<16xi32>,
      %get3A_761 = arith.constant 1648 : index
      %get3A_762 = tpu.vector_load %arg6[%get3A_761] {strides = array<i32>} : memref<4096xi32, #tpu.memory_space<vmem>>, vector<16xi32>,
      tpu.vector_store_idx %arg4[%get3A_762], %broadcast_in_dim3A_5 {add = true} : memref<38912xi32, #tpu.memory_space<vmem>>[vector<16xi32>], vector<16xi32>,
      %get3A_763 = arith.constant 1664 : index
      %get3A_764 = tpu.vector_load %arg6[%get3A_763] {strides = array<i32>} : memref<4096xi32, #tpu.memory_space<vmem>>, vector<16xi32>,
      tpu.vector_store_idx %arg4[%get3A_764], %broadcast_in_dim3A_5 {add = true} : memref<38912xi32, #tpu.memory_space<vmem>>[vector<16xi32>], vector<16xi32>,
      %get3A_765 = arith.constant 1680 : index
      %get3A_766 = tpu.vector_load %arg6[%get3A_765] {strides = array<i32>} : memref<4096xi32, #tpu.memory_space<vmem>>, vector<16xi32>,
      tpu.vector_store_idx %arg4[%get3A_766], %broadcast_in_dim3A_5 {add = true} : memref<38912xi32, #tpu.memory_space<vmem>>[vector<16xi32>], vector<16xi32>,
      %get3A_767 = arith.constant 1696 : index
      %get3A_768 = tpu.vector_load %arg6[%get3A_767] {strides = array<i32>} : memref<4096xi32, #tpu.memory_space<vmem>>, vector<16xi32>,
      tpu.vector_store_idx %arg4[%get3A_768], %broadcast_in_dim3A_5 {add = true} : memref<38912xi32, #tpu.memory_space<vmem>>[vector<16xi32>], vector<16xi32>,
      %get3A_769 = arith.constant 1712 : index
      %get3A_770 = tpu.vector_load %arg6[%get3A_769] {strides = array<i32>} : memref<4096xi32, #tpu.memory_space<vmem>>, vector<16xi32>,
      tpu.vector_store_idx %arg4[%get3A_770], %broadcast_in_dim3A_5 {add = true} : memref<38912xi32, #tpu.memory_space<vmem>>[vector<16xi32>], vector<16xi32>,
      %get3A_771 = arith.constant 1728 : index
      %get3A_772 = tpu.vector_load %arg6[%get3A_771] {strides = array<i32>} : memref<4096xi32, #tpu.memory_space<vmem>>, vector<16xi32>,
      tpu.vector_store_idx %arg4[%get3A_772], %broadcast_in_dim3A_5 {add = true} : memref<38912xi32, #tpu.memory_space<vmem>>[vector<16xi32>], vector<16xi32>,
      %get3A_773 = arith.constant 1744 : index
      %get3A_774 = tpu.vector_load %arg6[%get3A_773] {strides = array<i32>} : memref<4096xi32, #tpu.memory_space<vmem>>, vector<16xi32>,
      tpu.vector_store_idx %arg4[%get3A_774], %broadcast_in_dim3A_5 {add = true} : memref<38912xi32, #tpu.memory_space<vmem>>[vector<16xi32>], vector<16xi32>,
      %get3A_775 = arith.constant 1760 : index
      %get3A_776 = tpu.vector_load %arg6[%get3A_775] {strides = array<i32>} : memref<4096xi32, #tpu.memory_space<vmem>>, vector<16xi32>,
      tpu.vector_store_idx %arg4[%get3A_776], %broadcast_in_dim3A_5 {add = true} : memref<38912xi32, #tpu.memory_space<vmem>>[vector<16xi32>], vector<16xi32>,
      %get3A_777 = arith.constant 1776 : index
      %get3A_778 = tpu.vector_load %arg6[%get3A_777] {strides = array<i32>} : memref<4096xi32, #tpu.memory_space<vmem>>, vector<16xi32>,
      tpu.vector_store_idx %arg4[%get3A_778], %broadcast_in_dim3A_5 {add = true} : memref<38912xi32, #tpu.memory_space<vmem>>[vector<16xi32>], vector<16xi32>,
      %get3A_779 = arith.constant 1792 : index
      %get3A_780 = tpu.vector_load %arg6[%get3A_779] {strides = array<i32>} : memref<4096xi32, #tpu.memory_space<vmem>>, vector<16xi32>,
      tpu.vector_store_idx %arg4[%get3A_780], %broadcast_in_dim3A_5 {add = true} : memref<38912xi32, #tpu.memory_space<vmem>>[vector<16xi32>], vector<16xi32>,
      %get3A_781 = arith.constant 1808 : index
      %get3A_782 = tpu.vector_load %arg6[%get3A_781] {strides = array<i32>} : memref<4096xi32, #tpu.memory_space<vmem>>, vector<16xi32>,
      tpu.vector_store_idx %arg4[%get3A_782], %broadcast_in_dim3A_5 {add = true} : memref<38912xi32, #tpu.memory_space<vmem>>[vector<16xi32>], vector<16xi32>,
      %get3A_783 = arith.constant 1824 : index
      %get3A_784 = tpu.vector_load %arg6[%get3A_783] {strides = array<i32>} : memref<4096xi32, #tpu.memory_space<vmem>>, vector<16xi32>,
      tpu.vector_store_idx %arg4[%get3A_784], %broadcast_in_dim3A_5 {add = true} : memref<38912xi32, #tpu.memory_space<vmem>>[vector<16xi32>], vector<16xi32>,
      %get3A_785 = arith.constant 1840 : index
      %get3A_786 = tpu.vector_load %arg6[%get3A_785] {strides = array<i32>} : memref<4096xi32, #tpu.memory_space<vmem>>, vector<16xi32>,
      tpu.vector_store_idx %arg4[%get3A_786], %broadcast_in_dim3A_5 {add = true} : memref<38912xi32, #tpu.memory_space<vmem>>[vector<16xi32>], vector<16xi32>,
      %get3A_787 = arith.constant 1856 : index
      %get3A_788 = tpu.vector_load %arg6[%get3A_787] {strides = array<i32>} : memref<4096xi32, #tpu.memory_space<vmem>>, vector<16xi32>,
      tpu.vector_store_idx %arg4[%get3A_788], %broadcast_in_dim3A_5 {add = true} : memref<38912xi32, #tpu.memory_space<vmem>>[vector<16xi32>], vector<16xi32>,
      %get3A_789 = arith.constant 1872 : index
      %get3A_790 = tpu.vector_load %arg6[%get3A_789] {strides = array<i32>} : memref<4096xi32, #tpu.memory_space<vmem>>, vector<16xi32>,
      tpu.vector_store_idx %arg4[%get3A_790], %broadcast_in_dim3A_5 {add = true} : memref<38912xi32, #tpu.memory_space<vmem>>[vector<16xi32>], vector<16xi32>,
      %get3A_791 = arith.constant 1888 : index
      %get3A_792 = tpu.vector_load %arg6[%get3A_791] {strides = array<i32>} : memref<4096xi32, #tpu.memory_space<vmem>>, vector<16xi32>,
      tpu.vector_store_idx %arg4[%get3A_792], %broadcast_in_dim3A_5 {add = true} : memref<38912xi32, #tpu.memory_space<vmem>>[vector<16xi32>], vector<16xi32>,
      %get3A_793 = arith.constant 1904 : index
      %get3A_794 = tpu.vector_load %arg6[%get3A_793] {strides = array<i32>} : memref<4096xi32, #tpu.memory_space<vmem>>, vector<16xi32>,
      tpu.vector_store_idx %arg4[%get3A_794], %broadcast_in_dim3A_5 {add = true} : memref<38912xi32, #tpu.memory_space<vmem>>[vector<16xi32>], vector<16xi32>,
      %get3A_795 = arith.constant 1920 : index
      %get3A_796 = tpu.vector_load %arg6[%get3A_795] {strides = array<i32>} : memref<4096xi32, #tpu.memory_space<vmem>>, vector<16xi32>,
      tpu.vector_store_idx %arg4[%get3A_796], %broadcast_in_dim3A_5 {add = true} : memref<38912xi32, #tpu.memory_space<vmem>>[vector<16xi32>], vector<16xi32>,
      %get3A_797 = arith.constant 1936 : index
      %get3A_798 = tpu.vector_load %arg6[%get3A_797] {strides = array<i32>} : memref<4096xi32, #tpu.memory_space<vmem>>, vector<16xi32>,
      tpu.vector_store_idx %arg4[%get3A_798], %broadcast_in_dim3A_5 {add = true} : memref<38912xi32, #tpu.memory_space<vmem>>[vector<16xi32>], vector<16xi32>,
      %get3A_799 = arith.constant 1952 : index
      %get3A_800 = tpu.vector_load %arg6[%get3A_799] {strides = array<i32>} : memref<4096xi32, #tpu.memory_space<vmem>>, vector<16xi32>,
      tpu.vector_store_idx %arg4[%get3A_800], %broadcast_in_dim3A_5 {add = true} : memref<38912xi32, #tpu.memory_space<vmem>>[vector<16xi32>], vector<16xi32>,
      %get3A_801 = arith.constant 1968 : index
      %get3A_802 = tpu.vector_load %arg6[%get3A_801] {strides = array<i32>} : memref<4096xi32, #tpu.memory_space<vmem>>, vector<16xi32>,
      tpu.vector_store_idx %arg4[%get3A_802], %broadcast_in_dim3A_5 {add = true} : memref<38912xi32, #tpu.memory_space<vmem>>[vector<16xi32>], vector<16xi32>,
      %get3A_803 = arith.constant 1984 : index
      %get3A_804 = tpu.vector_load %arg6[%get3A_803] {strides = array<i32>} : memref<4096xi32, #tpu.memory_space<vmem>>, vector<16xi32>,
      tpu.vector_store_idx %arg4[%get3A_804], %broadcast_in_dim3A_5 {add = true} : memref<38912xi32, #tpu.memory_space<vmem>>[vector<16xi32>], vector<16xi32>,
      %get3A_805 = arith.constant 2000 : index
      %get3A_806 = tpu.vector_load %arg6[%get3A_805] {strides = array<i32>} : memref<4096xi32, #tpu.memory_space<vmem>>, vector<16xi32>,
      tpu.vector_store_idx %arg4[%get3A_806], %broadcast_in_dim3A_5 {add = true} : memref<38912xi32, #tpu.memory_space<vmem>>[vector<16xi32>], vector<16xi32>,
      %get3A_807 = arith.constant 2016 : index
      %get3A_808 = tpu.vector_load %arg6[%get3A_807] {strides = array<i32>} : memref<4096xi32, #tpu.memory_space<vmem>>, vector<16xi32>,
      tpu.vector_store_idx %arg4[%get3A_808], %broadcast_in_dim3A_5 {add = true} : memref<38912xi32, #tpu.memory_space<vmem>>[vector<16xi32>], vector<16xi32>,
      %get3A_809 = arith.constant 2032 : index
      %get3A_810 = tpu.vector_load %arg6[%get3A_809] {strides = array<i32>} : memref<4096xi32, #tpu.memory_space<vmem>>, vector<16xi32>,
      tpu.vector_store_idx %arg4[%get3A_810], %broadcast_in_dim3A_5 {add = true} : memref<38912xi32, #tpu.memory_space<vmem>>[vector<16xi32>], vector<16xi32>,
      %get3A_811 = arith.constant 2048 : index
      %get3A_812 = tpu.vector_load %arg6[%get3A_811] {strides = array<i32>} : memref<4096xi32, #tpu.memory_space<vmem>>, vector<16xi32>,
      tpu.vector_store_idx %arg4[%get3A_812], %broadcast_in_dim3A_5 {add = true} : memref<38912xi32, #tpu.memory_space<vmem>>[vector<16xi32>], vector<16xi32>,
      %get3A_813 = arith.constant 2064 : index
      %get3A_814 = tpu.vector_load %arg6[%get3A_813] {strides = array<i32>} : memref<4096xi32, #tpu.memory_space<vmem>>, vector<16xi32>,
      tpu.vector_store_idx %arg4[%get3A_814], %broadcast_in_dim3A_5 {add = true} : memref<38912xi32, #tpu.memory_space<vmem>>[vector<16xi32>], vector<16xi32>,
      %get3A_815 = arith.constant 2080 : index
      %get3A_816 = tpu.vector_load %arg6[%get3A_815] {strides = array<i32>} : memref<4096xi32, #tpu.memory_space<vmem>>, vector<16xi32>,
      tpu.vector_store_idx %arg4[%get3A_816], %broadcast_in_dim3A_5 {add = true} : memref<38912xi32, #tpu.memory_space<vmem>>[vector<16xi32>], vector<16xi32>,
      %get3A_817 = arith.constant 2096 : index
      %get3A_818 = tpu.vector_load %arg6[%get3A_817] {strides = array<i32>} : memref<4096xi32, #tpu.memory_space<vmem>>, vector<16xi32>,
      tpu.vector_store_idx %arg4[%get3A_818], %broadcast_in_dim3A_5 {add = true} : memref<38912xi32, #tpu.memory_space<vmem>>[vector<16xi32>], vector<16xi32>,
      %get3A_819 = arith.constant 2112 : index
      %get3A_820 = tpu.vector_load %arg6[%get3A_819] {strides = array<i32>} : memref<4096xi32, #tpu.memory_space<vmem>>, vector<16xi32>,
      tpu.vector_store_idx %arg4[%get3A_820], %broadcast_in_dim3A_5 {add = true} : memref<38912xi32, #tpu.memory_space<vmem>>[vector<16xi32>], vector<16xi32>,
      %get3A_821 = arith.constant 2128 : index
      %get3A_822 = tpu.vector_load %arg6[%get3A_821] {strides = array<i32>} : memref<4096xi32, #tpu.memory_space<vmem>>, vector<16xi32>,
      tpu.vector_store_idx %arg4[%get3A_822], %broadcast_in_dim3A_5 {add = true} : memref<38912xi32, #tpu.memory_space<vmem>>[vector<16xi32>], vector<16xi32>,
      %get3A_823 = arith.constant 2144 : index
      %get3A_824 = tpu.vector_load %arg6[%get3A_823] {strides = array<i32>} : memref<4096xi32, #tpu.memory_space<vmem>>, vector<16xi32>,
      tpu.vector_store_idx %arg4[%get3A_824], %broadcast_in_dim3A_5 {add = true} : memref<38912xi32, #tpu.memory_space<vmem>>[vector<16xi32>], vector<16xi32>,
      %get3A_825 = arith.constant 2160 : index
      %get3A_826 = tpu.vector_load %arg6[%get3A_825] {strides = array<i32>} : memref<4096xi32, #tpu.memory_space<vmem>>, vector<16xi32>,
      tpu.vector_store_idx %arg4[%get3A_826], %broadcast_in_dim3A_5 {add = true} : memref<38912xi32, #tpu.memory_space<vmem>>[vector<16xi32>], vector<16xi32>,
      %get3A_827 = arith.constant 2176 : index
      %get3A_828 = tpu.vector_load %arg6[%get3A_827] {strides = array<i32>} : memref<4096xi32, #tpu.memory_space<vmem>>, vector<16xi32>,
      tpu.vector_store_idx %arg4[%get3A_828], %broadcast_in_dim3A_5 {add = true} : memref<38912xi32, #tpu.memory_space<vmem>>[vector<16xi32>], vector<16xi32>,
      %get3A_829 = arith.constant 2192 : index
      %get3A_830 = tpu.vector_load %arg6[%get3A_829] {strides = array<i32>} : memref<4096xi32, #tpu.memory_space<vmem>>, vector<16xi32>,
      tpu.vector_store_idx %arg4[%get3A_830], %broadcast_in_dim3A_5 {add = true} : memref<38912xi32, #tpu.memory_space<vmem>>[vector<16xi32>], vector<16xi32>,
      %get3A_831 = arith.constant 2208 : index
      %get3A_832 = tpu.vector_load %arg6[%get3A_831] {strides = array<i32>} : memref<4096xi32, #tpu.memory_space<vmem>>, vector<16xi32>,
      tpu.vector_store_idx %arg4[%get3A_832], %broadcast_in_dim3A_5 {add = true} : memref<38912xi32, #tpu.memory_space<vmem>>[vector<16xi32>], vector<16xi32>,
      %get3A_833 = arith.constant 2224 : index
      %get3A_834 = tpu.vector_load %arg6[%get3A_833] {strides = array<i32>} : memref<4096xi32, #tpu.memory_space<vmem>>, vector<16xi32>,
      tpu.vector_store_idx %arg4[%get3A_834], %broadcast_in_dim3A_5 {add = true} : memref<38912xi32, #tpu.memory_space<vmem>>[vector<16xi32>], vector<16xi32>,
      %get3A_835 = arith.constant 2240 : index
      %get3A_836 = tpu.vector_load %arg6[%get3A_835] {strides = array<i32>} : memref<4096xi32, #tpu.memory_space<vmem>>, vector<16xi32>,
      tpu.vector_store_idx %arg4[%get3A_836], %broadcast_in_dim3A_5 {add = true} : memref<38912xi32, #tpu.memory_space<vmem>>[vector<16xi32>], vector<16xi32>,
      %get3A_837 = arith.constant 2256 : index
      %get3A_838 = tpu.vector_load %arg6[%get3A_837] {strides = array<i32>} : memref<4096xi32, #tpu.memory_space<vmem>>, vector<16xi32>,
      tpu.vector_store_idx %arg4[%get3A_838], %broadcast_in_dim3A_5 {add = true} : memref<38912xi32, #tpu.memory_space<vmem>>[vector<16xi32>], vector<16xi32>,
      %get3A_839 = arith.constant 2272 : index
      %get3A_840 = tpu.vector_load %arg6[%get3A_839] {strides = array<i32>} : memref<4096xi32, #tpu.memory_space<vmem>>, vector<16xi32>,
      tpu.vector_store_idx %arg4[%get3A_840], %broadcast_in_dim3A_5 {add = true} : memref<38912xi32, #tpu.memory_space<vmem>>[vector<16xi32>], vector<16xi32>,
      %get3A_841 = arith.constant 2288 : index
      %get3A_842 = tpu.vector_load %arg6[%get3A_841] {strides = array<i32>} : memref<4096xi32, #tpu.memory_space<vmem>>, vector<16xi32>,
      tpu.vector_store_idx %arg4[%get3A_842], %broadcast_in_dim3A_5 {add = true} : memref<38912xi32, #tpu.memory_space<vmem>>[vector<16xi32>], vector<16xi32>,
      %get3A_843 = arith.constant 2304 : index
      %get3A_844 = tpu.vector_load %arg6[%get3A_843] {strides = array<i32>} : memref<4096xi32, #tpu.memory_space<vmem>>, vector<16xi32>,
      tpu.vector_store_idx %arg4[%get3A_844], %broadcast_in_dim3A_5 {add = true} : memref<38912xi32, #tpu.memory_space<vmem>>[vector<16xi32>], vector<16xi32>,
      %get3A_845 = arith.constant 2320 : index
      %get3A_846 = tpu.vector_load %arg6[%get3A_845] {strides = array<i32>} : memref<4096xi32, #tpu.memory_space<vmem>>, vector<16xi32>,
      tpu.vector_store_idx %arg4[%get3A_846], %broadcast_in_dim3A_5 {add = true} : memref<38912xi32, #tpu.memory_space<vmem>>[vector<16xi32>], vector<16xi32>,
      %get3A_847 = arith.constant 2336 : index
      %get3A_848 = tpu.vector_load %arg6[%get3A_847] {strides = array<i32>} : memref<4096xi32, #tpu.memory_space<vmem>>, vector<16xi32>,
      tpu.vector_store_idx %arg4[%get3A_848], %broadcast_in_dim3A_5 {add = true} : memref<38912xi32, #tpu.memory_space<vmem>>[vector<16xi32>], vector<16xi32>,
      %get3A_849 = arith.constant 2352 : index
      %get3A_850 = tpu.vector_load %arg6[%get3A_849] {strides = array<i32>} : memref<4096xi32, #tpu.memory_space<vmem>>, vector<16xi32>,
      tpu.vector_store_idx %arg4[%get3A_850], %broadcast_in_dim3A_5 {add = true} : memref<38912xi32, #tpu.memory_space<vmem>>[vector<16xi32>], vector<16xi32>,
      %get3A_851 = arith.constant 2368 : index
      %get3A_852 = tpu.vector_load %arg6[%get3A_851] {strides = array<i32>} : memref<4096xi32, #tpu.memory_space<vmem>>, vector<16xi32>,
      tpu.vector_store_idx %arg4[%get3A_852], %broadcast_in_dim3A_5 {add = true} : memref<38912xi32, #tpu.memory_space<vmem>>[vector<16xi32>], vector<16xi32>,
      %get3A_853 = arith.constant 2384 : index
      %get3A_854 = tpu.vector_load %arg6[%get3A_853] {strides = array<i32>} : memref<4096xi32, #tpu.memory_space<vmem>>, vector<16xi32>,
      tpu.vector_store_idx %arg4[%get3A_854], %broadcast_in_dim3A_5 {add = true} : memref<38912xi32, #tpu.memory_space<vmem>>[vector<16xi32>], vector<16xi32>,
      %get3A_855 = arith.constant 2400 : index
      %get3A_856 = tpu.vector_load %arg6[%get3A_855] {strides = array<i32>} : memref<4096xi32, #tpu.memory_space<vmem>>, vector<16xi32>,
      tpu.vector_store_idx %arg4[%get3A_856], %broadcast_in_dim3A_5 {add = true} : memref<38912xi32, #tpu.memory_space<vmem>>[vector<16xi32>], vector<16xi32>,
      %get3A_857 = arith.constant 2416 : index
      %get3A_858 = tpu.vector_load %arg6[%get3A_857] {strides = array<i32>} : memref<4096xi32, #tpu.memory_space<vmem>>, vector<16xi32>,
      tpu.vector_store_idx %arg4[%get3A_858], %broadcast_in_dim3A_5 {add = true} : memref<38912xi32, #tpu.memory_space<vmem>>[vector<16xi32>], vector<16xi32>,
      %get3A_859 = arith.constant 2432 : index
      %get3A_860 = tpu.vector_load %arg6[%get3A_859] {strides = array<i32>} : memref<4096xi32, #tpu.memory_space<vmem>>, vector<16xi32>,
      tpu.vector_store_idx %arg4[%get3A_860], %broadcast_in_dim3A_5 {add = true} : memref<38912xi32, #tpu.memory_space<vmem>>[vector<16xi32>], vector<16xi32>,
      %get3A_861 = arith.constant 2448 : index
      %get3A_862 = tpu.vector_load %arg6[%get3A_861] {strides = array<i32>} : memref<4096xi32, #tpu.memory_space<vmem>>, vector<16xi32>,
      tpu.vector_store_idx %arg4[%get3A_862], %broadcast_in_dim3A_5 {add = true} : memref<38912xi32, #tpu.memory_space<vmem>>[vector<16xi32>], vector<16xi32>,
      %get3A_863 = arith.constant 2464 : index
      %get3A_864 = tpu.vector_load %arg6[%get3A_863] {strides = array<i32>} : memref<4096xi32, #tpu.memory_space<vmem>>, vector<16xi32>,
      tpu.vector_store_idx %arg4[%get3A_864], %broadcast_in_dim3A_5 {add = true} : memref<38912xi32, #tpu.memory_space<vmem>>[vector<16xi32>], vector<16xi32>,
      %get3A_865 = arith.constant 2480 : index
      %get3A_866 = tpu.vector_load %arg6[%get3A_865] {strides = array<i32>} : memref<4096xi32, #tpu.memory_space<vmem>>, vector<16xi32>,
      tpu.vector_store_idx %arg4[%get3A_866], %broadcast_in_dim3A_5 {add = true} : memref<38912xi32, #tpu.memory_space<vmem>>[vector<16xi32>], vector<16xi32>,
      %get3A_867 = arith.constant 2496 : index
      %get3A_868 = tpu.vector_load %arg6[%get3A_867] {strides = array<i32>} : memref<4096xi32, #tpu.memory_space<vmem>>, vector<16xi32>,
      tpu.vector_store_idx %arg4[%get3A_868], %broadcast_in_dim3A_5 {add = true} : memref<38912xi32, #tpu.memory_space<vmem>>[vector<16xi32>], vector<16xi32>,
      %get3A_869 = arith.constant 2512 : index
      %get3A_870 = tpu.vector_load %arg6[%get3A_869] {strides = array<i32>} : memref<4096xi32, #tpu.memory_space<vmem>>, vector<16xi32>,
      tpu.vector_store_idx %arg4[%get3A_870], %broadcast_in_dim3A_5 {add = true} : memref<38912xi32, #tpu.memory_space<vmem>>[vector<16xi32>], vector<16xi32>,
      %get3A_871 = arith.constant 2528 : index
      %get3A_872 = tpu.vector_load %arg6[%get3A_871] {strides = array<i32>} : memref<4096xi32, #tpu.memory_space<vmem>>, vector<16xi32>,
      tpu.vector_store_idx %arg4[%get3A_872], %broadcast_in_dim3A_5 {add = true} : memref<38912xi32, #tpu.memory_space<vmem>>[vector<16xi32>], vector<16xi32>,
      %get3A_873 = arith.constant 2544 : index
      %get3A_874 = tpu.vector_load %arg6[%get3A_873] {strides = array<i32>} : memref<4096xi32, #tpu.memory_space<vmem>>, vector<16xi32>,
      tpu.vector_store_idx %arg4[%get3A_874], %broadcast_in_dim3A_5 {add = true} : memref<38912xi32, #tpu.memory_space<vmem>>[vector<16xi32>], vector<16xi32>,
      %get3A_875 = arith.constant 2560 : index
      %get3A_876 = tpu.vector_load %arg6[%get3A_875] {strides = array<i32>} : memref<4096xi32, #tpu.memory_space<vmem>>, vector<16xi32>,
      tpu.vector_store_idx %arg4[%get3A_876], %broadcast_in_dim3A_5 {add = true} : memref<38912xi32, #tpu.memory_space<vmem>>[vector<16xi32>], vector<16xi32>,
      %get3A_877 = arith.constant 2576 : index
      %get3A_878 = tpu.vector_load %arg6[%get3A_877] {strides = array<i32>} : memref<4096xi32, #tpu.memory_space<vmem>>, vector<16xi32>,
      tpu.vector_store_idx %arg4[%get3A_878], %broadcast_in_dim3A_5 {add = true} : memref<38912xi32, #tpu.memory_space<vmem>>[vector<16xi32>], vector<16xi32>,
      %get3A_879 = arith.constant 2592 : index
      %get3A_880 = tpu.vector_load %arg6[%get3A_879] {strides = array<i32>} : memref<4096xi32, #tpu.memory_space<vmem>>, vector<16xi32>,
      tpu.vector_store_idx %arg4[%get3A_880], %broadcast_in_dim3A_5 {add = true} : memref<38912xi32, #tpu.memory_space<vmem>>[vector<16xi32>], vector<16xi32>,
      %get3A_881 = arith.constant 2608 : index
      %get3A_882 = tpu.vector_load %arg6[%get3A_881] {strides = array<i32>} : memref<4096xi32, #tpu.memory_space<vmem>>, vector<16xi32>,
      tpu.vector_store_idx %arg4[%get3A_882], %broadcast_in_dim3A_5 {add = true} : memref<38912xi32, #tpu.memory_space<vmem>>[vector<16xi32>], vector<16xi32>,
      %get3A_883 = arith.constant 2624 : index
      %get3A_884 = tpu.vector_load %arg6[%get3A_883] {strides = array<i32>} : memref<4096xi32, #tpu.memory_space<vmem>>, vector<16xi32>,
      tpu.vector_store_idx %arg4[%get3A_884], %broadcast_in_dim3A_5 {add = true} : memref<38912xi32, #tpu.memory_space<vmem>>[vector<16xi32>], vector<16xi32>,
      %get3A_885 = arith.constant 2640 : index
      %get3A_886 = tpu.vector_load %arg6[%get3A_885] {strides = array<i32>} : memref<4096xi32, #tpu.memory_space<vmem>>, vector<16xi32>,
      tpu.vector_store_idx %arg4[%get3A_886], %broadcast_in_dim3A_5 {add = true} : memref<38912xi32, #tpu.memory_space<vmem>>[vector<16xi32>], vector<16xi32>,
      %get3A_887 = arith.constant 2656 : index
      %get3A_888 = tpu.vector_load %arg6[%get3A_887] {strides = array<i32>} : memref<4096xi32, #tpu.memory_space<vmem>>, vector<16xi32>,
      tpu.vector_store_idx %arg4[%get3A_888], %broadcast_in_dim3A_5 {add = true} : memref<38912xi32, #tpu.memory_space<vmem>>[vector<16xi32>], vector<16xi32>,
      %get3A_889 = arith.constant 2672 : index
      %get3A_890 = tpu.vector_load %arg6[%get3A_889] {strides = array<i32>} : memref<4096xi32, #tpu.memory_space<vmem>>, vector<16xi32>,
      tpu.vector_store_idx %arg4[%get3A_890], %broadcast_in_dim3A_5 {add = true} : memref<38912xi32, #tpu.memory_space<vmem>>[vector<16xi32>], vector<16xi32>,
      %get3A_891 = arith.constant 2688 : index
      %get3A_892 = tpu.vector_load %arg6[%get3A_891] {strides = array<i32>} : memref<4096xi32, #tpu.memory_space<vmem>>, vector<16xi32>,
      tpu.vector_store_idx %arg4[%get3A_892], %broadcast_in_dim3A_5 {add = true} : memref<38912xi32, #tpu.memory_space<vmem>>[vector<16xi32>], vector<16xi32>,
      %get3A_893 = arith.constant 2704 : index
      %get3A_894 = tpu.vector_load %arg6[%get3A_893] {strides = array<i32>} : memref<4096xi32, #tpu.memory_space<vmem>>, vector<16xi32>,
      tpu.vector_store_idx %arg4[%get3A_894], %broadcast_in_dim3A_5 {add = true} : memref<38912xi32, #tpu.memory_space<vmem>>[vector<16xi32>], vector<16xi32>,
      %get3A_895 = arith.constant 2720 : index
      %get3A_896 = tpu.vector_load %arg6[%get3A_895] {strides = array<i32>} : memref<4096xi32, #tpu.memory_space<vmem>>, vector<16xi32>,
      tpu.vector_store_idx %arg4[%get3A_896], %broadcast_in_dim3A_5 {add = true} : memref<38912xi32, #tpu.memory_space<vmem>>[vector<16xi32>], vector<16xi32>,
      %get3A_897 = arith.constant 2736 : index
      %get3A_898 = tpu.vector_load %arg6[%get3A_897] {strides = array<i32>} : memref<4096xi32, #tpu.memory_space<vmem>>, vector<16xi32>,
      tpu.vector_store_idx %arg4[%get3A_898], %broadcast_in_dim3A_5 {add = true} : memref<38912xi32, #tpu.memory_space<vmem>>[vector<16xi32>], vector<16xi32>,
      %get3A_899 = arith.constant 2752 : index
      %get3A_900 = tpu.vector_load %arg6[%get3A_899] {strides = array<i32>} : memref<4096xi32, #tpu.memory_space<vmem>>, vector<16xi32>,
      tpu.vector_store_idx %arg4[%get3A_900], %broadcast_in_dim3A_5 {add = true} : memref<38912xi32, #tpu.memory_space<vmem>>[vector<16xi32>], vector<16xi32>,
      %get3A_901 = arith.constant 2768 : index
      %get3A_902 = tpu.vector_load %arg6[%get3A_901] {strides = array<i32>} : memref<4096xi32, #tpu.memory_space<vmem>>, vector<16xi32>,
      tpu.vector_store_idx %arg4[%get3A_902], %broadcast_in_dim3A_5 {add = true} : memref<38912xi32, #tpu.memory_space<vmem>>[vector<16xi32>], vector<16xi32>,
      %get3A_903 = arith.constant 2784 : index
      %get3A_904 = tpu.vector_load %arg6[%get3A_903] {strides = array<i32>} : memref<4096xi32, #tpu.memory_space<vmem>>, vector<16xi32>,
      tpu.vector_store_idx %arg4[%get3A_904], %broadcast_in_dim3A_5 {add = true} : memref<38912xi32, #tpu.memory_space<vmem>>[vector<16xi32>], vector<16xi32>,
      %get3A_905 = arith.constant 2800 : index
      %get3A_906 = tpu.vector_load %arg6[%get3A_905] {strides = array<i32>} : memref<4096xi32, #tpu.memory_space<vmem>>, vector<16xi32>,
      tpu.vector_store_idx %arg4[%get3A_906], %broadcast_in_dim3A_5 {add = true} : memref<38912xi32, #tpu.memory_space<vmem>>[vector<16xi32>], vector<16xi32>,
      %get3A_907 = arith.constant 2816 : index
      %get3A_908 = tpu.vector_load %arg6[%get3A_907] {strides = array<i32>} : memref<4096xi32, #tpu.memory_space<vmem>>, vector<16xi32>,
      tpu.vector_store_idx %arg4[%get3A_908], %broadcast_in_dim3A_5 {add = true} : memref<38912xi32, #tpu.memory_space<vmem>>[vector<16xi32>], vector<16xi32>,
      %get3A_909 = arith.constant 2832 : index
      %get3A_910 = tpu.vector_load %arg6[%get3A_909] {strides = array<i32>} : memref<4096xi32, #tpu.memory_space<vmem>>, vector<16xi32>,
      tpu.vector_store_idx %arg4[%get3A_910], %broadcast_in_dim3A_5 {add = true} : memref<38912xi32, #tpu.memory_space<vmem>>[vector<16xi32>], vector<16xi32>,
      %get3A_911 = arith.constant 2848 : index
      %get3A_912 = tpu.vector_load %arg6[%get3A_911] {strides = array<i32>} : memref<4096xi32, #tpu.memory_space<vmem>>, vector<16xi32>,
      tpu.vector_store_idx %arg4[%get3A_912], %broadcast_in_dim3A_5 {add = true} : memref<38912xi32, #tpu.memory_space<vmem>>[vector<16xi32>], vector<16xi32>,
      %get3A_913 = arith.constant 2864 : index
      %get3A_914 = tpu.vector_load %arg6[%get3A_913] {strides = array<i32>} : memref<4096xi32, #tpu.memory_space<vmem>>, vector<16xi32>,
      tpu.vector_store_idx %arg4[%get3A_914], %broadcast_in_dim3A_5 {add = true} : memref<38912xi32, #tpu.memory_space<vmem>>[vector<16xi32>], vector<16xi32>,
      %get3A_915 = arith.constant 2880 : index
      %get3A_916 = tpu.vector_load %arg6[%get3A_915] {strides = array<i32>} : memref<4096xi32, #tpu.memory_space<vmem>>, vector<16xi32>,
      tpu.vector_store_idx %arg4[%get3A_916], %broadcast_in_dim3A_5 {add = true} : memref<38912xi32, #tpu.memory_space<vmem>>[vector<16xi32>], vector<16xi32>,
      %get3A_917 = arith.constant 2896 : index
      %get3A_918 = tpu.vector_load %arg6[%get3A_917] {strides = array<i32>} : memref<4096xi32, #tpu.memory_space<vmem>>, vector<16xi32>,
      tpu.vector_store_idx %arg4[%get3A_918], %broadcast_in_dim3A_5 {add = true} : memref<38912xi32, #tpu.memory_space<vmem>>[vector<16xi32>], vector<16xi32>,
      %get3A_919 = arith.constant 2912 : index
      %get3A_920 = tpu.vector_load %arg6[%get3A_919] {strides = array<i32>} : memref<4096xi32, #tpu.memory_space<vmem>>, vector<16xi32>,
      tpu.vector_store_idx %arg4[%get3A_920], %broadcast_in_dim3A_5 {add = true} : memref<38912xi32, #tpu.memory_space<vmem>>[vector<16xi32>], vector<16xi32>,
      %get3A_921 = arith.constant 2928 : index
      %get3A_922 = tpu.vector_load %arg6[%get3A_921] {strides = array<i32>} : memref<4096xi32, #tpu.memory_space<vmem>>, vector<16xi32>,
      tpu.vector_store_idx %arg4[%get3A_922], %broadcast_in_dim3A_5 {add = true} : memref<38912xi32, #tpu.memory_space<vmem>>[vector<16xi32>], vector<16xi32>,
      %get3A_923 = arith.constant 2944 : index
      %get3A_924 = tpu.vector_load %arg6[%get3A_923] {strides = array<i32>} : memref<4096xi32, #tpu.memory_space<vmem>>, vector<16xi32>,
      tpu.vector_store_idx %arg4[%get3A_924], %broadcast_in_dim3A_5 {add = true} : memref<38912xi32, #tpu.memory_space<vmem>>[vector<16xi32>], vector<16xi32>,
      %get3A_925 = arith.constant 2960 : index
      %get3A_926 = tpu.vector_load %arg6[%get3A_925] {strides = array<i32>} : memref<4096xi32, #tpu.memory_space<vmem>>, vector<16xi32>,
      tpu.vector_store_idx %arg4[%get3A_926], %broadcast_in_dim3A_5 {add = true} : memref<38912xi32, #tpu.memory_space<vmem>>[vector<16xi32>], vector<16xi32>,
      %get3A_927 = arith.constant 2976 : index
      %get3A_928 = tpu.vector_load %arg6[%get3A_927] {strides = array<i32>} : memref<4096xi32, #tpu.memory_space<vmem>>, vector<16xi32>,
      tpu.vector_store_idx %arg4[%get3A_928], %broadcast_in_dim3A_5 {add = true} : memref<38912xi32, #tpu.memory_space<vmem>>[vector<16xi32>], vector<16xi32>,
      %get3A_929 = arith.constant 2992 : index
      %get3A_930 = tpu.vector_load %arg6[%get3A_929] {strides = array<i32>} : memref<4096xi32, #tpu.memory_space<vmem>>, vector<16xi32>,
      tpu.vector_store_idx %arg4[%get3A_930], %broadcast_in_dim3A_5 {add = true} : memref<38912xi32, #tpu.memory_space<vmem>>[vector<16xi32>], vector<16xi32>,
      %get3A_931 = arith.constant 3008 : index
      %get3A_932 = tpu.vector_load %arg6[%get3A_931] {strides = array<i32>} : memref<4096xi32, #tpu.memory_space<vmem>>, vector<16xi32>,
      tpu.vector_store_idx %arg4[%get3A_932], %broadcast_in_dim3A_5 {add = true} : memref<38912xi32, #tpu.memory_space<vmem>>[vector<16xi32>], vector<16xi32>,
      %get3A_933 = arith.constant 3024 : index
      %get3A_934 = tpu.vector_load %arg6[%get3A_933] {strides = array<i32>} : memref<4096xi32, #tpu.memory_space<vmem>>, vector<16xi32>,
      tpu.vector_store_idx %arg4[%get3A_934], %broadcast_in_dim3A_5 {add = true} : memref<38912xi32, #tpu.memory_space<vmem>>[vector<16xi32>], vector<16xi32>,
      %get3A_935 = arith.constant 3040 : index
      %get3A_936 = tpu.vector_load %arg6[%get3A_935] {strides = array<i32>} : memref<4096xi32, #tpu.memory_space<vmem>>, vector<16xi32>,
      tpu.vector_store_idx %arg4[%get3A_936], %broadcast_in_dim3A_5 {add = true} : memref<38912xi32, #tpu.memory_space<vmem>>[vector<16xi32>], vector<16xi32>,
      %get3A_937 = arith.constant 3056 : index
      %get3A_938 = tpu.vector_load %arg6[%get3A_937] {strides = array<i32>} : memref<4096xi32, #tpu.memory_space<vmem>>, vector<16xi32>,
      tpu.vector_store_idx %arg4[%get3A_938], %broadcast_in_dim3A_5 {add = true} : memref<38912xi32, #tpu.memory_space<vmem>>[vector<16xi32>], vector<16xi32>,
      %get3A_939 = arith.constant 3072 : index
      %get3A_940 = tpu.vector_load %arg6[%get3A_939] {strides = array<i32>} : memref<4096xi32, #tpu.memory_space<vmem>>, vector<16xi32>,
      tpu.vector_store_idx %arg4[%get3A_940], %broadcast_in_dim3A_5 {add = true} : memref<38912xi32, #tpu.memory_space<vmem>>[vector<16xi32>], vector<16xi32>,
      %get3A_941 = arith.constant 3088 : index
      %get3A_942 = tpu.vector_load %arg6[%get3A_941] {strides = array<i32>} : memref<4096xi32, #tpu.memory_space<vmem>>, vector<16xi32>,
      tpu.vector_store_idx %arg4[%get3A_942], %broadcast_in_dim3A_5 {add = true} : memref<38912xi32, #tpu.memory_space<vmem>>[vector<16xi32>], vector<16xi32>,
      %get3A_943 = arith.constant 3104 : index
      %get3A_944 = tpu.vector_load %arg6[%get3A_943] {strides = array<i32>} : memref<4096xi32, #tpu.memory_space<vmem>>, vector<16xi32>,
      tpu.vector_store_idx %arg4[%get3A_944], %broadcast_in_dim3A_5 {add = true} : memref<38912xi32, #tpu.memory_space<vmem>>[vector<16xi32>], vector<16xi32>,
      %get3A_945 = arith.constant 3120 : index
      %get3A_946 = tpu.vector_load %arg6[%get3A_945] {strides = array<i32>} : memref<4096xi32, #tpu.memory_space<vmem>>, vector<16xi32>,
      tpu.vector_store_idx %arg4[%get3A_946], %broadcast_in_dim3A_5 {add = true} : memref<38912xi32, #tpu.memory_space<vmem>>[vector<16xi32>], vector<16xi32>,
      %get3A_947 = arith.constant 3136 : index
      %get3A_948 = tpu.vector_load %arg6[%get3A_947] {strides = array<i32>} : memref<4096xi32, #tpu.memory_space<vmem>>, vector<16xi32>,
      tpu.vector_store_idx %arg4[%get3A_948], %broadcast_in_dim3A_5 {add = true} : memref<38912xi32, #tpu.memory_space<vmem>>[vector<16xi32>], vector<16xi32>,
      %get3A_949 = arith.constant 3152 : index
      %get3A_950 = tpu.vector_load %arg6[%get3A_949] {strides = array<i32>} : memref<4096xi32, #tpu.memory_space<vmem>>, vector<16xi32>,
      tpu.vector_store_idx %arg4[%get3A_950], %broadcast_in_dim3A_5 {add = true} : memref<38912xi32, #tpu.memory_space<vmem>>[vector<16xi32>], vector<16xi32>,
      %get3A_951 = arith.constant 3168 : index
      %get3A_952 = tpu.vector_load %arg6[%get3A_951] {strides = array<i32>} : memref<4096xi32, #tpu.memory_space<vmem>>, vector<16xi32>,
      tpu.vector_store_idx %arg4[%get3A_952], %broadcast_in_dim3A_5 {add = true} : memref<38912xi32, #tpu.memory_space<vmem>>[vector<16xi32>], vector<16xi32>,
      %get3A_953 = arith.constant 3184 : index
      %get3A_954 = tpu.vector_load %arg6[%get3A_953] {strides = array<i32>} : memref<4096xi32, #tpu.memory_space<vmem>>, vector<16xi32>,
      tpu.vector_store_idx %arg4[%get3A_954], %broadcast_in_dim3A_5 {add = true} : memref<38912xi32, #tpu.memory_space<vmem>>[vector<16xi32>], vector<16xi32>,
      %get3A_955 = arith.constant 3200 : index
      %get3A_956 = tpu.vector_load %arg6[%get3A_955] {strides = array<i32>} : memref<4096xi32, #tpu.memory_space<vmem>>, vector<16xi32>,
      tpu.vector_store_idx %arg4[%get3A_956], %broadcast_in_dim3A_5 {add = true} : memref<38912xi32, #tpu.memory_space<vmem>>[vector<16xi32>], vector<16xi32>,
      %get3A_957 = arith.constant 3216 : index
      %get3A_958 = tpu.vector_load %arg6[%get3A_957] {strides = array<i32>} : memref<4096xi32, #tpu.memory_space<vmem>>, vector<16xi32>,
      tpu.vector_store_idx %arg4[%get3A_958], %broadcast_in_dim3A_5 {add = true} : memref<38912xi32, #tpu.memory_space<vmem>>[vector<16xi32>], vector<16xi32>,
      %get3A_959 = arith.constant 3232 : index
      %get3A_960 = tpu.vector_load %arg6[%get3A_959] {strides = array<i32>} : memref<4096xi32, #tpu.memory_space<vmem>>, vector<16xi32>,
      tpu.vector_store_idx %arg4[%get3A_960], %broadcast_in_dim3A_5 {add = true} : memref<38912xi32, #tpu.memory_space<vmem>>[vector<16xi32>], vector<16xi32>,
      %get3A_961 = arith.constant 3248 : index
      %get3A_962 = tpu.vector_load %arg6[%get3A_961] {strides = array<i32>} : memref<4096xi32, #tpu.memory_space<vmem>>, vector<16xi32>,
      tpu.vector_store_idx %arg4[%get3A_962], %broadcast_in_dim3A_5 {add = true} : memref<38912xi32, #tpu.memory_space<vmem>>[vector<16xi32>], vector<16xi32>,
      %get3A_963 = arith.constant 3264 : index
      %get3A_964 = tpu.vector_load %arg6[%get3A_963] {strides = array<i32>} : memref<4096xi32, #tpu.memory_space<vmem>>, vector<16xi32>,
      tpu.vector_store_idx %arg4[%get3A_964], %broadcast_in_dim3A_5 {add = true} : memref<38912xi32, #tpu.memory_space<vmem>>[vector<16xi32>], vector<16xi32>,
      %get3A_965 = arith.constant 3280 : index
      %get3A_966 = tpu.vector_load %arg6[%get3A_965] {strides = array<i32>} : memref<4096xi32, #tpu.memory_space<vmem>>, vector<16xi32>,
      tpu.vector_store_idx %arg4[%get3A_966], %broadcast_in_dim3A_5 {add = true} : memref<38912xi32, #tpu.memory_space<vmem>>[vector<16xi32>], vector<16xi32>,
      %get3A_967 = arith.constant 3296 : index
      %get3A_968 = tpu.vector_load %arg6[%get3A_967] {strides = array<i32>} : memref<4096xi32, #tpu.memory_space<vmem>>, vector<16xi32>,
      tpu.vector_store_idx %arg4[%get3A_968], %broadcast_in_dim3A_5 {add = true} : memref<38912xi32, #tpu.memory_space<vmem>>[vector<16xi32>], vector<16xi32>,
      %get3A_969 = arith.constant 3312 : index
      %get3A_970 = tpu.vector_load %arg6[%get3A_969] {strides = array<i32>} : memref<4096xi32, #tpu.memory_space<vmem>>, vector<16xi32>,
      tpu.vector_store_idx %arg4[%get3A_970], %broadcast_in_dim3A_5 {add = true} : memref<38912xi32, #tpu.memory_space<vmem>>[vector<16xi32>], vector<16xi32>,
      %get3A_971 = arith.constant 3328 : index
      %get3A_972 = tpu.vector_load %arg6[%get3A_971] {strides = array<i32>} : memref<4096xi32, #tpu.memory_space<vmem>>, vector<16xi32>,
      tpu.vector_store_idx %arg4[%get3A_972], %broadcast_in_dim3A_5 {add = true} : memref<38912xi32, #tpu.memory_space<vmem>>[vector<16xi32>], vector<16xi32>,
      %get3A_973 = arith.constant 3344 : index
      %get3A_974 = tpu.vector_load %arg6[%get3A_973] {strides = array<i32>} : memref<4096xi32, #tpu.memory_space<vmem>>, vector<16xi32>,
      tpu.vector_store_idx %arg4[%get3A_974], %broadcast_in_dim3A_5 {add = true} : memref<38912xi32, #tpu.memory_space<vmem>>[vector<16xi32>], vector<16xi32>,
      %get3A_975 = arith.constant 3360 : index
      %get3A_976 = tpu.vector_load %arg6[%get3A_975] {strides = array<i32>} : memref<4096xi32, #tpu.memory_space<vmem>>, vector<16xi32>,
      tpu.vector_store_idx %arg4[%get3A_976], %broadcast_in_dim3A_5 {add = true} : memref<38912xi32, #tpu.memory_space<vmem>>[vector<16xi32>], vector<16xi32>,
      %get3A_977 = arith.constant 3376 : index
      %get3A_978 = tpu.vector_load %arg6[%get3A_977] {strides = array<i32>} : memref<4096xi32, #tpu.memory_space<vmem>>, vector<16xi32>,
      tpu.vector_store_idx %arg4[%get3A_978], %broadcast_in_dim3A_5 {add = true} : memref<38912xi32, #tpu.memory_space<vmem>>[vector<16xi32>], vector<16xi32>,
      %get3A_979 = arith.constant 3392 : index
      %get3A_980 = tpu.vector_load %arg6[%get3A_979] {strides = array<i32>} : memref<4096xi32, #tpu.memory_space<vmem>>, vector<16xi32>,
      tpu.vector_store_idx %arg4[%get3A_980], %broadcast_in_dim3A_5 {add = true} : memref<38912xi32, #tpu.memory_space<vmem>>[vector<16xi32>], vector<16xi32>,
      %get3A_981 = arith.constant 3408 : index
      %get3A_982 = tpu.vector_load %arg6[%get3A_981] {strides = array<i32>} : memref<4096xi32, #tpu.memory_space<vmem>>, vector<16xi32>,
      tpu.vector_store_idx %arg4[%get3A_982], %broadcast_in_dim3A_5 {add = true} : memref<38912xi32, #tpu.memory_space<vmem>>[vector<16xi32>], vector<16xi32>,
      %get3A_983 = arith.constant 3424 : index
      %get3A_984 = tpu.vector_load %arg6[%get3A_983] {strides = array<i32>} : memref<4096xi32, #tpu.memory_space<vmem>>, vector<16xi32>,
      tpu.vector_store_idx %arg4[%get3A_984], %broadcast_in_dim3A_5 {add = true} : memref<38912xi32, #tpu.memory_space<vmem>>[vector<16xi32>], vector<16xi32>,
      %get3A_985 = arith.constant 3440 : index
      %get3A_986 = tpu.vector_load %arg6[%get3A_985] {strides = array<i32>} : memref<4096xi32, #tpu.memory_space<vmem>>, vector<16xi32>,
      tpu.vector_store_idx %arg4[%get3A_986], %broadcast_in_dim3A_5 {add = true} : memref<38912xi32, #tpu.memory_space<vmem>>[vector<16xi32>], vector<16xi32>,
      %get3A_987 = arith.constant 3456 : index
      %get3A_988 = tpu.vector_load %arg6[%get3A_987] {strides = array<i32>} : memref<4096xi32, #tpu.memory_space<vmem>>, vector<16xi32>,
      tpu.vector_store_idx %arg4[%get3A_988], %broadcast_in_dim3A_5 {add = true} : memref<38912xi32, #tpu.memory_space<vmem>>[vector<16xi32>], vector<16xi32>,
      %get3A_989 = arith.constant 3472 : index
      %get3A_990 = tpu.vector_load %arg6[%get3A_989] {strides = array<i32>} : memref<4096xi32, #tpu.memory_space<vmem>>, vector<16xi32>,
      tpu.vector_store_idx %arg4[%get3A_990], %broadcast_in_dim3A_5 {add = true} : memref<38912xi32, #tpu.memory_space<vmem>>[vector<16xi32>], vector<16xi32>,
      %get3A_991 = arith.constant 3488 : index
      %get3A_992 = tpu.vector_load %arg6[%get3A_991] {strides = array<i32>} : memref<4096xi32, #tpu.memory_space<vmem>>, vector<16xi32>,
      tpu.vector_store_idx %arg4[%get3A_992], %broadcast_in_dim3A_5 {add = true} : memref<38912xi32, #tpu.memory_space<vmem>>[vector<16xi32>], vector<16xi32>,
      %get3A_993 = arith.constant 3504 : index
      %get3A_994 = tpu.vector_load %arg6[%get3A_993] {strides = array<i32>} : memref<4096xi32, #tpu.memory_space<vmem>>, vector<16xi32>,
      tpu.vector_store_idx %arg4[%get3A_994], %broadcast_in_dim3A_5 {add = true} : memref<38912xi32, #tpu.memory_space<vmem>>[vector<16xi32>], vector<16xi32>,
      %get3A_995 = arith.constant 3520 : index
      %get3A_996 = tpu.vector_load %arg6[%get3A_995] {strides = array<i32>} : memref<4096xi32, #tpu.memory_space<vmem>>, vector<16xi32>,
      tpu.vector_store_idx %arg4[%get3A_996], %broadcast_in_dim3A_5 {add = true} : memref<38912xi32, #tpu.memory_space<vmem>>[vector<16xi32>], vector<16xi32>,
      %get3A_997 = arith.constant 3536 : index
      %get3A_998 = tpu.vector_load %arg6[%get3A_997] {strides = array<i32>} : memref<4096xi32, #tpu.memory_space<vmem>>, vector<16xi32>,
      tpu.vector_store_idx %arg4[%get3A_998], %broadcast_in_dim3A_5 {add = true} : memref<38912xi32, #tpu.memory_space<vmem>>[vector<16xi32>], vector<16xi32>,
      %get3A_999 = arith.constant 3552 : index
      %get3A_1000 = tpu.vector_load %arg6[%get3A_999] {strides = array<i32>} : memref<4096xi32, #tpu.memory_space<vmem>>, vector<16xi32>,
      tpu.vector_store_idx %arg4[%get3A_1000], %broadcast_in_dim3A_5 {add = true} : memref<38912xi32, #tpu.memory_space<vmem>>[vector<16xi32>], vector<16xi32>,
      %get3A_1001 = arith.constant 3568 : index
      %get3A_1002 = tpu.vector_load %arg6[%get3A_1001] {strides = array<i32>} : memref<4096xi32, #tpu.memory_space<vmem>>, vector<16xi32>,
      tpu.vector_store_idx %arg4[%get3A_1002], %broadcast_in_dim3A_5 {add = true} : memref<38912xi32, #tpu.memory_space<vmem>>[vector<16xi32>], vector<16xi32>,
      %get3A_1003 = arith.constant 3584 : index
      %get3A_1004 = tpu.vector_load %arg6[%get3A_1003] {strides = array<i32>} : memref<4096xi32, #tpu.memory_space<vmem>>, vector<16xi32>,
      tpu.vector_store_idx %arg4[%get3A_1004], %broadcast_in_dim3A_5 {add = true} : memref<38912xi32, #tpu.memory_space<vmem>>[vector<16xi32>], vector<16xi32>,
      %get3A_1005 = arith.constant 3600 : index
      %get3A_1006 = tpu.vector_load %arg6[%get3A_1005] {strides = array<i32>} : memref<4096xi32, #tpu.memory_space<vmem>>, vector<16xi32>,
      tpu.vector_store_idx %arg4[%get3A_1006], %broadcast_in_dim3A_5 {add = true} : memref<38912xi32, #tpu.memory_space<vmem>>[vector<16xi32>], vector<16xi32>,
      %get3A_1007 = arith.constant 3616 : index
      %get3A_1008 = tpu.vector_load %arg6[%get3A_1007] {strides = array<i32>} : memref<4096xi32, #tpu.memory_space<vmem>>, vector<16xi32>,
      tpu.vector_store_idx %arg4[%get3A_1008], %broadcast_in_dim3A_5 {add = true} : memref<38912xi32, #tpu.memory_space<vmem>>[vector<16xi32>], vector<16xi32>,
      %get3A_1009 = arith.constant 3632 : index
      %get3A_1010 = tpu.vector_load %arg6[%get3A_1009] {strides = array<i32>} : memref<4096xi32, #tpu.memory_space<vmem>>, vector<16xi32>,
      tpu.vector_store_idx %arg4[%get3A_1010], %broadcast_in_dim3A_5 {add = true} : memref<38912xi32, #tpu.memory_space<vmem>>[vector<16xi32>], vector<16xi32>,
      %get3A_1011 = arith.constant 3648 : index
      %get3A_1012 = tpu.vector_load %arg6[%get3A_1011] {strides = array<i32>} : memref<4096xi32, #tpu.memory_space<vmem>>, vector<16xi32>,
      tpu.vector_store_idx %arg4[%get3A_1012], %broadcast_in_dim3A_5 {add = true} : memref<38912xi32, #tpu.memory_space<vmem>>[vector<16xi32>], vector<16xi32>,
      %get3A_1013 = arith.constant 3664 : index
      %get3A_1014 = tpu.vector_load %arg6[%get3A_1013] {strides = array<i32>} : memref<4096xi32, #tpu.memory_space<vmem>>, vector<16xi32>,
      tpu.vector_store_idx %arg4[%get3A_1014], %broadcast_in_dim3A_5 {add = true} : memref<38912xi32, #tpu.memory_space<vmem>>[vector<16xi32>], vector<16xi32>,
      %get3A_1015 = arith.constant 3680 : index
      %get3A_1016 = tpu.vector_load %arg6[%get3A_1015] {strides = array<i32>} : memref<4096xi32, #tpu.memory_space<vmem>>, vector<16xi32>,
      tpu.vector_store_idx %arg4[%get3A_1016], %broadcast_in_dim3A_5 {add = true} : memref<38912xi32, #tpu.memory_space<vmem>>[vector<16xi32>], vector<16xi32>,
      %get3A_1017 = arith.constant 3696 : index
      %get3A_1018 = tpu.vector_load %arg6[%get3A_1017] {strides = array<i32>} : memref<4096xi32, #tpu.memory_space<vmem>>, vector<16xi32>,
      tpu.vector_store_idx %arg4[%get3A_1018], %broadcast_in_dim3A_5 {add = true} : memref<38912xi32, #tpu.memory_space<vmem>>[vector<16xi32>], vector<16xi32>,
      %get3A_1019 = arith.constant 3712 : index
      %get3A_1020 = tpu.vector_load %arg6[%get3A_1019] {strides = array<i32>} : memref<4096xi32, #tpu.memory_space<vmem>>, vector<16xi32>,
      tpu.vector_store_idx %arg4[%get3A_1020], %broadcast_in_dim3A_5 {add = true} : memref<38912xi32, #tpu.memory_space<vmem>>[vector<16xi32>], vector<16xi32>,
      %get3A_1021 = arith.constant 3728 : index
      %get3A_1022 = tpu.vector_load %arg6[%get3A_1021] {strides = array<i32>} : memref<4096xi32, #tpu.memory_space<vmem>>, vector<16xi32>,
      tpu.vector_store_idx %arg4[%get3A_1022], %broadcast_in_dim3A_5 {add = true} : memref<38912xi32, #tpu.memory_space<vmem>>[vector<16xi32>], vector<16xi32>,
      %get3A_1023 = arith.constant 3744 : index
      %get3A_1024 = tpu.vector_load %arg6[%get3A_1023] {strides = array<i32>} : memref<4096xi32, #tpu.memory_space<vmem>>, vector<16xi32>,
      tpu.vector_store_idx %arg4[%get3A_1024], %broadcast_in_dim3A_5 {add = true} : memref<38912xi32, #tpu.memory_space<vmem>>[vector<16xi32>], vector<16xi32>,
      %get3A_1025 = arith.constant 3760 : index
      %get3A_1026 = tpu.vector_load %arg6[%get3A_1025] {strides = array<i32>} : memref<4096xi32, #tpu.memory_space<vmem>>, vector<16xi32>,
      tpu.vector_store_idx %arg4[%get3A_1026], %broadcast_in_dim3A_5 {add = true} : memref<38912xi32, #tpu.memory_space<vmem>>[vector<16xi32>], vector<16xi32>,
      %get3A_1027 = arith.constant 3776 : index
      %get3A_1028 = tpu.vector_load %arg6[%get3A_1027] {strides = array<i32>} : memref<4096xi32, #tpu.memory_space<vmem>>, vector<16xi32>,
      tpu.vector_store_idx %arg4[%get3A_1028], %broadcast_in_dim3A_5 {add = true} : memref<38912xi32, #tpu.memory_space<vmem>>[vector<16xi32>], vector<16xi32>,
      %get3A_1029 = arith.constant 3792 : index
      %get3A_1030 = tpu.vector_load %arg6[%get3A_1029] {strides = array<i32>} : memref<4096xi32, #tpu.memory_space<vmem>>, vector<16xi32>,
      tpu.vector_store_idx %arg4[%get3A_1030], %broadcast_in_dim3A_5 {add = true} : memref<38912xi32, #tpu.memory_space<vmem>>[vector<16xi32>], vector<16xi32>,
      %get3A_1031 = arith.constant 3808 : index
      %get3A_1032 = tpu.vector_load %arg6[%get3A_1031] {strides = array<i32>} : memref<4096xi32, #tpu.memory_space<vmem>>, vector<16xi32>,
      tpu.vector_store_idx %arg4[%get3A_1032], %broadcast_in_dim3A_5 {add = true} : memref<38912xi32, #tpu.memory_space<vmem>>[vector<16xi32>], vector<16xi32>,
      %get3A_1033 = arith.constant 3824 : index
      %get3A_1034 = tpu.vector_load %arg6[%get3A_1033] {strides = array<i32>} : memref<4096xi32, #tpu.memory_space<vmem>>, vector<16xi32>,
      tpu.vector_store_idx %arg4[%get3A_1034], %broadcast_in_dim3A_5 {add = true} : memref<38912xi32, #tpu.memory_space<vmem>>[vector<16xi32>], vector<16xi32>,
      %get3A_1035 = arith.constant 3840 : index
      %get3A_1036 = tpu.vector_load %arg6[%get3A_1035] {strides = array<i32>} : memref<4096xi32, #tpu.memory_space<vmem>>, vector<16xi32>,
      tpu.vector_store_idx %arg4[%get3A_1036], %broadcast_in_dim3A_5 {add = true} : memref<38912xi32, #tpu.memory_space<vmem>>[vector<16xi32>], vector<16xi32>,
      %get3A_1037 = arith.constant 3856 : index
      %get3A_1038 = tpu.vector_load %arg6[%get3A_1037] {strides = array<i32>} : memref<4096xi32, #tpu.memory_space<vmem>>, vector<16xi32>,
      tpu.vector_store_idx %arg4[%get3A_1038], %broadcast_in_dim3A_5 {add = true} : memref<38912xi32, #tpu.memory_space<vmem>>[vector<16xi32>], vector<16xi32>,
      %get3A_1039 = arith.constant 3872 : index
      %get3A_1040 = tpu.vector_load %arg6[%get3A_1039] {strides = array<i32>} : memref<4096xi32, #tpu.memory_space<vmem>>, vector<16xi32>,
      tpu.vector_store_idx %arg4[%get3A_1040], %broadcast_in_dim3A_5 {add = true} : memref<38912xi32, #tpu.memory_space<vmem>>[vector<16xi32>], vector<16xi32>,
      %get3A_1041 = arith.constant 3888 : index
      %get3A_1042 = tpu.vector_load %arg6[%get3A_1041] {strides = array<i32>} : memref<4096xi32, #tpu.memory_space<vmem>>, vector<16xi32>,
      tpu.vector_store_idx %arg4[%get3A_1042], %broadcast_in_dim3A_5 {add = true} : memref<38912xi32, #tpu.memory_space<vmem>>[vector<16xi32>], vector<16xi32>,
      %get3A_1043 = arith.constant 3904 : index
      %get3A_1044 = tpu.vector_load %arg6[%get3A_1043] {strides = array<i32>} : memref<4096xi32, #tpu.memory_space<vmem>>, vector<16xi32>,
      tpu.vector_store_idx %arg4[%get3A_1044], %broadcast_in_dim3A_5 {add = true} : memref<38912xi32, #tpu.memory_space<vmem>>[vector<16xi32>], vector<16xi32>,
      %get3A_1045 = arith.constant 3920 : index
      %get3A_1046 = tpu.vector_load %arg6[%get3A_1045] {strides = array<i32>} : memref<4096xi32, #tpu.memory_space<vmem>>, vector<16xi32>,
      tpu.vector_store_idx %arg4[%get3A_1046], %broadcast_in_dim3A_5 {add = true} : memref<38912xi32, #tpu.memory_space<vmem>>[vector<16xi32>], vector<16xi32>,
      %get3A_1047 = arith.constant 3936 : index
      %get3A_1048 = tpu.vector_load %arg6[%get3A_1047] {strides = array<i32>} : memref<4096xi32, #tpu.memory_space<vmem>>, vector<16xi32>,
      tpu.vector_store_idx %arg4[%get3A_1048], %broadcast_in_dim3A_5 {add = true} : memref<38912xi32, #tpu.memory_space<vmem>>[vector<16xi32>], vector<16xi32>,
      %get3A_1049 = arith.constant 3952 : index
      %get3A_1050 = tpu.vector_load %arg6[%get3A_1049] {strides = array<i32>} : memref<4096xi32, #tpu.memory_space<vmem>>, vector<16xi32>,
      tpu.vector_store_idx %arg4[%get3A_1050], %broadcast_in_dim3A_5 {add = true} : memref<38912xi32, #tpu.memory_space<vmem>>[vector<16xi32>], vector<16xi32>,
      %get3A_1051 = arith.constant 3968 : index
      %get3A_1052 = tpu.vector_load %arg6[%get3A_1051] {strides = array<i32>} : memref<4096xi32, #tpu.memory_space<vmem>>, vector<16xi32>,
      tpu.vector_store_idx %arg4[%get3A_1052], %broadcast_in_dim3A_5 {add = true} : memref<38912xi32, #tpu.memory_space<vmem>>[vector<16xi32>], vector<16xi32>,
      %get3A_1053 = arith.constant 3984 : index
      %get3A_1054 = tpu.vector_load %arg6[%get3A_1053] {strides = array<i32>} : memref<4096xi32, #tpu.memory_space<vmem>>, vector<16xi32>,
      tpu.vector_store_idx %arg4[%get3A_1054], %broadcast_in_dim3A_5 {add = true} : memref<38912xi32, #tpu.memory_space<vmem>>[vector<16xi32>], vector<16xi32>,
      %get3A_1055 = arith.constant 4000 : index
      %get3A_1056 = tpu.vector_load %arg6[%get3A_1055] {strides = array<i32>} : memref<4096xi32, #tpu.memory_space<vmem>>, vector<16xi32>,
      tpu.vector_store_idx %arg4[%get3A_1056], %broadcast_in_dim3A_5 {add = true} : memref<38912xi32, #tpu.memory_space<vmem>>[vector<16xi32>], vector<16xi32>,
      %get3A_1057 = arith.constant 4016 : index
      %get3A_1058 = tpu.vector_load %arg6[%get3A_1057] {strides = array<i32>} : memref<4096xi32, #tpu.memory_space<vmem>>, vector<16xi32>,
      tpu.vector_store_idx %arg4[%get3A_1058], %broadcast_in_dim3A_5 {add = true} : memref<38912xi32, #tpu.memory_space<vmem>>[vector<16xi32>], vector<16xi32>,
      %get3A_1059 = arith.constant 4032 : index
      %get3A_1060 = tpu.vector_load %arg6[%get3A_1059] {strides = array<i32>} : memref<4096xi32, #tpu.memory_space<vmem>>, vector<16xi32>,
      tpu.vector_store_idx %arg4[%get3A_1060], %broadcast_in_dim3A_5 {add = true} : memref<38912xi32, #tpu.memory_space<vmem>>[vector<16xi32>], vector<16xi32>,
      %get3A_1061 = arith.constant 4048 : index
      %get3A_1062 = tpu.vector_load %arg6[%get3A_1061] {strides = array<i32>} : memref<4096xi32, #tpu.memory_space<vmem>>, vector<16xi32>,
      tpu.vector_store_idx %arg4[%get3A_1062], %broadcast_in_dim3A_5 {add = true} : memref<38912xi32, #tpu.memory_space<vmem>>[vector<16xi32>], vector<16xi32>,
      %get3A_1063 = arith.constant 4064 : index
      %get3A_1064 = tpu.vector_load %arg6[%get3A_1063] {strides = array<i32>} : memref<4096xi32, #tpu.memory_space<vmem>>, vector<16xi32>,
      tpu.vector_store_idx %arg4[%get3A_1064], %broadcast_in_dim3A_5 {add = true} : memref<38912xi32, #tpu.memory_space<vmem>>[vector<16xi32>], vector<16xi32>,
      %get3A_1065 = arith.constant 4080 : index
      %get3A_1066 = tpu.vector_load %arg6[%get3A_1065] {strides = array<i32>} : memref<4096xi32, #tpu.memory_space<vmem>>, vector<16xi32>,
      tpu.vector_store_idx %arg4[%get3A_1066], %broadcast_in_dim3A_5 {add = true} : memref<38912xi32, #tpu.memory_space<vmem>>[vector<16xi32>], vector<16xi32>,
    }
    %scan3A_22 = arith.constant 76 : i32
    "tpu.region"() ({
      %run_scoped3A = tpu.sem_alloc : memref<!tpu.dma_semaphore, #tpu.memory_space<semaphore_mem>>
      %dma_start3A_23 = arith.constant 0 : i32
      %dma_start3A_24 = tpu.memref_slice %arg3[%add3A, %dma_start3A_23] : memref<32x38912xi32, #tpu.memory_space<hbm>> -> memref<1x38912xi32, #tpu.memory_space<hbm>>
      %dma_start3A_25 = tpu.memref_squeeze %dma_start3A_24 : memref<1x38912xi32, #tpu.memory_space<hbm>> -> memref<38912xi32, #tpu.memory_space<hbm>>
      %dma_start3A_26 = arith.constant 0 : i32
      %dma_start3A_27 = tpu.memref_slice %arg3[%add3A, %dma_start3A_26] : memref<32x38912xi32, #tpu.memory_space<hbm>> -> memref<1x38912xi32, #tpu.memory_space<hbm>>
      %dma_start3A_28 = tpu.memref_squeeze %dma_start3A_27 : memref<1x38912xi32, #tpu.memory_space<hbm>> -> memref<38912xi32, #tpu.memory_space<hbm>>
      tpu.enqueue_dma source(%arg4 : memref<38912xi32, #tpu.memory_space<vmem>>) target(%dma_start3A_28 : memref<38912xi32, #tpu.memory_space<hbm>>) target_semaphore(%run_scoped3A : memref<!tpu.dma_semaphore, #tpu.memory_space<semaphore_mem>>)
      %dma_wait3A = arith.constant 0 : i32
      %dma_wait3A_29 = tpu.memref_slice %arg3[%add3A, %dma_wait3A] : memref<32x38912xi32, #tpu.memory_space<hbm>> -> memref<1x38912xi32, #tpu.memory_space<hbm>>
      %dma_wait3A_30 = tpu.memref_squeeze %dma_wait3A_29 : memref<1x38912xi32, #tpu.memory_space<hbm>> -> memref<38912xi32, #tpu.memory_space<hbm>>
      %dma_wait3A_31 = arith.constant 0 : i32
      %dma_wait3A_32 = tpu.memref_slice %arg3[%add3A, %dma_wait3A_31] : memref<32x38912xi32, #tpu.memory_space<hbm>> -> memref<1x38912xi32, #tpu.memory_space<hbm>>
      %dma_wait3A_33 = tpu.memref_squeeze %dma_wait3A_32 : memref<1x38912xi32, #tpu.memory_space<hbm>> -> memref<38912xi32, #tpu.memory_space<hbm>>
      tpu.wait_dma2 semaphore(%run_scoped3A : memref<!tpu.dma_semaphore, #tpu.memory_space<semaphore_mem>>) src(%arg4 : memref<38912xi32, #tpu.memory_space<vmem>>) dst(%dma_wait3A_33 : memref<38912xi32, #tpu.memory_space<hbm>>)
      tpu.yield
    }) : () -> ()
    return
  }
}

module attributes {stable_mosaic.version = 14 : i64} {
  func.func @_phase1_body(%arg0: i32, %arg1: memref<19x16384xf32, #tpu.memory_space<vmem>>, %arg2: memref<1x1x16384xi32, #tpu.memory_space<vmem>>, %arg3: memref<19x16384xi32, #tpu.memory_space<vmem>>) attributes {dimension_semantics = [#tpu.dimension_semantics<arbitrary>], iteration_bounds = array<i64: 64>, scalar_prefetch = 0 : i64, scratch_operands = 0 : i64, tpu.core_type = #tpu.core_type<tc>, window_params = [{transform_indices = @transform_0, window_bounds = array<i64: 19, 16384>}, {transform_indices = @transform_1, window_bounds = array<i64: 1, 1, 16384>}, {transform_indices = @transform_2, window_bounds = array<i64: 19, 16384>}]} {
    %get3A = arith.constant 0 : index
    %get3A_0 = arith.constant 0 : index
    %get3A_1 = vector.load %arg1[%get3A, %get3A_0] : memref<19x16384xf32, #tpu.memory_space<vmem>>, vector<19x16384xf32>
    %get3A_2 = arith.constant 0 : index
    %get3A_3 = arith.constant 0 : index
    %get3A_4 = arith.constant 0 : index
    %get3A_5 = vector.load %arg2[%get3A_2, %get3A_3, %get3A_4] : memref<1x1x16384xi32, #tpu.memory_space<vmem>>, vector<1x1x16384xi32>
    %get3A_6 = vector.shape_cast %get3A_5 : vector<1x1x16384xi32> to vector<1x16384xi32>
    %reduce_max3A = arith.constant dense<0xFF800000> : vector<16384xf32>
    %reduce_max3A_7 = vector.multi_reduction <maximumf>, %get3A_1, %reduce_max3A [0] : vector<19x16384xf32> to vector<16384xf32>
    %broadcast_in_dim3A = vector.shape_cast %reduce_max3A_7 : vector<16384xf32> to vector<1x16384xf32>
    %sub3A = vector.broadcast %broadcast_in_dim3A : vector<1x16384xf32> to vector<19x16384xf32>
    %sub3A_8 = arith.subf %get3A_1, %sub3A : vector<19x16384xf32>
    %exp3A = math.exp %sub3A_8 : vector<19x16384xf32>
    %reduce_sum3A = arith.constant dense<0.000000e+00> : vector<16384xf32>
    %reduce_sum3A_9 = vector.multi_reduction <add>, %exp3A, %reduce_sum3A [0] : vector<19x16384xf32> to vector<16384xf32>
    %broadcast_in_dim3A_10 = vector.shape_cast %reduce_sum3A_9 : vector<16384xf32> to vector<1x16384xf32>
    %div3A = vector.broadcast %broadcast_in_dim3A_10 : vector<1x16384xf32> to vector<19x16384xf32>
    %div3A_11 = arith.divf %exp3A, %div3A : vector<19x16384xf32>
    %iota3A = tpu.iota {dimensions = array<i32: 0>} : vector<19x16384xi32>
    %eq3A = vector.broadcast %get3A_6 : vector<1x16384xi32> to vector<19x16384xi32>
    %eq3A_12 = arith.cmpi eq, %eq3A, %iota3A : vector<19x16384xi32>
    %convert_element_type3A = arith.extui %eq3A_12 : vector<19x16384xi1> to vector<19x16384xi32>
    %convert_element_type3A_13 = arith.sitofp %convert_element_type3A : vector<19x16384xi32> to vector<19x16384xf32>
    %sub3A_14 = arith.subf %convert_element_type3A_13, %div3A_11 : vector<19x16384xf32>
    %abs3A = math.absf %sub3A_14 : vector<19x16384xf32>
    %mul3A = arith.constant 1.024000e+03 : f32
    %mul3A_15 = vector.broadcast %mul3A : f32 to vector<19x16384xf32>
    %mul3A_16 = arith.mulf %abs3A, %mul3A_15 : vector<19x16384xf32>
    %convert_element_type3A_17 = arith.fptosi %mul3A_16 : vector<19x16384xf32> to vector<19x16384xi32>
    %jit3A = arith.constant 0 : i32
    %jit3A_18 = arith.constant 1023 : i32
    %max3A = vector.broadcast %jit3A : i32 to vector<19x16384xi32>
    %max3A_19 = arith.maxsi %max3A, %convert_element_type3A_17 : vector<19x16384xi32>
    %min3A = vector.broadcast %jit3A_18 : i32 to vector<19x16384xi32>
    %min3A_20 = arith.minsi %min3A, %max3A_19 : vector<19x16384xi32>
    %jit3A_21 = arith.constant 1024 : i32
    %jit3A_22 = arith.constant 0 : i32
    %broadcast_in_dim3A_23 = vector.broadcast %jit3A_21 : i32 to vector<19x16384xi32>
    %broadcast_in_dim3A_24 = vector.broadcast %jit3A_22 : i32 to vector<19x16384xi32>
    %select_n3A = arith.select %eq3A_12, %broadcast_in_dim3A_23, %broadcast_in_dim3A_24 : vector<19x16384xi1>, vector<19x16384xi32>
    %add3A = arith.addi %min3A_20, %select_n3A : vector<19x16384xi32>
    %mul3A_25 = arith.constant 2048 : i32
    %mul3A_26 = vector.broadcast %mul3A_25 : i32 to vector<19x16384xi32>
    %mul3A_27 = arith.muli %iota3A, %mul3A_26 : vector<19x16384xi32>
    %add3A_28 = arith.addi %add3A, %mul3A_27 : vector<19x16384xi32>
    %swap3A = arith.constant 0 : index
    %swap3A_29 = arith.constant 0 : index
    %swap3A_30 = vector.load %arg3[%swap3A, %swap3A_29] : memref<19x16384xi32, #tpu.memory_space<vmem>>, vector<19x16384xi32>
    tpu.vector_store %arg3[%swap3A, %swap3A_29], %add3A_28 {strides = array<i32>} : memref<19x16384xi32, #tpu.memory_space<vmem>>, vector<19x16384xi32>,
    return
  }
  func.func @transform_0(%arg0: i32) -> (i32, i32) {
    %c0_i32 = arith.constant 0 : i32
    %c0_i32_0 = arith.constant 0 : i32
    return %c0_i32, %arg0 : i32, i32
  }
  func.func @transform_1(%arg0: i32) -> (i32, i32, i32) {
    %c0_i32 = arith.constant 0 : i32
    %c0_i32_0 = arith.constant 0 : i32
    %c0_i32_1 = arith.constant 0 : i32
    return %arg0, %c0_i32, %c0_i32_0 : i32, i32, i32
  }
  func.func @transform_2(%arg0: i32) -> (i32, i32) {
    %c0_i32 = arith.constant 0 : i32
    %c0_i32_0 = arith.constant 0 : i32
    return %c0_i32, %arg0 : i32, i32
  }
}

module attributes {stable_mosaic.version = 14 : i64} {
  func.func @_phase3_body(%arg0: memref<32x19x1024xi32, #tpu.memory_space<vmem>>, %arg1: memref<32x19x1024xi32, #tpu.memory_space<vmem>>, %arg2: memref<1x1xf32, #tpu.memory_space<vmem>>) attributes {dimension_semantics = [], scalar_prefetch = 0 : i64, scratch_operands = 0 : i64, tpu.core_type = #tpu.core_type<tc>} {
    %get3A = arith.constant 0 : index
    %get3A_0 = arith.constant 0 : index
    %get3A_1 = arith.constant 0 : index
    %get3A_2 = vector.load %arg0[%get3A, %get3A_0, %get3A_1] : memref<32x19x1024xi32, #tpu.memory_space<vmem>>, vector<1x19x1024xi32>
    %get3A_3 = vector.shape_cast %get3A_2 : vector<1x19x1024xi32> to vector<19x1024xi32>
    %convert_element_type3A = arith.sitofp %get3A_3 : vector<19x1024xi32> to vector<19x1024xf32>
    %get3A_4 = arith.constant 0 : index
    %get3A_5 = arith.constant 0 : index
    %get3A_6 = arith.constant 0 : index
    %get3A_7 = vector.load %arg1[%get3A_4, %get3A_5, %get3A_6] : memref<32x19x1024xi32, #tpu.memory_space<vmem>>, vector<1x19x1024xi32>
    %get3A_8 = vector.shape_cast %get3A_7 : vector<1x19x1024xi32> to vector<19x1024xi32>
    %convert_element_type3A_9 = arith.sitofp %get3A_8 : vector<19x1024xi32> to vector<19x1024xf32>
    %get3A_10 = arith.constant 1 : index
    %get3A_11 = arith.constant 0 : index
    %get3A_12 = arith.constant 0 : index
    %get3A_13 = vector.load %arg0[%get3A_10, %get3A_11, %get3A_12] : memref<32x19x1024xi32, #tpu.memory_space<vmem>>, vector<1x19x1024xi32>
    %get3A_14 = vector.shape_cast %get3A_13 : vector<1x19x1024xi32> to vector<19x1024xi32>
    %convert_element_type3A_15 = arith.sitofp %get3A_14 : vector<19x1024xi32> to vector<19x1024xf32>
    %add3A = arith.addf %convert_element_type3A, %convert_element_type3A_15 : vector<19x1024xf32>
    %get3A_16 = arith.constant 1 : index
    %get3A_17 = arith.constant 0 : index
    %get3A_18 = arith.constant 0 : index
    %get3A_19 = vector.load %arg1[%get3A_16, %get3A_17, %get3A_18] : memref<32x19x1024xi32, #tpu.memory_space<vmem>>, vector<1x19x1024xi32>
    %get3A_20 = vector.shape_cast %get3A_19 : vector<1x19x1024xi32> to vector<19x1024xi32>
    %convert_element_type3A_21 = arith.sitofp %get3A_20 : vector<19x1024xi32> to vector<19x1024xf32>
    %add3A_22 = arith.addf %convert_element_type3A_9, %convert_element_type3A_21 : vector<19x1024xf32>
    %get3A_23 = arith.constant 2 : index
    %get3A_24 = arith.constant 0 : index
    %get3A_25 = arith.constant 0 : index
    %get3A_26 = vector.load %arg0[%get3A_23, %get3A_24, %get3A_25] : memref<32x19x1024xi32, #tpu.memory_space<vmem>>, vector<1x19x1024xi32>
    %get3A_27 = vector.shape_cast %get3A_26 : vector<1x19x1024xi32> to vector<19x1024xi32>
    %convert_element_type3A_28 = arith.sitofp %get3A_27 : vector<19x1024xi32> to vector<19x1024xf32>
    %add3A_29 = arith.addf %add3A, %convert_element_type3A_28 : vector<19x1024xf32>
    %get3A_30 = arith.constant 2 : index
    %get3A_31 = arith.constant 0 : index
    %get3A_32 = arith.constant 0 : index
    %get3A_33 = vector.load %arg1[%get3A_30, %get3A_31, %get3A_32] : memref<32x19x1024xi32, #tpu.memory_space<vmem>>, vector<1x19x1024xi32>
    %get3A_34 = vector.shape_cast %get3A_33 : vector<1x19x1024xi32> to vector<19x1024xi32>
    %convert_element_type3A_35 = arith.sitofp %get3A_34 : vector<19x1024xi32> to vector<19x1024xf32>
    %add3A_36 = arith.addf %add3A_22, %convert_element_type3A_35 : vector<19x1024xf32>
    %get3A_37 = arith.constant 3 : index
    %get3A_38 = arith.constant 0 : index
    %get3A_39 = arith.constant 0 : index
    %get3A_40 = vector.load %arg0[%get3A_37, %get3A_38, %get3A_39] : memref<32x19x1024xi32, #tpu.memory_space<vmem>>, vector<1x19x1024xi32>
    %get3A_41 = vector.shape_cast %get3A_40 : vector<1x19x1024xi32> to vector<19x1024xi32>
    %convert_element_type3A_42 = arith.sitofp %get3A_41 : vector<19x1024xi32> to vector<19x1024xf32>
    %add3A_43 = arith.addf %add3A_29, %convert_element_type3A_42 : vector<19x1024xf32>
    %get3A_44 = arith.constant 3 : index
    %get3A_45 = arith.constant 0 : index
    %get3A_46 = arith.constant 0 : index
    %get3A_47 = vector.load %arg1[%get3A_44, %get3A_45, %get3A_46] : memref<32x19x1024xi32, #tpu.memory_space<vmem>>, vector<1x19x1024xi32>
    %get3A_48 = vector.shape_cast %get3A_47 : vector<1x19x1024xi32> to vector<19x1024xi32>
    %convert_element_type3A_49 = arith.sitofp %get3A_48 : vector<19x1024xi32> to vector<19x1024xf32>
    %add3A_50 = arith.addf %add3A_36, %convert_element_type3A_49 : vector<19x1024xf32>
    %get3A_51 = arith.constant 4 : index
    %get3A_52 = arith.constant 0 : index
    %get3A_53 = arith.constant 0 : index
    %get3A_54 = vector.load %arg0[%get3A_51, %get3A_52, %get3A_53] : memref<32x19x1024xi32, #tpu.memory_space<vmem>>, vector<1x19x1024xi32>
    %get3A_55 = vector.shape_cast %get3A_54 : vector<1x19x1024xi32> to vector<19x1024xi32>
    %convert_element_type3A_56 = arith.sitofp %get3A_55 : vector<19x1024xi32> to vector<19x1024xf32>
    %add3A_57 = arith.addf %add3A_43, %convert_element_type3A_56 : vector<19x1024xf32>
    %get3A_58 = arith.constant 4 : index
    %get3A_59 = arith.constant 0 : index
    %get3A_60 = arith.constant 0 : index
    %get3A_61 = vector.load %arg1[%get3A_58, %get3A_59, %get3A_60] : memref<32x19x1024xi32, #tpu.memory_space<vmem>>, vector<1x19x1024xi32>
    %get3A_62 = vector.shape_cast %get3A_61 : vector<1x19x1024xi32> to vector<19x1024xi32>
    %convert_element_type3A_63 = arith.sitofp %get3A_62 : vector<19x1024xi32> to vector<19x1024xf32>
    %add3A_64 = arith.addf %add3A_50, %convert_element_type3A_63 : vector<19x1024xf32>
    %get3A_65 = arith.constant 5 : index
    %get3A_66 = arith.constant 0 : index
    %get3A_67 = arith.constant 0 : index
    %get3A_68 = vector.load %arg0[%get3A_65, %get3A_66, %get3A_67] : memref<32x19x1024xi32, #tpu.memory_space<vmem>>, vector<1x19x1024xi32>
    %get3A_69 = vector.shape_cast %get3A_68 : vector<1x19x1024xi32> to vector<19x1024xi32>
    %convert_element_type3A_70 = arith.sitofp %get3A_69 : vector<19x1024xi32> to vector<19x1024xf32>
    %add3A_71 = arith.addf %add3A_57, %convert_element_type3A_70 : vector<19x1024xf32>
    %get3A_72 = arith.constant 5 : index
    %get3A_73 = arith.constant 0 : index
    %get3A_74 = arith.constant 0 : index
    %get3A_75 = vector.load %arg1[%get3A_72, %get3A_73, %get3A_74] : memref<32x19x1024xi32, #tpu.memory_space<vmem>>, vector<1x19x1024xi32>
    %get3A_76 = vector.shape_cast %get3A_75 : vector<1x19x1024xi32> to vector<19x1024xi32>
    %convert_element_type3A_77 = arith.sitofp %get3A_76 : vector<19x1024xi32> to vector<19x1024xf32>
    %add3A_78 = arith.addf %add3A_64, %convert_element_type3A_77 : vector<19x1024xf32>
    %get3A_79 = arith.constant 6 : index
    %get3A_80 = arith.constant 0 : index
    %get3A_81 = arith.constant 0 : index
    %get3A_82 = vector.load %arg0[%get3A_79, %get3A_80, %get3A_81] : memref<32x19x1024xi32, #tpu.memory_space<vmem>>, vector<1x19x1024xi32>
    %get3A_83 = vector.shape_cast %get3A_82 : vector<1x19x1024xi32> to vector<19x1024xi32>
    %convert_element_type3A_84 = arith.sitofp %get3A_83 : vector<19x1024xi32> to vector<19x1024xf32>
    %add3A_85 = arith.addf %add3A_71, %convert_element_type3A_84 : vector<19x1024xf32>
    %get3A_86 = arith.constant 6 : index
    %get3A_87 = arith.constant 0 : index
    %get3A_88 = arith.constant 0 : index
    %get3A_89 = vector.load %arg1[%get3A_86, %get3A_87, %get3A_88] : memref<32x19x1024xi32, #tpu.memory_space<vmem>>, vector<1x19x1024xi32>
    %get3A_90 = vector.shape_cast %get3A_89 : vector<1x19x1024xi32> to vector<19x1024xi32>
    %convert_element_type3A_91 = arith.sitofp %get3A_90 : vector<19x1024xi32> to vector<19x1024xf32>
    %add3A_92 = arith.addf %add3A_78, %convert_element_type3A_91 : vector<19x1024xf32>
    %get3A_93 = arith.constant 7 : index
    %get3A_94 = arith.constant 0 : index
    %get3A_95 = arith.constant 0 : index
    %get3A_96 = vector.load %arg0[%get3A_93, %get3A_94, %get3A_95] : memref<32x19x1024xi32, #tpu.memory_space<vmem>>, vector<1x19x1024xi32>
    %get3A_97 = vector.shape_cast %get3A_96 : vector<1x19x1024xi32> to vector<19x1024xi32>
    %convert_element_type3A_98 = arith.sitofp %get3A_97 : vector<19x1024xi32> to vector<19x1024xf32>
    %add3A_99 = arith.addf %add3A_85, %convert_element_type3A_98 : vector<19x1024xf32>
    %get3A_100 = arith.constant 7 : index
    %get3A_101 = arith.constant 0 : index
    %get3A_102 = arith.constant 0 : index
    %get3A_103 = vector.load %arg1[%get3A_100, %get3A_101, %get3A_102] : memref<32x19x1024xi32, #tpu.memory_space<vmem>>, vector<1x19x1024xi32>
    %get3A_104 = vector.shape_cast %get3A_103 : vector<1x19x1024xi32> to vector<19x1024xi32>
    %convert_element_type3A_105 = arith.sitofp %get3A_104 : vector<19x1024xi32> to vector<19x1024xf32>
    %add3A_106 = arith.addf %add3A_92, %convert_element_type3A_105 : vector<19x1024xf32>
    %get3A_107 = arith.constant 8 : index
    %get3A_108 = arith.constant 0 : index
    %get3A_109 = arith.constant 0 : index
    %get3A_110 = vector.load %arg0[%get3A_107, %get3A_108, %get3A_109] : memref<32x19x1024xi32, #tpu.memory_space<vmem>>, vector<1x19x1024xi32>
    %get3A_111 = vector.shape_cast %get3A_110 : vector<1x19x1024xi32> to vector<19x1024xi32>
    %convert_element_type3A_112 = arith.sitofp %get3A_111 : vector<19x1024xi32> to vector<19x1024xf32>
    %add3A_113 = arith.addf %add3A_99, %convert_element_type3A_112 : vector<19x1024xf32>
    %get3A_114 = arith.constant 8 : index
    %get3A_115 = arith.constant 0 : index
    %get3A_116 = arith.constant 0 : index
    %get3A_117 = vector.load %arg1[%get3A_114, %get3A_115, %get3A_116] : memref<32x19x1024xi32, #tpu.memory_space<vmem>>, vector<1x19x1024xi32>
    %get3A_118 = vector.shape_cast %get3A_117 : vector<1x19x1024xi32> to vector<19x1024xi32>
    %convert_element_type3A_119 = arith.sitofp %get3A_118 : vector<19x1024xi32> to vector<19x1024xf32>
    %add3A_120 = arith.addf %add3A_106, %convert_element_type3A_119 : vector<19x1024xf32>
    %get3A_121 = arith.constant 9 : index
    %get3A_122 = arith.constant 0 : index
    %get3A_123 = arith.constant 0 : index
    %get3A_124 = vector.load %arg0[%get3A_121, %get3A_122, %get3A_123] : memref<32x19x1024xi32, #tpu.memory_space<vmem>>, vector<1x19x1024xi32>
    %get3A_125 = vector.shape_cast %get3A_124 : vector<1x19x1024xi32> to vector<19x1024xi32>
    %convert_element_type3A_126 = arith.sitofp %get3A_125 : vector<19x1024xi32> to vector<19x1024xf32>
    %add3A_127 = arith.addf %add3A_113, %convert_element_type3A_126 : vector<19x1024xf32>
    %get3A_128 = arith.constant 9 : index
    %get3A_129 = arith.constant 0 : index
    %get3A_130 = arith.constant 0 : index
    %get3A_131 = vector.load %arg1[%get3A_128, %get3A_129, %get3A_130] : memref<32x19x1024xi32, #tpu.memory_space<vmem>>, vector<1x19x1024xi32>
    %get3A_132 = vector.shape_cast %get3A_131 : vector<1x19x1024xi32> to vector<19x1024xi32>
    %convert_element_type3A_133 = arith.sitofp %get3A_132 : vector<19x1024xi32> to vector<19x1024xf32>
    %add3A_134 = arith.addf %add3A_120, %convert_element_type3A_133 : vector<19x1024xf32>
    %get3A_135 = arith.constant 10 : index
    %get3A_136 = arith.constant 0 : index
    %get3A_137 = arith.constant 0 : index
    %get3A_138 = vector.load %arg0[%get3A_135, %get3A_136, %get3A_137] : memref<32x19x1024xi32, #tpu.memory_space<vmem>>, vector<1x19x1024xi32>
    %get3A_139 = vector.shape_cast %get3A_138 : vector<1x19x1024xi32> to vector<19x1024xi32>
    %convert_element_type3A_140 = arith.sitofp %get3A_139 : vector<19x1024xi32> to vector<19x1024xf32>
    %add3A_141 = arith.addf %add3A_127, %convert_element_type3A_140 : vector<19x1024xf32>
    %get3A_142 = arith.constant 10 : index
    %get3A_143 = arith.constant 0 : index
    %get3A_144 = arith.constant 0 : index
    %get3A_145 = vector.load %arg1[%get3A_142, %get3A_143, %get3A_144] : memref<32x19x1024xi32, #tpu.memory_space<vmem>>, vector<1x19x1024xi32>
    %get3A_146 = vector.shape_cast %get3A_145 : vector<1x19x1024xi32> to vector<19x1024xi32>
    %convert_element_type3A_147 = arith.sitofp %get3A_146 : vector<19x1024xi32> to vector<19x1024xf32>
    %add3A_148 = arith.addf %add3A_134, %convert_element_type3A_147 : vector<19x1024xf32>
    %get3A_149 = arith.constant 11 : index
    %get3A_150 = arith.constant 0 : index
    %get3A_151 = arith.constant 0 : index
    %get3A_152 = vector.load %arg0[%get3A_149, %get3A_150, %get3A_151] : memref<32x19x1024xi32, #tpu.memory_space<vmem>>, vector<1x19x1024xi32>
    %get3A_153 = vector.shape_cast %get3A_152 : vector<1x19x1024xi32> to vector<19x1024xi32>
    %convert_element_type3A_154 = arith.sitofp %get3A_153 : vector<19x1024xi32> to vector<19x1024xf32>
    %add3A_155 = arith.addf %add3A_141, %convert_element_type3A_154 : vector<19x1024xf32>
    %get3A_156 = arith.constant 11 : index
    %get3A_157 = arith.constant 0 : index
    %get3A_158 = arith.constant 0 : index
    %get3A_159 = vector.load %arg1[%get3A_156, %get3A_157, %get3A_158] : memref<32x19x1024xi32, #tpu.memory_space<vmem>>, vector<1x19x1024xi32>
    %get3A_160 = vector.shape_cast %get3A_159 : vector<1x19x1024xi32> to vector<19x1024xi32>
    %convert_element_type3A_161 = arith.sitofp %get3A_160 : vector<19x1024xi32> to vector<19x1024xf32>
    %add3A_162 = arith.addf %add3A_148, %convert_element_type3A_161 : vector<19x1024xf32>
    %get3A_163 = arith.constant 12 : index
    %get3A_164 = arith.constant 0 : index
    %get3A_165 = arith.constant 0 : index
    %get3A_166 = vector.load %arg0[%get3A_163, %get3A_164, %get3A_165] : memref<32x19x1024xi32, #tpu.memory_space<vmem>>, vector<1x19x1024xi32>
    %get3A_167 = vector.shape_cast %get3A_166 : vector<1x19x1024xi32> to vector<19x1024xi32>
    %convert_element_type3A_168 = arith.sitofp %get3A_167 : vector<19x1024xi32> to vector<19x1024xf32>
    %add3A_169 = arith.addf %add3A_155, %convert_element_type3A_168 : vector<19x1024xf32>
    %get3A_170 = arith.constant 12 : index
    %get3A_171 = arith.constant 0 : index
    %get3A_172 = arith.constant 0 : index
    %get3A_173 = vector.load %arg1[%get3A_170, %get3A_171, %get3A_172] : memref<32x19x1024xi32, #tpu.memory_space<vmem>>, vector<1x19x1024xi32>
    %get3A_174 = vector.shape_cast %get3A_173 : vector<1x19x1024xi32> to vector<19x1024xi32>
    %convert_element_type3A_175 = arith.sitofp %get3A_174 : vector<19x1024xi32> to vector<19x1024xf32>
    %add3A_176 = arith.addf %add3A_162, %convert_element_type3A_175 : vector<19x1024xf32>
    %get3A_177 = arith.constant 13 : index
    %get3A_178 = arith.constant 0 : index
    %get3A_179 = arith.constant 0 : index
    %get3A_180 = vector.load %arg0[%get3A_177, %get3A_178, %get3A_179] : memref<32x19x1024xi32, #tpu.memory_space<vmem>>, vector<1x19x1024xi32>
    %get3A_181 = vector.shape_cast %get3A_180 : vector<1x19x1024xi32> to vector<19x1024xi32>
    %convert_element_type3A_182 = arith.sitofp %get3A_181 : vector<19x1024xi32> to vector<19x1024xf32>
    %add3A_183 = arith.addf %add3A_169, %convert_element_type3A_182 : vector<19x1024xf32>
    %get3A_184 = arith.constant 13 : index
    %get3A_185 = arith.constant 0 : index
    %get3A_186 = arith.constant 0 : index
    %get3A_187 = vector.load %arg1[%get3A_184, %get3A_185, %get3A_186] : memref<32x19x1024xi32, #tpu.memory_space<vmem>>, vector<1x19x1024xi32>
    %get3A_188 = vector.shape_cast %get3A_187 : vector<1x19x1024xi32> to vector<19x1024xi32>
    %convert_element_type3A_189 = arith.sitofp %get3A_188 : vector<19x1024xi32> to vector<19x1024xf32>
    %add3A_190 = arith.addf %add3A_176, %convert_element_type3A_189 : vector<19x1024xf32>
    %get3A_191 = arith.constant 14 : index
    %get3A_192 = arith.constant 0 : index
    %get3A_193 = arith.constant 0 : index
    %get3A_194 = vector.load %arg0[%get3A_191, %get3A_192, %get3A_193] : memref<32x19x1024xi32, #tpu.memory_space<vmem>>, vector<1x19x1024xi32>
    %get3A_195 = vector.shape_cast %get3A_194 : vector<1x19x1024xi32> to vector<19x1024xi32>
    %convert_element_type3A_196 = arith.sitofp %get3A_195 : vector<19x1024xi32> to vector<19x1024xf32>
    %add3A_197 = arith.addf %add3A_183, %convert_element_type3A_196 : vector<19x1024xf32>
    %get3A_198 = arith.constant 14 : index
    %get3A_199 = arith.constant 0 : index
    %get3A_200 = arith.constant 0 : index
    %get3A_201 = vector.load %arg1[%get3A_198, %get3A_199, %get3A_200] : memref<32x19x1024xi32, #tpu.memory_space<vmem>>, vector<1x19x1024xi32>
    %get3A_202 = vector.shape_cast %get3A_201 : vector<1x19x1024xi32> to vector<19x1024xi32>
    %convert_element_type3A_203 = arith.sitofp %get3A_202 : vector<19x1024xi32> to vector<19x1024xf32>
    %add3A_204 = arith.addf %add3A_190, %convert_element_type3A_203 : vector<19x1024xf32>
    %get3A_205 = arith.constant 15 : index
    %get3A_206 = arith.constant 0 : index
    %get3A_207 = arith.constant 0 : index
    %get3A_208 = vector.load %arg0[%get3A_205, %get3A_206, %get3A_207] : memref<32x19x1024xi32, #tpu.memory_space<vmem>>, vector<1x19x1024xi32>
    %get3A_209 = vector.shape_cast %get3A_208 : vector<1x19x1024xi32> to vector<19x1024xi32>
    %convert_element_type3A_210 = arith.sitofp %get3A_209 : vector<19x1024xi32> to vector<19x1024xf32>
    %add3A_211 = arith.addf %add3A_197, %convert_element_type3A_210 : vector<19x1024xf32>
    %get3A_212 = arith.constant 15 : index
    %get3A_213 = arith.constant 0 : index
    %get3A_214 = arith.constant 0 : index
    %get3A_215 = vector.load %arg1[%get3A_212, %get3A_213, %get3A_214] : memref<32x19x1024xi32, #tpu.memory_space<vmem>>, vector<1x19x1024xi32>
    %get3A_216 = vector.shape_cast %get3A_215 : vector<1x19x1024xi32> to vector<19x1024xi32>
    %convert_element_type3A_217 = arith.sitofp %get3A_216 : vector<19x1024xi32> to vector<19x1024xf32>
    %add3A_218 = arith.addf %add3A_204, %convert_element_type3A_217 : vector<19x1024xf32>
    %get3A_219 = arith.constant 16 : index
    %get3A_220 = arith.constant 0 : index
    %get3A_221 = arith.constant 0 : index
    %get3A_222 = vector.load %arg0[%get3A_219, %get3A_220, %get3A_221] : memref<32x19x1024xi32, #tpu.memory_space<vmem>>, vector<1x19x1024xi32>
    %get3A_223 = vector.shape_cast %get3A_222 : vector<1x19x1024xi32> to vector<19x1024xi32>
    %convert_element_type3A_224 = arith.sitofp %get3A_223 : vector<19x1024xi32> to vector<19x1024xf32>
    %add3A_225 = arith.addf %add3A_211, %convert_element_type3A_224 : vector<19x1024xf32>
    %get3A_226 = arith.constant 16 : index
    %get3A_227 = arith.constant 0 : index
    %get3A_228 = arith.constant 0 : index
    %get3A_229 = vector.load %arg1[%get3A_226, %get3A_227, %get3A_228] : memref<32x19x1024xi32, #tpu.memory_space<vmem>>, vector<1x19x1024xi32>
    %get3A_230 = vector.shape_cast %get3A_229 : vector<1x19x1024xi32> to vector<19x1024xi32>
    %convert_element_type3A_231 = arith.sitofp %get3A_230 : vector<19x1024xi32> to vector<19x1024xf32>
    %add3A_232 = arith.addf %add3A_218, %convert_element_type3A_231 : vector<19x1024xf32>
    %get3A_233 = arith.constant 17 : index
    %get3A_234 = arith.constant 0 : index
    %get3A_235 = arith.constant 0 : index
    %get3A_236 = vector.load %arg0[%get3A_233, %get3A_234, %get3A_235] : memref<32x19x1024xi32, #tpu.memory_space<vmem>>, vector<1x19x1024xi32>
    %get3A_237 = vector.shape_cast %get3A_236 : vector<1x19x1024xi32> to vector<19x1024xi32>
    %convert_element_type3A_238 = arith.sitofp %get3A_237 : vector<19x1024xi32> to vector<19x1024xf32>
    %add3A_239 = arith.addf %add3A_225, %convert_element_type3A_238 : vector<19x1024xf32>
    %get3A_240 = arith.constant 17 : index
    %get3A_241 = arith.constant 0 : index
    %get3A_242 = arith.constant 0 : index
    %get3A_243 = vector.load %arg1[%get3A_240, %get3A_241, %get3A_242] : memref<32x19x1024xi32, #tpu.memory_space<vmem>>, vector<1x19x1024xi32>
    %get3A_244 = vector.shape_cast %get3A_243 : vector<1x19x1024xi32> to vector<19x1024xi32>
    %convert_element_type3A_245 = arith.sitofp %get3A_244 : vector<19x1024xi32> to vector<19x1024xf32>
    %add3A_246 = arith.addf %add3A_232, %convert_element_type3A_245 : vector<19x1024xf32>
    %get3A_247 = arith.constant 18 : index
    %get3A_248 = arith.constant 0 : index
    %get3A_249 = arith.constant 0 : index
    %get3A_250 = vector.load %arg0[%get3A_247, %get3A_248, %get3A_249] : memref<32x19x1024xi32, #tpu.memory_space<vmem>>, vector<1x19x1024xi32>
    %get3A_251 = vector.shape_cast %get3A_250 : vector<1x19x1024xi32> to vector<19x1024xi32>
    %convert_element_type3A_252 = arith.sitofp %get3A_251 : vector<19x1024xi32> to vector<19x1024xf32>
    %add3A_253 = arith.addf %add3A_239, %convert_element_type3A_252 : vector<19x1024xf32>
    %get3A_254 = arith.constant 18 : index
    %get3A_255 = arith.constant 0 : index
    %get3A_256 = arith.constant 0 : index
    %get3A_257 = vector.load %arg1[%get3A_254, %get3A_255, %get3A_256] : memref<32x19x1024xi32, #tpu.memory_space<vmem>>, vector<1x19x1024xi32>
    %get3A_258 = vector.shape_cast %get3A_257 : vector<1x19x1024xi32> to vector<19x1024xi32>
    %convert_element_type3A_259 = arith.sitofp %get3A_258 : vector<19x1024xi32> to vector<19x1024xf32>
    %add3A_260 = arith.addf %add3A_246, %convert_element_type3A_259 : vector<19x1024xf32>
    %get3A_261 = arith.constant 19 : index
    %get3A_262 = arith.constant 0 : index
    %get3A_263 = arith.constant 0 : index
    %get3A_264 = vector.load %arg0[%get3A_261, %get3A_262, %get3A_263] : memref<32x19x1024xi32, #tpu.memory_space<vmem>>, vector<1x19x1024xi32>
    %get3A_265 = vector.shape_cast %get3A_264 : vector<1x19x1024xi32> to vector<19x1024xi32>
    %convert_element_type3A_266 = arith.sitofp %get3A_265 : vector<19x1024xi32> to vector<19x1024xf32>
    %add3A_267 = arith.addf %add3A_253, %convert_element_type3A_266 : vector<19x1024xf32>
    %get3A_268 = arith.constant 19 : index
    %get3A_269 = arith.constant 0 : index
    %get3A_270 = arith.constant 0 : index
    %get3A_271 = vector.load %arg1[%get3A_268, %get3A_269, %get3A_270] : memref<32x19x1024xi32, #tpu.memory_space<vmem>>, vector<1x19x1024xi32>
    %get3A_272 = vector.shape_cast %get3A_271 : vector<1x19x1024xi32> to vector<19x1024xi32>
    %convert_element_type3A_273 = arith.sitofp %get3A_272 : vector<19x1024xi32> to vector<19x1024xf32>
    %add3A_274 = arith.addf %add3A_260, %convert_element_type3A_273 : vector<19x1024xf32>
    %get3A_275 = arith.constant 20 : index
    %get3A_276 = arith.constant 0 : index
    %get3A_277 = arith.constant 0 : index
    %get3A_278 = vector.load %arg0[%get3A_275, %get3A_276, %get3A_277] : memref<32x19x1024xi32, #tpu.memory_space<vmem>>, vector<1x19x1024xi32>
    %get3A_279 = vector.shape_cast %get3A_278 : vector<1x19x1024xi32> to vector<19x1024xi32>
    %convert_element_type3A_280 = arith.sitofp %get3A_279 : vector<19x1024xi32> to vector<19x1024xf32>
    %add3A_281 = arith.addf %add3A_267, %convert_element_type3A_280 : vector<19x1024xf32>
    %get3A_282 = arith.constant 20 : index
    %get3A_283 = arith.constant 0 : index
    %get3A_284 = arith.constant 0 : index
    %get3A_285 = vector.load %arg1[%get3A_282, %get3A_283, %get3A_284] : memref<32x19x1024xi32, #tpu.memory_space<vmem>>, vector<1x19x1024xi32>
    %get3A_286 = vector.shape_cast %get3A_285 : vector<1x19x1024xi32> to vector<19x1024xi32>
    %convert_element_type3A_287 = arith.sitofp %get3A_286 : vector<19x1024xi32> to vector<19x1024xf32>
    %add3A_288 = arith.addf %add3A_274, %convert_element_type3A_287 : vector<19x1024xf32>
    %get3A_289 = arith.constant 21 : index
    %get3A_290 = arith.constant 0 : index
    %get3A_291 = arith.constant 0 : index
    %get3A_292 = vector.load %arg0[%get3A_289, %get3A_290, %get3A_291] : memref<32x19x1024xi32, #tpu.memory_space<vmem>>, vector<1x19x1024xi32>
    %get3A_293 = vector.shape_cast %get3A_292 : vector<1x19x1024xi32> to vector<19x1024xi32>
    %convert_element_type3A_294 = arith.sitofp %get3A_293 : vector<19x1024xi32> to vector<19x1024xf32>
    %add3A_295 = arith.addf %add3A_281, %convert_element_type3A_294 : vector<19x1024xf32>
    %get3A_296 = arith.constant 21 : index
    %get3A_297 = arith.constant 0 : index
    %get3A_298 = arith.constant 0 : index
    %get3A_299 = vector.load %arg1[%get3A_296, %get3A_297, %get3A_298] : memref<32x19x1024xi32, #tpu.memory_space<vmem>>, vector<1x19x1024xi32>
    %get3A_300 = vector.shape_cast %get3A_299 : vector<1x19x1024xi32> to vector<19x1024xi32>
    %convert_element_type3A_301 = arith.sitofp %get3A_300 : vector<19x1024xi32> to vector<19x1024xf32>
    %add3A_302 = arith.addf %add3A_288, %convert_element_type3A_301 : vector<19x1024xf32>
    %get3A_303 = arith.constant 22 : index
    %get3A_304 = arith.constant 0 : index
    %get3A_305 = arith.constant 0 : index
    %get3A_306 = vector.load %arg0[%get3A_303, %get3A_304, %get3A_305] : memref<32x19x1024xi32, #tpu.memory_space<vmem>>, vector<1x19x1024xi32>
    %get3A_307 = vector.shape_cast %get3A_306 : vector<1x19x1024xi32> to vector<19x1024xi32>
    %convert_element_type3A_308 = arith.sitofp %get3A_307 : vector<19x1024xi32> to vector<19x1024xf32>
    %add3A_309 = arith.addf %add3A_295, %convert_element_type3A_308 : vector<19x1024xf32>
    %get3A_310 = arith.constant 22 : index
    %get3A_311 = arith.constant 0 : index
    %get3A_312 = arith.constant 0 : index
    %get3A_313 = vector.load %arg1[%get3A_310, %get3A_311, %get3A_312] : memref<32x19x1024xi32, #tpu.memory_space<vmem>>, vector<1x19x1024xi32>
    %get3A_314 = vector.shape_cast %get3A_313 : vector<1x19x1024xi32> to vector<19x1024xi32>
    %convert_element_type3A_315 = arith.sitofp %get3A_314 : vector<19x1024xi32> to vector<19x1024xf32>
    %add3A_316 = arith.addf %add3A_302, %convert_element_type3A_315 : vector<19x1024xf32>
    %get3A_317 = arith.constant 23 : index
    %get3A_318 = arith.constant 0 : index
    %get3A_319 = arith.constant 0 : index
    %get3A_320 = vector.load %arg0[%get3A_317, %get3A_318, %get3A_319] : memref<32x19x1024xi32, #tpu.memory_space<vmem>>, vector<1x19x1024xi32>
    %get3A_321 = vector.shape_cast %get3A_320 : vector<1x19x1024xi32> to vector<19x1024xi32>
    %convert_element_type3A_322 = arith.sitofp %get3A_321 : vector<19x1024xi32> to vector<19x1024xf32>
    %add3A_323 = arith.addf %add3A_309, %convert_element_type3A_322 : vector<19x1024xf32>
    %get3A_324 = arith.constant 23 : index
    %get3A_325 = arith.constant 0 : index
    %get3A_326 = arith.constant 0 : index
    %get3A_327 = vector.load %arg1[%get3A_324, %get3A_325, %get3A_326] : memref<32x19x1024xi32, #tpu.memory_space<vmem>>, vector<1x19x1024xi32>
    %get3A_328 = vector.shape_cast %get3A_327 : vector<1x19x1024xi32> to vector<19x1024xi32>
    %convert_element_type3A_329 = arith.sitofp %get3A_328 : vector<19x1024xi32> to vector<19x1024xf32>
    %add3A_330 = arith.addf %add3A_316, %convert_element_type3A_329 : vector<19x1024xf32>
    %get3A_331 = arith.constant 24 : index
    %get3A_332 = arith.constant 0 : index
    %get3A_333 = arith.constant 0 : index
    %get3A_334 = vector.load %arg0[%get3A_331, %get3A_332, %get3A_333] : memref<32x19x1024xi32, #tpu.memory_space<vmem>>, vector<1x19x1024xi32>
    %get3A_335 = vector.shape_cast %get3A_334 : vector<1x19x1024xi32> to vector<19x1024xi32>
    %convert_element_type3A_336 = arith.sitofp %get3A_335 : vector<19x1024xi32> to vector<19x1024xf32>
    %add3A_337 = arith.addf %add3A_323, %convert_element_type3A_336 : vector<19x1024xf32>
    %get3A_338 = arith.constant 24 : index
    %get3A_339 = arith.constant 0 : index
    %get3A_340 = arith.constant 0 : index
    %get3A_341 = vector.load %arg1[%get3A_338, %get3A_339, %get3A_340] : memref<32x19x1024xi32, #tpu.memory_space<vmem>>, vector<1x19x1024xi32>
    %get3A_342 = vector.shape_cast %get3A_341 : vector<1x19x1024xi32> to vector<19x1024xi32>
    %convert_element_type3A_343 = arith.sitofp %get3A_342 : vector<19x1024xi32> to vector<19x1024xf32>
    %add3A_344 = arith.addf %add3A_330, %convert_element_type3A_343 : vector<19x1024xf32>
    %get3A_345 = arith.constant 25 : index
    %get3A_346 = arith.constant 0 : index
    %get3A_347 = arith.constant 0 : index
    %get3A_348 = vector.load %arg0[%get3A_345, %get3A_346, %get3A_347] : memref<32x19x1024xi32, #tpu.memory_space<vmem>>, vector<1x19x1024xi32>
    %get3A_349 = vector.shape_cast %get3A_348 : vector<1x19x1024xi32> to vector<19x1024xi32>
    %convert_element_type3A_350 = arith.sitofp %get3A_349 : vector<19x1024xi32> to vector<19x1024xf32>
    %add3A_351 = arith.addf %add3A_337, %convert_element_type3A_350 : vector<19x1024xf32>
    %get3A_352 = arith.constant 25 : index
    %get3A_353 = arith.constant 0 : index
    %get3A_354 = arith.constant 0 : index
    %get3A_355 = vector.load %arg1[%get3A_352, %get3A_353, %get3A_354] : memref<32x19x1024xi32, #tpu.memory_space<vmem>>, vector<1x19x1024xi32>
    %get3A_356 = vector.shape_cast %get3A_355 : vector<1x19x1024xi32> to vector<19x1024xi32>
    %convert_element_type3A_357 = arith.sitofp %get3A_356 : vector<19x1024xi32> to vector<19x1024xf32>
    %add3A_358 = arith.addf %add3A_344, %convert_element_type3A_357 : vector<19x1024xf32>
    %get3A_359 = arith.constant 26 : index
    %get3A_360 = arith.constant 0 : index
    %get3A_361 = arith.constant 0 : index
    %get3A_362 = vector.load %arg0[%get3A_359, %get3A_360, %get3A_361] : memref<32x19x1024xi32, #tpu.memory_space<vmem>>, vector<1x19x1024xi32>
    %get3A_363 = vector.shape_cast %get3A_362 : vector<1x19x1024xi32> to vector<19x1024xi32>
    %convert_element_type3A_364 = arith.sitofp %get3A_363 : vector<19x1024xi32> to vector<19x1024xf32>
    %add3A_365 = arith.addf %add3A_351, %convert_element_type3A_364 : vector<19x1024xf32>
    %get3A_366 = arith.constant 26 : index
    %get3A_367 = arith.constant 0 : index
    %get3A_368 = arith.constant 0 : index
    %get3A_369 = vector.load %arg1[%get3A_366, %get3A_367, %get3A_368] : memref<32x19x1024xi32, #tpu.memory_space<vmem>>, vector<1x19x1024xi32>
    %get3A_370 = vector.shape_cast %get3A_369 : vector<1x19x1024xi32> to vector<19x1024xi32>
    %convert_element_type3A_371 = arith.sitofp %get3A_370 : vector<19x1024xi32> to vector<19x1024xf32>
    %add3A_372 = arith.addf %add3A_358, %convert_element_type3A_371 : vector<19x1024xf32>
    %get3A_373 = arith.constant 27 : index
    %get3A_374 = arith.constant 0 : index
    %get3A_375 = arith.constant 0 : index
    %get3A_376 = vector.load %arg0[%get3A_373, %get3A_374, %get3A_375] : memref<32x19x1024xi32, #tpu.memory_space<vmem>>, vector<1x19x1024xi32>
    %get3A_377 = vector.shape_cast %get3A_376 : vector<1x19x1024xi32> to vector<19x1024xi32>
    %convert_element_type3A_378 = arith.sitofp %get3A_377 : vector<19x1024xi32> to vector<19x1024xf32>
    %add3A_379 = arith.addf %add3A_365, %convert_element_type3A_378 : vector<19x1024xf32>
    %get3A_380 = arith.constant 27 : index
    %get3A_381 = arith.constant 0 : index
    %get3A_382 = arith.constant 0 : index
    %get3A_383 = vector.load %arg1[%get3A_380, %get3A_381, %get3A_382] : memref<32x19x1024xi32, #tpu.memory_space<vmem>>, vector<1x19x1024xi32>
    %get3A_384 = vector.shape_cast %get3A_383 : vector<1x19x1024xi32> to vector<19x1024xi32>
    %convert_element_type3A_385 = arith.sitofp %get3A_384 : vector<19x1024xi32> to vector<19x1024xf32>
    %add3A_386 = arith.addf %add3A_372, %convert_element_type3A_385 : vector<19x1024xf32>
    %get3A_387 = arith.constant 28 : index
    %get3A_388 = arith.constant 0 : index
    %get3A_389 = arith.constant 0 : index
    %get3A_390 = vector.load %arg0[%get3A_387, %get3A_388, %get3A_389] : memref<32x19x1024xi32, #tpu.memory_space<vmem>>, vector<1x19x1024xi32>
    %get3A_391 = vector.shape_cast %get3A_390 : vector<1x19x1024xi32> to vector<19x1024xi32>
    %convert_element_type3A_392 = arith.sitofp %get3A_391 : vector<19x1024xi32> to vector<19x1024xf32>
    %add3A_393 = arith.addf %add3A_379, %convert_element_type3A_392 : vector<19x1024xf32>
    %get3A_394 = arith.constant 28 : index
    %get3A_395 = arith.constant 0 : index
    %get3A_396 = arith.constant 0 : index
    %get3A_397 = vector.load %arg1[%get3A_394, %get3A_395, %get3A_396] : memref<32x19x1024xi32, #tpu.memory_space<vmem>>, vector<1x19x1024xi32>
    %get3A_398 = vector.shape_cast %get3A_397 : vector<1x19x1024xi32> to vector<19x1024xi32>
    %convert_element_type3A_399 = arith.sitofp %get3A_398 : vector<19x1024xi32> to vector<19x1024xf32>
    %add3A_400 = arith.addf %add3A_386, %convert_element_type3A_399 : vector<19x1024xf32>
    %get3A_401 = arith.constant 29 : index
    %get3A_402 = arith.constant 0 : index
    %get3A_403 = arith.constant 0 : index
    %get3A_404 = vector.load %arg0[%get3A_401, %get3A_402, %get3A_403] : memref<32x19x1024xi32, #tpu.memory_space<vmem>>, vector<1x19x1024xi32>
    %get3A_405 = vector.shape_cast %get3A_404 : vector<1x19x1024xi32> to vector<19x1024xi32>
    %convert_element_type3A_406 = arith.sitofp %get3A_405 : vector<19x1024xi32> to vector<19x1024xf32>
    %add3A_407 = arith.addf %add3A_393, %convert_element_type3A_406 : vector<19x1024xf32>
    %get3A_408 = arith.constant 29 : index
    %get3A_409 = arith.constant 0 : index
    %get3A_410 = arith.constant 0 : index
    %get3A_411 = vector.load %arg1[%get3A_408, %get3A_409, %get3A_410] : memref<32x19x1024xi32, #tpu.memory_space<vmem>>, vector<1x19x1024xi32>
    %get3A_412 = vector.shape_cast %get3A_411 : vector<1x19x1024xi32> to vector<19x1024xi32>
    %convert_element_type3A_413 = arith.sitofp %get3A_412 : vector<19x1024xi32> to vector<19x1024xf32>
    %add3A_414 = arith.addf %add3A_400, %convert_element_type3A_413 : vector<19x1024xf32>
    %get3A_415 = arith.constant 30 : index
    %get3A_416 = arith.constant 0 : index
    %get3A_417 = arith.constant 0 : index
    %get3A_418 = vector.load %arg0[%get3A_415, %get3A_416, %get3A_417] : memref<32x19x1024xi32, #tpu.memory_space<vmem>>, vector<1x19x1024xi32>
    %get3A_419 = vector.shape_cast %get3A_418 : vector<1x19x1024xi32> to vector<19x1024xi32>
    %convert_element_type3A_420 = arith.sitofp %get3A_419 : vector<19x1024xi32> to vector<19x1024xf32>
    %add3A_421 = arith.addf %add3A_407, %convert_element_type3A_420 : vector<19x1024xf32>
    %get3A_422 = arith.constant 30 : index
    %get3A_423 = arith.constant 0 : index
    %get3A_424 = arith.constant 0 : index
    %get3A_425 = vector.load %arg1[%get3A_422, %get3A_423, %get3A_424] : memref<32x19x1024xi32, #tpu.memory_space<vmem>>, vector<1x19x1024xi32>
    %get3A_426 = vector.shape_cast %get3A_425 : vector<1x19x1024xi32> to vector<19x1024xi32>
    %convert_element_type3A_427 = arith.sitofp %get3A_426 : vector<19x1024xi32> to vector<19x1024xf32>
    %add3A_428 = arith.addf %add3A_414, %convert_element_type3A_427 : vector<19x1024xf32>
    %get3A_429 = arith.constant 31 : index
    %get3A_430 = arith.constant 0 : index
    %get3A_431 = arith.constant 0 : index
    %get3A_432 = vector.load %arg0[%get3A_429, %get3A_430, %get3A_431] : memref<32x19x1024xi32, #tpu.memory_space<vmem>>, vector<1x19x1024xi32>
    %get3A_433 = vector.shape_cast %get3A_432 : vector<1x19x1024xi32> to vector<19x1024xi32>
    %convert_element_type3A_434 = arith.sitofp %get3A_433 : vector<19x1024xi32> to vector<19x1024xf32>
    %add3A_435 = arith.addf %add3A_421, %convert_element_type3A_434 : vector<19x1024xf32>
    %get3A_436 = arith.constant 31 : index
    %get3A_437 = arith.constant 0 : index
    %get3A_438 = arith.constant 0 : index
    %get3A_439 = vector.load %arg1[%get3A_436, %get3A_437, %get3A_438] : memref<32x19x1024xi32, #tpu.memory_space<vmem>>, vector<1x19x1024xi32>
    %get3A_440 = vector.shape_cast %get3A_439 : vector<1x19x1024xi32> to vector<19x1024xi32>
    %convert_element_type3A_441 = arith.sitofp %get3A_440 : vector<19x1024xi32> to vector<19x1024xf32>
    %add3A_442 = arith.addf %add3A_428, %convert_element_type3A_441 : vector<19x1024xf32>
    %iota3A = tpu.iota {dimensions = array<i32: 0>} : vector<1024x1024xi32>
    %iota3A_443 = tpu.iota {dimensions = array<i32: 1>} : vector<1024x1024xi32>
    %ge3A = arith.cmpi sge, %iota3A, %iota3A_443 : vector<1024x1024xi32>
    %convert_element_type3A_444 = arith.extui %ge3A : vector<1024x1024xi1> to vector<1024x1024xi32>
    %convert_element_type3A_445 = arith.sitofp %convert_element_type3A_444 : vector<1024x1024xi32> to vector<1024x1024xf32>
    %add3A_446 = arith.addf %add3A_435, %add3A_442 : vector<19x1024xf32>
    %dot_general3A = arith.constant dense<0.000000e+00> : vector<19x1024xf32>
    %dot_general3A_447 = tpu.matmul %add3A_446, %convert_element_type3A_445, %dot_general3A {dimension_numbers = #tpu.dot_dimension_numbers<[1], [0], [0], [1], [0, 0, 1, 1], [], []>, transpose_lhs_hint = false} : vector<19x1024xf32>, vector<1024x1024xf32>, vector<19x1024xf32> -> vector<19x1024xf32>
    %dot_general3A_448 = arith.constant dense<0.000000e+00> : vector<19x1024xf32>
    %dot_general3A_449 = tpu.matmul %add3A_442, %convert_element_type3A_445, %dot_general3A_448 {dimension_numbers = #tpu.dot_dimension_numbers<[1], [0], [0], [1], [0, 0, 1, 1], [], []>, transpose_lhs_hint = false} : vector<19x1024xf32>, vector<1024x1024xf32>, vector<19x1024xf32> -> vector<19x1024xf32>
    %slice3A = vector.extract_strided_slice %dot_general3A_449 {offsets = [0, 0], sizes = [19, 1], strides = [1, 1]} : vector<19x1024xf32> to vector<19x1xf32>
    %gt3A = arith.constant 0.000000e+00 : f32
    %gt3A_450 = vector.broadcast %gt3A : f32 to vector<19x1024xf32>
    %gt3A_451 = arith.cmpf ogt, %dot_general3A_447, %gt3A_450 : vector<19x1024xf32>
    %sub3A = vector.broadcast %slice3A : vector<19x1xf32> to vector<19x1024xf32>
    %sub3A_452 = arith.subf %sub3A, %dot_general3A_449 : vector<19x1024xf32>
    %add3A_453 = vector.broadcast %slice3A : vector<19x1xf32> to vector<19x1024xf32>
    %add3A_454 = arith.addf %add3A_453, %dot_general3A_447 : vector<19x1024xf32>
    %sub3A_455 = arith.subf %add3A_454, %dot_general3A_449 : vector<19x1024xf32>
    %max3A = arith.constant 1.000000e+00 : f32
    %max3A_456 = vector.broadcast %max3A : f32 to vector<19x1024xf32>
    %max3A_457 = arith.maximumf %sub3A_455, %max3A_456 : vector<19x1024xf32>
    %div3A = arith.divf %sub3A_452, %max3A_457 : vector<19x1024xf32>
    %sub3A_458 = arith.constant 1.000000e+00 : f32
    %sub3A_459 = vector.broadcast %sub3A_458 : f32 to vector<19x1024xf32>
    %sub3A_460 = arith.subf %sub3A_459, %div3A : vector<19x1024xf32>
    %jit3A = arith.constant 0.000000e+00 : f32
    %broadcast_in_dim3A = vector.broadcast %jit3A : f32 to vector<19x1024xf32>
    %select_n3A = arith.select %gt3A_451, %sub3A_460, %broadcast_in_dim3A : vector<19x1024xi1>, vector<19x1024xf32>
    %reduce_sum3A = arith.constant dense<0.000000e+00> : vector<19xf32>
    %reduce_sum3A_461 = vector.multi_reduction <add>, %select_n3A, %reduce_sum3A [1] : vector<19x1024xf32> to vector<19xf32>
    %broadcast_in_dim3A_462 = vector.shape_cast %reduce_sum3A_461 : vector<19xf32> to vector<19x1xf32>
    %slice3A_463 = vector.extract_strided_slice %select_n3A {offsets = [0, 0], sizes = [19, 1], strides = [1, 1]} : vector<19x1024xf32> to vector<19x1xf32>
    %mul3A = arith.constant 5.000000e-01 : f32
    %mul3A_464 = vector.broadcast %mul3A : f32 to vector<19x1xf32>
    %mul3A_465 = arith.mulf %mul3A_464, %slice3A_463 : vector<19x1xf32>
    %sub3A_466 = arith.subf %broadcast_in_dim3A_462, %mul3A_465 : vector<19x1xf32>
    %div3A_467 = arith.constant 1.024000e+03 : f32
    %div3A_468 = vector.broadcast %div3A_467 : f32 to vector<19x1xf32>
    %div3A_469 = arith.divf %sub3A_466, %div3A_468 : vector<19x1xf32>
    %gt3A_470 = arith.constant 0.000000e+00 : f32
    %gt3A_471 = vector.broadcast %gt3A_470 : f32 to vector<19x1xf32>
    %gt3A_472 = arith.cmpf ogt, %slice3A, %gt3A_471 : vector<19x1xf32>
    %convert_element_type3A_473 = arith.extui %gt3A_472 : vector<19x1xi1> to vector<19x1xi32>
    %convert_element_type3A_474 = arith.sitofp %convert_element_type3A_473 : vector<19x1xi32> to vector<19x1xf32>
    %mul3A_475 = arith.mulf %div3A_469, %convert_element_type3A_474 : vector<19x1xf32>
    %reduce_sum3A_476 = vector.shape_cast %mul3A_475 : vector<19x1xf32> to vector<1x19x1xf32>
    %reduce_sum3A_477 = arith.constant dense<0.000000e+00> : vector<1xf32>
    %reduce_sum3A_478 = vector.multi_reduction <add>, %reduce_sum3A_476, %reduce_sum3A_477 [1, 2] : vector<1x19x1xf32> to vector<1xf32>
    %reduce_sum3A_479 = vector.shape_cast %reduce_sum3A_478 : vector<1xf32> to vector<1x1x1xf32>
    %reduce_sum3A_480 = vector.extract %reduce_sum3A_479[0, 0, 0] : f32 from vector<1x1x1xf32>
    %reduce_sum3A_481 = vector.shape_cast %convert_element_type3A_474 : vector<19x1xf32> to vector<1x19x1xf32>
    %reduce_sum3A_482 = arith.constant dense<0.000000e+00> : vector<1xf32>
    %reduce_sum3A_483 = vector.multi_reduction <add>, %reduce_sum3A_481, %reduce_sum3A_482 [1, 2] : vector<1x19x1xf32> to vector<1xf32>
    %reduce_sum3A_484 = vector.shape_cast %reduce_sum3A_483 : vector<1xf32> to vector<1x1x1xf32>
    %reduce_sum3A_485 = vector.extract %reduce_sum3A_484[0, 0, 0] : f32 from vector<1x1x1xf32>
    %max3A_486 = arith.constant 1.000000e+00 : f32
    %max3A_487 = arith.maximumf %reduce_sum3A_485, %max3A_486 : f32
    %div3A_488 = arith.divf %reduce_sum3A_480, %max3A_487 : f32
    %broadcast_in_dim3A_489 = vector.broadcast %div3A_488 : f32 to vector<1x1xf32>
    %swap3A = arith.constant 0 : index
    %swap3A_490 = arith.constant 0 : index
    %swap3A_491 = vector.load %arg2[%swap3A, %swap3A_490] : memref<1x1xf32, #tpu.memory_space<vmem>>, vector<1x1xf32>
    tpu.vector_store %arg2[%swap3A, %swap3A_490], %broadcast_in_dim3A_489 {strides = array<i32>} : memref<1x1xf32, #tpu.memory_space<vmem>>, vector<1x1xf32>,
    return
  }
}

</mosaic_0001>

<sc_bundles>
// kernel: kernel.5.cloned.1.call-start
scs
__scs_entry_jumppad:
0x0: {  	(pc) =	sbr.rel $0x88, $3  }
0x1: {  	(tag) =	ssettag $0x0;
	lr =	simm.s32 $0x1  }
0x2: {  	[smem:$0x3F9F] =	sst lr;
	_ =	strace $0xD0000000  }
0x3: {  	_ = 	snop  }
0x4: {  	_ = 	snop  }
0x5: {  	_ = 	snop  }
0x6: {  	_ = 	snop  }
0x7: {  	_ = 	snop  }
__scs_overlays_trampoline_lowered:
0x8: {  	[smem:$0x3FAE] =	sst s0  }
0x9: {  	[smem:$0x3FAF] =	sst s1  }
0xa: {  	[smem:$0x3FB0] =	sst s2  }
0xb: {  	[smem:$0x3FB1] =	sst s3  }
0xc: {  	[smem:$0x3FB2] =	sst s4  }
0xd: {  	[smem:$0x3FB3] =	sst s5  }
0xe: {  	[smem:$0x3FB4] =	sst s6  }
0xf: {  	[smem:$0x3FB5] =	sst s7  }
0x10: {  	[smem:$0x3FB6] =	sst s8  }
0x11: {  	[smem:$0x3FB7] =	sst s9;
	s0 =	simm.s32 @!p0 $0x0  }
0x12: {  	s1 =	sld [smem:$0x3F9D];
	s0 =	simm.s32 @p0 $0x1  }
0x13: {  	[smem:$0x3FB8] =	sst s0;
	s0 =	simm.s32 @!p1 $0x0  }
0x14: {  	s2 =	sld [smem:$0x3F9C];
	s0 =	simm.s32 @p1 $0x1  }
0x15: {  	[smem:$0x3FB9] =	sst s0;
	s0 =	simm.s32 @!p2 $0x0  }
0x16: {  	s3 =	sld [smem:$0x3FDB];
	s0 =	simm.s32 @p2 $0x1  }
0x17: {  	s4 =	simm.s32 $0x1BF5;
	[smem:$0x3FBB] =	sst s0  }
0x18: {  	s0 =	sld [smem:$0x3F9E];
	_ =	swait.ge [sflag:s4], $0x0  }
0x19: {  	s7 =	sld [smem:$0x3F9F]  }
0x1a: {  	s8 =	sadd.s32 $0xFFFFE003, lr  }
0x1b: {  	s9 =	sadd.s32 $0xFFFFFEF7, lr;
	s5 =	simm.s32 $0xFFFFFFFF;
	p2 =	slt.u32 s8, $0xFFFFF086  }
0x1c: {  	p1 =	slt.u32 s9, $0xF7A;
	s5 =	simm.s32 @!p2 $0x0  }
0x1d: {  	s5 =	simm.s32 @p1 $0x1;
	p0 =	seq.s32 s7, s2  }
0x1e: {  	s7 =	smul.u32 @!p0 $0xF7A, s2;
	p2 =	seq.s32 @!p0 s5, $0x0  }
0x1f: {  	s9 =	smul.u32 $0xF7A, s1;
	s8 =	simm.s32 @!p0 $0x1BF5;
	p2 =	por !p2, p0  }
0x20: {  	[sflag:s8] =	ssyncset.s32 @!p0 $0xFFFFF086;
	s6 =	sadd.s32 @!p0 s3, s7;
	s7 =	simm.s32 @!p0 $0x108  }
0x21: {  	s3 =	sadd.s32 s3, s9;
	s6 =	sadd.s32 @!p0 $0x88, s6;
	s7 =	simm.s32 @p2 $0x1082  }
0x22: {  	[simem:s7], [sflag:s8] =	dma.local @!p0 [hbm:s6], $0xF7A  }
0x23: {  	s9 =	sor.u32 $0xD0000000, s2;
	s6 =	simm.s32 $0x108;
	_ =	swait.ge @!p0 [sflag:s8], $0x0  }
0x24: {  	s3 =	sadd.s32 $0x88, s3;
	s6 =	simm.s32 @!p1 $0x1082;
	[sflag:s4] =	ssyncset.s32 $0xFFFFF086  }
0x25: {  	[simem:s6], [sflag:s4] =	dma.local [hbm:s3], $0xF7A  }
0x26: {  	[smem:$0x3F9F] =	sst s1;
	(tag) =	ssettag s2;
	_ =	strace s9  }
0x27: {  	s1 =	sld [smem:$0x3FAF]  }
0x28: {  	s2 =	sld [smem:$0x3FB0]  }
0x29: {  	s4 =	sld [smem:$0x3FB2]  }
0x2a: {  	p0 =	seq.s32 s5, $0x0;
	s5 =	sld [smem:$0x3FB3]  }
0x2b: {  	s6 =	sld [smem:$0x3FB4]  }
0x2c: {  	s7 =	sld [smem:$0x3FB5]  }
0x2d: {  	s3 =	simm.s32 $0x108;
	s8 =	sld [smem:$0x3FB6]  }
0x2e: {  	s3 =	simm.s32 @!p0 $0x1082;
	s9 =	sld [smem:$0x3FB7]  }
0x2f: {  	lr =	sadd.s32 s0, s3;
	s0 =	sld [smem:$0x3FAE]  }
0x30: {  	s3 =	sld [smem:$0x3FB1]  }
0x31: {  	[smem:$0x3FBA] =	sst s10  }
0x32: {  	s10 =	sld [smem:$0x3FB8];
	_ =	sdelay $0x3  }
0x33: {  	p0 =	seq.s32 s10, $0x1;
	s10 =	sld [smem:$0x3FBA];
	_ =	sdelay $0x3  }
0x34: {  	[smem:$0x3FBA] =	sst s10  }
0x35: {  	s10 =	sld [smem:$0x3FB9];
	_ =	sdelay $0x3  }
0x36: {  	p1 =	seq.s32 s10, $0x1;
	s10 =	sld [smem:$0x3FBA];
	_ =	sdelay $0x3  }
0x37: {  	[smem:$0x3FBA] =	sst s10  }
0x38: {  	s10 =	sld [smem:$0x3FBB]  }
0x39: {  	_ = 	snop;
	(pc) =	sbr.ind lr, $3  }
0x3a: {  	_ = 	snop  }
0x3b: {  	_ = 	snop  }
0x3c: {  	p2 =	seq.s32 s10, $0x1;
	s10 =	sld [smem:$0x3FBA]  }
0x3d: {  	_ =	shalt  }
0x3e: {  	_ =	shalt  }
0x3f: {  	_ =	shalt  }
0x40: {  	_ =	shalt  }
0x41: {  	_ =	shalt  }
0x42: {  	_ =	shalt  }
0x43: {  	_ =	shalt  }
0x44: {  	_ =	shalt  }
0x45: {  	_ =	shalt  }
0x46: {  	_ =	shalt  }
0x47: {  	_ =	shalt  }
0x48: {  	_ =	shalt  }
0x49: {  	_ =	shalt  }
0x4a: {  	_ =	shalt  }
0x4b: {  	_ =	shalt  }
0x4c: {  	_ =	shalt  }
0x4d: {  	_ =	shalt  }
0x4e: {  	_ =	shalt  }
0x4f: {  	_ =	shalt  }
0x50: {  	_ =	shalt  }
0x51: {  	_ =	shalt  }
0x52: {  	_ =	shalt  }
0x53: {  	_ =	shalt  }
0x54: {  	_ =	shalt  }
0x55: {  	_ =	shalt  }
0x56: {  	_ =	shalt  }
0x57: {  	_ =	shalt  }
0x58: {  	_ =	shalt  }
0x59: {  	_ =	shalt  }
0x5a: {  	_ =	shalt  }
0x5b: {  	_ =	shalt  }
0x5c: {  	_ =	shalt  }
0x5d: {  	_ =	shalt  }
0x5e: {  	_ =	shalt  }
0x5f: {  	_ =	shalt  }
0x60: {  	_ =	shalt  }
0x61: {  	_ =	shalt  }
0x62: {  	_ =	shalt  }
0x63: {  	_ =	shalt  }
0x64: {  	_ =	shalt  }
0x65: {  	_ =	shalt  }
0x66: {  	_ =	shalt  }
0x67: {  	_ =	shalt  }
0x68: {  	_ =	shalt  }
0x69: {  	_ =	shalt  }
0x6a: {  	_ =	shalt  }
0x6b: {  	_ =	shalt  }
0x6c: {  	_ =	shalt  }
0x6d: {  	_ =	shalt  }
0x6e: {  	_ =	shalt  }
0x6f: {  	_ =	shalt  }
0x70: {  	_ =	shalt  }
0x71: {  	_ =	shalt  }
0x72: {  	_ =	shalt  }
0x73: {  	_ =	shalt  }
0x74: {  	_ =	shalt  }
0x75: {  	_ =	shalt  }
0x76: {  	_ =	shalt  }
0x77: {  	_ =	shalt  }
0x78: {  	_ =	shalt  }
0x79: {  	_ =	shalt  }
0x7a: {  	_ =	shalt  }
0x7b: {  	_ =	shalt  }
0x7c: {  	_ =	shalt  }
0x7d: {  	_ =	shalt  }
0x7e: {  	_ =	shalt  }
0x7f: {  	_ =	shalt  }
0x80: {  	_ =	shalt  }
0x81: {  	_ =	shalt  }
0x82: {  	_ =	shalt  }
0x83: {  	_ =	shalt  }
0x84: {  	_ =	shalt  }
0x85: {  	_ =	shalt  }
0x86: {  	_ =	shalt  }
0x87: {  	_ =	shalt  }
.Lfunc_end0:
.L_simem_size_0:
called_computation.1_lowered:
.L_overlay_start_0:
0x88: {  	s2 =	sld [smem:$0x3FD9]  }
0x89: {  	s3 =	sld [smem:$0x3FFE];
	_ =	sdelay $0x1  }
0x8a: {  	s1 =	srdreg.scid  }
0x8b: {  	s0 =	sand.u32 $0x1, s1  }
0x8c: {  	s16 =	sshll.u32 s0, $0xA;
	s2 =	sadd.s32 s3, s2  }
0x8d: {  	s2 =	sadd.s32 s2, s16  }
0x8e: {  	[smem:$0x3FC6] =	sst s2  }
0x8f: {  	_ = 	snop  }
0x90: {  	(tm) =	ssettm $0x1  }
0x91: {  	s17 =	sld [smem:$0x3FFB];
	_ =	sdelay $0x3  }
0x92: {  	_ =	strace s17  }
0x93: {  	s2 =	sld [smem:$0x3FFC];
	_ =	sdelay $0x3  }
0x94: {  	_ =	strace s2  }
0x95: {  	s2 =	sld [smem:$0x3FFD];
	_ =	sdelay $0x3  }
0x96: {  	_ =	strace s2  }
0x97: {  	_ =	strace $0x8FFFFFFF  }
0x98: {  	s18 =	sld [smem:$0x3FDB];
	_ =	sdelay $0x1  }
0x99: {  	s19 =	simm.s32 $_scs_section_size  }
0x9a: {  	s4 =	simm.s32 $_size__tile_overlayer_lowered;
	s5 =	simm.s32 $_tile_overlayer_lowered  }
0x9b: {  	s22 =	simm.s32 $0x1BFF;
	s21 =	sshll.u32 s5, $0x1;
	s2 =	sadd.s32 s19, s18  }
0x9c: {  	s6 =	simm.s32 $0x0;
	s20 =	sshll.u32 s4, $0x1;
	s4 =	sadd.s32 s21, s2  }
0x9d: {  	[timem:s6], [sflag:s22] =	dma.local [hbm:s4], s20  }
0x9e: {  	_ =	swait.ge [sflag:s22], s20  }
0x9f: {  	s3 =	ssub.s32 $0x0, s20;
	[sflag:s22] =	ssyncset.done $0x0  }
0xa0: {  	[sflag:s22] =	ssyncadd.s32 s3;
	_ =	sdelay $0x1  }
0xa1: {  	s23 =	simm.s32 $0x1B8B  }
0xa2: {  	_ =	swait.ge [sflag:s23], $0x1  }
0xa3: {  	[sflag:s23] =	ssyncset.done $0x0  }
0xa4: {  	s25 =	simm.s32 $0x1B8E;
	s24 =	sld [smem:$0x3FFE];
	[sflag:s23] =	ssyncadd.s32 $0xFFFFFFFF  }
0xa5: {  	s26 =	simm.s32 $execute0_lowered;
	[smem:$0x3FD2] =	sst s25  }
0xa6: {  	s4 =	sshll.u32 s26, $0x1;
	_ =	strace $0x80000049;
	[dreg:$0x1] =	wrdreg $0xFFFFFFFF  }
0xa7: {  	s28 =	simm.s32 $_size_execute0_lowered;
	s2 =	sadd.s32 s2, s4;
	[dreg:$0x0] =	wrdreg $0x0  }
0xa8: {  	s4 =	sshll.u32 s28, $0x1;
	[dreg:$0x2] =	wrdreg s2  }
0xa9: {  	[dreg:$0x3] =	wrdreg s4  }
0xaa: {  	[dreg:$0x4] =	wrdreg $0xC0  }
0xab: {  	_ =	task [dreg:s6], $0x5FFFF  }
0xac: {  	[dreg:$0x1] =	wrdreg $0xFFFFFFFF  }
0xad: {  	[dreg:$0x0] =	wrdreg $0x60  }
0xae: {  	[dreg:$0x2] =	wrdreg s24  }
0xaf: {  	[dreg:$0x3] =	wrdreg $0x9  }
0xb0: {  	_ =	task.clear_ibuf [dreg:s6], $0x4FFFF;
	_ =	strace $0x90000049  }
0xb1: {  	s29 =	simm.s32 $0x9;
	_ =	strace $0x8000004B  }
0xb2: {  	_ =	swait.ge [sflag:s29], $0x1  }
0xb3: {  	[sflag:s29] =	ssyncadd.s32 $0xFFFFFFFF  }
0xb4: {  	_ =	strace $0x9000004B  }
0xb5: {  	_ =	sfence  }
0xb6: {  	s30 =	sld [smem:$0x0];
	_ =	sdelay $0x2  }
0xb7: {  	s31 =	sshll.u32 s1, $0xD;
	s1 =	sshrl.u32 s1, $0x2  }
0xb8: {  	s3 =	sand.u32 $0x4000, s31;
	s1 =	sadd.s32 s1, s30  }
0xb9: {  	s0 =	sor.u32 s3, s0;
	s1 =	sshll.u32 s1, $0x11  }
0xba: {  	s0 =	sor.u32 s1, s0  }
0xbb: {  	s0 =	sadd.s32 $0x8F2B, s0  }
0xbc: {  	[sflag:s0] =	ssyncadd.remote.s32 $0x1  }
0xbd: {  	_ =	sfence.sel $0xFFFF  }
0xbe: {  	[dreg:$0x0] =	wrdreg $0xFFFFFFFF;
	(pc) =	sbr.abs _section_cstart, $3  }
0xbf: {  	[dreg:$0x1] =	wrdreg $0xFFFFFFFF  }
0xc0: {  	_ =	task.clear_ibuf [dreg:s6], $0x2FFFF;
	_ =	strace $0x9FFFFFFF  }
0xc1: {  	(tm) =	ssettm $0x7FFFFFFF  }
tec
execute0_lowered:
.L_overlay_start_1:
0x0: {  	(tag) =	ssettag $0x1  }
0x1: {  	s1 =	srdreg.scid  }
0x2: {  	s0 =	stileid.u32;
	s4 =	rddreg [dreg:$0x0];
	s10 =	simm.s32 $0x1  }
0x3: {  	s11 =	simm.s32 $0x2;
	s12 =	simm.s32 $0x80;
	s13 =	simm.s32 $0x400  }
0x4: {  	s14 =	simm.s32 $0x3;
	s15 =	simm.s32 $0x0;
	s3 =	sand.u32 $0x1, s1  }
0x5: {  	s26 =	sshll.u32 s0, $0x1;
	s2 =	sshrl.u32 s0, $0x2;
	s28 =	smul.u32 $0x130000, s0  }
0x6: {  	s1 =	rddreg [dreg:$0x1];
	s9 =	sadd.s32 $0xE00, s4;
	s6 =	smul.u32 $0x4C000, s2  }
0x7: {  	s5 =	sor.u32 s3, s26;
	s2 =	simm.s32 $0x0;
	s8 =	smul.u32 $0x98000, s3  }
0x8: {  	s3 =	ssub.s32 $0x2, s3;
	s7 =	sshll.u32 s5, $0x7;
	s5 =	smul.u32 $0x98000, s5  }
0x9: {  	[smem:$0x7FF] =	sst s2;
	s29 =	sshrl.u32 s3, $0x1;
	s7 =	sand.u32 $0x380, s7  }
0xa: {  	_ =	strace $0x8000004A;
	s6 =	sor.u32 s6, s7;
	s5 =	sshrl.u32 s5, $0x3  }
0xb: {  	s7 =	sadd.s32 s8, s28;
	s8 =	simm.s32 $0x9800;
	s6 =	sshrl.u32 s6, $0x3  }
0xc: {  	s30 =	sor.u32 $0x2000, s7;
	s7 =	sor.u32 $0x1000, s7;
	s4 =	sadd.s32 s6, s4  }
0xd: {  	s6 =	ssub.s32 s3, s29;
	s3 =	sadd.s32 s9, s5;
	s31 =	sshrl.u32 s30, $0x3  }
0xe: {  	s7 =	sshrl.u32 s7, $0x3;
	s4 =	sadd.s32 $0x260E00, s4;
	s5 =	smax.u32 s6, $0x1  }
0xf: {  	v0 =	vimm.s32 $0x0;
	v1 =	vimm.s32 $0x1;
	s6 =	sadd.s32 s31, s9;
	s7 =	sadd.s32 s7, s9;
	s9 =	simm.s32 $0xA800  }
.LBB2_1:
0x10: {  	s16 =	simm.s32 $0x0;
	s17 =	simm.s32 $0x400  }
.LBB2_2:
0x11: {  	p0 =	sne.s32 s17, $0x25C00;
	[tilespmem:s16+$0xF0] =	vst v0  }
0x12: {  	[tilespmem:s16+$0x0] =	vst v0  }
0x13: {  	[tilespmem:s16+$0x10] =	vst v0  }
0x14: {  	[tilespmem:s16+$0x20] =	vst v0  }
0x15: {  	[tilespmem:s16+$0x30] =	vst v0  }
0x16: {  	[tilespmem:s16+$0x40] =	vst v0  }
0x17: {  	[tilespmem:s16+$0x50] =	vst v0  }
0x18: {  	[tilespmem:s16+$0x60] =	vst v0  }
0x19: {  	[tilespmem:s16+$0x70] =	vst v0  }
0x1a: {  	[tilespmem:s16+$0x80] =	vst v0  }
0x1b: {  	[tilespmem:s16+$0x90] =	vst v0  }
.Ltmp0:
0x1c: {  	[tilespmem:s16+$0xA0] =	vst v0;
	(pc) =	sbr.rel @p0 .LBB2_2-.Ltmp0, $4  }
0x1d: {  	[tilespmem:s16+$0xB0] =	vst v0  }
0x1e: {  	[tilespmem:s16+$0xC0] =	vst v0  }
0x1f: {  	[tilespmem:s16+$0xD0] =	vst v0  }
0x20: {  	[tilespmem:s16+$0xE0] =	vst v0;
	s16 =	sshra.s32 s17, $0x2;
	s17 =	sadd.s32 $0x400, s17  }
0x21: {  	[tilespmem:s16+$0xF0] =	vst v0  }
0x22: {  	[tilespmem:s16+$0x0] =	vst v0  }
0x23: {  	[tilespmem:s16+$0x10] =	vst v0  }
0x24: {  	[tilespmem:s16+$0x20] =	vst v0  }
0x25: {  	[tilespmem:s16+$0x30] =	vst v0  }
0x26: {  	[tilespmem:s16+$0x40] =	vst v0  }
0x27: {  	[tilespmem:s16+$0x50] =	vst v0  }
0x28: {  	[tilespmem:s16+$0x60] =	vst v0  }
0x29: {  	[tilespmem:s16+$0x70] =	vst v0  }
0x2a: {  	[tilespmem:s16+$0x80] =	vst v0  }
0x2b: {  	[tilespmem:s16+$0x90] =	vst v0  }
0x2c: {  	[tilespmem:s16+$0xA0] =	vst v0  }
0x2d: {  	[tilespmem:s16+$0xB0] =	vst v0  }
0x2e: {  	[tilespmem:s16+$0xC0] =	vst v0  }
0x2f: {  	[tilespmem:s16+$0xD0] =	vst v0  }
0x30: {  	[tilespmem:s16+$0xE0] =	vst v0;
	s16 =	simm.s32 $0x0  }
0x31: {  	[tilespmem:s8], [sflag:$0x1] =	stream.linear.gather [hbm4b:s3+s16], $0x1000, $0x38;
	[tilespmem:$0xB800] =	vst v63  }
.LBB2_4:
0x32: {  	s17 =	sadd.s32 s16, s7  }
0x33: {  	[tilespmem:s9], [sflag:$0x2] =	stream.linear.gather [hbm4b:s17+s2], $0x1000, $0x38;
	[tilespmem:$0xB800] =	vst v63  }
0x34: {  	_ =	swait.ge [sflag:s10], $0x1000  }
0x35: {  	[sflag:s10] =	ssyncset.done $0x0  }
0x36: {  	[sflag:s10] =	ssyncadd.s32 $0xFFFFF000  }
0x37: {  	v2 =	vld [tilespmem:$0x9800];
	_ =	sdelay $0x7  }
0x38: {  	[tilespmem:v2+s2+$0x0] =	vst.idx.add.s32.msk $0xffff, v1  }
0x39: {  	v2 =	vld [tilespmem:$0x9810];
	_ =	sdelay $0x7  }
0x3a: {  	[tilespmem:v2+s2+$0x0] =	vst.idx.add.s32.msk $0xffff, v1  }
0x3b: {  	v2 =	vld [tilespmem:$0x9820];
	_ =	sdelay $0x7  }
0x3c: {  	[tilespmem:v2+s2+$0x0] =	vst.idx.add.s32.msk $0xffff, v1  }
0x3d: {  	v2 =	vld [tilespmem:$0x9830];
	_ =	sdelay $0x7  }
0x3e: {  	[tilespmem:v2+s2+$0x0] =	vst.idx.add.s32.msk $0xffff, v1  }
0x3f: {  	v2 =	vld [tilespmem:$0x9840];
	_ =	sdelay $0x7  }
0x40: {  	[tilespmem:v2+s2+$0x0] =	vst.idx.add.s32.msk $0xffff, v1  }
0x41: {  	v2 =	vld [tilespmem:$0x9850];
	_ =	sdelay $0x7  }
0x42: {  	[tilespmem:v2+s2+$0x0] =	vst.idx.add.s32.msk $0xffff, v1  }
0x43: {  	v2 =	vld [tilespmem:$0x9860];
	_ =	sdelay $0x7  }
0x44: {  	[tilespmem:v2+s2+$0x0] =	vst.idx.add.s32.msk $0xffff, v1  }
0x45: {  	v2 =	vld [tilespmem:$0x9870];
	_ =	sdelay $0x7  }
0x46: {  	[tilespmem:v2+s2+$0x0] =	vst.idx.add.s32.msk $0xffff, v1  }
0x47: {  	v2 =	vld [tilespmem:$0x9880];
	_ =	sdelay $0x7  }
0x48: {  	[tilespmem:v2+s2+$0x0] =	vst.idx.add.s32.msk $0xffff, v1  }
0x49: {  	v2 =	vld [tilespmem:$0x9890];
	_ =	sdelay $0x7  }
0x4a: {  	[tilespmem:v2+s2+$0x0] =	vst.idx.add.s32.msk $0xffff, v1  }
0x4b: {  	v2 =	vld [tilespmem:$0x98A0];
	_ =	sdelay $0x7  }
0x4c: {  	[tilespmem:v2+s2+$0x0] =	vst.idx.add.s32.msk $0xffff, v1  }
0x4d: {  	v2 =	vld [tilespmem:$0x98B0];
	_ =	sdelay $0x7  }
0x4e: {  	[tilespmem:v2+s2+$0x0] =	vst.idx.add.s32.msk $0xffff, v1  }
0x4f: {  	v2 =	vld [tilespmem:$0x98C0];
	_ =	sdelay $0x7  }
0x50: {  	[tilespmem:v2+s2+$0x0] =	vst.idx.add.s32.msk $0xffff, v1  }
0x51: {  	v2 =	vld [tilespmem:$0x98D0];
	_ =	sdelay $0x7  }
0x52: {  	[tilespmem:v2+s2+$0x0] =	vst.idx.add.s32.msk $0xffff, v1  }
0x53: {  	v2 =	vld [tilespmem:$0x98E0];
	_ =	sdelay $0x7  }
0x54: {  	[tilespmem:v2+s2+$0x0] =	vst.idx.add.s32.msk $0xffff, v1  }
0x55: {  	v2 =	vld [tilespmem:$0x98F0];
	_ =	sdelay $0x7  }
0x56: {  	[tilespmem:v2+s2+$0x0] =	vst.idx.add.s32.msk $0xffff, v1  }
0x57: {  	v2 =	vld [tilespmem:$0x9900];
	_ =	sdelay $0x7  }
0x58: {  	[tilespmem:v2+s2+$0x0] =	vst.idx.add.s32.msk $0xffff, v1  }
0x59: {  	v2 =	vld [tilespmem:$0x9910];
	_ =	sdelay $0x7  }
0x5a: {  	[tilespmem:v2+s2+$0x0] =	vst.idx.add.s32.msk $0xffff, v1  }
0x5b: {  	v2 =	vld [tilespmem:$0x9920];
	_ =	sdelay $0x7  }
0x5c: {  	[tilespmem:v2+s2+$0x0] =	vst.idx.add.s32.msk $0xffff, v1  }
0x5d: {  	v2 =	vld [tilespmem:$0x9930];
	_ =	sdelay $0x7  }
0x5e: {  	[tilespmem:v2+s2+$0x0] =	vst.idx.add.s32.msk $0xffff, v1  }
0x5f: {  	v2 =	vld [tilespmem:$0x9940];
	_ =	sdelay $0x7  }
0x60: {  	[tilespmem:v2+s2+$0x0] =	vst.idx.add.s32.msk $0xffff, v1  }
0x61: {  	v2 =	vld [tilespmem:$0x9950];
	_ =	sdelay $0x7  }
0x62: {  	[tilespmem:v2+s2+$0x0] =	vst.idx.add.s32.msk $0xffff, v1  }
0x63: {  	v2 =	vld [tilespmem:$0x9960];
	_ =	sdelay $0x7  }
0x64: {  	[tilespmem:v2+s2+$0x0] =	vst.idx.add.s32.msk $0xffff, v1  }
0x65: {  	v2 =	vld [tilespmem:$0x9970];
	_ =	sdelay $0x7  }
0x66: {  	[tilespmem:v2+s2+$0x0] =	vst.idx.add.s32.msk $0xffff, v1  }
0x67: {  	v2 =	vld [tilespmem:$0x9980];
	_ =	sdelay $0x7  }
0x68: {  	[tilespmem:v2+s2+$0x0] =	vst.idx.add.s32.msk $0xffff, v1  }
0x69: {  	v2 =	vld [tilespmem:$0x9990];
	_ =	sdelay $0x7  }
0x6a: {  	[tilespmem:v2+s2+$0x0] =	vst.idx.add.s32.msk $0xffff, v1  }
0x6b: {  	v2 =	vld [tilespmem:$0x99A0];
	_ =	sdelay $0x7  }
0x6c: {  	[tilespmem:v2+s2+$0x0] =	vst.idx.add.s32.msk $0xffff, v1  }
0x6d: {  	v2 =	vld [tilespmem:$0x99B0];
	_ =	sdelay $0x7  }
0x6e: {  	[tilespmem:v2+s2+$0x0] =	vst.idx.add.s32.msk $0xffff, v1  }
0x6f: {  	v2 =	vld [tilespmem:$0x99C0];
	_ =	sdelay $0x7  }
0x70: {  	[tilespmem:v2+s2+$0x0] =	vst.idx.add.s32.msk $0xffff, v1  }
0x71: {  	v2 =	vld [tilespmem:$0x99D0];
	_ =	sdelay $0x7  }
0x72: {  	[tilespmem:v2+s2+$0x0] =	vst.idx.add.s32.msk $0xffff, v1  }
0x73: {  	v2 =	vld [tilespmem:$0x99E0];
	_ =	sdelay $0x7  }
0x74: {  	[tilespmem:v2+s2+$0x0] =	vst.idx.add.s32.msk $0xffff, v1  }
0x75: {  	v2 =	vld [tilespmem:$0x99F0];
	_ =	sdelay $0x7  }
0x76: {  	[tilespmem:v2+s2+$0x0] =	vst.idx.add.s32.msk $0xffff, v1  }
0x77: {  	v2 =	vld [tilespmem:$0x9A00];
	_ =	sdelay $0x7  }
0x78: {  	[tilespmem:v2+s2+$0x0] =	vst.idx.add.s32.msk $0xffff, v1  }
0x79: {  	v2 =	vld [tilespmem:$0x9A10];
	_ =	sdelay $0x7  }
0x7a: {  	[tilespmem:v2+s2+$0x0] =	vst.idx.add.s32.msk $0xffff, v1  }
0x7b: {  	v2 =	vld [tilespmem:$0x9A20];
	_ =	sdelay $0x7  }
0x7c: {  	[tilespmem:v2+s2+$0x0] =	vst.idx.add.s32.msk $0xffff, v1  }
0x7d: {  	v2 =	vld [tilespmem:$0x9A30];
	_ =	sdelay $0x7  }
0x7e: {  	[tilespmem:v2+s2+$0x0] =	vst.idx.add.s32.msk $0xffff, v1  }
0x7f: {  	v2 =	vld [tilespmem:$0x9A40];
	_ =	sdelay $0x7  }
0x80: {  	[tilespmem:v2+s2+$0x0] =	vst.idx.add.s32.msk $0xffff, v1  }
0x81: {  	v2 =	vld [tilespmem:$0x9A50];
	_ =	sdelay $0x7  }
0x82: {  	[tilespmem:v2+s2+$0x0] =	vst.idx.add.s32.msk $0xffff, v1  }
0x83: {  	v2 =	vld [tilespmem:$0x9A60];
	_ =	sdelay $0x7  }
0x84: {  	[tilespmem:v2+s2+$0x0] =	vst.idx.add.s32.msk $0xffff, v1  }
0x85: {  	v2 =	vld [tilespmem:$0x9A70];
	_ =	sdelay $0x7  }
0x86: {  	[tilespmem:v2+s2+$0x0] =	vst.idx.add.s32.msk $0xffff, v1  }
0x87: {  	v2 =	vld [tilespmem:$0x9A80];
	_ =	sdelay $0x7  }
0x88: {  	[tilespmem:v2+s2+$0x0] =	vst.idx.add.s32.msk $0xffff, v1  }
0x89: {  	v2 =	vld [tilespmem:$0x9A90];
	_ =	sdelay $0x7  }
0x8a: {  	[tilespmem:v2+s2+$0x0] =	vst.idx.add.s32.msk $0xffff, v1  }
0x8b: {  	v2 =	vld [tilespmem:$0x9AA0];
	_ =	sdelay $0x7  }
0x8c: {  	[tilespmem:v2+s2+$0x0] =	vst.idx.add.s32.msk $0xffff, v1  }
0x8d: {  	v2 =	vld [tilespmem:$0x9AB0];
	_ =	sdelay $0x7  }
0x8e: {  	[tilespmem:v2+s2+$0x0] =	vst.idx.add.s32.msk $0xffff, v1  }
0x8f: {  	v2 =	vld [tilespmem:$0x9AC0];
	_ =	sdelay $0x7  }
0x90: {  	[tilespmem:v2+s2+$0x0] =	vst.idx.add.s32.msk $0xffff, v1  }
0x91: {  	v2 =	vld [tilespmem:$0x9AD0];
	_ =	sdelay $0x7  }
0x92: {  	[tilespmem:v2+s2+$0x0] =	vst.idx.add.s32.msk $0xffff, v1  }
0x93: {  	v2 =	vld [tilespmem:$0x9AE0];
	_ =	sdelay $0x7  }
0x94: {  	[tilespmem:v2+s2+$0x0] =	vst.idx.add.s32.msk $0xffff, v1  }
0x95: {  	v2 =	vld [tilespmem:$0x9AF0];
	_ =	sdelay $0x7  }
0x96: {  	[tilespmem:v2+s2+$0x0] =	vst.idx.add.s32.msk $0xffff, v1  }
0x97: {  	v2 =	vld [tilespmem:$0x9B00];
	_ =	sdelay $0x7  }
0x98: {  	[tilespmem:v2+s2+$0x0] =	vst.idx.add.s32.msk $0xffff, v1  }
0x99: {  	v2 =	vld [tilespmem:$0x9B10];
	_ =	sdelay $0x7  }
0x9a: {  	[tilespmem:v2+s2+$0x0] =	vst.idx.add.s32.msk $0xffff, v1  }
0x9b: {  	v2 =	vld [tilespmem:$0x9B20];
	_ =	sdelay $0x7  }
0x9c: {  	[tilespmem:v2+s2+$0x0] =	vst.idx.add.s32.msk $0xffff, v1  }
0x9d: {  	v2 =	vld [tilespmem:$0x9B30];
	_ =	sdelay $0x7  }
0x9e: {  	[tilespmem:v2+s2+$0x0] =	vst.idx.add.s32.msk $0xffff, v1  }
0x9f: {  	v2 =	vld [tilespmem:$0x9B40];
	_ =	sdelay $0x7  }
0xa0: {  	[tilespmem:v2+s2+$0x0] =	vst.idx.add.s32.msk $0xffff, v1  }
0xa1: {  	v2 =	vld [tilespmem:$0x9B50];
	_ =	sdelay $0x7  }
0xa2: {  	[tilespmem:v2+s2+$0x0] =	vst.idx.add.s32.msk $0xffff, v1  }
0xa3: {  	v2 =	vld [tilespmem:$0x9B60];
	_ =	sdelay $0x7  }
0xa4: {  	[tilespmem:v2+s2+$0x0] =	vst.idx.add.s32.msk $0xffff, v1  }
0xa5: {  	v2 =	vld [tilespmem:$0x9B70];
	_ =	sdelay $0x7  }
0xa6: {  	[tilespmem:v2+s2+$0x0] =	vst.idx.add.s32.msk $0xffff, v1  }
0xa7: {  	v2 =	vld [tilespmem:$0x9B80];
	_ =	sdelay $0x7  }
0xa8: {  	[tilespmem:v2+s2+$0x0] =	vst.idx.add.s32.msk $0xffff, v1  }
0xa9: {  	v2 =	vld [tilespmem:$0x9B90];
	_ =	sdelay $0x7  }
0xaa: {  	[tilespmem:v2+s2+$0x0] =	vst.idx.add.s32.msk $0xffff, v1  }
0xab: {  	v2 =	vld [tilespmem:$0x9BA0];
	_ =	sdelay $0x7  }
0xac: {  	[tilespmem:v2+s2+$0x0] =	vst.idx.add.s32.msk $0xffff, v1  }
0xad: {  	v2 =	vld [tilespmem:$0x9BB0];
	_ =	sdelay $0x7  }
0xae: {  	[tilespmem:v2+s2+$0x0] =	vst.idx.add.s32.msk $0xffff, v1  }
0xaf: {  	v2 =	vld [tilespmem:$0x9BC0];
	_ =	sdelay $0x7  }
0xb0: {  	[tilespmem:v2+s2+$0x0] =	vst.idx.add.s32.msk $0xffff, v1  }
0xb1: {  	v2 =	vld [tilespmem:$0x9BD0];
	_ =	sdelay $0x7  }
0xb2: {  	[tilespmem:v2+s2+$0x0] =	vst.idx.add.s32.msk $0xffff, v1  }
0xb3: {  	v2 =	vld [tilespmem:$0x9BE0];
	_ =	sdelay $0x7  }
0xb4: {  	[tilespmem:v2+s2+$0x0] =	vst.idx.add.s32.msk $0xffff, v1  }
0xb5: {  	v2 =	vld [tilespmem:$0x9BF0];
	_ =	sdelay $0x7  }
0xb6: {  	[tilespmem:v2+s2+$0x0] =	vst.idx.add.s32.msk $0xffff, v1  }
0xb7: {  	v2 =	vld [tilespmem:$0x9C00];
	_ =	sdelay $0x7  }
0xb8: {  	[tilespmem:v2+s2+$0x0] =	vst.idx.add.s32.msk $0xffff, v1  }
0xb9: {  	v2 =	vld [tilespmem:$0x9C10];
	_ =	sdelay $0x7  }
0xba: {  	[tilespmem:v2+s2+$0x0] =	vst.idx.add.s32.msk $0xffff, v1  }
0xbb: {  	v2 =	vld [tilespmem:$0x9C20];
	_ =	sdelay $0x7  }
0xbc: {  	[tilespmem:v2+s2+$0x0] =	vst.idx.add.s32.msk $0xffff, v1  }
0xbd: {  	v2 =	vld [tilespmem:$0x9C30];
	_ =	sdelay $0x7  }
0xbe: {  	[tilespmem:v2+s2+$0x0] =	vst.idx.add.s32.msk $0xffff, v1  }
0xbf: {  	v2 =	vld [tilespmem:$0x9C40];
	_ =	sdelay $0x7  }
0xc0: {  	[tilespmem:v2+s2+$0x0] =	vst.idx.add.s32.msk $0xffff, v1  }
0xc1: {  	v2 =	vld [tilespmem:$0x9C50];
	_ =	sdelay $0x7  }
0xc2: {  	[tilespmem:v2+s2+$0x0] =	vst.idx.add.s32.msk $0xffff, v1  }
0xc3: {  	v2 =	vld [tilespmem:$0x9C60];
	_ =	sdelay $0x7  }
0xc4: {  	[tilespmem:v2+s2+$0x0] =	vst.idx.add.s32.msk $0xffff, v1  }
0xc5: {  	v2 =	vld [tilespmem:$0x9C70];
	_ =	sdelay $0x7  }
0xc6: {  	[tilespmem:v2+s2+$0x0] =	vst.idx.add.s32.msk $0xffff, v1  }
0xc7: {  	v2 =	vld [tilespmem:$0x9C80];
	_ =	sdelay $0x7  }
0xc8: {  	[tilespmem:v2+s2+$0x0] =	vst.idx.add.s32.msk $0xffff, v1  }
0xc9: {  	v2 =	vld [tilespmem:$0x9C90];
	_ =	sdelay $0x7  }
0xca: {  	[tilespmem:v2+s2+$0x0] =	vst.idx.add.s32.msk $0xffff, v1  }
0xcb: {  	v2 =	vld [tilespmem:$0x9CA0];
	_ =	sdelay $0x7  }
0xcc: {  	[tilespmem:v2+s2+$0x0] =	vst.idx.add.s32.msk $0xffff, v1  }
0xcd: {  	v2 =	vld [tilespmem:$0x9CB0];
	_ =	sdelay $0x7  }
0xce: {  	[tilespmem:v2+s2+$0x0] =	vst.idx.add.s32.msk $0xffff, v1  }
0xcf: {  	v2 =	vld [tilespmem:$0x9CC0];
	_ =	sdelay $0x7  }
0xd0: {  	[tilespmem:v2+s2+$0x0] =	vst.idx.add.s32.msk $0xffff, v1  }
0xd1: {  	v2 =	vld [tilespmem:$0x9CD0];
	_ =	sdelay $0x7  }
0xd2: {  	[tilespmem:v2+s2+$0x0] =	vst.idx.add.s32.msk $0xffff, v1  }
0xd3: {  	v2 =	vld [tilespmem:$0x9CE0];
	_ =	sdelay $0x7  }
0xd4: {  	[tilespmem:v2+s2+$0x0] =	vst.idx.add.s32.msk $0xffff, v1  }
0xd5: {  	v2 =	vld [tilespmem:$0x9CF0];
	_ =	sdelay $0x7  }
0xd6: {  	[tilespmem:v2+s2+$0x0] =	vst.idx.add.s32.msk $0xffff, v1  }
0xd7: {  	v2 =	vld [tilespmem:$0x9D00];
	_ =	sdelay $0x7  }
0xd8: {  	[tilespmem:v2+s2+$0x0] =	vst.idx.add.s32.msk $0xffff, v1  }
0xd9: {  	v2 =	vld [tilespmem:$0x9D10];
	_ =	sdelay $0x7  }
0xda: {  	[tilespmem:v2+s2+$0x0] =	vst.idx.add.s32.msk $0xffff, v1  }
0xdb: {  	v2 =	vld [tilespmem:$0x9D20];
	_ =	sdelay $0x7  }
0xdc: {  	[tilespmem:v2+s2+$0x0] =	vst.idx.add.s32.msk $0xffff, v1  }
0xdd: {  	v2 =	vld [tilespmem:$0x9D30];
	_ =	sdelay $0x7  }
0xde: {  	[tilespmem:v2+s2+$0x0] =	vst.idx.add.s32.msk $0xffff, v1  }
0xdf: {  	v2 =	vld [tilespmem:$0x9D40];
	_ =	sdelay $0x7  }
0xe0: {  	[tilespmem:v2+s2+$0x0] =	vst.idx.add.s32.msk $0xffff, v1  }
0xe1: {  	v2 =	vld [tilespmem:$0x9D50];
	_ =	sdelay $0x7  }
0xe2: {  	[tilespmem:v2+s2+$0x0] =	vst.idx.add.s32.msk $0xffff, v1  }
0xe3: {  	v2 =	vld [tilespmem:$0x9D60];
	_ =	sdelay $0x7  }
0xe4: {  	[tilespmem:v2+s2+$0x0] =	vst.idx.add.s32.msk $0xffff, v1  }
0xe5: {  	v2 =	vld [tilespmem:$0x9D70];
	_ =	sdelay $0x7  }
0xe6: {  	[tilespmem:v2+s2+$0x0] =	vst.idx.add.s32.msk $0xffff, v1  }
0xe7: {  	v2 =	vld [tilespmem:$0x9D80];
	_ =	sdelay $0x7  }
0xe8: {  	[tilespmem:v2+s2+$0x0] =	vst.idx.add.s32.msk $0xffff, v1  }
0xe9: {  	v2 =	vld [tilespmem:$0x9D90];
	_ =	sdelay $0x7  }
0xea: {  	[tilespmem:v2+s2+$0x0] =	vst.idx.add.s32.msk $0xffff, v1  }
0xeb: {  	v2 =	vld [tilespmem:$0x9DA0];
	_ =	sdelay $0x7  }
0xec: {  	[tilespmem:v2+s2+$0x0] =	vst.idx.add.s32.msk $0xffff, v1  }
0xed: {  	v2 =	vld [tilespmem:$0x9DB0];
	_ =	sdelay $0x7  }
0xee: {  	[tilespmem:v2+s2+$0x0] =	vst.idx.add.s32.msk $0xffff, v1  }
0xef: {  	v2 =	vld [tilespmem:$0x9DC0];
	_ =	sdelay $0x7  }
0xf0: {  	[tilespmem:v2+s2+$0x0] =	vst.idx.add.s32.msk $0xffff, v1  }
0xf1: {  	v2 =	vld [tilespmem:$0x9DD0];
	_ =	sdelay $0x7  }
0xf2: {  	[tilespmem:v2+s2+$0x0] =	vst.idx.add.s32.msk $0xffff, v1  }
0xf3: {  	v2 =	vld [tilespmem:$0x9DE0];
	_ =	sdelay $0x7  }
0xf4: {  	[tilespmem:v2+s2+$0x0] =	vst.idx.add.s32.msk $0xffff, v1  }
0xf5: {  	v2 =	vld [tilespmem:$0x9DF0];
	_ =	sdelay $0x7  }
0xf6: {  	[tilespmem:v2+s2+$0x0] =	vst.idx.add.s32.msk $0xffff, v1  }
0xf7: {  	v2 =	vld [tilespmem:$0x9E00];
	_ =	sdelay $0x7  }
0xf8: {  	[tilespmem:v2+s2+$0x0] =	vst.idx.add.s32.msk $0xffff, v1  }
0xf9: {  	v2 =	vld [tilespmem:$0x9E10];
	_ =	sdelay $0x7  }
0xfa: {  	[tilespmem:v2+s2+$0x0] =	vst.idx.add.s32.msk $0xffff, v1  }
0xfb: {  	v2 =	vld [tilespmem:$0x9E20];
	_ =	sdelay $0x7  }
0xfc: {  	[tilespmem:v2+s2+$0x0] =	vst.idx.add.s32.msk $0xffff, v1  }
0xfd: {  	v2 =	vld [tilespmem:$0x9E30];
	_ =	sdelay $0x7  }
0xfe: {  	[tilespmem:v2+s2+$0x0] =	vst.idx.add.s32.msk $0xffff, v1  }
0xff: {  	v2 =	vld [tilespmem:$0x9E40];
	_ =	sdelay $0x7  }
0x100: {  	[tilespmem:v2+s2+$0x0] =	vst.idx.add.s32.msk $0xffff, v1  }
0x101: {  	v2 =	vld [tilespmem:$0x9E50];
	_ =	sdelay $0x7  }
0x102: {  	[tilespmem:v2+s2+$0x0] =	vst.idx.add.s32.msk $0xffff, v1  }
0x103: {  	v2 =	vld [tilespmem:$0x9E60];
	_ =	sdelay $0x7  }
0x104: {  	[tilespmem:v2+s2+$0x0] =	vst.idx.add.s32.msk $0xffff, v1  }
0x105: {  	v2 =	vld [tilespmem:$0x9E70];
	_ =	sdelay $0x7  }
0x106: {  	[tilespmem:v2+s2+$0x0] =	vst.idx.add.s32.msk $0xffff, v1  }
0x107: {  	v2 =	vld [tilespmem:$0x9E80];
	_ =	sdelay $0x7  }
0x108: {  	[tilespmem:v2+s2+$0x0] =	vst.idx.add.s32.msk $0xffff, v1  }
0x109: {  	v2 =	vld [tilespmem:$0x9E90];
	_ =	sdelay $0x7  }
0x10a: {  	[tilespmem:v2+s2+$0x0] =	vst.idx.add.s32.msk $0xffff, v1  }
0x10b: {  	v2 =	vld [tilespmem:$0x9EA0];
	_ =	sdelay $0x7  }
0x10c: {  	[tilespmem:v2+s2+$0x0] =	vst.idx.add.s32.msk $0xffff, v1  }
0x10d: {  	v2 =	vld [tilespmem:$0x9EB0];
	_ =	sdelay $0x7  }
0x10e: {  	[tilespmem:v2+s2+$0x0] =	vst.idx.add.s32.msk $0xffff, v1  }
0x10f: {  	v2 =	vld [tilespmem:$0x9EC0];
	_ =	sdelay $0x7  }
0x110: {  	[tilespmem:v2+s2+$0x0] =	vst.idx.add.s32.msk $0xffff, v1  }
0x111: {  	v2 =	vld [tilespmem:$0x9ED0];
	_ =	sdelay $0x7  }
0x112: {  	[tilespmem:v2+s2+$0x0] =	vst.idx.add.s32.msk $0xffff, v1  }
0x113: {  	v2 =	vld [tilespmem:$0x9EE0];
	_ =	sdelay $0x7  }
0x114: {  	[tilespmem:v2+s2+$0x0] =	vst.idx.add.s32.msk $0xffff, v1  }
0x115: {  	v2 =	vld [tilespmem:$0x9EF0];
	_ =	sdelay $0x7  }
0x116: {  	[tilespmem:v2+s2+$0x0] =	vst.idx.add.s32.msk $0xffff, v1  }
0x117: {  	v2 =	vld [tilespmem:$0x9F00];
	_ =	sdelay $0x7  }
0x118: {  	[tilespmem:v2+s2+$0x0] =	vst.idx.add.s32.msk $0xffff, v1  }
0x119: {  	v2 =	vld [tilespmem:$0x9F10];
	_ =	sdelay $0x7  }
0x11a: {  	[tilespmem:v2+s2+$0x0] =	vst.idx.add.s32.msk $0xffff, v1  }
0x11b: {  	v2 =	vld [tilespmem:$0x9F20];
	_ =	sdelay $0x7  }
0x11c: {  	[tilespmem:v2+s2+$0x0] =	vst.idx.add.s32.msk $0xffff, v1  }
0x11d: {  	v2 =	vld [tilespmem:$0x9F30];
	_ =	sdelay $0x7  }
0x11e: {  	[tilespmem:v2+s2+$0x0] =	vst.idx.add.s32.msk $0xffff, v1  }
0x11f: {  	v2 =	vld [tilespmem:$0x9F40];
	_ =	sdelay $0x7  }
0x120: {  	[tilespmem:v2+s2+$0x0] =	vst.idx.add.s32.msk $0xffff, v1  }
0x121: {  	v2 =	vld [tilespmem:$0x9F50];
	_ =	sdelay $0x7  }
0x122: {  	[tilespmem:v2+s2+$0x0] =	vst.idx.add.s32.msk $0xffff, v1  }
0x123: {  	v2 =	vld [tilespmem:$0x9F60];
	_ =	sdelay $0x7  }
0x124: {  	[tilespmem:v2+s2+$0x0] =	vst.idx.add.s32.msk $0xffff, v1  }
0x125: {  	v2 =	vld [tilespmem:$0x9F70];
	_ =	sdelay $0x7  }
0x126: {  	[tilespmem:v2+s2+$0x0] =	vst.idx.add.s32.msk $0xffff, v1  }
0x127: {  	v2 =	vld [tilespmem:$0x9F80];
	_ =	sdelay $0x7  }
0x128: {  	[tilespmem:v2+s2+$0x0] =	vst.idx.add.s32.msk $0xffff, v1  }
0x129: {  	v2 =	vld [tilespmem:$0x9F90];
	_ =	sdelay $0x7  }
0x12a: {  	[tilespmem:v2+s2+$0x0] =	vst.idx.add.s32.msk $0xffff, v1  }
0x12b: {  	v2 =	vld [tilespmem:$0x9FA0];
	_ =	sdelay $0x7  }
0x12c: {  	[tilespmem:v2+s2+$0x0] =	vst.idx.add.s32.msk $0xffff, v1  }
0x12d: {  	v2 =	vld [tilespmem:$0x9FB0];
	_ =	sdelay $0x7  }
0x12e: {  	[tilespmem:v2+s2+$0x0] =	vst.idx.add.s32.msk $0xffff, v1  }
0x12f: {  	v2 =	vld [tilespmem:$0x9FC0];
	_ =	sdelay $0x7  }
0x130: {  	[tilespmem:v2+s2+$0x0] =	vst.idx.add.s32.msk $0xffff, v1  }
0x131: {  	v2 =	vld [tilespmem:$0x9FD0];
	_ =	sdelay $0x7  }
0x132: {  	[tilespmem:v2+s2+$0x0] =	vst.idx.add.s32.msk $0xffff, v1  }
0x133: {  	v2 =	vld [tilespmem:$0x9FE0];
	_ =	sdelay $0x7  }
0x134: {  	[tilespmem:v2+s2+$0x0] =	vst.idx.add.s32.msk $0xffff, v1  }
0x135: {  	v2 =	vld [tilespmem:$0x9FF0];
	_ =	sdelay $0x7  }
0x136: {  	[tilespmem:v2+s2+$0x0] =	vst.idx.add.s32.msk $0xffff, v1  }
0x137: {  	v2 =	vld [tilespmem:$0xA000];
	_ =	sdelay $0x7  }
0x138: {  	[tilespmem:v2+s2+$0x0] =	vst.idx.add.s32.msk $0xffff, v1  }
0x139: {  	v2 =	vld [tilespmem:$0xA010];
	_ =	sdelay $0x7  }
0x13a: {  	[tilespmem:v2+s2+$0x0] =	vst.idx.add.s32.msk $0xffff, v1  }
0x13b: {  	v2 =	vld [tilespmem:$0xA020];
	_ =	sdelay $0x7  }
0x13c: {  	[tilespmem:v2+s2+$0x0] =	vst.idx.add.s32.msk $0xffff, v1  }
0x13d: {  	v2 =	vld [tilespmem:$0xA030];
	_ =	sdelay $0x7  }
0x13e: {  	[tilespmem:v2+s2+$0x0] =	vst.idx.add.s32.msk $0xffff, v1  }
0x13f: {  	v2 =	vld [tilespmem:$0xA040];
	_ =	sdelay $0x7  }
0x140: {  	[tilespmem:v2+s2+$0x0] =	vst.idx.add.s32.msk $0xffff, v1  }
0x141: {  	v2 =	vld [tilespmem:$0xA050];
	_ =	sdelay $0x7  }
0x142: {  	[tilespmem:v2+s2+$0x0] =	vst.idx.add.s32.msk $0xffff, v1  }
0x143: {  	v2 =	vld [tilespmem:$0xA060];
	_ =	sdelay $0x7  }
0x144: {  	[tilespmem:v2+s2+$0x0] =	vst.idx.add.s32.msk $0xffff, v1  }
0x145: {  	v2 =	vld [tilespmem:$0xA070];
	_ =	sdelay $0x7  }
0x146: {  	[tilespmem:v2+s2+$0x0] =	vst.idx.add.s32.msk $0xffff, v1  }
0x147: {  	v2 =	vld [tilespmem:$0xA080];
	_ =	sdelay $0x7  }
0x148: {  	[tilespmem:v2+s2+$0x0] =	vst.idx.add.s32.msk $0xffff, v1  }
0x149: {  	v2 =	vld [tilespmem:$0xA090];
	_ =	sdelay $0x7  }
0x14a: {  	[tilespmem:v2+s2+$0x0] =	vst.idx.add.s32.msk $0xffff, v1  }
0x14b: {  	v2 =	vld [tilespmem:$0xA0A0];
	_ =	sdelay $0x7  }
0x14c: {  	[tilespmem:v2+s2+$0x0] =	vst.idx.add.s32.msk $0xffff, v1  }
0x14d: {  	v2 =	vld [tilespmem:$0xA0B0];
	_ =	sdelay $0x7  }
0x14e: {  	[tilespmem:v2+s2+$0x0] =	vst.idx.add.s32.msk $0xffff, v1  }
0x14f: {  	v2 =	vld [tilespmem:$0xA0C0];
	_ =	sdelay $0x7  }
0x150: {  	[tilespmem:v2+s2+$0x0] =	vst.idx.add.s32.msk $0xffff, v1  }
0x151: {  	v2 =	vld [tilespmem:$0xA0D0];
	_ =	sdelay $0x7  }
0x152: {  	[tilespmem:v2+s2+$0x0] =	vst.idx.add.s32.msk $0xffff, v1  }
0x153: {  	v2 =	vld [tilespmem:$0xA0E0];
	_ =	sdelay $0x7  }
0x154: {  	[tilespmem:v2+s2+$0x0] =	vst.idx.add.s32.msk $0xffff, v1  }
0x155: {  	v2 =	vld [tilespmem:$0xA0F0];
	_ =	sdelay $0x7  }
0x156: {  	[tilespmem:v2+s2+$0x0] =	vst.idx.add.s32.msk $0xffff, v1  }
0x157: {  	v2 =	vld [tilespmem:$0xA100];
	_ =	sdelay $0x7  }
0x158: {  	[tilespmem:v2+s2+$0x0] =	vst.idx.add.s32.msk $0xffff, v1  }
0x159: {  	v2 =	vld [tilespmem:$0xA110];
	_ =	sdelay $0x7  }
0x15a: {  	[tilespmem:v2+s2+$0x0] =	vst.idx.add.s32.msk $0xffff, v1  }
0x15b: {  	v2 =	vld [tilespmem:$0xA120];
	_ =	sdelay $0x7  }
0x15c: {  	[tilespmem:v2+s2+$0x0] =	vst.idx.add.s32.msk $0xffff, v1  }
0x15d: {  	v2 =	vld [tilespmem:$0xA130];
	_ =	sdelay $0x7  }
0x15e: {  	[tilespmem:v2+s2+$0x0] =	vst.idx.add.s32.msk $0xffff, v1  }
0x15f: {  	v2 =	vld [tilespmem:$0xA140];
	_ =	sdelay $0x7  }
0x160: {  	[tilespmem:v2+s2+$0x0] =	vst.idx.add.s32.msk $0xffff, v1  }
0x161: {  	v2 =	vld [tilespmem:$0xA150];
	_ =	sdelay $0x7  }
0x162: {  	[tilespmem:v2+s2+$0x0] =	vst.idx.add.s32.msk $0xffff, v1  }
0x163: {  	v2 =	vld [tilespmem:$0xA160];
	_ =	sdelay $0x7  }
0x164: {  	[tilespmem:v2+s2+$0x0] =	vst.idx.add.s32.msk $0xffff, v1  }
0x165: {  	v2 =	vld [tilespmem:$0xA170];
	_ =	sdelay $0x7  }
0x166: {  	[tilespmem:v2+s2+$0x0] =	vst.idx.add.s32.msk $0xffff, v1  }
0x167: {  	v2 =	vld [tilespmem:$0xA180];
	_ =	sdelay $0x7  }
0x168: {  	[tilespmem:v2+s2+$0x0] =	vst.idx.add.s32.msk $0xffff, v1  }
0x169: {  	v2 =	vld [tilespmem:$0xA190];
	_ =	sdelay $0x7  }
0x16a: {  	[tilespmem:v2+s2+$0x0] =	vst.idx.add.s32.msk $0xffff, v1  }
0x16b: {  	v2 =	vld [tilespmem:$0xA1A0];
	_ =	sdelay $0x7  }
0x16c: {  	[tilespmem:v2+s2+$0x0] =	vst.idx.add.s32.msk $0xffff, v1  }
0x16d: {  	v2 =	vld [tilespmem:$0xA1B0];
	_ =	sdelay $0x7  }
0x16e: {  	[tilespmem:v2+s2+$0x0] =	vst.idx.add.s32.msk $0xffff, v1  }
0x16f: {  	v2 =	vld [tilespmem:$0xA1C0];
	_ =	sdelay $0x7  }
0x170: {  	[tilespmem:v2+s2+$0x0] =	vst.idx.add.s32.msk $0xffff, v1  }
0x171: {  	v2 =	vld [tilespmem:$0xA1D0];
	_ =	sdelay $0x7  }
0x172: {  	[tilespmem:v2+s2+$0x0] =	vst.idx.add.s32.msk $0xffff, v1  }
0x173: {  	v2 =	vld [tilespmem:$0xA1E0];
	_ =	sdelay $0x7  }
0x174: {  	[tilespmem:v2+s2+$0x0] =	vst.idx.add.s32.msk $0xffff, v1  }
0x175: {  	v2 =	vld [tilespmem:$0xA1F0];
	_ =	sdelay $0x7  }
0x176: {  	[tilespmem:v2+s2+$0x0] =	vst.idx.add.s32.msk $0xffff, v1  }
0x177: {  	v2 =	vld [tilespmem:$0xA200];
	_ =	sdelay $0x7  }
0x178: {  	[tilespmem:v2+s2+$0x0] =	vst.idx.add.s32.msk $0xffff, v1  }
0x179: {  	v2 =	vld [tilespmem:$0xA210];
	_ =	sdelay $0x7  }
0x17a: {  	[tilespmem:v2+s2+$0x0] =	vst.idx.add.s32.msk $0xffff, v1  }
0x17b: {  	v2 =	vld [tilespmem:$0xA220];
	_ =	sdelay $0x7  }
0x17c: {  	[tilespmem:v2+s2+$0x0] =	vst.idx.add.s32.msk $0xffff, v1  }
0x17d: {  	v2 =	vld [tilespmem:$0xA230];
	_ =	sdelay $0x7  }
0x17e: {  	[tilespmem:v2+s2+$0x0] =	vst.idx.add.s32.msk $0xffff, v1  }
0x17f: {  	v2 =	vld [tilespmem:$0xA240];
	_ =	sdelay $0x7  }
0x180: {  	[tilespmem:v2+s2+$0x0] =	vst.idx.add.s32.msk $0xffff, v1  }
0x181: {  	v2 =	vld [tilespmem:$0xA250];
	_ =	sdelay $0x7  }
0x182: {  	[tilespmem:v2+s2+$0x0] =	vst.idx.add.s32.msk $0xffff, v1  }
0x183: {  	v2 =	vld [tilespmem:$0xA260];
	_ =	sdelay $0x7  }
0x184: {  	[tilespmem:v2+s2+$0x0] =	vst.idx.add.s32.msk $0xffff, v1  }
0x185: {  	v2 =	vld [tilespmem:$0xA270];
	_ =	sdelay $0x7  }
0x186: {  	[tilespmem:v2+s2+$0x0] =	vst.idx.add.s32.msk $0xffff, v1  }
0x187: {  	v2 =	vld [tilespmem:$0xA280];
	_ =	sdelay $0x7  }
0x188: {  	[tilespmem:v2+s2+$0x0] =	vst.idx.add.s32.msk $0xffff, v1  }
0x189: {  	v2 =	vld [tilespmem:$0xA290];
	_ =	sdelay $0x7  }
0x18a: {  	[tilespmem:v2+s2+$0x0] =	vst.idx.add.s32.msk $0xffff, v1  }
0x18b: {  	v2 =	vld [tilespmem:$0xA2A0];
	_ =	sdelay $0x7  }
0x18c: {  	[tilespmem:v2+s2+$0x0] =	vst.idx.add.s32.msk $0xffff, v1  }
0x18d: {  	v2 =	vld [tilespmem:$0xA2B0];
	_ =	sdelay $0x7  }
0x18e: {  	[tilespmem:v2+s2+$0x0] =	vst.idx.add.s32.msk $0xffff, v1  }
0x18f: {  	v2 =	vld [tilespmem:$0xA2C0];
	_ =	sdelay $0x7  }
0x190: {  	[tilespmem:v2+s2+$0x0] =	vst.idx.add.s32.msk $0xffff, v1  }
0x191: {  	v2 =	vld [tilespmem:$0xA2D0];
	_ =	sdelay $0x7  }
0x192: {  	[tilespmem:v2+s2+$0x0] =	vst.idx.add.s32.msk $0xffff, v1  }
0x193: {  	v2 =	vld [tilespmem:$0xA2E0];
	_ =	sdelay $0x7  }
0x194: {  	[tilespmem:v2+s2+$0x0] =	vst.idx.add.s32.msk $0xffff, v1  }
0x195: {  	v2 =	vld [tilespmem:$0xA2F0];
	_ =	sdelay $0x7  }
0x196: {  	[tilespmem:v2+s2+$0x0] =	vst.idx.add.s32.msk $0xffff, v1  }
0x197: {  	v2 =	vld [tilespmem:$0xA300];
	_ =	sdelay $0x7  }
0x198: {  	[tilespmem:v2+s2+$0x0] =	vst.idx.add.s32.msk $0xffff, v1  }
0x199: {  	v2 =	vld [tilespmem:$0xA310];
	_ =	sdelay $0x7  }
0x19a: {  	[tilespmem:v2+s2+$0x0] =	vst.idx.add.s32.msk $0xffff, v1  }
0x19b: {  	v2 =	vld [tilespmem:$0xA320];
	_ =	sdelay $0x7  }
0x19c: {  	[tilespmem:v2+s2+$0x0] =	vst.idx.add.s32.msk $0xffff, v1  }
0x19d: {  	v2 =	vld [tilespmem:$0xA330];
	_ =	sdelay $0x7  }
0x19e: {  	[tilespmem:v2+s2+$0x0] =	vst.idx.add.s32.msk $0xffff, v1  }
0x19f: {  	v2 =	vld [tilespmem:$0xA340];
	_ =	sdelay $0x7  }
0x1a0: {  	[tilespmem:v2+s2+$0x0] =	vst.idx.add.s32.msk $0xffff, v1  }
0x1a1: {  	v2 =	vld [tilespmem:$0xA350];
	_ =	sdelay $0x7  }
0x1a2: {  	[tilespmem:v2+s2+$0x0] =	vst.idx.add.s32.msk $0xffff, v1  }
0x1a3: {  	v2 =	vld [tilespmem:$0xA360];
	_ =	sdelay $0x7  }
0x1a4: {  	[tilespmem:v2+s2+$0x0] =	vst.idx.add.s32.msk $0xffff, v1  }
0x1a5: {  	v2 =	vld [tilespmem:$0xA370];
	_ =	sdelay $0x7  }
0x1a6: {  	[tilespmem:v2+s2+$0x0] =	vst.idx.add.s32.msk $0xffff, v1  }
0x1a7: {  	v2 =	vld [tilespmem:$0xA380];
	_ =	sdelay $0x7  }
0x1a8: {  	[tilespmem:v2+s2+$0x0] =	vst.idx.add.s32.msk $0xffff, v1  }
0x1a9: {  	v2 =	vld [tilespmem:$0xA390];
	_ =	sdelay $0x7  }
0x1aa: {  	[tilespmem:v2+s2+$0x0] =	vst.idx.add.s32.msk $0xffff, v1  }
0x1ab: {  	v2 =	vld [tilespmem:$0xA3A0];
	_ =	sdelay $0x7  }
0x1ac: {  	[tilespmem:v2+s2+$0x0] =	vst.idx.add.s32.msk $0xffff, v1  }
0x1ad: {  	v2 =	vld [tilespmem:$0xA3B0];
	_ =	sdelay $0x7  }
0x1ae: {  	[tilespmem:v2+s2+$0x0] =	vst.idx.add.s32.msk $0xffff, v1  }
0x1af: {  	v2 =	vld [tilespmem:$0xA3C0];
	_ =	sdelay $0x7  }
0x1b0: {  	[tilespmem:v2+s2+$0x0] =	vst.idx.add.s32.msk $0xffff, v1  }
0x1b1: {  	v2 =	vld [tilespmem:$0xA3D0];
	_ =	sdelay $0x7  }
0x1b2: {  	[tilespmem:v2+s2+$0x0] =	vst.idx.add.s32.msk $0xffff, v1  }
0x1b3: {  	v2 =	vld [tilespmem:$0xA3E0];
	_ =	sdelay $0x7  }
0x1b4: {  	[tilespmem:v2+s2+$0x0] =	vst.idx.add.s32.msk $0xffff, v1  }
0x1b5: {  	v2 =	vld [tilespmem:$0xA3F0];
	_ =	sdelay $0x7  }
0x1b6: {  	[tilespmem:v2+s2+$0x0] =	vst.idx.add.s32.msk $0xffff, v1  }
0x1b7: {  	v2 =	vld [tilespmem:$0xA400];
	_ =	sdelay $0x7  }
0x1b8: {  	[tilespmem:v2+s2+$0x0] =	vst.idx.add.s32.msk $0xffff, v1  }
0x1b9: {  	v2 =	vld [tilespmem:$0xA410];
	_ =	sdelay $0x7  }
0x1ba: {  	[tilespmem:v2+s2+$0x0] =	vst.idx.add.s32.msk $0xffff, v1  }
0x1bb: {  	v2 =	vld [tilespmem:$0xA420];
	_ =	sdelay $0x7  }
0x1bc: {  	[tilespmem:v2+s2+$0x0] =	vst.idx.add.s32.msk $0xffff, v1  }
0x1bd: {  	v2 =	vld [tilespmem:$0xA430];
	_ =	sdelay $0x7  }
0x1be: {  	[tilespmem:v2+s2+$0x0] =	vst.idx.add.s32.msk $0xffff, v1  }
0x1bf: {  	v2 =	vld [tilespmem:$0xA440];
	_ =	sdelay $0x7  }
0x1c0: {  	[tilespmem:v2+s2+$0x0] =	vst.idx.add.s32.msk $0xffff, v1  }
0x1c1: {  	v2 =	vld [tilespmem:$0xA450];
	_ =	sdelay $0x7  }
0x1c2: {  	[tilespmem:v2+s2+$0x0] =	vst.idx.add.s32.msk $0xffff, v1  }
0x1c3: {  	v2 =	vld [tilespmem:$0xA460];
	_ =	sdelay $0x7  }
0x1c4: {  	[tilespmem:v2+s2+$0x0] =	vst.idx.add.s32.msk $0xffff, v1  }
0x1c5: {  	v2 =	vld [tilespmem:$0xA470];
	_ =	sdelay $0x7  }
0x1c6: {  	[tilespmem:v2+s2+$0x0] =	vst.idx.add.s32.msk $0xffff, v1  }
0x1c7: {  	v2 =	vld [tilespmem:$0xA480];
	_ =	sdelay $0x7  }
0x1c8: {  	[tilespmem:v2+s2+$0x0] =	vst.idx.add.s32.msk $0xffff, v1  }
0x1c9: {  	v2 =	vld [tilespmem:$0xA490];
	_ =	sdelay $0x7  }
0x1ca: {  	[tilespmem:v2+s2+$0x0] =	vst.idx.add.s32.msk $0xffff, v1  }
0x1cb: {  	v2 =	vld [tilespmem:$0xA4A0];
	_ =	sdelay $0x7  }
0x1cc: {  	[tilespmem:v2+s2+$0x0] =	vst.idx.add.s32.msk $0xffff, v1  }
0x1cd: {  	v2 =	vld [tilespmem:$0xA4B0];
	_ =	sdelay $0x7  }
0x1ce: {  	[tilespmem:v2+s2+$0x0] =	vst.idx.add.s32.msk $0xffff, v1  }
0x1cf: {  	v2 =	vld [tilespmem:$0xA4C0];
	_ =	sdelay $0x7  }
0x1d0: {  	[tilespmem:v2+s2+$0x0] =	vst.idx.add.s32.msk $0xffff, v1  }
0x1d1: {  	v2 =	vld [tilespmem:$0xA4D0];
	_ =	sdelay $0x7  }
0x1d2: {  	[tilespmem:v2+s2+$0x0] =	vst.idx.add.s32.msk $0xffff, v1  }
0x1d3: {  	v2 =	vld [tilespmem:$0xA4E0];
	_ =	sdelay $0x7  }
0x1d4: {  	[tilespmem:v2+s2+$0x0] =	vst.idx.add.s32.msk $0xffff, v1  }
0x1d5: {  	v2 =	vld [tilespmem:$0xA4F0];
	_ =	sdelay $0x7  }
0x1d6: {  	[tilespmem:v2+s2+$0x0] =	vst.idx.add.s32.msk $0xffff, v1  }
0x1d7: {  	v2 =	vld [tilespmem:$0xA500];
	_ =	sdelay $0x7  }
0x1d8: {  	[tilespmem:v2+s2+$0x0] =	vst.idx.add.s32.msk $0xffff, v1  }
0x1d9: {  	v2 =	vld [tilespmem:$0xA510];
	_ =	sdelay $0x7  }
0x1da: {  	[tilespmem:v2+s2+$0x0] =	vst.idx.add.s32.msk $0xffff, v1  }
0x1db: {  	v2 =	vld [tilespmem:$0xA520];
	_ =	sdelay $0x7  }
0x1dc: {  	[tilespmem:v2+s2+$0x0] =	vst.idx.add.s32.msk $0xffff, v1  }
0x1dd: {  	v2 =	vld [tilespmem:$0xA530];
	_ =	sdelay $0x7  }
0x1de: {  	[tilespmem:v2+s2+$0x0] =	vst.idx.add.s32.msk $0xffff, v1  }
0x1df: {  	v2 =	vld [tilespmem:$0xA540];
	_ =	sdelay $0x7  }
0x1e0: {  	[tilespmem:v2+s2+$0x0] =	vst.idx.add.s32.msk $0xffff, v1  }
0x1e1: {  	v2 =	vld [tilespmem:$0xA550];
	_ =	sdelay $0x7  }
0x1e2: {  	[tilespmem:v2+s2+$0x0] =	vst.idx.add.s32.msk $0xffff, v1  }
0x1e3: {  	v2 =	vld [tilespmem:$0xA560];
	_ =	sdelay $0x7  }
0x1e4: {  	[tilespmem:v2+s2+$0x0] =	vst.idx.add.s32.msk $0xffff, v1  }
0x1e5: {  	v2 =	vld [tilespmem:$0xA570];
	_ =	sdelay $0x7  }
0x1e6: {  	[tilespmem:v2+s2+$0x0] =	vst.idx.add.s32.msk $0xffff, v1  }
0x1e7: {  	v2 =	vld [tilespmem:$0xA580];
	_ =	sdelay $0x7  }
0x1e8: {  	[tilespmem:v2+s2+$0x0] =	vst.idx.add.s32.msk $0xffff, v1  }
0x1e9: {  	v2 =	vld [tilespmem:$0xA590];
	_ =	sdelay $0x7  }
0x1ea: {  	[tilespmem:v2+s2+$0x0] =	vst.idx.add.s32.msk $0xffff, v1  }
0x1eb: {  	v2 =	vld [tilespmem:$0xA5A0];
	_ =	sdelay $0x7  }
0x1ec: {  	[tilespmem:v2+s2+$0x0] =	vst.idx.add.s32.msk $0xffff, v1  }
0x1ed: {  	v2 =	vld [tilespmem:$0xA5B0];
	_ =	sdelay $0x7  }
0x1ee: {  	[tilespmem:v2+s2+$0x0] =	vst.idx.add.s32.msk $0xffff, v1  }
0x1ef: {  	v2 =	vld [tilespmem:$0xA5C0];
	_ =	sdelay $0x7  }
0x1f0: {  	[tilespmem:v2+s2+$0x0] =	vst.idx.add.s32.msk $0xffff, v1  }
0x1f1: {  	v2 =	vld [tilespmem:$0xA5D0];
	_ =	sdelay $0x7  }
0x1f2: {  	[tilespmem:v2+s2+$0x0] =	vst.idx.add.s32.msk $0xffff, v1  }
0x1f3: {  	v2 =	vld [tilespmem:$0xA5E0];
	_ =	sdelay $0x7  }
0x1f4: {  	[tilespmem:v2+s2+$0x0] =	vst.idx.add.s32.msk $0xffff, v1  }
0x1f5: {  	v2 =	vld [tilespmem:$0xA5F0];
	_ =	sdelay $0x7  }
0x1f6: {  	[tilespmem:v2+s2+$0x0] =	vst.idx.add.s32.msk $0xffff, v1  }
0x1f7: {  	v2 =	vld [tilespmem:$0xA600];
	_ =	sdelay $0x7  }
0x1f8: {  	[tilespmem:v2+s2+$0x0] =	vst.idx.add.s32.msk $0xffff, v1  }
0x1f9: {  	v2 =	vld [tilespmem:$0xA610];
	_ =	sdelay $0x7  }
0x1fa: {  	[tilespmem:v2+s2+$0x0] =	vst.idx.add.s32.msk $0xffff, v1  }
0x1fb: {  	v2 =	vld [tilespmem:$0xA620];
	_ =	sdelay $0x7  }
0x1fc: {  	[tilespmem:v2+s2+$0x0] =	vst.idx.add.s32.msk $0xffff, v1  }
0x1fd: {  	v2 =	vld [tilespmem:$0xA630];
	_ =	sdelay $0x7  }
0x1fe: {  	[tilespmem:v2+s2+$0x0] =	vst.idx.add.s32.msk $0xffff, v1  }
0x1ff: {  	v2 =	vld [tilespmem:$0xA640];
	_ =	sdelay $0x7  }
0x200: {  	[tilespmem:v2+s2+$0x0] =	vst.idx.add.s32.msk $0xffff, v1  }
0x201: {  	v2 =	vld [tilespmem:$0xA650];
	_ =	sdelay $0x7  }
0x202: {  	[tilespmem:v2+s2+$0x0] =	vst.idx.add.s32.msk $0xffff, v1  }
0x203: {  	v2 =	vld [tilespmem:$0xA660];
	_ =	sdelay $0x7  }
0x204: {  	[tilespmem:v2+s2+$0x0] =	vst.idx.add.s32.msk $0xffff, v1  }
0x205: {  	v2 =	vld [tilespmem:$0xA670];
	_ =	sdelay $0x7  }
0x206: {  	[tilespmem:v2+s2+$0x0] =	vst.idx.add.s32.msk $0xffff, v1  }
0x207: {  	v2 =	vld [tilespmem:$0xA680];
	_ =	sdelay $0x7  }
0x208: {  	[tilespmem:v2+s2+$0x0] =	vst.idx.add.s32.msk $0xffff, v1  }
0x209: {  	v2 =	vld [tilespmem:$0xA690];
	_ =	sdelay $0x7  }
0x20a: {  	[tilespmem:v2+s2+$0x0] =	vst.idx.add.s32.msk $0xffff, v1  }
0x20b: {  	v2 =	vld [tilespmem:$0xA6A0];
	_ =	sdelay $0x7  }
0x20c: {  	[tilespmem:v2+s2+$0x0] =	vst.idx.add.s32.msk $0xffff, v1  }
0x20d: {  	v2 =	vld [tilespmem:$0xA6B0];
	_ =	sdelay $0x7  }
0x20e: {  	[tilespmem:v2+s2+$0x0] =	vst.idx.add.s32.msk $0xffff, v1  }
0x20f: {  	v2 =	vld [tilespmem:$0xA6C0];
	_ =	sdelay $0x7  }
0x210: {  	[tilespmem:v2+s2+$0x0] =	vst.idx.add.s32.msk $0xffff, v1  }
0x211: {  	v2 =	vld [tilespmem:$0xA6D0];
	_ =	sdelay $0x7  }
0x212: {  	[tilespmem:v2+s2+$0x0] =	vst.idx.add.s32.msk $0xffff, v1  }
0x213: {  	v2 =	vld [tilespmem:$0xA6E0];
	_ =	sdelay $0x7  }
0x214: {  	[tilespmem:v2+s2+$0x0] =	vst.idx.add.s32.msk $0xffff, v1  }
0x215: {  	v2 =	vld [tilespmem:$0xA6F0];
	_ =	sdelay $0x7  }
0x216: {  	[tilespmem:v2+s2+$0x0] =	vst.idx.add.s32.msk $0xffff, v1  }
0x217: {  	v2 =	vld [tilespmem:$0xA700];
	_ =	sdelay $0x7  }
0x218: {  	[tilespmem:v2+s2+$0x0] =	vst.idx.add.s32.msk $0xffff, v1  }
0x219: {  	v2 =	vld [tilespmem:$0xA710];
	_ =	sdelay $0x7  }
0x21a: {  	[tilespmem:v2+s2+$0x0] =	vst.idx.add.s32.msk $0xffff, v1  }
0x21b: {  	v2 =	vld [tilespmem:$0xA720];
	_ =	sdelay $0x7  }
0x21c: {  	[tilespmem:v2+s2+$0x0] =	vst.idx.add.s32.msk $0xffff, v1  }
0x21d: {  	v2 =	vld [tilespmem:$0xA730];
	_ =	sdelay $0x7  }
0x21e: {  	[tilespmem:v2+s2+$0x0] =	vst.idx.add.s32.msk $0xffff, v1  }
0x21f: {  	v2 =	vld [tilespmem:$0xA740];
	_ =	sdelay $0x7  }
0x220: {  	[tilespmem:v2+s2+$0x0] =	vst.idx.add.s32.msk $0xffff, v1  }
0x221: {  	v2 =	vld [tilespmem:$0xA750];
	_ =	sdelay $0x7  }
0x222: {  	[tilespmem:v2+s2+$0x0] =	vst.idx.add.s32.msk $0xffff, v1  }
0x223: {  	v2 =	vld [tilespmem:$0xA760];
	_ =	sdelay $0x7  }
0x224: {  	[tilespmem:v2+s2+$0x0] =	vst.idx.add.s32.msk $0xffff, v1  }
0x225: {  	v2 =	vld [tilespmem:$0xA770];
	_ =	sdelay $0x7  }
0x226: {  	[tilespmem:v2+s2+$0x0] =	vst.idx.add.s32.msk $0xffff, v1  }
0x227: {  	v2 =	vld [tilespmem:$0xA780];
	_ =	sdelay $0x7  }
0x228: {  	[tilespmem:v2+s2+$0x0] =	vst.idx.add.s32.msk $0xffff, v1  }
0x229: {  	v2 =	vld [tilespmem:$0xA790];
	_ =	sdelay $0x7  }
0x22a: {  	[tilespmem:v2+s2+$0x0] =	vst.idx.add.s32.msk $0xffff, v1  }
0x22b: {  	v2 =	vld [tilespmem:$0xA7A0];
	_ =	sdelay $0x7  }
0x22c: {  	[tilespmem:v2+s2+$0x0] =	vst.idx.add.s32.msk $0xffff, v1  }
0x22d: {  	v2 =	vld [tilespmem:$0xA7B0];
	_ =	sdelay $0x7  }
0x22e: {  	[tilespmem:v2+s2+$0x0] =	vst.idx.add.s32.msk $0xffff, v1  }
0x22f: {  	v2 =	vld [tilespmem:$0xA7C0];
	_ =	sdelay $0x7  }
0x230: {  	[tilespmem:v2+s2+$0x0] =	vst.idx.add.s32.msk $0xffff, v1  }
0x231: {  	v2 =	vld [tilespmem:$0xA7D0];
	_ =	sdelay $0x7  }
0x232: {  	[tilespmem:v2+s2+$0x0] =	vst.idx.add.s32.msk $0xffff, v1  }
0x233: {  	v2 =	vld [tilespmem:$0xA7E0];
	_ =	sdelay $0x7  }
0x234: {  	[tilespmem:v2+s2+$0x0] =	vst.idx.add.s32.msk $0xffff, v1  }
0x235: {  	v2 =	vld [tilespmem:$0xA7F0];
	_ =	sdelay $0x6  }
0x236: {  	p0 =	seq.s32 s16, $0x12C00  }
0x237: {  	s17 =	sadd.s32 @!p0 s16, s6;
	s18 =	simm.s32 @!p0 $0x0;
	s19 =	simm.s32 @!p0 $0x9800;
	[tilespmem:v2+s2+$0x0] =	vst.idx.add.s32.msk $0xffff, v1  }
0x238: {  	[tilespmem:s19], [sflag:$0x1] =	stream.linear.gather @!p0 [hbm4b:s17+s18], $0x1000, $0x38;
	[tilespmem:$0xB800] =	vst v63  }
0x239: {  	_ =	swait.ge [sflag:s11], $0x1000  }
0x23a: {  	[sflag:s11] =	ssyncset.done $0x0  }
0x23b: {  	[sflag:s11] =	ssyncadd.s32 $0xFFFFF000  }
0x23c: {  	v2 =	vld [tilespmem:$0xA800];
	_ =	sdelay $0x7  }
0x23d: {  	[tilespmem:v2+s2+$0x0] =	vst.idx.add.s32.msk $0xffff, v1  }
0x23e: {  	v2 =	vld [tilespmem:$0xA810];
	_ =	sdelay $0x7  }
0x23f: {  	[tilespmem:v2+s2+$0x0] =	vst.idx.add.s32.msk $0xffff, v1  }
0x240: {  	v2 =	vld [tilespmem:$0xA820];
	_ =	sdelay $0x7  }
0x241: {  	[tilespmem:v2+s2+$0x0] =	vst.idx.add.s32.msk $0xffff, v1  }
0x242: {  	v2 =	vld [tilespmem:$0xA830];
	_ =	sdelay $0x7  }
0x243: {  	[tilespmem:v2+s2+$0x0] =	vst.idx.add.s32.msk $0xffff, v1  }
0x244: {  	v2 =	vld [tilespmem:$0xA840];
	_ =	sdelay $0x7  }
0x245: {  	[tilespmem:v2+s2+$0x0] =	vst.idx.add.s32.msk $0xffff, v1  }
0x246: {  	v2 =	vld [tilespmem:$0xA850];
	_ =	sdelay $0x7  }
0x247: {  	[tilespmem:v2+s2+$0x0] =	vst.idx.add.s32.msk $0xffff, v1  }
0x248: {  	v2 =	vld [tilespmem:$0xA860];
	_ =	sdelay $0x7  }
0x249: {  	[tilespmem:v2+s2+$0x0] =	vst.idx.add.s32.msk $0xffff, v1  }
0x24a: {  	v2 =	vld [tilespmem:$0xA870];
	_ =	sdelay $0x7  }
0x24b: {  	[tilespmem:v2+s2+$0x0] =	vst.idx.add.s32.msk $0xffff, v1  }
0x24c: {  	v2 =	vld [tilespmem:$0xA880];
	_ =	sdelay $0x7  }
0x24d: {  	[tilespmem:v2+s2+$0x0] =	vst.idx.add.s32.msk $0xffff, v1  }
0x24e: {  	v2 =	vld [tilespmem:$0xA890];
	_ =	sdelay $0x7  }
0x24f: {  	[tilespmem:v2+s2+$0x0] =	vst.idx.add.s32.msk $0xffff, v1  }
0x250: {  	v2 =	vld [tilespmem:$0xA8A0];
	_ =	sdelay $0x7  }
0x251: {  	[tilespmem:v2+s2+$0x0] =	vst.idx.add.s32.msk $0xffff, v1  }
0x252: {  	v2 =	vld [tilespmem:$0xA8B0];
	_ =	sdelay $0x7  }
0x253: {  	[tilespmem:v2+s2+$0x0] =	vst.idx.add.s32.msk $0xffff, v1  }
0x254: {  	v2 =	vld [tilespmem:$0xA8C0];
	_ =	sdelay $0x7  }
0x255: {  	[tilespmem:v2+s2+$0x0] =	vst.idx.add.s32.msk $0xffff, v1  }
0x256: {  	v2 =	vld [tilespmem:$0xA8D0];
	_ =	sdelay $0x7  }
0x257: {  	[tilespmem:v2+s2+$0x0] =	vst.idx.add.s32.msk $0xffff, v1  }
0x258: {  	v2 =	vld [tilespmem:$0xA8E0];
	_ =	sdelay $0x7  }
0x259: {  	[tilespmem:v2+s2+$0x0] =	vst.idx.add.s32.msk $0xffff, v1  }
0x25a: {  	v2 =	vld [tilespmem:$0xA8F0];
	_ =	sdelay $0x7  }
0x25b: {  	[tilespmem:v2+s2+$0x0] =	vst.idx.add.s32.msk $0xffff, v1  }
0x25c: {  	v2 =	vld [tilespmem:$0xA900];
	_ =	sdelay $0x7  }
0x25d: {  	[tilespmem:v2+s2+$0x0] =	vst.idx.add.s32.msk $0xffff, v1  }
0x25e: {  	v2 =	vld [tilespmem:$0xA910];
	_ =	sdelay $0x7  }
0x25f: {  	[tilespmem:v2+s2+$0x0] =	vst.idx.add.s32.msk $0xffff, v1  }
0x260: {  	v2 =	vld [tilespmem:$0xA920];
	_ =	sdelay $0x7  }
0x261: {  	[tilespmem:v2+s2+$0x0] =	vst.idx.add.s32.msk $0xffff, v1  }
0x262: {  	v2 =	vld [tilespmem:$0xA930];
	_ =	sdelay $0x7  }
0x263: {  	[tilespmem:v2+s2+$0x0] =	vst.idx.add.s32.msk $0xffff, v1  }
0x264: {  	v2 =	vld [tilespmem:$0xA940];
	_ =	sdelay $0x7  }
0x265: {  	[tilespmem:v2+s2+$0x0] =	vst.idx.add.s32.msk $0xffff, v1  }
0x266: {  	v2 =	vld [tilespmem:$0xA950];
	_ =	sdelay $0x7  }
0x267: {  	[tilespmem:v2+s2+$0x0] =	vst.idx.add.s32.msk $0xffff, v1  }
0x268: {  	v2 =	vld [tilespmem:$0xA960];
	_ =	sdelay $0x7  }
0x269: {  	[tilespmem:v2+s2+$0x0] =	vst.idx.add.s32.msk $0xffff, v1  }
0x26a: {  	v2 =	vld [tilespmem:$0xA970];
	_ =	sdelay $0x7  }
0x26b: {  	[tilespmem:v2+s2+$0x0] =	vst.idx.add.s32.msk $0xffff, v1  }
0x26c: {  	v2 =	vld [tilespmem:$0xA980];
	_ =	sdelay $0x7  }
0x26d: {  	[tilespmem:v2+s2+$0x0] =	vst.idx.add.s32.msk $0xffff, v1  }
0x26e: {  	v2 =	vld [tilespmem:$0xA990];
	_ =	sdelay $0x7  }
0x26f: {  	[tilespmem:v2+s2+$0x0] =	vst.idx.add.s32.msk $0xffff, v1  }
0x270: {  	v2 =	vld [tilespmem:$0xA9A0];
	_ =	sdelay $0x7  }
0x271: {  	[tilespmem:v2+s2+$0x0] =	vst.idx.add.s32.msk $0xffff, v1  }
0x272: {  	v2 =	vld [tilespmem:$0xA9B0];
	_ =	sdelay $0x7  }
0x273: {  	[tilespmem:v2+s2+$0x0] =	vst.idx.add.s32.msk $0xffff, v1  }
0x274: {  	v2 =	vld [tilespmem:$0xA9C0];
	_ =	sdelay $0x7  }
0x275: {  	[tilespmem:v2+s2+$0x0] =	vst.idx.add.s32.msk $0xffff, v1  }
0x276: {  	v2 =	vld [tilespmem:$0xA9D0];
	_ =	sdelay $0x7  }
0x277: {  	[tilespmem:v2+s2+$0x0] =	vst.idx.add.s32.msk $0xffff, v1  }
0x278: {  	v2 =	vld [tilespmem:$0xA9E0];
	_ =	sdelay $0x7  }
0x279: {  	[tilespmem:v2+s2+$0x0] =	vst.idx.add.s32.msk $0xffff, v1  }
0x27a: {  	v2 =	vld [tilespmem:$0xA9F0];
	_ =	sdelay $0x7  }
0x27b: {  	[tilespmem:v2+s2+$0x0] =	vst.idx.add.s32.msk $0xffff, v1  }
0x27c: {  	v2 =	vld [tilespmem:$0xAA00];
	_ =	sdelay $0x7  }
0x27d: {  	[tilespmem:v2+s2+$0x0] =	vst.idx.add.s32.msk $0xffff, v1  }
0x27e: {  	v2 =	vld [tilespmem:$0xAA10];
	_ =	sdelay $0x7  }
0x27f: {  	[tilespmem:v2+s2+$0x0] =	vst.idx.add.s32.msk $0xffff, v1  }
0x280: {  	v2 =	vld [tilespmem:$0xAA20];
	_ =	sdelay $0x7  }
0x281: {  	[tilespmem:v2+s2+$0x0] =	vst.idx.add.s32.msk $0xffff, v1  }
0x282: {  	v2 =	vld [tilespmem:$0xAA30];
	_ =	sdelay $0x7  }
0x283: {  	[tilespmem:v2+s2+$0x0] =	vst.idx.add.s32.msk $0xffff, v1  }
0x284: {  	v2 =	vld [tilespmem:$0xAA40];
	_ =	sdelay $0x7  }
0x285: {  	[tilespmem:v2+s2+$0x0] =	vst.idx.add.s32.msk $0xffff, v1  }
0x286: {  	v2 =	vld [tilespmem:$0xAA50];
	_ =	sdelay $0x7  }
0x287: {  	[tilespmem:v2+s2+$0x0] =	vst.idx.add.s32.msk $0xffff, v1  }
0x288: {  	v2 =	vld [tilespmem:$0xAA60];
	_ =	sdelay $0x7  }
0x289: {  	[tilespmem:v2+s2+$0x0] =	vst.idx.add.s32.msk $0xffff, v1  }
0x28a: {  	v2 =	vld [tilespmem:$0xAA70];
	_ =	sdelay $0x7  }
0x28b: {  	[tilespmem:v2+s2+$0x0] =	vst.idx.add.s32.msk $0xffff, v1  }
0x28c: {  	v2 =	vld [tilespmem:$0xAA80];
	_ =	sdelay $0x7  }
0x28d: {  	[tilespmem:v2+s2+$0x0] =	vst.idx.add.s32.msk $0xffff, v1  }
0x28e: {  	v2 =	vld [tilespmem:$0xAA90];
	_ =	sdelay $0x7  }
0x28f: {  	[tilespmem:v2+s2+$0x0] =	vst.idx.add.s32.msk $0xffff, v1  }
0x290: {  	v2 =	vld [tilespmem:$0xAAA0];
	_ =	sdelay $0x7  }
0x291: {  	[tilespmem:v2+s2+$0x0] =	vst.idx.add.s32.msk $0xffff, v1  }
0x292: {  	v2 =	vld [tilespmem:$0xAAB0];
	_ =	sdelay $0x7  }
0x293: {  	[tilespmem:v2+s2+$0x0] =	vst.idx.add.s32.msk $0xffff, v1  }
0x294: {  	v2 =	vld [tilespmem:$0xAAC0];
	_ =	sdelay $0x7  }
0x295: {  	[tilespmem:v2+s2+$0x0] =	vst.idx.add.s32.msk $0xffff, v1  }
0x296: {  	v2 =	vld [tilespmem:$0xAAD0];
	_ =	sdelay $0x7  }
0x297: {  	[tilespmem:v2+s2+$0x0] =	vst.idx.add.s32.msk $0xffff, v1  }
0x298: {  	v2 =	vld [tilespmem:$0xAAE0];
	_ =	sdelay $0x7  }
0x299: {  	[tilespmem:v2+s2+$0x0] =	vst.idx.add.s32.msk $0xffff, v1  }
0x29a: {  	v2 =	vld [tilespmem:$0xAAF0];
	_ =	sdelay $0x7  }
0x29b: {  	[tilespmem:v2+s2+$0x0] =	vst.idx.add.s32.msk $0xffff, v1  }
0x29c: {  	v2 =	vld [tilespmem:$0xAB00];
	_ =	sdelay $0x7  }
0x29d: {  	[tilespmem:v2+s2+$0x0] =	vst.idx.add.s32.msk $0xffff, v1  }
0x29e: {  	v2 =	vld [tilespmem:$0xAB10];
	_ =	sdelay $0x7  }
0x29f: {  	[tilespmem:v2+s2+$0x0] =	vst.idx.add.s32.msk $0xffff, v1  }
0x2a0: {  	v2 =	vld [tilespmem:$0xAB20];
	_ =	sdelay $0x7  }
0x2a1: {  	[tilespmem:v2+s2+$0x0] =	vst.idx.add.s32.msk $0xffff, v1  }
0x2a2: {  	v2 =	vld [tilespmem:$0xAB30];
	_ =	sdelay $0x7  }
0x2a3: {  	[tilespmem:v2+s2+$0x0] =	vst.idx.add.s32.msk $0xffff, v1  }
0x2a4: {  	v2 =	vld [tilespmem:$0xAB40];
	_ =	sdelay $0x7  }
0x2a5: {  	[tilespmem:v2+s2+$0x0] =	vst.idx.add.s32.msk $0xffff, v1  }
0x2a6: {  	v2 =	vld [tilespmem:$0xAB50];
	_ =	sdelay $0x7  }
0x2a7: {  	[tilespmem:v2+s2+$0x0] =	vst.idx.add.s32.msk $0xffff, v1  }
0x2a8: {  	v2 =	vld [tilespmem:$0xAB60];
	_ =	sdelay $0x7  }
0x2a9: {  	[tilespmem:v2+s2+$0x0] =	vst.idx.add.s32.msk $0xffff, v1  }
0x2aa: {  	v2 =	vld [tilespmem:$0xAB70];
	_ =	sdelay $0x7  }
0x2ab: {  	[tilespmem:v2+s2+$0x0] =	vst.idx.add.s32.msk $0xffff, v1  }
0x2ac: {  	v2 =	vld [tilespmem:$0xAB80];
	_ =	sdelay $0x7  }
0x2ad: {  	[tilespmem:v2+s2+$0x0] =	vst.idx.add.s32.msk $0xffff, v1  }
0x2ae: {  	v2 =	vld [tilespmem:$0xAB90];
	_ =	sdelay $0x7  }
0x2af: {  	[tilespmem:v2+s2+$0x0] =	vst.idx.add.s32.msk $0xffff, v1  }
0x2b0: {  	v2 =	vld [tilespmem:$0xABA0];
	_ =	sdelay $0x7  }
0x2b1: {  	[tilespmem:v2+s2+$0x0] =	vst.idx.add.s32.msk $0xffff, v1  }
0x2b2: {  	v2 =	vld [tilespmem:$0xABB0];
	_ =	sdelay $0x7  }
0x2b3: {  	[tilespmem:v2+s2+$0x0] =	vst.idx.add.s32.msk $0xffff, v1  }
0x2b4: {  	v2 =	vld [tilespmem:$0xABC0];
	_ =	sdelay $0x7  }
0x2b5: {  	[tilespmem:v2+s2+$0x0] =	vst.idx.add.s32.msk $0xffff, v1  }
0x2b6: {  	v2 =	vld [tilespmem:$0xABD0];
	_ =	sdelay $0x7  }
0x2b7: {  	[tilespmem:v2+s2+$0x0] =	vst.idx.add.s32.msk $0xffff, v1  }
0x2b8: {  	v2 =	vld [tilespmem:$0xABE0];
	_ =	sdelay $0x7  }
0x2b9: {  	[tilespmem:v2+s2+$0x0] =	vst.idx.add.s32.msk $0xffff, v1  }
0x2ba: {  	v2 =	vld [tilespmem:$0xABF0];
	_ =	sdelay $0x7  }
0x2bb: {  	[tilespmem:v2+s2+$0x0] =	vst.idx.add.s32.msk $0xffff, v1  }
0x2bc: {  	v2 =	vld [tilespmem:$0xAC00];
	_ =	sdelay $0x7  }
0x2bd: {  	[tilespmem:v2+s2+$0x0] =	vst.idx.add.s32.msk $0xffff, v1  }
0x2be: {  	v2 =	vld [tilespmem:$0xAC10];
	_ =	sdelay $0x7  }
0x2bf: {  	[tilespmem:v2+s2+$0x0] =	vst.idx.add.s32.msk $0xffff, v1  }
0x2c0: {  	v2 =	vld [tilespmem:$0xAC20];
	_ =	sdelay $0x7  }
0x2c1: {  	[tilespmem:v2+s2+$0x0] =	vst.idx.add.s32.msk $0xffff, v1  }
0x2c2: {  	v2 =	vld [tilespmem:$0xAC30];
	_ =	sdelay $0x7  }
0x2c3: {  	[tilespmem:v2+s2+$0x0] =	vst.idx.add.s32.msk $0xffff, v1  }
0x2c4: {  	v2 =	vld [tilespmem:$0xAC40];
	_ =	sdelay $0x7  }
0x2c5: {  	[tilespmem:v2+s2+$0x0] =	vst.idx.add.s32.msk $0xffff, v1  }
0x2c6: {  	v2 =	vld [tilespmem:$0xAC50];
	_ =	sdelay $0x7  }
0x2c7: {  	[tilespmem:v2+s2+$0x0] =	vst.idx.add.s32.msk $0xffff, v1  }
0x2c8: {  	v2 =	vld [tilespmem:$0xAC60];
	_ =	sdelay $0x7  }
0x2c9: {  	[tilespmem:v2+s2+$0x0] =	vst.idx.add.s32.msk $0xffff, v1  }
0x2ca: {  	v2 =	vld [tilespmem:$0xAC70];
	_ =	sdelay $0x7  }
0x2cb: {  	[tilespmem:v2+s2+$0x0] =	vst.idx.add.s32.msk $0xffff, v1  }
0x2cc: {  	v2 =	vld [tilespmem:$0xAC80];
	_ =	sdelay $0x7  }
0x2cd: {  	[tilespmem:v2+s2+$0x0] =	vst.idx.add.s32.msk $0xffff, v1  }
0x2ce: {  	v2 =	vld [tilespmem:$0xAC90];
	_ =	sdelay $0x7  }
0x2cf: {  	[tilespmem:v2+s2+$0x0] =	vst.idx.add.s32.msk $0xffff, v1  }
0x2d0: {  	v2 =	vld [tilespmem:$0xACA0];
	_ =	sdelay $0x7  }
0x2d1: {  	[tilespmem:v2+s2+$0x0] =	vst.idx.add.s32.msk $0xffff, v1  }
0x2d2: {  	v2 =	vld [tilespmem:$0xACB0];
	_ =	sdelay $0x7  }
0x2d3: {  	[tilespmem:v2+s2+$0x0] =	vst.idx.add.s32.msk $0xffff, v1  }
0x2d4: {  	v2 =	vld [tilespmem:$0xACC0];
	_ =	sdelay $0x7  }
0x2d5: {  	[tilespmem:v2+s2+$0x0] =	vst.idx.add.s32.msk $0xffff, v1  }
0x2d6: {  	v2 =	vld [tilespmem:$0xACD0];
	_ =	sdelay $0x7  }
0x2d7: {  	[tilespmem:v2+s2+$0x0] =	vst.idx.add.s32.msk $0xffff, v1  }
0x2d8: {  	v2 =	vld [tilespmem:$0xACE0];
	_ =	sdelay $0x7  }
0x2d9: {  	[tilespmem:v2+s2+$0x0] =	vst.idx.add.s32.msk $0xffff, v1  }
0x2da: {  	v2 =	vld [tilespmem:$0xACF0];
	_ =	sdelay $0x7  }
0x2db: {  	[tilespmem:v2+s2+$0x0] =	vst.idx.add.s32.msk $0xffff, v1  }
0x2dc: {  	v2 =	vld [tilespmem:$0xAD00];
	_ =	sdelay $0x7  }
0x2dd: {  	[tilespmem:v2+s2+$0x0] =	vst.idx.add.s32.msk $0xffff, v1  }
0x2de: {  	v2 =	vld [tilespmem:$0xAD10];
	_ =	sdelay $0x7  }
0x2df: {  	[tilespmem:v2+s2+$0x0] =	vst.idx.add.s32.msk $0xffff, v1  }
0x2e0: {  	v2 =	vld [tilespmem:$0xAD20];
	_ =	sdelay $0x7  }
0x2e1: {  	[tilespmem:v2+s2+$0x0] =	vst.idx.add.s32.msk $0xffff, v1  }
0x2e2: {  	v2 =	vld [tilespmem:$0xAD30];
	_ =	sdelay $0x7  }
0x2e3: {  	[tilespmem:v2+s2+$0x0] =	vst.idx.add.s32.msk $0xffff, v1  }
0x2e4: {  	v2 =	vld [tilespmem:$0xAD40];
	_ =	sdelay $0x7  }
0x2e5: {  	[tilespmem:v2+s2+$0x0] =	vst.idx.add.s32.msk $0xffff, v1  }
0x2e6: {  	v2 =	vld [tilespmem:$0xAD50];
	_ =	sdelay $0x7  }
0x2e7: {  	[tilespmem:v2+s2+$0x0] =	vst.idx.add.s32.msk $0xffff, v1  }
0x2e8: {  	v2 =	vld [tilespmem:$0xAD60];
	_ =	sdelay $0x7  }
0x2e9: {  	[tilespmem:v2+s2+$0x0] =	vst.idx.add.s32.msk $0xffff, v1  }
0x2ea: {  	v2 =	vld [tilespmem:$0xAD70];
	_ =	sdelay $0x7  }
0x2eb: {  	[tilespmem:v2+s2+$0x0] =	vst.idx.add.s32.msk $0xffff, v1  }
0x2ec: {  	v2 =	vld [tilespmem:$0xAD80];
	_ =	sdelay $0x7  }
0x2ed: {  	[tilespmem:v2+s2+$0x0] =	vst.idx.add.s32.msk $0xffff, v1  }
0x2ee: {  	v2 =	vld [tilespmem:$0xAD90];
	_ =	sdelay $0x7  }
0x2ef: {  	[tilespmem:v2+s2+$0x0] =	vst.idx.add.s32.msk $0xffff, v1  }
0x2f0: {  	v2 =	vld [tilespmem:$0xADA0];
	_ =	sdelay $0x7  }
0x2f1: {  	[tilespmem:v2+s2+$0x0] =	vst.idx.add.s32.msk $0xffff, v1  }
0x2f2: {  	v2 =	vld [tilespmem:$0xADB0];
	_ =	sdelay $0x7  }
0x2f3: {  	[tilespmem:v2+s2+$0x0] =	vst.idx.add.s32.msk $0xffff, v1  }
0x2f4: {  	v2 =	vld [tilespmem:$0xADC0];
	_ =	sdelay $0x7  }
0x2f5: {  	[tilespmem:v2+s2+$0x0] =	vst.idx.add.s32.msk $0xffff, v1  }
0x2f6: {  	v2 =	vld [tilespmem:$0xADD0];
	_ =	sdelay $0x7  }
0x2f7: {  	[tilespmem:v2+s2+$0x0] =	vst.idx.add.s32.msk $0xffff, v1  }
0x2f8: {  	v2 =	vld [tilespmem:$0xADE0];
	_ =	sdelay $0x7  }
0x2f9: {  	[tilespmem:v2+s2+$0x0] =	vst.idx.add.s32.msk $0xffff, v1  }
0x2fa: {  	v2 =	vld [tilespmem:$0xADF0];
	_ =	sdelay $0x7  }
0x2fb: {  	[tilespmem:v2+s2+$0x0] =	vst.idx.add.s32.msk $0xffff, v1  }
0x2fc: {  	v2 =	vld [tilespmem:$0xAE00];
	_ =	sdelay $0x7  }
0x2fd: {  	[tilespmem:v2+s2+$0x0] =	vst.idx.add.s32.msk $0xffff, v1  }
0x2fe: {  	v2 =	vld [tilespmem:$0xAE10];
	_ =	sdelay $0x7  }
0x2ff: {  	[tilespmem:v2+s2+$0x0] =	vst.idx.add.s32.msk $0xffff, v1  }
0x300: {  	v2 =	vld [tilespmem:$0xAE20];
	_ =	sdelay $0x7  }
0x301: {  	[tilespmem:v2+s2+$0x0] =	vst.idx.add.s32.msk $0xffff, v1  }
0x302: {  	v2 =	vld [tilespmem:$0xAE30];
	_ =	sdelay $0x7  }
0x303: {  	[tilespmem:v2+s2+$0x0] =	vst.idx.add.s32.msk $0xffff, v1  }
0x304: {  	v2 =	vld [tilespmem:$0xAE40];
	_ =	sdelay $0x7  }
0x305: {  	[tilespmem:v2+s2+$0x0] =	vst.idx.add.s32.msk $0xffff, v1  }
0x306: {  	v2 =	vld [tilespmem:$0xAE50];
	_ =	sdelay $0x7  }
0x307: {  	[tilespmem:v2+s2+$0x0] =	vst.idx.add.s32.msk $0xffff, v1  }
0x308: {  	v2 =	vld [tilespmem:$0xAE60];
	_ =	sdelay $0x7  }
0x309: {  	[tilespmem:v2+s2+$0x0] =	vst.idx.add.s32.msk $0xffff, v1  }
0x30a: {  	v2 =	vld [tilespmem:$0xAE70];
	_ =	sdelay $0x7  }
0x30b: {  	[tilespmem:v2+s2+$0x0] =	vst.idx.add.s32.msk $0xffff, v1  }
0x30c: {  	v2 =	vld [tilespmem:$0xAE80];
	_ =	sdelay $0x7  }
0x30d: {  	[tilespmem:v2+s2+$0x0] =	vst.idx.add.s32.msk $0xffff, v1  }
0x30e: {  	v2 =	vld [tilespmem:$0xAE90];
	_ =	sdelay $0x7  }
0x30f: {  	[tilespmem:v2+s2+$0x0] =	vst.idx.add.s32.msk $0xffff, v1  }
0x310: {  	v2 =	vld [tilespmem:$0xAEA0];
	_ =	sdelay $0x7  }
0x311: {  	[tilespmem:v2+s2+$0x0] =	vst.idx.add.s32.msk $0xffff, v1  }
0x312: {  	v2 =	vld [tilespmem:$0xAEB0];
	_ =	sdelay $0x7  }
0x313: {  	[tilespmem:v2+s2+$0x0] =	vst.idx.add.s32.msk $0xffff, v1  }
0x314: {  	v2 =	vld [tilespmem:$0xAEC0];
	_ =	sdelay $0x7  }
0x315: {  	[tilespmem:v2+s2+$0x0] =	vst.idx.add.s32.msk $0xffff, v1  }
0x316: {  	v2 =	vld [tilespmem:$0xAED0];
	_ =	sdelay $0x7  }
0x317: {  	[tilespmem:v2+s2+$0x0] =	vst.idx.add.s32.msk $0xffff, v1  }
0x318: {  	v2 =	vld [tilespmem:$0xAEE0];
	_ =	sdelay $0x7  }
0x319: {  	[tilespmem:v2+s2+$0x0] =	vst.idx.add.s32.msk $0xffff, v1  }
0x31a: {  	v2 =	vld [tilespmem:$0xAEF0];
	_ =	sdelay $0x7  }
0x31b: {  	[tilespmem:v2+s2+$0x0] =	vst.idx.add.s32.msk $0xffff, v1  }
0x31c: {  	v2 =	vld [tilespmem:$0xAF00];
	_ =	sdelay $0x7  }
0x31d: {  	[tilespmem:v2+s2+$0x0] =	vst.idx.add.s32.msk $0xffff, v1  }
0x31e: {  	v2 =	vld [tilespmem:$0xAF10];
	_ =	sdelay $0x7  }
0x31f: {  	[tilespmem:v2+s2+$0x0] =	vst.idx.add.s32.msk $0xffff, v1  }
0x320: {  	v2 =	vld [tilespmem:$0xAF20];
	_ =	sdelay $0x7  }
0x321: {  	[tilespmem:v2+s2+$0x0] =	vst.idx.add.s32.msk $0xffff, v1  }
0x322: {  	v2 =	vld [tilespmem:$0xAF30];
	_ =	sdelay $0x7  }
0x323: {  	[tilespmem:v2+s2+$0x0] =	vst.idx.add.s32.msk $0xffff, v1  }
0x324: {  	v2 =	vld [tilespmem:$0xAF40];
	_ =	sdelay $0x7  }
0x325: {  	[tilespmem:v2+s2+$0x0] =	vst.idx.add.s32.msk $0xffff, v1  }
0x326: {  	v2 =	vld [tilespmem:$0xAF50];
	_ =	sdelay $0x7  }
0x327: {  	[tilespmem:v2+s2+$0x0] =	vst.idx.add.s32.msk $0xffff, v1  }
0x328: {  	v2 =	vld [tilespmem:$0xAF60];
	_ =	sdelay $0x7  }
0x329: {  	[tilespmem:v2+s2+$0x0] =	vst.idx.add.s32.msk $0xffff, v1  }
0x32a: {  	v2 =	vld [tilespmem:$0xAF70];
	_ =	sdelay $0x7  }
0x32b: {  	[tilespmem:v2+s2+$0x0] =	vst.idx.add.s32.msk $0xffff, v1  }
0x32c: {  	v2 =	vld [tilespmem:$0xAF80];
	_ =	sdelay $0x7  }
0x32d: {  	[tilespmem:v2+s2+$0x0] =	vst.idx.add.s32.msk $0xffff, v1  }
0x32e: {  	v2 =	vld [tilespmem:$0xAF90];
	_ =	sdelay $0x7  }
0x32f: {  	[tilespmem:v2+s2+$0x0] =	vst.idx.add.s32.msk $0xffff, v1  }
0x330: {  	v2 =	vld [tilespmem:$0xAFA0];
	_ =	sdelay $0x7  }
0x331: {  	[tilespmem:v2+s2+$0x0] =	vst.idx.add.s32.msk $0xffff, v1  }
0x332: {  	v2 =	vld [tilespmem:$0xAFB0];
	_ =	sdelay $0x7  }
0x333: {  	[tilespmem:v2+s2+$0x0] =	vst.idx.add.s32.msk $0xffff, v1  }
0x334: {  	v2 =	vld [tilespmem:$0xAFC0];
	_ =	sdelay $0x7  }
0x335: {  	[tilespmem:v2+s2+$0x0] =	vst.idx.add.s32.msk $0xffff, v1  }
0x336: {  	v2 =	vld [tilespmem:$0xAFD0];
	_ =	sdelay $0x7  }
0x337: {  	[tilespmem:v2+s2+$0x0] =	vst.idx.add.s32.msk $0xffff, v1  }
0x338: {  	v2 =	vld [tilespmem:$0xAFE0];
	_ =	sdelay $0x7  }
0x339: {  	[tilespmem:v2+s2+$0x0] =	vst.idx.add.s32.msk $0xffff, v1  }
0x33a: {  	v2 =	vld [tilespmem:$0xAFF0];
	_ =	sdelay $0x7  }
0x33b: {  	[tilespmem:v2+s2+$0x0] =	vst.idx.add.s32.msk $0xffff, v1  }
0x33c: {  	v2 =	vld [tilespmem:$0xB000];
	_ =	sdelay $0x7  }
0x33d: {  	[tilespmem:v2+s2+$0x0] =	vst.idx.add.s32.msk $0xffff, v1  }
0x33e: {  	v2 =	vld [tilespmem:$0xB010];
	_ =	sdelay $0x7  }
0x33f: {  	[tilespmem:v2+s2+$0x0] =	vst.idx.add.s32.msk $0xffff, v1  }
0x340: {  	v2 =	vld [tilespmem:$0xB020];
	_ =	sdelay $0x7  }
0x341: {  	[tilespmem:v2+s2+$0x0] =	vst.idx.add.s32.msk $0xffff, v1  }
0x342: {  	v2 =	vld [tilespmem:$0xB030];
	_ =	sdelay $0x7  }
0x343: {  	[tilespmem:v2+s2+$0x0] =	vst.idx.add.s32.msk $0xffff, v1  }
0x344: {  	v2 =	vld [tilespmem:$0xB040];
	_ =	sdelay $0x7  }
0x345: {  	[tilespmem:v2+s2+$0x0] =	vst.idx.add.s32.msk $0xffff, v1  }
0x346: {  	v2 =	vld [tilespmem:$0xB050];
	_ =	sdelay $0x7  }
0x347: {  	[tilespmem:v2+s2+$0x0] =	vst.idx.add.s32.msk $0xffff, v1  }
0x348: {  	v2 =	vld [tilespmem:$0xB060];
	_ =	sdelay $0x7  }
0x349: {  	[tilespmem:v2+s2+$0x0] =	vst.idx.add.s32.msk $0xffff, v1  }
0x34a: {  	v2 =	vld [tilespmem:$0xB070];
	_ =	sdelay $0x7  }
0x34b: {  	[tilespmem:v2+s2+$0x0] =	vst.idx.add.s32.msk $0xffff, v1  }
0x34c: {  	v2 =	vld [tilespmem:$0xB080];
	_ =	sdelay $0x7  }
0x34d: {  	[tilespmem:v2+s2+$0x0] =	vst.idx.add.s32.msk $0xffff, v1  }
0x34e: {  	v2 =	vld [tilespmem:$0xB090];
	_ =	sdelay $0x7  }
0x34f: {  	[tilespmem:v2+s2+$0x0] =	vst.idx.add.s32.msk $0xffff, v1  }
0x350: {  	v2 =	vld [tilespmem:$0xB0A0];
	_ =	sdelay $0x7  }
0x351: {  	[tilespmem:v2+s2+$0x0] =	vst.idx.add.s32.msk $0xffff, v1  }
0x352: {  	v2 =	vld [tilespmem:$0xB0B0];
	_ =	sdelay $0x7  }
0x353: {  	[tilespmem:v2+s2+$0x0] =	vst.idx.add.s32.msk $0xffff, v1  }
0x354: {  	v2 =	vld [tilespmem:$0xB0C0];
	_ =	sdelay $0x7  }
0x355: {  	[tilespmem:v2+s2+$0x0] =	vst.idx.add.s32.msk $0xffff, v1  }
0x356: {  	v2 =	vld [tilespmem:$0xB0D0];
	_ =	sdelay $0x7  }
0x357: {  	[tilespmem:v2+s2+$0x0] =	vst.idx.add.s32.msk $0xffff, v1  }
0x358: {  	v2 =	vld [tilespmem:$0xB0E0];
	_ =	sdelay $0x7  }
0x359: {  	[tilespmem:v2+s2+$0x0] =	vst.idx.add.s32.msk $0xffff, v1  }
0x35a: {  	v2 =	vld [tilespmem:$0xB0F0];
	_ =	sdelay $0x7  }
0x35b: {  	[tilespmem:v2+s2+$0x0] =	vst.idx.add.s32.msk $0xffff, v1  }
0x35c: {  	v2 =	vld [tilespmem:$0xB100];
	_ =	sdelay $0x7  }
0x35d: {  	[tilespmem:v2+s2+$0x0] =	vst.idx.add.s32.msk $0xffff, v1  }
0x35e: {  	v2 =	vld [tilespmem:$0xB110];
	_ =	sdelay $0x7  }
0x35f: {  	[tilespmem:v2+s2+$0x0] =	vst.idx.add.s32.msk $0xffff, v1  }
0x360: {  	v2 =	vld [tilespmem:$0xB120];
	_ =	sdelay $0x7  }
0x361: {  	[tilespmem:v2+s2+$0x0] =	vst.idx.add.s32.msk $0xffff, v1  }
0x362: {  	v2 =	vld [tilespmem:$0xB130];
	_ =	sdelay $0x7  }
0x363: {  	[tilespmem:v2+s2+$0x0] =	vst.idx.add.s32.msk $0xffff, v1  }
0x364: {  	v2 =	vld [tilespmem:$0xB140];
	_ =	sdelay $0x7  }
0x365: {  	[tilespmem:v2+s2+$0x0] =	vst.idx.add.s32.msk $0xffff, v1  }
0x366: {  	v2 =	vld [tilespmem:$0xB150];
	_ =	sdelay $0x7  }
0x367: {  	[tilespmem:v2+s2+$0x0] =	vst.idx.add.s32.msk $0xffff, v1  }
0x368: {  	v2 =	vld [tilespmem:$0xB160];
	_ =	sdelay $0x7  }
0x369: {  	[tilespmem:v2+s2+$0x0] =	vst.idx.add.s32.msk $0xffff, v1  }
0x36a: {  	v2 =	vld [tilespmem:$0xB170];
	_ =	sdelay $0x7  }
0x36b: {  	[tilespmem:v2+s2+$0x0] =	vst.idx.add.s32.msk $0xffff, v1  }
0x36c: {  	v2 =	vld [tilespmem:$0xB180];
	_ =	sdelay $0x7  }
0x36d: {  	[tilespmem:v2+s2+$0x0] =	vst.idx.add.s32.msk $0xffff, v1  }
0x36e: {  	v2 =	vld [tilespmem:$0xB190];
	_ =	sdelay $0x7  }
0x36f: {  	[tilespmem:v2+s2+$0x0] =	vst.idx.add.s32.msk $0xffff, v1  }
0x370: {  	v2 =	vld [tilespmem:$0xB1A0];
	_ =	sdelay $0x7  }
0x371: {  	[tilespmem:v2+s2+$0x0] =	vst.idx.add.s32.msk $0xffff, v1  }
0x372: {  	v2 =	vld [tilespmem:$0xB1B0];
	_ =	sdelay $0x7  }
0x373: {  	[tilespmem:v2+s2+$0x0] =	vst.idx.add.s32.msk $0xffff, v1  }
0x374: {  	v2 =	vld [tilespmem:$0xB1C0];
	_ =	sdelay $0x7  }
0x375: {  	[tilespmem:v2+s2+$0x0] =	vst.idx.add.s32.msk $0xffff, v1  }
0x376: {  	v2 =	vld [tilespmem:$0xB1D0];
	_ =	sdelay $0x7  }
0x377: {  	[tilespmem:v2+s2+$0x0] =	vst.idx.add.s32.msk $0xffff, v1  }
0x378: {  	v2 =	vld [tilespmem:$0xB1E0];
	_ =	sdelay $0x7  }
0x379: {  	[tilespmem:v2+s2+$0x0] =	vst.idx.add.s32.msk $0xffff, v1  }
0x37a: {  	v2 =	vld [tilespmem:$0xB1F0];
	_ =	sdelay $0x7  }
0x37b: {  	[tilespmem:v2+s2+$0x0] =	vst.idx.add.s32.msk $0xffff, v1  }
0x37c: {  	v2 =	vld [tilespmem:$0xB200];
	_ =	sdelay $0x7  }
0x37d: {  	[tilespmem:v2+s2+$0x0] =	vst.idx.add.s32.msk $0xffff, v1  }
0x37e: {  	v2 =	vld [tilespmem:$0xB210];
	_ =	sdelay $0x7  }
0x37f: {  	[tilespmem:v2+s2+$0x0] =	vst.idx.add.s32.msk $0xffff, v1  }
0x380: {  	v2 =	vld [tilespmem:$0xB220];
	_ =	sdelay $0x7  }
0x381: {  	[tilespmem:v2+s2+$0x0] =	vst.idx.add.s32.msk $0xffff, v1  }
0x382: {  	v2 =	vld [tilespmem:$0xB230];
	_ =	sdelay $0x7  }
0x383: {  	[tilespmem:v2+s2+$0x0] =	vst.idx.add.s32.msk $0xffff, v1  }
0x384: {  	v2 =	vld [tilespmem:$0xB240];
	_ =	sdelay $0x7  }
0x385: {  	[tilespmem:v2+s2+$0x0] =	vst.idx.add.s32.msk $0xffff, v1  }
0x386: {  	v2 =	vld [tilespmem:$0xB250];
	_ =	sdelay $0x7  }
0x387: {  	[tilespmem:v2+s2+$0x0] =	vst.idx.add.s32.msk $0xffff, v1  }
0x388: {  	v2 =	vld [tilespmem:$0xB260];
	_ =	sdelay $0x7  }
0x389: {  	[tilespmem:v2+s2+$0x0] =	vst.idx.add.s32.msk $0xffff, v1  }
0x38a: {  	v2 =	vld [tilespmem:$0xB270];
	_ =	sdelay $0x7  }
0x38b: {  	[tilespmem:v2+s2+$0x0] =	vst.idx.add.s32.msk $0xffff, v1  }
0x38c: {  	v2 =	vld [tilespmem:$0xB280];
	_ =	sdelay $0x7  }
0x38d: {  	[tilespmem:v2+s2+$0x0] =	vst.idx.add.s32.msk $0xffff, v1  }
0x38e: {  	v2 =	vld [tilespmem:$0xB290];
	_ =	sdelay $0x7  }
0x38f: {  	[tilespmem:v2+s2+$0x0] =	vst.idx.add.s32.msk $0xffff, v1  }
0x390: {  	v2 =	vld [tilespmem:$0xB2A0];
	_ =	sdelay $0x7  }
0x391: {  	[tilespmem:v2+s2+$0x0] =	vst.idx.add.s32.msk $0xffff, v1  }
0x392: {  	v2 =	vld [tilespmem:$0xB2B0];
	_ =	sdelay $0x7  }
0x393: {  	[tilespmem:v2+s2+$0x0] =	vst.idx.add.s32.msk $0xffff, v1  }
0x394: {  	v2 =	vld [tilespmem:$0xB2C0];
	_ =	sdelay $0x7  }
0x395: {  	[tilespmem:v2+s2+$0x0] =	vst.idx.add.s32.msk $0xffff, v1  }
0x396: {  	v2 =	vld [tilespmem:$0xB2D0];
	_ =	sdelay $0x7  }
0x397: {  	[tilespmem:v2+s2+$0x0] =	vst.idx.add.s32.msk $0xffff, v1  }
0x398: {  	v2 =	vld [tilespmem:$0xB2E0];
	_ =	sdelay $0x7  }
0x399: {  	[tilespmem:v2+s2+$0x0] =	vst.idx.add.s32.msk $0xffff, v1  }
0x39a: {  	v2 =	vld [tilespmem:$0xB2F0];
	_ =	sdelay $0x7  }
0x39b: {  	[tilespmem:v2+s2+$0x0] =	vst.idx.add.s32.msk $0xffff, v1  }
0x39c: {  	v2 =	vld [tilespmem:$0xB300];
	_ =	sdelay $0x7  }
0x39d: {  	[tilespmem:v2+s2+$0x0] =	vst.idx.add.s32.msk $0xffff, v1  }
0x39e: {  	v2 =	vld [tilespmem:$0xB310];
	_ =	sdelay $0x7  }
0x39f: {  	[tilespmem:v2+s2+$0x0] =	vst.idx.add.s32.msk $0xffff, v1  }
0x3a0: {  	v2 =	vld [tilespmem:$0xB320];
	_ =	sdelay $0x7  }
0x3a1: {  	[tilespmem:v2+s2+$0x0] =	vst.idx.add.s32.msk $0xffff, v1  }
0x3a2: {  	v2 =	vld [tilespmem:$0xB330];
	_ =	sdelay $0x7  }
0x3a3: {  	[tilespmem:v2+s2+$0x0] =	vst.idx.add.s32.msk $0xffff, v1  }
0x3a4: {  	v2 =	vld [tilespmem:$0xB340];
	_ =	sdelay $0x7  }
0x3a5: {  	[tilespmem:v2+s2+$0x0] =	vst.idx.add.s32.msk $0xffff, v1  }
0x3a6: {  	v2 =	vld [tilespmem:$0xB350];
	_ =	sdelay $0x7  }
0x3a7: {  	[tilespmem:v2+s2+$0x0] =	vst.idx.add.s32.msk $0xffff, v1  }
0x3a8: {  	v2 =	vld [tilespmem:$0xB360];
	_ =	sdelay $0x7  }
0x3a9: {  	[tilespmem:v2+s2+$0x0] =	vst.idx.add.s32.msk $0xffff, v1  }
0x3aa: {  	v2 =	vld [tilespmem:$0xB370];
	_ =	sdelay $0x7  }
0x3ab: {  	[tilespmem:v2+s2+$0x0] =	vst.idx.add.s32.msk $0xffff, v1  }
0x3ac: {  	v2 =	vld [tilespmem:$0xB380];
	_ =	sdelay $0x7  }
0x3ad: {  	[tilespmem:v2+s2+$0x0] =	vst.idx.add.s32.msk $0xffff, v1  }
0x3ae: {  	v2 =	vld [tilespmem:$0xB390];
	_ =	sdelay $0x7  }
0x3af: {  	[tilespmem:v2+s2+$0x0] =	vst.idx.add.s32.msk $0xffff, v1  }
0x3b0: {  	v2 =	vld [tilespmem:$0xB3A0];
	_ =	sdelay $0x7  }
0x3b1: {  	[tilespmem:v2+s2+$0x0] =	vst.idx.add.s32.msk $0xffff, v1  }
0x3b2: {  	v2 =	vld [tilespmem:$0xB3B0];
	_ =	sdelay $0x7  }
0x3b3: {  	[tilespmem:v2+s2+$0x0] =	vst.idx.add.s32.msk $0xffff, v1  }
0x3b4: {  	v2 =	vld [tilespmem:$0xB3C0];
	_ =	sdelay $0x7  }
0x3b5: {  	[tilespmem:v2+s2+$0x0] =	vst.idx.add.s32.msk $0xffff, v1  }
0x3b6: {  	v2 =	vld [tilespmem:$0xB3D0];
	_ =	sdelay $0x7  }
0x3b7: {  	[tilespmem:v2+s2+$0x0] =	vst.idx.add.s32.msk $0xffff, v1  }
0x3b8: {  	v2 =	vld [tilespmem:$0xB3E0];
	_ =	sdelay $0x7  }
0x3b9: {  	[tilespmem:v2+s2+$0x0] =	vst.idx.add.s32.msk $0xffff, v1  }
0x3ba: {  	v2 =	vld [tilespmem:$0xB3F0];
	_ =	sdelay $0x7  }
0x3bb: {  	[tilespmem:v2+s2+$0x0] =	vst.idx.add.s32.msk $0xffff, v1  }
0x3bc: {  	v2 =	vld [tilespmem:$0xB400];
	_ =	sdelay $0x7  }
0x3bd: {  	[tilespmem:v2+s2+$0x0] =	vst.idx.add.s32.msk $0xffff, v1  }
0x3be: {  	v2 =	vld [tilespmem:$0xB410];
	_ =	sdelay $0x7  }
0x3bf: {  	[tilespmem:v2+s2+$0x0] =	vst.idx.add.s32.msk $0xffff, v1  }
0x3c0: {  	v2 =	vld [tilespmem:$0xB420];
	_ =	sdelay $0x7  }
0x3c1: {  	[tilespmem:v2+s2+$0x0] =	vst.idx.add.s32.msk $0xffff, v1  }
0x3c2: {  	v2 =	vld [tilespmem:$0xB430];
	_ =	sdelay $0x7  }
0x3c3: {  	[tilespmem:v2+s2+$0x0] =	vst.idx.add.s32.msk $0xffff, v1  }
0x3c4: {  	v2 =	vld [tilespmem:$0xB440];
	_ =	sdelay $0x7  }
0x3c5: {  	[tilespmem:v2+s2+$0x0] =	vst.idx.add.s32.msk $0xffff, v1  }
0x3c6: {  	v2 =	vld [tilespmem:$0xB450];
	_ =	sdelay $0x7  }
0x3c7: {  	[tilespmem:v2+s2+$0x0] =	vst.idx.add.s32.msk $0xffff, v1  }
0x3c8: {  	v2 =	vld [tilespmem:$0xB460];
	_ =	sdelay $0x7  }
0x3c9: {  	[tilespmem:v2+s2+$0x0] =	vst.idx.add.s32.msk $0xffff, v1  }
0x3ca: {  	v2 =	vld [tilespmem:$0xB470];
	_ =	sdelay $0x7  }
0x3cb: {  	[tilespmem:v2+s2+$0x0] =	vst.idx.add.s32.msk $0xffff, v1  }
0x3cc: {  	v2 =	vld [tilespmem:$0xB480];
	_ =	sdelay $0x7  }
0x3cd: {  	[tilespmem:v2+s2+$0x0] =	vst.idx.add.s32.msk $0xffff, v1  }
0x3ce: {  	v2 =	vld [tilespmem:$0xB490];
	_ =	sdelay $0x7  }
0x3cf: {  	[tilespmem:v2+s2+$0x0] =	vst.idx.add.s32.msk $0xffff, v1  }
0x3d0: {  	v2 =	vld [tilespmem:$0xB4A0];
	_ =	sdelay $0x7  }
0x3d1: {  	[tilespmem:v2+s2+$0x0] =	vst.idx.add.s32.msk $0xffff, v1  }
0x3d2: {  	v2 =	vld [tilespmem:$0xB4B0];
	_ =	sdelay $0x7  }
0x3d3: {  	[tilespmem:v2+s2+$0x0] =	vst.idx.add.s32.msk $0xffff, v1  }
0x3d4: {  	v2 =	vld [tilespmem:$0xB4C0];
	_ =	sdelay $0x7  }
0x3d5: {  	[tilespmem:v2+s2+$0x0] =	vst.idx.add.s32.msk $0xffff, v1  }
0x3d6: {  	v2 =	vld [tilespmem:$0xB4D0];
	_ =	sdelay $0x7  }
0x3d7: {  	[tilespmem:v2+s2+$0x0] =	vst.idx.add.s32.msk $0xffff, v1  }
0x3d8: {  	v2 =	vld [tilespmem:$0xB4E0];
	_ =	sdelay $0x7  }
0x3d9: {  	[tilespmem:v2+s2+$0x0] =	vst.idx.add.s32.msk $0xffff, v1  }
0x3da: {  	v2 =	vld [tilespmem:$0xB4F0];
	_ =	sdelay $0x7  }
0x3db: {  	[tilespmem:v2+s2+$0x0] =	vst.idx.add.s32.msk $0xffff, v1  }
0x3dc: {  	v2 =	vld [tilespmem:$0xB500];
	_ =	sdelay $0x7  }
0x3dd: {  	[tilespmem:v2+s2+$0x0] =	vst.idx.add.s32.msk $0xffff, v1  }
0x3de: {  	v2 =	vld [tilespmem:$0xB510];
	_ =	sdelay $0x7  }
0x3df: {  	[tilespmem:v2+s2+$0x0] =	vst.idx.add.s32.msk $0xffff, v1  }
0x3e0: {  	v2 =	vld [tilespmem:$0xB520];
	_ =	sdelay $0x7  }
0x3e1: {  	[tilespmem:v2+s2+$0x0] =	vst.idx.add.s32.msk $0xffff, v1  }
0x3e2: {  	v2 =	vld [tilespmem:$0xB530];
	_ =	sdelay $0x7  }
0x3e3: {  	[tilespmem:v2+s2+$0x0] =	vst.idx.add.s32.msk $0xffff, v1  }
0x3e4: {  	v2 =	vld [tilespmem:$0xB540];
	_ =	sdelay $0x7  }
0x3e5: {  	[tilespmem:v2+s2+$0x0] =	vst.idx.add.s32.msk $0xffff, v1  }
0x3e6: {  	v2 =	vld [tilespmem:$0xB550];
	_ =	sdelay $0x7  }
0x3e7: {  	[tilespmem:v2+s2+$0x0] =	vst.idx.add.s32.msk $0xffff, v1  }
0x3e8: {  	v2 =	vld [tilespmem:$0xB560];
	_ =	sdelay $0x7  }
0x3e9: {  	[tilespmem:v2+s2+$0x0] =	vst.idx.add.s32.msk $0xffff, v1  }
0x3ea: {  	v2 =	vld [tilespmem:$0xB570];
	_ =	sdelay $0x7  }
0x3eb: {  	[tilespmem:v2+s2+$0x0] =	vst.idx.add.s32.msk $0xffff, v1  }
0x3ec: {  	v2 =	vld [tilespmem:$0xB580];
	_ =	sdelay $0x7  }
0x3ed: {  	[tilespmem:v2+s2+$0x0] =	vst.idx.add.s32.msk $0xffff, v1  }
0x3ee: {  	v2 =	vld [tilespmem:$0xB590];
	_ =	sdelay $0x7  }
0x3ef: {  	[tilespmem:v2+s2+$0x0] =	vst.idx.add.s32.msk $0xffff, v1  }
0x3f0: {  	v2 =	vld [tilespmem:$0xB5A0];
	_ =	sdelay $0x7  }
0x3f1: {  	[tilespmem:v2+s2+$0x0] =	vst.idx.add.s32.msk $0xffff, v1  }
0x3f2: {  	v2 =	vld [tilespmem:$0xB5B0];
	_ =	sdelay $0x7  }
0x3f3: {  	[tilespmem:v2+s2+$0x0] =	vst.idx.add.s32.msk $0xffff, v1  }
0x3f4: {  	v2 =	vld [tilespmem:$0xB5C0];
	_ =	sdelay $0x7  }
0x3f5: {  	[tilespmem:v2+s2+$0x0] =	vst.idx.add.s32.msk $0xffff, v1  }
0x3f6: {  	v2 =	vld [tilespmem:$0xB5D0];
	_ =	sdelay $0x7  }
0x3f7: {  	[tilespmem:v2+s2+$0x0] =	vst.idx.add.s32.msk $0xffff, v1  }
0x3f8: {  	v2 =	vld [tilespmem:$0xB5E0];
	_ =	sdelay $0x7  }
0x3f9: {  	[tilespmem:v2+s2+$0x0] =	vst.idx.add.s32.msk $0xffff, v1  }
0x3fa: {  	v2 =	vld [tilespmem:$0xB5F0];
	_ =	sdelay $0x7  }
0x3fb: {  	[tilespmem:v2+s2+$0x0] =	vst.idx.add.s32.msk $0xffff, v1  }
0x3fc: {  	v2 =	vld [tilespmem:$0xB600];
	_ =	sdelay $0x7  }
0x3fd: {  	[tilespmem:v2+s2+$0x0] =	vst.idx.add.s32.msk $0xffff, v1  }
0x3fe: {  	v2 =	vld [tilespmem:$0xB610];
	_ =	sdelay $0x7  }
0x3ff: {  	[tilespmem:v2+s2+$0x0] =	vst.idx.add.s32.msk $0xffff, v1  }
0x400: {  	v2 =	vld [tilespmem:$0xB620];
	_ =	sdelay $0x7  }
0x401: {  	[tilespmem:v2+s2+$0x0] =	vst.idx.add.s32.msk $0xffff, v1  }
0x402: {  	v2 =	vld [tilespmem:$0xB630];
	_ =	sdelay $0x7  }
0x403: {  	[tilespmem:v2+s2+$0x0] =	vst.idx.add.s32.msk $0xffff, v1  }
0x404: {  	v2 =	vld [tilespmem:$0xB640];
	_ =	sdelay $0x7  }
0x405: {  	[tilespmem:v2+s2+$0x0] =	vst.idx.add.s32.msk $0xffff, v1  }
0x406: {  	v2 =	vld [tilespmem:$0xB650];
	_ =	sdelay $0x7  }
0x407: {  	[tilespmem:v2+s2+$0x0] =	vst.idx.add.s32.msk $0xffff, v1  }
0x408: {  	v2 =	vld [tilespmem:$0xB660];
	_ =	sdelay $0x7  }
0x409: {  	[tilespmem:v2+s2+$0x0] =	vst.idx.add.s32.msk $0xffff, v1  }
0x40a: {  	v2 =	vld [tilespmem:$0xB670];
	_ =	sdelay $0x7  }
0x40b: {  	[tilespmem:v2+s2+$0x0] =	vst.idx.add.s32.msk $0xffff, v1  }
0x40c: {  	v2 =	vld [tilespmem:$0xB680];
	_ =	sdelay $0x7  }
0x40d: {  	[tilespmem:v2+s2+$0x0] =	vst.idx.add.s32.msk $0xffff, v1  }
0x40e: {  	v2 =	vld [tilespmem:$0xB690];
	_ =	sdelay $0x7  }
0x40f: {  	[tilespmem:v2+s2+$0x0] =	vst.idx.add.s32.msk $0xffff, v1  }
0x410: {  	v2 =	vld [tilespmem:$0xB6A0];
	_ =	sdelay $0x7  }
0x411: {  	[tilespmem:v2+s2+$0x0] =	vst.idx.add.s32.msk $0xffff, v1  }
0x412: {  	v2 =	vld [tilespmem:$0xB6B0];
	_ =	sdelay $0x7  }
0x413: {  	[tilespmem:v2+s2+$0x0] =	vst.idx.add.s32.msk $0xffff, v1  }
0x414: {  	v2 =	vld [tilespmem:$0xB6C0];
	_ =	sdelay $0x7  }
0x415: {  	[tilespmem:v2+s2+$0x0] =	vst.idx.add.s32.msk $0xffff, v1  }
0x416: {  	v2 =	vld [tilespmem:$0xB6D0];
	_ =	sdelay $0x7  }
0x417: {  	[tilespmem:v2+s2+$0x0] =	vst.idx.add.s32.msk $0xffff, v1  }
0x418: {  	v2 =	vld [tilespmem:$0xB6E0];
	_ =	sdelay $0x7  }
0x419: {  	[tilespmem:v2+s2+$0x0] =	vst.idx.add.s32.msk $0xffff, v1  }
0x41a: {  	v2 =	vld [tilespmem:$0xB6F0];
	_ =	sdelay $0x7  }
0x41b: {  	[tilespmem:v2+s2+$0x0] =	vst.idx.add.s32.msk $0xffff, v1  }
0x41c: {  	v2 =	vld [tilespmem:$0xB700];
	_ =	sdelay $0x7  }
0x41d: {  	[tilespmem:v2+s2+$0x0] =	vst.idx.add.s32.msk $0xffff, v1  }
0x41e: {  	v2 =	vld [tilespmem:$0xB710];
	_ =	sdelay $0x7  }
0x41f: {  	[tilespmem:v2+s2+$0x0] =	vst.idx.add.s32.msk $0xffff, v1  }
0x420: {  	v2 =	vld [tilespmem:$0xB720];
	_ =	sdelay $0x7  }
0x421: {  	[tilespmem:v2+s2+$0x0] =	vst.idx.add.s32.msk $0xffff, v1  }
0x422: {  	v2 =	vld [tilespmem:$0xB730];
	_ =	sdelay $0x7  }
0x423: {  	[tilespmem:v2+s2+$0x0] =	vst.idx.add.s32.msk $0xffff, v1  }
0x424: {  	v2 =	vld [tilespmem:$0xB740];
	_ =	sdelay $0x7  }
0x425: {  	[tilespmem:v2+s2+$0x0] =	vst.idx.add.s32.msk $0xffff, v1  }
0x426: {  	v2 =	vld [tilespmem:$0xB750];
	_ =	sdelay $0x7  }
0x427: {  	[tilespmem:v2+s2+$0x0] =	vst.idx.add.s32.msk $0xffff, v1  }
0x428: {  	v2 =	vld [tilespmem:$0xB760];
	_ =	sdelay $0x7  }
0x429: {  	[tilespmem:v2+s2+$0x0] =	vst.idx.add.s32.msk $0xffff, v1  }
0x42a: {  	v2 =	vld [tilespmem:$0xB770];
	_ =	sdelay $0x7  }
0x42b: {  	[tilespmem:v2+s2+$0x0] =	vst.idx.add.s32.msk $0xffff, v1  }
0x42c: {  	v2 =	vld [tilespmem:$0xB780];
	_ =	sdelay $0x7  }
0x42d: {  	[tilespmem:v2+s2+$0x0] =	vst.idx.add.s32.msk $0xffff, v1  }
0x42e: {  	v2 =	vld [tilespmem:$0xB790];
	_ =	sdelay $0x7  }
0x42f: {  	[tilespmem:v2+s2+$0x0] =	vst.idx.add.s32.msk $0xffff, v1  }
0x430: {  	v2 =	vld [tilespmem:$0xB7A0];
	_ =	sdelay $0x7  }
0x431: {  	[tilespmem:v2+s2+$0x0] =	vst.idx.add.s32.msk $0xffff, v1  }
0x432: {  	v2 =	vld [tilespmem:$0xB7B0];
	_ =	sdelay $0x7  }
0x433: {  	[tilespmem:v2+s2+$0x0] =	vst.idx.add.s32.msk $0xffff, v1  }
0x434: {  	v2 =	vld [tilespmem:$0xB7C0];
	_ =	sdelay $0x7  }
0x435: {  	[tilespmem:v2+s2+$0x0] =	vst.idx.add.s32.msk $0xffff, v1  }
0x436: {  	v2 =	vld [tilespmem:$0xB7D0];
	_ =	sdelay $0x7  }
0x437: {  	[tilespmem:v2+s2+$0x0] =	vst.idx.add.s32.msk $0xffff, v1  }
0x438: {  	v2 =	vld [tilespmem:$0xB7E0];
	_ =	sdelay $0x7  }
0x439: {  	[tilespmem:v2+s2+$0x0] =	vst.idx.add.s32.msk $0xffff, v1  }
0x43a: {  	v2 =	vld [tilespmem:$0xB7F0];
	_ =	sdelay $0x1  }
0x43b: {  	s16 =	sadd.s32 $0x400, s16  }
0x43c: {  	p0 =	sne.s32 s16, $0x13000  }
.Ltmp1:
0x43d: {  	_ = 	snop;
	(pc) =	sbr.rel @p0 .LBB2_4-.Ltmp1, $2  }
0x43e: {  	_ =	sdelay $0x2  }
0x43f: {  	[tilespmem:v2+s2+$0x0] =	vst.idx.add.s32.msk $0xffff, v1  }
0x440: {  	s15 =	sadd.s32 $0x1, s15  }
0x441: {  	p0 =	sne.s32 s15, s5  }
.Ltmp2:
0x442: {  	_ = 	snop;
	(pc) =	sbr.rel @p0 .LBB2_1-.Ltmp2, $4  }
0x443: {  	[hbm4b:s4+s12] =	stream.strided.scatter [tilespmem:s2], [sflag:$0x3], $0x9800, s13, s12, $0x38;
	[tilespmem:$0xB800] =	vst v63  }
0x444: {  	_ =	swait.ge [sflag:s14], $0x9800  }
0x445: {  	[sflag:s14] =	ssyncset.done $0x0  }
0x446: {  	[sflag:s14] =	ssyncadd.s32 $0xFFFF6800  }
0x447: {  	_ =	sfence.sel $0x180000  }
0x448: {  	[bflag:$0x0] =	sbarrier.arrive $0xFFFF  }
0x449: {  	p0 =	sne.s32 s0, $0x0;
	_ =	strace $0x9000004A  }
0x44a: {  	s0 =	sadd.s32 @!p0 $0x100000, s1;
	[bflag:$0x2] =	sbarrier.arrive $0xFFFF  }
0x44b: {  	[sflag:s0] =	ssyncadd.tile.s32 @!p0 $0x1;
	_ =	shalt  }
.Lfunc_end2:
_tile_overlayer_lowered:
.L_overlay_start_2:
0x44c: {  	(tag) =	ssettag $0x2  }
0x44d: {  	s0 =	rddreg [dreg:$0x0];
	s2 =	stileid.u32  }
0x44e: {  	s1 =	rddreg [dreg:$0x1];
	p0 =	sne.s32 s2, $0x0  }
0x44f: {  	s3 =	rddreg [dreg:$0x2];
	[bflag:$0x3] =	sbarrier.arrive $0xFFFF;
	s2 =	simm.s32 @!p0 $0x1C03  }
0x450: {  	[timem:s3], [sflag:s2] =	dma.local @!p0 [hbm:s0], s1  }
0x451: {  	s0 =	simm.s32 @!p0 $0x3  }
0x452: {  	_ =	swait.ge @!p0 [sflag:s0], s1  }
0x453: {  	s1 =	ssub.s32 @!p0 $0x0, s1;
	[sflag:s0] =	ssyncset.done @!p0 $0x0  }
0x454: {  	[sflag:s0] =	ssyncadd.s32 @!p0 s1  }
0x455: {  	[bflag:$0x3] =	sbarrier.arrive $0xFFFF  }
0x456: {  	_ =	shalt  }

// kernel: sparse-core-data-format-call.cloned.1.call-start
scs
called_computation_lowered:
.L_overlay_start_0:
0x0: {  	s1 =	sld [smem:$0x3FD9]  }
0x1: {  	s2 =	sld [smem:$0x3FFE];
	_ =	sdelay $0x1  }
0x2: {  	s3 =	srdreg.scid  }
0x3: {  	s0 =	sand.u32 $0x1, s3  }
0x4: {  	s17 =	sshll.u32 s0, $0xA;
	s1 =	sadd.s32 s2, s1  }
0x5: {  	s1 =	sadd.s32 s1, s17  }
0x6: {  	[smem:$0x3FC6] =	sst s1  }
0x7: {  	_ = 	snop  }
0x8: {  	(tm) =	ssettm $0x1  }
0x9: {  	s18 =	sld [smem:$0x3FFB];
	_ =	sdelay $0x3  }
0xa: {  	_ =	strace s18  }
0xb: {  	s1 =	sld [smem:$0x3FFC];
	_ =	sdelay $0x3  }
0xc: {  	_ =	strace s1  }
0xd: {  	s1 =	sld [smem:$0x3FFD];
	_ =	sdelay $0x3  }
0xe: {  	_ =	strace s1  }
0xf: {  	_ =	strace $0x8FFFFFFF  }
0x10: {  	s19 =	sld [smem:$0x3FDB];
	_ =	sdelay $0x1  }
0x11: {  	s20 =	simm.s32 $_scs_section_size  }
0x12: {  	s4 =	simm.s32 $_size__tile_overlayer_lowered;
	s5 =	simm.s32 $_tile_overlayer_lowered  }
0x13: {  	s23 =	simm.s32 $0x1BFF;
	s22 =	sshll.u32 s5, $0x1;
	s1 =	sadd.s32 s20, s19  }
0x14: {  	s6 =	simm.s32 $0x0;
	s21 =	sshll.u32 s4, $0x1;
	s4 =	sadd.s32 s22, s1  }
0x15: {  	[timem:s6], [sflag:s23] =	dma.local [hbm:s4], s21  }
0x16: {  	_ =	swait.ge [sflag:s23], s21  }
0x17: {  	s2 =	ssub.s32 $0x0, s21;
	[sflag:s23] =	ssyncset.done $0x0  }
0x18: {  	[sflag:s23] =	ssyncadd.s32 s2;
	_ =	sdelay $0x1  }
0x19: {  	s24 =	simm.s32 $0x1B8B  }
0x1a: {  	_ =	swait.ge [sflag:s24], $0x1  }
0x1b: {  	[sflag:s24] =	ssyncset.done $0x0  }
0x1c: {  	s26 =	simm.s32 $0x1B8E;
	s25 =	sld [smem:$0x3FFE];
	[sflag:s24] =	ssyncadd.s32 $0xFFFFFFFF  }
0x1d: {  	s27 =	simm.s32 $execute0_lowered;
	[smem:$0x3FD2] =	sst s26  }
0x1e: {  	s4 =	sshll.u32 s27, $0x1;
	_ =	strace $0x80000046;
	[dreg:$0x1] =	wrdreg $0xFFFFFFFF  }
0x1f: {  	s28 =	simm.s32 $_size_execute0_lowered;
	s1 =	sadd.s32 s1, s4;
	[dreg:$0x0] =	wrdreg $0x0  }
0x20: {  	s4 =	sshll.u32 s28, $0x1;
	[dreg:$0x2] =	wrdreg s1  }
0x21: {  	[dreg:$0x3] =	wrdreg s4  }
0x22: {  	[dreg:$0x4] =	wrdreg $0xC0  }
0x23: {  	_ =	task [dreg:s6], $0x5FFFF  }
0x24: {  	[dreg:$0x1] =	wrdreg $0xFFFFFFFF  }
0x25: {  	[dreg:$0x0] =	wrdreg $0x60  }
0x26: {  	[dreg:$0x2] =	wrdreg s25  }
0x27: {  	[dreg:$0x3] =	wrdreg $0x9  }
0x28: {  	_ =	task.clear_ibuf [dreg:s6], $0x4FFFF;
	_ =	strace $0x90000046  }
0x29: {  	s29 =	simm.s32 $0x9;
	_ =	strace $0x80000048  }
0x2a: {  	_ =	swait.ge [sflag:s29], $0x1  }
0x2b: {  	[sflag:s29] =	ssyncadd.s32 $0xFFFFFFFF  }
0x2c: {  	_ =	strace $0x90000048  }
0x2d: {  	_ =	sfence  }
0x2e: {  	s30 =	sld [smem:$0x0];
	_ =	sdelay $0x2  }
0x2f: {  	s31 =	sshll.u32 s3, $0xD;
	s3 =	sshrl.u32 s3, $0x2  }
0x30: {  	s2 =	sand.u32 $0x4000, s31;
	s1 =	sadd.s32 s3, s30  }
0x31: {  	s0 =	sor.u32 s2, s0;
	s1 =	sshll.u32 s1, $0x11  }
0x32: {  	s0 =	sor.u32 s1, s0  }
0x33: {  	s0 =	sadd.s32 $0x8F2B, s0  }
0x34: {  	[sflag:s0] =	ssyncadd.remote.s32 $0x1  }
0x35: {  	_ =	sfence.sel $0xFFFF  }
0x36: {  	[dreg:$0x0] =	wrdreg $0xFFFFFFFF;
	(pc) =	sbr.abs _section_cstart, $3  }
0x37: {  	[dreg:$0x1] =	wrdreg $0xFFFFFFFF  }
0x38: {  	_ =	task.clear_ibuf [dreg:s6], $0x2FFFF;
	_ =	strace $0x9FFFFFFF  }
0x39: {  	(tm) =	ssettm $0x7FFFFFFF  }
tec
execute0_lowered:
.L_overlay_start_1:
0x0: {  	(tag) =	ssettag $0x1  }
0x1: {  	s0 =	srdreg.scid  }
0x2: {  	s1 =	sshll.u32 s0, $0x4  }
0x3: {  	s0 =	stileid.u32;
	s1 =	sand.u32 $0x10, s1  }
0x4: {  	s1 =	sor.u32 s0, s1  }
0x5: {  	s6 =	rddreg [dreg:$0x0];
	s7 =	simm.s32 $0x2;
	s2 =	sshll.u32 s1, $0xB  }
0x6: {  	s13 =	simm.s32 $0x0;
	s8 =	simm.s32 $0x80;
	s1 =	ssub.s32 $0x100000, s2  }
0x7: {  	s12 =	simm.s32 $0x0;
	s10 =	simm.s32 $0x0;
	s3 =	sand.u32 $0xF800, s1  }
0x8: {  	s11 =	simm.s32 $0x0;
	p0 =	sne.s32 s3, $0x0;
	s3 =	simm.s32 $0x1  }
.Ltmp0:
0x9: {  	s4 =	sshrl.u32 s1, $0x10;
	s3 =	simm.s32 @!p0 $0x0;
	(pc) =	sbr.rel .LBB1_1-.Ltmp0, $4  }
0xa: {  	s5 =	sadd.s32 $0xE00, s6;
	s1 =	rddreg [dreg:$0x1];
	s4 =	sadd.s32 s3, s4  }
0xb: {  	_ =	strace $0x80000047;
	s3 =	simm.s32 $0x1;
	s4 =	smul.u32 $0x3, s4  }
0xc: {  	s6 =	sadd.s32 $0x300E00, s6;
	s9 =	smov.u32 s2;
	[sflag:s3] =	ssyncpa.u1 $0x0  }
0xd: {  	p0 =	por $0x0, $0x0;
	[sflag:s7] =	ssyncpa.u1 $0x0;
	s7 =	sadd.s32 $0x1, s4  }
.LBB1_7:
0xe: {  	s14 =	sadd.s32 $0x10000, s9  }
0xf: {  	s12 =	sadd.s32 $0x8, s10;
	s16 =	smov.u32 s10;
	p2 =	sgt.s32 s14, $0xFFFFF  }
0x10: {  	s16 =	smov.u32 @p2 s12  }
0x11: {  	s14 =	smov.u32 @p2 s2;
	p2 =	sgt.s32 s16, $0x12  }
0x12: {  	s16 =	simm.s32 @p2 $0x0;
	p2 =	sne.s32 s11, s7  }
.Ltmp1:
0x13: {  	p1 =	slt.u32 s11, $0x2;
	(pc) =	sbr.rel @!p2 .LBB1_8-.Ltmp1, $4  }
0x14: {  	s15 =	simm.s32 @!p1 $0x2  }
0x15: {  	s13 =	smov.u32 s9;
	p0 =	por !p0, !p0;
	_ =	swait.ge @!p1 [sflag:s15], $0x4000  }
0x16: {  	s12 =	smov.u32 s10;
	[sflag:s15] =	ssyncset.done @!p1 $0x0;
	s9 =	smov.u32 s14  }
0x17: {  	s11 =	sadd.s32 $0x1, s11;
	[sflag:s15] =	ssyncadd.s32 @!p1 $0xFFFFC000;
	s10 =	smov.u32 s16  }
.LBB1_1:
0x18: {  	p1 =	sge.u32 s11, s4  }
0x19: {  	s14 =	sshll.u32 @!p1 s10, $0x14  }
0x1a: {  	s15 =	sshll.u32 @!p1 s9, $0x3;
	s14 =	sand.u32 @!p1 $0xFF800000, s14  }
0x1b: {  	s14 =	sadd.s32 @!p1 s14, s15  }
0x1c: {  	s14 =	sshrl.u32 @!p1 s14, $0x14  }
0x1d: {  	s16 =	smul.u32 @!p1 $0xAAB, s14  }
0x1e: {  	s17 =	sshll.u32 @!p1 s10, $0x7  }
0x1f: {  	s18 =	sand.u32 @!p1 $0x78, s9;
	s17 =	sand.u32 @!p1 $0x380, s17;
	s16 =	sshrl.u32 @!p1 s16, $0x10  }
0x20: {  	s15 =	sand.u32 @!p1 $0xFFC00, s15;
	s17 =	sor.u32 @!p1 s17, s18;
	s16 =	smul.u32 @!p1 $0x18, s16  }
0x21: {  	s31 =	sadd.s32 $0xFFFFFFFF, s11;
	s15 =	sor.u32 @!p1 s15, s17  }
0x22: {  	s17 =	sxor.u32 @!p1 $0xFFFFFFFF, s11;
	s15 =	sshrl.u32 @!p1 s15, $0x3;
	s14 =	ssub.s32 @!p1 s14, s16  }
0x23: {  	s15 =	sadd.s32 @!p1 s5, s15;
	s16 =	sshll.u32 @!p1 s17, $0xE;
	s14 =	sshll.u32 @!p1 s14, $0x11  }
0x24: {  	s16 =	sand.u32 @!p1 $0x4000, s16;
	s14 =	sadd.s32 @!p1 s14, s15;
	s15 =	sand.u32 @!p1 $0x7, s9  }
0x25: {  	[tilespmem:s16], [sflag:$0x1] =	stream.linear.gather @!p1 [hbm4b:s14+s15], $0x4000, $0x38;
	[tilespmem:$0x11000] =	vst v63  }
0x26: {  	p1 =	sge.u32 s31, s4  }
.Ltmp2:
0x27: {  	_ = 	snop;
	(pc) =	sbr.rel @p1 .LBB1_7-.Ltmp2, $1  }
0x28: {  	_ =	sdelay $0x3  }
0x29: {  	s14 =	simm.s32 $0x1;
	s16 =	sand.u32 $0x1, s11  }
0x2a: {  	_ =	swait.ge [sflag:s3], $0x4000;
	s14 =	simm.s32 @!p0 $0x0;
	s17 =	smul.u32 $0x12000, s16  }
0x2b: {  	[sflag:s3] =	ssyncset.done $0x0;
	s15 =	smul.u32 $0x12000, s14  }
0x2c: {  	s14 =	sshll.u32 s14, $0xE;
	[sflag:s3] =	ssyncadd.s32 $0xFFFFC000  }
0x2d: {  	s16 =	sor.u32 $0x800, s14;
	s31 =	sshrl.u32 s17, $0x2;
	s15 =	sshrl.u32 s15, $0x2  }
0x2e: {  	s17 =	simm.s32 $0x0;
	s14 =	sor.u32 $0x8000, s31;
	s15 =	sadd.s32 $0x9170, s15  }
.LBB1_3:
0x2f: {  	v0 =	vld [tilespmem:s16+$0x470]  }
0x30: {  	v1 =	vld [tilespmem:s16+$0xFFFFF810]  }
0x31: {  	v2 =	vld [tilespmem:s16+$0xFFFFF820]  }
0x32: {  	v3 =	vld [tilespmem:s16+$0xFFFFF830]  }
0x33: {  	v4 =	vld [tilespmem:s16+$0xFFFFF840]  }
0x34: {  	v5 =	vld [tilespmem:s16+$0xFFFFF850];
	[tilespmem:s15+$0x0 ss:$0x9] =	vst.msk $0xffff, v0  }
0x35: {  	[tilespmem:s15+$0xFFFFEF20 ss:$0x9] =	vst.msk $0xffff, v1;
	v0 =	vld [tilespmem:s16+$0xFFFFF860]  }
0x36: {  	[tilespmem:s15+$0xFFFFEFB0 ss:$0x9] =	vst.msk $0xffff, v2;
	v1 =	vld [tilespmem:s16+$0xFFFFF870]  }
0x37: {  	[tilespmem:s15+$0xFFFFF040 ss:$0x9] =	vst.msk $0xffff, v3;
	v2 =	vld [tilespmem:s16+$0xFFFFFC00]  }
0x38: {  	[tilespmem:s15+$0xFFFFF0D0 ss:$0x9] =	vst.msk $0xffff, v4;
	v3 =	vld [tilespmem:s16+$0xFFFFFC10]  }
0x39: {  	[tilespmem:s15+$0xFFFFF160 ss:$0x9] =	vst.msk $0xffff, v5;
	v4 =	vld [tilespmem:s16+$0xFFFFFC20]  }
0x3a: {  	v5 =	vld [tilespmem:s16+$0x420];
	[tilespmem:s15+$0xFFFFF1F0 ss:$0x9] =	vst.msk $0xffff, v0  }
0x3b: {  	v0 =	vld [tilespmem:s16+$0xFFFFFC30];
	[tilespmem:s15+$0xFFFFF280 ss:$0x9] =	vst.msk $0xffff, v1  }
0x3c: {  	v1 =	vld [tilespmem:s16+$0xFFFFFC40];
	[tilespmem:s15+$0xFFFFF310 ss:$0x9] =	vst.msk $0xffff, v2  }
0x3d: {  	[tilespmem:s15+$0xFFFFF3A0 ss:$0x9] =	vst.msk $0xffff, v3;
	v3 =	vld [tilespmem:s16+$0xFFFFFC60]  }
0x3e: {  	[tilespmem:s15+$0xFFFFF430 ss:$0x9] =	vst.msk $0xffff, v4;
	v4 =	vld [tilespmem:s16+$0xFFFFFC70]  }
0x3f: {  	v2 =	vld [tilespmem:s16+$0xFFFFFC50];
	[tilespmem:s15+$0xFFFFFD30 ss:$0x9] =	vst.msk $0xffff, v5  }
0x40: {  	[tilespmem:s15+$0xFFFFF4C0 ss:$0x9] =	vst.msk $0xffff, v0;
	v0 =	vld [tilespmem:s16+$0x0]  }
0x41: {  	[tilespmem:s15+$0xFFFFF550 ss:$0x9] =	vst.msk $0xffff, v1;
	v1 =	vld [tilespmem:s16+$0x10]  }
0x42: {  	[tilespmem:s15+$0xFFFFF670 ss:$0x9] =	vst.msk $0xffff, v3;
	v3 =	vld [tilespmem:s16+$0x30]  }
0x43: {  	[tilespmem:s15+$0xFFFFF700 ss:$0x9] =	vst.msk $0xffff, v4;
	v4 =	vld [tilespmem:s16+$0x40]  }
0x44: {  	[tilespmem:s15+$0xFFFFF5E0 ss:$0x9] =	vst.msk $0xffff, v2;
	v2 =	vld [tilespmem:s16+$0x20]  }
0x45: {  	[tilespmem:s15+$0xFFFFF790 ss:$0x9] =	vst.msk $0xffff, v0;
	v0 =	vld [tilespmem:s16+$0x50]  }
0x46: {  	[tilespmem:s15+$0xFFFFF820 ss:$0x9] =	vst.msk $0xffff, v1;
	v1 =	vld [tilespmem:s16+$0x60]  }
0x47: {  	[tilespmem:s15+$0xFFFFF940 ss:$0x9] =	vst.msk $0xffff, v3;
	v3 =	vld [tilespmem:s16+$0x400]  }
0x48: {  	[tilespmem:s15+$0xFFFFF9D0 ss:$0x9] =	vst.msk $0xffff, v4;
	v4 =	vld [tilespmem:s16+$0x410]  }
0x49: {  	[tilespmem:s15+$0xFFFFF8B0 ss:$0x9] =	vst.msk $0xffff, v2;
	v2 =	vld [tilespmem:s16+$0x70]  }
0x4a: {  	[tilespmem:s15+$0xFFFFFA60 ss:$0x9] =	vst.msk $0xffff, v0;
	v0 =	vld [tilespmem:s16+$0x430]  }
0x4b: {  	[tilespmem:s15+$0xFFFFFAF0 ss:$0x9] =	vst.msk $0xffff, v1;
	v1 =	vld [tilespmem:s16+$0x440]  }
0x4c: {  	[tilespmem:s15+$0xFFFFFC10 ss:$0x9] =	vst.msk $0xffff, v3;
	v3 =	vld [tilespmem:s16+$0x450]  }
0x4d: {  	[tilespmem:s15+$0xFFFFFCA0 ss:$0x9] =	vst.msk $0xffff, v4;
	v4 =	vld [tilespmem:s16+$0x460]  }
0x4e: {  	s19 =	simm.s32 $0x0;
	s20 =	sadd.s32 $0x1000, s16;
	s18 =	smov.u32 s15;
	[tilespmem:s15+$0xFFFFFB80 ss:$0x9] =	vst.msk $0xffff, v2;
	v2 =	vld [tilespmem:s16+$0xFFFFF800]  }
.LBB1_4:
0x4f: {  	v5 =	vld [tilespmem:s20+$0x470];
	s19 =	sadd.s32 $0x200, s19;
	[tilespmem:s18+$0xFFFFFDC0 ss:$0x9] =	vst.msk $0xffff, v0  }
0x50: {  	v0 =	vld [tilespmem:s20+$0xFFFFF810];
	p1 =	slt.u32 s19, $0x600;
	[tilespmem:s18+$0xFFFFFE50 ss:$0x9] =	vst.msk $0xffff, v1  }
0x51: {  	v1 =	vld [tilespmem:s20+$0xFFFFF820];
	[tilespmem:s18+$0xFFFFFEE0 ss:$0x9] =	vst.msk $0xffff, v3  }
0x52: {  	v3 =	vld [tilespmem:s20+$0xFFFFF830];
	[tilespmem:s18+$0xFFFFFF70 ss:$0x9] =	vst.msk $0xffff, v4  }
0x53: {  	v4 =	vld [tilespmem:s20+$0xFFFFF840];
	[tilespmem:s18+$0xFFFFEE90 ss:$0x9] =	vst.msk $0xffff, v2;
	s18 =	sadd.s32 $0x1200, s18  }
0x54: {  	v2 =	vld [tilespmem:s20+$0xFFFFF850];
	[tilespmem:s18+$0x0 ss:$0x9] =	vst.msk $0xffff, v5  }
0x55: {  	[tilespmem:s18+$0xFFFFEF20 ss:$0x9] =	vst.msk $0xffff, v0;
	v0 =	vld [tilespmem:s20+$0xFFFFF860]  }
0x56: {  	[tilespmem:s18+$0xFFFFEFB0 ss:$0x9] =	vst.msk $0xffff, v1;
	v1 =	vld [tilespmem:s20+$0xFFFFF870]  }
0x57: {  	[tilespmem:s18+$0xFFFFF040 ss:$0x9] =	vst.msk $0xffff, v3;
	v3 =	vld [tilespmem:s20+$0xFFFFFC00]  }
0x58: {  	[tilespmem:s18+$0xFFFFF0D0 ss:$0x9] =	vst.msk $0xffff, v4;
	v4 =	vld [tilespmem:s20+$0xFFFFFC10]  }
0x59: {  	[tilespmem:s18+$0xFFFFF160 ss:$0x9] =	vst.msk $0xffff, v2;
	v2 =	vld [tilespmem:s20+$0xFFFFFC20]  }
0x5a: {  	[tilespmem:s18+$0xFFFFF1F0 ss:$0x9] =	vst.msk $0xffff, v0;
	v0 =	vld [tilespmem:s20+$0xFFFFFC30]  }
0x5b: {  	[tilespmem:s18+$0xFFFFF280 ss:$0x9] =	vst.msk $0xffff, v1;
	v1 =	vld [tilespmem:s20+$0xFFFFFC40]  }
0x5c: {  	[tilespmem:s18+$0xFFFFF310 ss:$0x9] =	vst.msk $0xffff, v3;
	v3 =	vld [tilespmem:s20+$0xFFFFFC50]  }
0x5d: {  	[tilespmem:s18+$0xFFFFF3A0 ss:$0x9] =	vst.msk $0xffff, v4;
	v4 =	vld [tilespmem:s20+$0xFFFFFC60]  }
0x5e: {  	[tilespmem:s18+$0xFFFFF430 ss:$0x9] =	vst.msk $0xffff, v2;
	v2 =	vld [tilespmem:s20+$0xFFFFFC70]  }
0x5f: {  	[tilespmem:s18+$0xFFFFF4C0 ss:$0x9] =	vst.msk $0xffff, v0;
	v0 =	vld [tilespmem:s20+$0x0]  }
0x60: {  	[tilespmem:s18+$0xFFFFF550 ss:$0x9] =	vst.msk $0xffff, v1;
	v1 =	vld [tilespmem:s20+$0x10]  }
0x61: {  	[tilespmem:s18+$0xFFFFF5E0 ss:$0x9] =	vst.msk $0xffff, v3;
	v3 =	vld [tilespmem:s20+$0x20]  }
0x62: {  	[tilespmem:s18+$0xFFFFF670 ss:$0x9] =	vst.msk $0xffff, v4;
	v4 =	vld [tilespmem:s20+$0x30]  }
0x63: {  	[tilespmem:s18+$0xFFFFF700 ss:$0x9] =	vst.msk $0xffff, v2;
	v2 =	vld [tilespmem:s20+$0x40]  }
0x64: {  	[tilespmem:s18+$0xFFFFF790 ss:$0x9] =	vst.msk $0xffff, v0;
	v0 =	vld [tilespmem:s20+$0x50]  }
0x65: {  	[tilespmem:s18+$0xFFFFF820 ss:$0x9] =	vst.msk $0xffff, v1;
	v1 =	vld [tilespmem:s20+$0x60]  }
0x66: {  	[tilespmem:s18+$0xFFFFF8B0 ss:$0x9] =	vst.msk $0xffff, v3;
	v3 =	vld [tilespmem:s20+$0x70]  }
0x67: {  	[tilespmem:s18+$0xFFFFF940 ss:$0x9] =	vst.msk $0xffff, v4;
	v4 =	vld [tilespmem:s20+$0x400]  }
0x68: {  	[tilespmem:s18+$0xFFFFF9D0 ss:$0x9] =	vst.msk $0xffff, v2;
	v2 =	vld [tilespmem:s20+$0x410]  }
0x69: {  	[tilespmem:s18+$0xFFFFFA60 ss:$0x9] =	vst.msk $0xffff, v0;
	v5 =	vld [tilespmem:s20+$0x420]  }
.Ltmp3:
0x6a: {  	[tilespmem:s18+$0xFFFFFAF0 ss:$0x9] =	vst.msk $0xffff, v1;
	v0 =	vld [tilespmem:s20+$0x430];
	(pc) =	sbr.rel @p1 .LBB1_4-.Ltmp3, $4  }
0x6b: {  	[tilespmem:s18+$0xFFFFFB80 ss:$0x9] =	vst.msk $0xffff, v3;
	v1 =	vld [tilespmem:s20+$0x440]  }
0x6c: {  	[tilespmem:s18+$0xFFFFFC10 ss:$0x9] =	vst.msk $0xffff, v4;
	v3 =	vld [tilespmem:s20+$0x450]  }
0x6d: {  	[tilespmem:s18+$0xFFFFFCA0 ss:$0x9] =	vst.msk $0xffff, v2;
	v4 =	vld [tilespmem:s20+$0x460]  }
0x6e: {  	v2 =	vld [tilespmem:s20+$0xFFFFF800];
	[tilespmem:s18+$0xFFFFFD30 ss:$0x9] =	vst.msk $0xffff, v5;
	s20 =	sadd.s32 $0x1000, s20  }
0x6f: {  	s17 =	sadd.s32 $0x1, s17  }
0x70: {  	p1 =	sne.s32 s17, $0x8  }
.Ltmp4:
0x71: {  	[tilespmem:s18+$0xFFFFFDC0 ss:$0x9] =	vst.msk $0xffff, v0;
	(pc) =	sbr.rel @p1 .LBB1_3-.Ltmp4, $4  }
0x72: {  	[tilespmem:s18+$0xFFFFFE50 ss:$0x9] =	vst.msk $0xffff, v1  }
0x73: {  	[tilespmem:s18+$0xFFFFFEE0 ss:$0x9] =	vst.msk $0xffff, v3  }
0x74: {  	[tilespmem:s18+$0xFFFFFF70 ss:$0x9] =	vst.msk $0xffff, v4  }
0x75: {  	s15 =	sadd.s32 $0x1, s15;
	s16 =	sadd.s32 $0x80, s16;
	[tilespmem:s18+$0xFFFFEE90 ss:$0x9] =	vst.msk $0xffff, v2  }
0x76: {  	s13 =	sshll.u32 s13, $0x7;
	s15 =	sshll.u32 s12, $0x3  }
0x77: {  	s16 =	sand.u32 $0x7FFFC00, s13;
	s15 =	sand.u32 $0x7FFFC00, s15  }
0x78: {  	s13 =	sand.u32 $0x380, s13;
	s15 =	sadd.s32 s15, s16  }
.Ltmp5:
0x79: {  	s30 =	sshrl.u32 s12, $0x3;
	s13 =	sor.u32 s13, s15;
	(pc) =	sbr.rel .LBB1_7-.Ltmp5, $4  }
0x7a: {  	s31 =	sand.u32 $0x7, s12;
	s15 =	sand.u32 $0xF, s30;
	s13 =	sshrl.u32 s13, $0x3  }
0x7b: {  	s12 =	sshll.u32 s31, $0x12;
	s15 =	sadd.s32 s6, s15;
	s13 =	sand.u32 $0xFFFFF0, s13  }
0x7c: {  	s12 =	sor.u32 $0x8, s12;
	s13 =	sadd.s32 s13, s15  }
0x7d: {  	[hbm4b:s13+s12] =	stream.strided.scatter [tilespmem:s14], [sflag:$0x2], $0x4000, s8, s12, $0x0;
	[tilespmem:$0x11000] =	vst v63  }
.LBB1_8:
0x7e: {  	_ =	sfence.sel $0x180000  }
0x7f: {  	s2 =	simm.s32 $0x1;
	[bflag:$0x0] =	sbarrier.arrive $0xFFFF  }
0x80: {  	s31 =	simm.s32 $0x2;
	[sflag:s2] =	ssyncpa.u1 $0x1  }
0x81: {  	[sflag:s31] =	ssyncpa.u1 $0x1  }
0x82: {  	p0 =	sne.s32 s0, $0x0;
	_ =	strace $0x90000047  }
0x83: {  	s0 =	sadd.s32 @!p0 $0x100000, s1;
	[bflag:$0x2] =	sbarrier.arrive $0xFFFF  }
0x84: {  	[sflag:s0] =	ssyncadd.tile.s32 @!p0 $0x1;
	_ =	shalt  }
.Lfunc_end1:
_tile_overlayer_lowered:
.L_overlay_start_2:
0x85: {  	(tag) =	ssettag $0x2  }
0x86: {  	s0 =	rddreg [dreg:$0x0];
	s2 =	stileid.u32  }
0x87: {  	s1 =	rddreg [dreg:$0x1];
	p0 =	sne.s32 s2, $0x0  }
0x88: {  	s3 =	rddreg [dreg:$0x2];
	[bflag:$0x3] =	sbarrier.arrive $0xFFFF;
	s2 =	simm.s32 @!p0 $0x1C01  }
0x89: {  	[timem:s3], [sflag:s2] =	dma.local @!p0 [hbm:s0], s1  }
0x8a: {  	s0 =	simm.s32 @!p0 $0x1  }
0x8b: {  	_ =	swait.ge @!p0 [sflag:s0], s1  }
0x8c: {  	s1 =	ssub.s32 @!p0 $0x0, s1;
	[sflag:s0] =	ssyncset.done @!p0 $0x0  }
0x8d: {  	[sflag:s0] =	ssyncadd.s32 @!p0 s1  }
0x8e: {  	[bflag:$0x3] =	sbarrier.arrive $0xFFFF  }
0x8f: {  	_ =	shalt  }

</sc_bundles>
